<compile_context>
chip_gen: v7x
topology: tpu7x:2x2x1
jax: 0.10.2.dev20260603
libtpu: 0.0.44.dev20260713+nightly
codegen_flags: <defaults>
</compile_context>

<pallas_src>
import functools

import jax
import jax.numpy as jnp
from jax import lax
from jax.experimental import pallas as pl
from jax.experimental.pallas import tpu as pltpu
from jax.experimental.pallas import tpu_sc as plsc

D = 32
N_CHUNKS = 16
CHUNK = 512
EMB_OFF = 2
N_TOK = 16 * 1024
NSEG = 4
SEG = N_TOK // NSEG
T_BLK = 512
NC, NS = 2, 16
NW = NC * NS
TOK_PER_TILE = SEG // NW
SC_BLK = 128
N_SC_BLKS = TOK_PER_TILE // SC_BLK


def _tc_argmin_body(x_ref, cb_ref, idx_ref):
    x = x_ref[...]
    xn = jnp.sum(x * x, axis=1, keepdims=True)
    x2 = x + x
    cols = []
    for c in range(N_CHUNKS):
        cb = cb_ref[c * CHUNK:(c + 1) * CHUNK, :]
        cn = jnp.sum(cb * cb, axis=1)[None, :]
        s2 = lax.dot_general(x2, cb, (((1,), (1,)), ((), ())),
                             preferred_element_type=jnp.float32)
        dist = (xn + cn) - s2
        dmin = jnp.min(dist, axis=1, keepdims=True)
        ii = lax.broadcasted_iota(jnp.int32, (1, CHUNK), 1).astype(jnp.float32)
        first_min = jnp.min(jnp.where(dist <= dmin, ii, jnp.float32(CHUNK)),
                            axis=1).astype(jnp.int32)
        cols.append(first_min + (EMB_OFF + c * CHUNK))
    idx_ref[...] = jnp.stack(cols, axis=0)


def _make_tc_argmin(block_off):
    return pl.pallas_call(
        _tc_argmin_body,
        grid=(SEG // T_BLK,),
        in_specs=[
            pl.BlockSpec((T_BLK, D), lambda i: (i + block_off, 0)),
            pl.BlockSpec((N_CHUNKS * CHUNK, D), lambda i: (0, 0)),
        ],
        out_specs=pl.BlockSpec((N_CHUNKS, T_BLK), lambda i: (0, i)),
        out_shape=jax.ShapeDtypeStruct((N_CHUNKS, SEG), jnp.int32),
    )


def _sc_gather_body(tok_off, idx_hbm, x_hbm, mask_hbm, jvec_hbm, emb_hbm,
                    q_hbm, part_hbm,
                    idx_v, buf_v, x_v, mask_v, out_v, jv_v, lacc_v, sem):
    cid = lax.axis_index("c")
    sid = lax.axis_index("s")
    wid = sid * NC + cid
    base = wid * TOK_PER_TILE

    pltpu.sync_copy(jvec_hbm, jv_v)
    jval = jv_v[...]
    lacc = jnp.zeros((16,), jnp.float32)

    for b in range(N_SC_BLKS):
        tok0 = base + b * SC_BLK
        glob0 = (tok_off + tok0) * D
        pltpu.sync_copy(idx_hbm.at[:, pl.ds(tok0, SC_BLK)], idx_v)
        pltpu.sync_copy(x_hbm.at[pl.ds(glob0, SC_BLK * D)], x_v)
        pltpu.sync_copy(mask_hbm.at[pl.ds(glob0, SC_BLK * D)], mask_v)

        def zero_body(t, carry):
            buf_v[t, pl.ds(0, 16)] = jnp.zeros((16,), jnp.float32)
            buf_v[t, pl.ds(16, 16)] = jnp.zeros((16,), jnp.float32)
            return carry

        lax.fori_loop(0, SC_BLK, zero_body, 0)
        for c in range(N_CHUNKS):
            pltpu.async_copy(emb_hbm.at[idx_v.at[c]], buf_v, sem, add=True)
        for c in range(N_CHUNKS):
            pltpu.make_async_copy(emb_hbm.at[idx_v.at[c]], buf_v, sem).wait()

        def tok_body(t, acc):
            q0 = buf_v[t, pl.ds(0, 16)] / jval
            q1 = buf_v[t, pl.ds(16, 16)] / jval
            x0 = x_v[pl.ds(t * D, 16)]
            x1 = x_v[pl.ds(t * D + 16, 16)]
            out_v[pl.ds(t * D, 16)] = x0 + (q0 - x0)
            out_v[pl.ds(t * D + 16, 16)] = x1 + (q1 - x1)
            m0 = mask_v[pl.ds(t * D, 16)]
            m1 = mask_v[pl.ds(t * D + 16, 16)]
            d0 = q0 * m0 - x0 * m0
            d1 = q1 * m1 - x1 * m1
            return acc + d0 * d0 + d1 * d1

        lacc = lax.fori_loop(0, SC_BLK, tok_body, lacc)
        pltpu.sync_copy(out_v, q_hbm.at[pl.ds(tok0 * D, SC_BLK * D)])

    lacc_v[...] = lacc
    pltpu.sync_copy(lacc_v, part_hbm.at[wid])


@functools.lru_cache(maxsize=8)
def _build_sc_gather(tok_off):
  return pl.kernel(
    functools.partial(_sc_gather_body, tok_off),
    out_type=[
        jax.ShapeDtypeStruct((SEG * D,), jnp.float32),
        jax.ShapeDtypeStruct((NW, 16), jnp.float32),
    ],
    mesh=plsc.VectorSubcoreMesh(core_axis_name="c", subcore_axis_name="s",
                                num_cores=NC, num_subcores=NS),
    compiler_params=pltpu.CompilerParams(use_tc_tiling_on_sc=False),
    scratch_types=[
        pltpu.VMEM((N_CHUNKS, SC_BLK), jnp.int32),
        pltpu.VMEM((SC_BLK, D), jnp.float32),
        pltpu.VMEM((SC_BLK * D,), jnp.float32),
        pltpu.VMEM((SC_BLK * D,), jnp.float32),
        pltpu.VMEM((SC_BLK * D,), jnp.float32),
        pltpu.VMEM((16,), jnp.float32),
        pltpu.VMEM((16,), jnp.float32),
        pltpu.SemaphoreType.DMA,
    ],
  )


def kernel(inputs_embeds, attention_mask, lab_seq_len, embedding_weight):
    initial_shape = inputs_embeds.shape
    x = inputs_embeds.reshape(-1, D)
    x_flat = inputs_embeds.reshape(-1)
    mask_flat = jnp.broadcast_to(attention_mask.reshape(-1)[:, None],
                                 (N_TOK, D)).reshape(-1)
    cb = embedding_weight[EMB_OFF:EMB_OFF + N_CHUNKS * CHUNK, :]

    j = jnp.asarray(lab_seq_len - 1, jnp.float32)
    jvec = jnp.full((16,), 1.0, jnp.float32) * j

    qs, ps = [], []
    for seg in range(NSEG):
        idx_s = _make_tc_argmin(seg * (SEG // T_BLK))(x, cb)
        q_s, p_s = _build_sc_gather(seg * SEG)(idx_s, x_flat, mask_flat,
                                               jvec, embedding_weight)
        qs.append(q_s)
        ps.append(p_s)
    q = jnp.concatenate(qs)

    e_latent = sum(jnp.sum(p) for p in ps) / jnp.float32(x_flat.size)
    loss = e_latent + 0.25 * e_latent
    return q.reshape(initial_shape), loss

# --- scband reference (transcript-rebuilt; emitter-appended) ---
"""Pipeline reference for scband-vector-quantizer-33500744909302 (READ-ONLY COPY).

The authoritative reference and input builder live on the scoring server;
editing this copy changes nothing except your own understanding.
"""

import jax, jax.numpy as jnp
import numpy as np


def compute_distance(inputs, codebook):
    codebook_t = codebook.T
    embed_dim = codebook_t.shape[0]
    inputs_shape = inputs.shape
    inputs_flat = inputs.reshape(-1, embed_dim)
    inputs_norm_sq = jnp.sum(inputs_flat ** 2.0, axis=1, keepdims=True)
    codebook_t_norm_sq = jnp.sum(codebook_t ** 2.0, axis=0, keepdims=True)
    distances = (inputs_norm_sq + codebook_t_norm_sq) - 2.0 * (inputs_flat @ codebook_t)
    distances = distances.reshape(*inputs_shape[:-1], -1)
    return distances


def setup_inputs(seed: int = 0) -> dict:
    key = jax.random.key(seed)
    k1, k2 = jax.random.split(key)
    inputs_embeds = jax.random.normal(k1, (16, 1024, 32), dtype=jnp.float32)
    attention_mask = jnp.ones((16, 1024), dtype=jnp.float32)
    lab_seq_len = 17
    embedding_weight = jax.random.normal(k2, (8194, 32), dtype=jnp.float32) * 0.02
    return {
        "inputs_embeds": inputs_embeds,
        "attention_mask": attention_mask,
        "lab_seq_len": lab_seq_len,
        "embedding_weight": embedding_weight,
    }


def reference(inputs_embeds, attention_mask, lab_seq_len, embedding_weight):
    commitment_cost = 0.25
    decoder_vocab_size = embedding_weight.shape[0]
    lab_seq_len_static = 17
    quant_n_embed = (decoder_vocab_size - 2) // (lab_seq_len_static - 1)
    initial_shape = inputs_embeds.shape
    quantized = None
    # distance computation mirrors torch.no_grad compute_distance
    ie_sg = jax.lax.stop_gradient(inputs_embeds)
    for i in range(0, decoder_vocab_size - 2, quant_n_embed):
        curr_seq_em = embedding_weight[i + 2:i + quant_n_embed + 2, :]
        curr_dist = compute_distance(ie_sg, jax.lax.stop_gradient(curr_seq_em))
        curr_dist_flat = curr_dist.reshape(-1, quant_n_embed)
        curr_idx = jnp.argmin(curr_dist_flat, axis=1)
        curr_enc = jax.nn.one_hot(curr_idx, quant_n_embed, dtype=inputs_embeds.dtype)
        contrib = (curr_enc @ curr_seq_em).reshape(initial_shape)
        quantized = contrib if quantized is None else quantized + contrib
    j = jnp.asarray(lab_seq_len - 1, dtype=inputs_embeds.dtype)
    quantized = quantized / j
    m = attention_mask[..., None]
    e_latent_loss = jnp.mean((quantized * m - inputs_embeds * m) ** 2)
    q_latent_loss = e_latent_loss
    loss = q_latent_loss + commitment_cost * e_latent_loss
    quantized_out = inputs_embeds + jax.lax.stop_gradient(quantized - inputs_embeds)
    return (quantized_out, loss)

if __name__ == "__main__":
    import jax
    _d = setup_inputs()
    print(jax.jit(kernel)(*tuple(_d.values())))

</pallas_src>

<mosaic_0001>
#map = affine_map<(d0, d1) -> (0, 0)>
#map1 = affine_map<(d0, d1) -> (0)>
module attributes {stable_mosaic.version = 14 : i64} {
  func.func @_sc_gather_body(%arg0: i32, %arg1: i32, %arg2: memref<16x4096xi32, #tpu.memory_space<hbm>>, %arg3: memref<524288xf32, #tpu.memory_space<hbm>>, %arg4: memref<524288xf32, #tpu.memory_space<hbm>>, %arg5: memref<16xf32, #tpu.memory_space<hbm>>, %arg6: memref<8194x32xf32, #tpu.memory_space<hbm>>, %arg7: memref<131072xf32, #tpu.memory_space<hbm>>, %arg8: memref<32x16xf32, #tpu.memory_space<hbm>>, %arg9: memref<16x128xi32, #tpu.memory_space<vmem>>, %arg10: memref<128x32xf32, #tpu.memory_space<vmem>>, %arg11: memref<4096xf32, #tpu.memory_space<vmem>>, %arg12: memref<4096xf32, #tpu.memory_space<vmem>>, %arg13: memref<4096xf32, #tpu.memory_space<vmem>>, %arg14: memref<16xf32, #tpu.memory_space<vmem>>, %arg15: memref<16xf32, #tpu.memory_space<vmem>>, %arg16: memref<!tpu.dma_semaphore, #tpu.memory_space<semaphore_mem>>) attributes {dimension_semantics = [#tpu.dimension_semantics<core_parallel>, #tpu.dimension_semantics<subcore_parallel>], iteration_bounds = array<i64: 2, 16>, scalar_prefetch = 0 : i64, scratch_operands = 8 : i64, tpu.core_type = #tpu.core_type<sc_vector_subcore>, window_params = [{transform_indices = #map}, {transform_indices = #map1}, {transform_indices = #map1}, {transform_indices = #map1}, {transform_indices = #map}, {transform_indices = #map1}, {transform_indices = #map}]} {
    %mul3A = arith.constant 2 : i32
    %mul3A_0 = arith.muli %arg1, %mul3A : i32
    %add3A = arith.addi %mul3A_0, %arg0 : i32
    %mul3A_1 = arith.constant 128 : i32
    %mul3A_2 = arith.muli %add3A, %mul3A_1 : i32
    "tpu.region"() ({
      %run_scoped3A = tpu.sem_alloc : memref<!tpu.dma_semaphore, #tpu.memory_space<semaphore_mem>>
      tpu.enqueue_dma source(%arg5 : memref<16xf32, #tpu.memory_space<hbm>>) target(%arg14 : memref<16xf32, #tpu.memory_space<vmem>>) target_semaphore(%run_scoped3A : memref<!tpu.dma_semaphore, #tpu.memory_space<semaphore_mem>>)
      tpu.wait_dma2 semaphore(%run_scoped3A : memref<!tpu.dma_semaphore, #tpu.memory_space<semaphore_mem>>) src(%arg5 : memref<16xf32, #tpu.memory_space<hbm>>) dst(%arg14 : memref<16xf32, #tpu.memory_space<vmem>>)
      tpu.yield
    }) : () -> ()
    %get3A = arith.constant 0 : index
    %get3A_3 = tpu.vector_load %arg14[%get3A] {strides = array<i32>} : memref<16xf32, #tpu.memory_space<vmem>>, vector<16xf32>,
    %get3A_4 = vector.shape_cast %get3A_3 : vector<16xf32> to vector<16xf32>
    %broadcast_in_dim3A = arith.constant 0.000000e+00 : f32
    %broadcast_in_dim3A_5 = vector.broadcast %broadcast_in_dim3A : f32 to vector<16xf32>
    %add3A_6 = arith.constant 0 : i32
    %add3A_7 = arith.addi %mul3A_2, %add3A_6 : i32
    %add3A_8 = arith.constant 12288 : i32
    %add3A_9 = arith.addi %add3A_8, %add3A_7 : i32
    %mul3A_10 = arith.constant 32 : i32
    %mul3A_11 = arith.muli %add3A_9, %mul3A_10 : i32
    "tpu.region"() ({
      %run_scoped3A = tpu.sem_alloc : memref<!tpu.dma_semaphore, #tpu.memory_space<semaphore_mem>>
      %dma_start3A_250 = arith.constant 0 : i32
      %dma_start3A_251 = tpu.memref_slice %arg2[%dma_start3A_250, %add3A_7] : memref<16x4096xi32, #tpu.memory_space<hbm>> -> memref<16x128xi32, #tpu.memory_space<hbm>>
      %dma_start3A_252 = arith.constant 0 : i32
      %dma_start3A_253 = tpu.memref_slice %arg2[%dma_start3A_252, %add3A_7] : memref<16x4096xi32, #tpu.memory_space<hbm>> -> memref<16x128xi32, #tpu.memory_space<hbm>>
      tpu.enqueue_dma source(%dma_start3A_253 : memref<16x128xi32, #tpu.memory_space<hbm>>) target(%arg9 : memref<16x128xi32, #tpu.memory_space<vmem>>) target_semaphore(%run_scoped3A : memref<!tpu.dma_semaphore, #tpu.memory_space<semaphore_mem>>)
      %dma_wait3A_254 = arith.constant 0 : i32
      %dma_wait3A_255 = tpu.memref_slice %arg2[%dma_wait3A_254, %add3A_7] : memref<16x4096xi32, #tpu.memory_space<hbm>> -> memref<16x128xi32, #tpu.memory_space<hbm>>
      %dma_wait3A_256 = arith.constant 0 : i32
      %dma_wait3A_257 = tpu.memref_slice %arg2[%dma_wait3A_256, %add3A_7] : memref<16x4096xi32, #tpu.memory_space<hbm>> -> memref<16x128xi32, #tpu.memory_space<hbm>>
      tpu.wait_dma2 semaphore(%run_scoped3A : memref<!tpu.dma_semaphore, #tpu.memory_space<semaphore_mem>>) src(%dma_wait3A_257 : memref<16x128xi32, #tpu.memory_space<hbm>>) dst(%arg9 : memref<16x128xi32, #tpu.memory_space<vmem>>)
      tpu.yield
    }) : () -> ()
    "tpu.region"() ({
      %run_scoped3A = tpu.sem_alloc : memref<!tpu.dma_semaphore, #tpu.memory_space<semaphore_mem>>
      %dma_start3A_250 = tpu.memref_slice %arg3[%mul3A_11] : memref<524288xf32, #tpu.memory_space<hbm>> -> memref<4096xf32, #tpu.memory_space<hbm>>
      %dma_start3A_251 = tpu.memref_slice %arg3[%mul3A_11] : memref<524288xf32, #tpu.memory_space<hbm>> -> memref<4096xf32, #tpu.memory_space<hbm>>
      tpu.enqueue_dma source(%dma_start3A_251 : memref<4096xf32, #tpu.memory_space<hbm>>) target(%arg11 : memref<4096xf32, #tpu.memory_space<vmem>>) target_semaphore(%run_scoped3A : memref<!tpu.dma_semaphore, #tpu.memory_space<semaphore_mem>>)
      %dma_wait3A_252 = tpu.memref_slice %arg3[%mul3A_11] : memref<524288xf32, #tpu.memory_space<hbm>> -> memref<4096xf32, #tpu.memory_space<hbm>>
      %dma_wait3A_253 = tpu.memref_slice %arg3[%mul3A_11] : memref<524288xf32, #tpu.memory_space<hbm>> -> memref<4096xf32, #tpu.memory_space<hbm>>
      tpu.wait_dma2 semaphore(%run_scoped3A : memref<!tpu.dma_semaphore, #tpu.memory_space<semaphore_mem>>) src(%dma_wait3A_253 : memref<4096xf32, #tpu.memory_space<hbm>>) dst(%arg11 : memref<4096xf32, #tpu.memory_space<vmem>>)
      tpu.yield
    }) : () -> ()
    "tpu.region"() ({
      %run_scoped3A = tpu.sem_alloc : memref<!tpu.dma_semaphore, #tpu.memory_space<semaphore_mem>>
      %dma_start3A_250 = tpu.memref_slice %arg4[%mul3A_11] : memref<524288xf32, #tpu.memory_space<hbm>> -> memref<4096xf32, #tpu.memory_space<hbm>>
      %dma_start3A_251 = tpu.memref_slice %arg4[%mul3A_11] : memref<524288xf32, #tpu.memory_space<hbm>> -> memref<4096xf32, #tpu.memory_space<hbm>>
      tpu.enqueue_dma source(%dma_start3A_251 : memref<4096xf32, #tpu.memory_space<hbm>>) target(%arg12 : memref<4096xf32, #tpu.memory_space<vmem>>) target_semaphore(%run_scoped3A : memref<!tpu.dma_semaphore, #tpu.memory_space<semaphore_mem>>)
      %dma_wait3A_252 = tpu.memref_slice %arg4[%mul3A_11] : memref<524288xf32, #tpu.memory_space<hbm>> -> memref<4096xf32, #tpu.memory_space<hbm>>
      %dma_wait3A_253 = tpu.memref_slice %arg4[%mul3A_11] : memref<524288xf32, #tpu.memory_space<hbm>> -> memref<4096xf32, #tpu.memory_space<hbm>>
      tpu.wait_dma2 semaphore(%run_scoped3A : memref<!tpu.dma_semaphore, #tpu.memory_space<semaphore_mem>>) src(%dma_wait3A_253 : memref<4096xf32, #tpu.memory_space<hbm>>) dst(%arg12 : memref<4096xf32, #tpu.memory_space<vmem>>)
      tpu.yield
    }) : () -> ()
    %scan3A = arith.constant 0 : i32
    %scan3A_12 = arith.constant 0 : i32
    %scan3A_13 = arith.constant 128 : i32
    %scan3A_14 = arith.addi %scan3A_12, %scan3A_13 : i32
    %scan3A_15 = arith.constant 1 : i32
    scf.for %scan3A_250 = %scan3A_12 to %scan3A_14 step %scan3A_15  : i32 {
      %broadcast_in_dim3A_251 = arith.constant 0.000000e+00 : f32
      %broadcast_in_dim3A_252 = vector.broadcast %broadcast_in_dim3A_251 : f32 to vector<16xf32>
      %swap3A_253 = arith.index_cast %scan3A_250 : i32 to index
      %swap3A_254 = arith.constant 0 : index
      %swap3A_255 = tpu.vector_load %arg10[%swap3A_253, %swap3A_254] {strides = array<i32>} : memref<128x32xf32, #tpu.memory_space<vmem>>, vector<1x16xf32>,
      %swap3A_256 = vector.shape_cast %swap3A_255 : vector<1x16xf32> to vector<16xf32>
      %swap3A_257 = vector.shape_cast %broadcast_in_dim3A_252 : vector<16xf32> to vector<1x16xf32>
      tpu.vector_store %arg10[%swap3A_253, %swap3A_254], %swap3A_257 {strides = array<i32>} : memref<128x32xf32, #tpu.memory_space<vmem>>, vector<1x16xf32>,
      %broadcast_in_dim3A_258 = arith.constant 0.000000e+00 : f32
      %broadcast_in_dim3A_259 = vector.broadcast %broadcast_in_dim3A_258 : f32 to vector<16xf32>
      %swap3A_260 = arith.index_cast %scan3A_250 : i32 to index
      %swap3A_261 = arith.constant 16 : index
      %swap3A_262 = tpu.vector_load %arg10[%swap3A_260, %swap3A_261] {strides = array<i32>} : memref<128x32xf32, #tpu.memory_space<vmem>>, vector<1x16xf32>,
      %swap3A_263 = vector.shape_cast %swap3A_262 : vector<1x16xf32> to vector<16xf32>
      %swap3A_264 = vector.shape_cast %broadcast_in_dim3A_259 : vector<16xf32> to vector<1x16xf32>
      tpu.vector_store %arg10[%swap3A_260, %swap3A_261], %swap3A_264 {strides = array<i32>} : memref<128x32xf32, #tpu.memory_space<vmem>>, vector<1x16xf32>,
    }
    %scan3A_16 = arith.constant 128 : i32
    %dma_start3A = arith.constant 0 : i32
    %dma_start3A_17 = arith.constant 0 : i32
    %dma_start3A_18 = tpu.memref_slice %arg9[%dma_start3A, %dma_start3A_17] : memref<16x128xi32, #tpu.memory_space<vmem>> -> memref<1x128xi32, #tpu.memory_space<vmem>>
    %dma_start3A_19 = tpu.memref_squeeze %dma_start3A_18 : memref<1x128xi32, #tpu.memory_space<vmem>> -> memref<128xi32, #tpu.memory_space<vmem>>
    %dma_start3A_20 = arith.constant 0 : i32
    %dma_start3A_21 = arith.constant 0 : i32
    %dma_start3A_22 = tpu.memref_slice %arg6[%dma_start3A_20, %dma_start3A_21] : memref<8194x32xf32, #tpu.memory_space<hbm>> -> memref<8194x32xf32, #tpu.memory_space<hbm>>
    tpu.enqueue_indirect_dma source(%dma_start3A_22 : memref<8194x32xf32, #tpu.memory_space<hbm>>) target(%arg10 : memref<128x32xf32, #tpu.memory_space<vmem>>) offsets(%dma_start3A_19 : memref<128xi32, #tpu.memory_space<vmem>>) semaphore(%arg16 : memref<!tpu.dma_semaphore, #tpu.memory_space<semaphore_mem>>) {add = true}
    %dma_start3A_23 = arith.constant 1 : i32
    %dma_start3A_24 = arith.constant 0 : i32
    %dma_start3A_25 = tpu.memref_slice %arg9[%dma_start3A_23, %dma_start3A_24] : memref<16x128xi32, #tpu.memory_space<vmem>> -> memref<1x128xi32, #tpu.memory_space<vmem>>
    %dma_start3A_26 = tpu.memref_squeeze %dma_start3A_25 : memref<1x128xi32, #tpu.memory_space<vmem>> -> memref<128xi32, #tpu.memory_space<vmem>>
    %dma_start3A_27 = arith.constant 0 : i32
    %dma_start3A_28 = arith.constant 0 : i32
    %dma_start3A_29 = tpu.memref_slice %arg6[%dma_start3A_27, %dma_start3A_28] : memref<8194x32xf32, #tpu.memory_space<hbm>> -> memref<8194x32xf32, #tpu.memory_space<hbm>>
    tpu.enqueue_indirect_dma source(%dma_start3A_29 : memref<8194x32xf32, #tpu.memory_space<hbm>>) target(%arg10 : memref<128x32xf32, #tpu.memory_space<vmem>>) offsets(%dma_start3A_26 : memref<128xi32, #tpu.memory_space<vmem>>) semaphore(%arg16 : memref<!tpu.dma_semaphore, #tpu.memory_space<semaphore_mem>>) {add = true}
    %dma_start3A_30 = arith.constant 2 : i32
    %dma_start3A_31 = arith.constant 0 : i32
    %dma_start3A_32 = tpu.memref_slice %arg9[%dma_start3A_30, %dma_start3A_31] : memref<16x128xi32, #tpu.memory_space<vmem>> -> memref<1x128xi32, #tpu.memory_space<vmem>>
    %dma_start3A_33 = tpu.memref_squeeze %dma_start3A_32 : memref<1x128xi32, #tpu.memory_space<vmem>> -> memref<128xi32, #tpu.memory_space<vmem>>
    %dma_start3A_34 = arith.constant 0 : i32
    %dma_start3A_35 = arith.constant 0 : i32
    %dma_start3A_36 = tpu.memref_slice %arg6[%dma_start3A_34, %dma_start3A_35] : memref<8194x32xf32, #tpu.memory_space<hbm>> -> memref<8194x32xf32, #tpu.memory_space<hbm>>
    tpu.enqueue_indirect_dma source(%dma_start3A_36 : memref<8194x32xf32, #tpu.memory_space<hbm>>) target(%arg10 : memref<128x32xf32, #tpu.memory_space<vmem>>) offsets(%dma_start3A_33 : memref<128xi32, #tpu.memory_space<vmem>>) semaphore(%arg16 : memref<!tpu.dma_semaphore, #tpu.memory_space<semaphore_mem>>) {add = true}
    %dma_start3A_37 = arith.constant 3 : i32
    %dma_start3A_38 = arith.constant 0 : i32
    %dma_start3A_39 = tpu.memref_slice %arg9[%dma_start3A_37, %dma_start3A_38] : memref<16x128xi32, #tpu.memory_space<vmem>> -> memref<1x128xi32, #tpu.memory_space<vmem>>
    %dma_start3A_40 = tpu.memref_squeeze %dma_start3A_39 : memref<1x128xi32, #tpu.memory_space<vmem>> -> memref<128xi32, #tpu.memory_space<vmem>>
    %dma_start3A_41 = arith.constant 0 : i32
    %dma_start3A_42 = arith.constant 0 : i32
    %dma_start3A_43 = tpu.memref_slice %arg6[%dma_start3A_41, %dma_start3A_42] : memref<8194x32xf32, #tpu.memory_space<hbm>> -> memref<8194x32xf32, #tpu.memory_space<hbm>>
    tpu.enqueue_indirect_dma source(%dma_start3A_43 : memref<8194x32xf32, #tpu.memory_space<hbm>>) target(%arg10 : memref<128x32xf32, #tpu.memory_space<vmem>>) offsets(%dma_start3A_40 : memref<128xi32, #tpu.memory_space<vmem>>) semaphore(%arg16 : memref<!tpu.dma_semaphore, #tpu.memory_space<semaphore_mem>>) {add = true}
    %dma_start3A_44 = arith.constant 4 : i32
    %dma_start3A_45 = arith.constant 0 : i32
    %dma_start3A_46 = tpu.memref_slice %arg9[%dma_start3A_44, %dma_start3A_45] : memref<16x128xi32, #tpu.memory_space<vmem>> -> memref<1x128xi32, #tpu.memory_space<vmem>>
    %dma_start3A_47 = tpu.memref_squeeze %dma_start3A_46 : memref<1x128xi32, #tpu.memory_space<vmem>> -> memref<128xi32, #tpu.memory_space<vmem>>
    %dma_start3A_48 = arith.constant 0 : i32
    %dma_start3A_49 = arith.constant 0 : i32
    %dma_start3A_50 = tpu.memref_slice %arg6[%dma_start3A_48, %dma_start3A_49] : memref<8194x32xf32, #tpu.memory_space<hbm>> -> memref<8194x32xf32, #tpu.memory_space<hbm>>
    tpu.enqueue_indirect_dma source(%dma_start3A_50 : memref<8194x32xf32, #tpu.memory_space<hbm>>) target(%arg10 : memref<128x32xf32, #tpu.memory_space<vmem>>) offsets(%dma_start3A_47 : memref<128xi32, #tpu.memory_space<vmem>>) semaphore(%arg16 : memref<!tpu.dma_semaphore, #tpu.memory_space<semaphore_mem>>) {add = true}
    %dma_start3A_51 = arith.constant 5 : i32
    %dma_start3A_52 = arith.constant 0 : i32
    %dma_start3A_53 = tpu.memref_slice %arg9[%dma_start3A_51, %dma_start3A_52] : memref<16x128xi32, #tpu.memory_space<vmem>> -> memref<1x128xi32, #tpu.memory_space<vmem>>
    %dma_start3A_54 = tpu.memref_squeeze %dma_start3A_53 : memref<1x128xi32, #tpu.memory_space<vmem>> -> memref<128xi32, #tpu.memory_space<vmem>>
    %dma_start3A_55 = arith.constant 0 : i32
    %dma_start3A_56 = arith.constant 0 : i32
    %dma_start3A_57 = tpu.memref_slice %arg6[%dma_start3A_55, %dma_start3A_56] : memref<8194x32xf32, #tpu.memory_space<hbm>> -> memref<8194x32xf32, #tpu.memory_space<hbm>>
    tpu.enqueue_indirect_dma source(%dma_start3A_57 : memref<8194x32xf32, #tpu.memory_space<hbm>>) target(%arg10 : memref<128x32xf32, #tpu.memory_space<vmem>>) offsets(%dma_start3A_54 : memref<128xi32, #tpu.memory_space<vmem>>) semaphore(%arg16 : memref<!tpu.dma_semaphore, #tpu.memory_space<semaphore_mem>>) {add = true}
    %dma_start3A_58 = arith.constant 6 : i32
    %dma_start3A_59 = arith.constant 0 : i32
    %dma_start3A_60 = tpu.memref_slice %arg9[%dma_start3A_58, %dma_start3A_59] : memref<16x128xi32, #tpu.memory_space<vmem>> -> memref<1x128xi32, #tpu.memory_space<vmem>>
    %dma_start3A_61 = tpu.memref_squeeze %dma_start3A_60 : memref<1x128xi32, #tpu.memory_space<vmem>> -> memref<128xi32, #tpu.memory_space<vmem>>
    %dma_start3A_62 = arith.constant 0 : i32
    %dma_start3A_63 = arith.constant 0 : i32
    %dma_start3A_64 = tpu.memref_slice %arg6[%dma_start3A_62, %dma_start3A_63] : memref<8194x32xf32, #tpu.memory_space<hbm>> -> memref<8194x32xf32, #tpu.memory_space<hbm>>
    tpu.enqueue_indirect_dma source(%dma_start3A_64 : memref<8194x32xf32, #tpu.memory_space<hbm>>) target(%arg10 : memref<128x32xf32, #tpu.memory_space<vmem>>) offsets(%dma_start3A_61 : memref<128xi32, #tpu.memory_space<vmem>>) semaphore(%arg16 : memref<!tpu.dma_semaphore, #tpu.memory_space<semaphore_mem>>) {add = true}
    %dma_start3A_65 = arith.constant 7 : i32
    %dma_start3A_66 = arith.constant 0 : i32
    %dma_start3A_67 = tpu.memref_slice %arg9[%dma_start3A_65, %dma_start3A_66] : memref<16x128xi32, #tpu.memory_space<vmem>> -> memref<1x128xi32, #tpu.memory_space<vmem>>
    %dma_start3A_68 = tpu.memref_squeeze %dma_start3A_67 : memref<1x128xi32, #tpu.memory_space<vmem>> -> memref<128xi32, #tpu.memory_space<vmem>>
    %dma_start3A_69 = arith.constant 0 : i32
    %dma_start3A_70 = arith.constant 0 : i32
    %dma_start3A_71 = tpu.memref_slice %arg6[%dma_start3A_69, %dma_start3A_70] : memref<8194x32xf32, #tpu.memory_space<hbm>> -> memref<8194x32xf32, #tpu.memory_space<hbm>>
    tpu.enqueue_indirect_dma source(%dma_start3A_71 : memref<8194x32xf32, #tpu.memory_space<hbm>>) target(%arg10 : memref<128x32xf32, #tpu.memory_space<vmem>>) offsets(%dma_start3A_68 : memref<128xi32, #tpu.memory_space<vmem>>) semaphore(%arg16 : memref<!tpu.dma_semaphore, #tpu.memory_space<semaphore_mem>>) {add = true}
    %dma_start3A_72 = arith.constant 8 : i32
    %dma_start3A_73 = arith.constant 0 : i32
    %dma_start3A_74 = tpu.memref_slice %arg9[%dma_start3A_72, %dma_start3A_73] : memref<16x128xi32, #tpu.memory_space<vmem>> -> memref<1x128xi32, #tpu.memory_space<vmem>>
    %dma_start3A_75 = tpu.memref_squeeze %dma_start3A_74 : memref<1x128xi32, #tpu.memory_space<vmem>> -> memref<128xi32, #tpu.memory_space<vmem>>
    %dma_start3A_76 = arith.constant 0 : i32
    %dma_start3A_77 = arith.constant 0 : i32
    %dma_start3A_78 = tpu.memref_slice %arg6[%dma_start3A_76, %dma_start3A_77] : memref<8194x32xf32, #tpu.memory_space<hbm>> -> memref<8194x32xf32, #tpu.memory_space<hbm>>
    tpu.enqueue_indirect_dma source(%dma_start3A_78 : memref<8194x32xf32, #tpu.memory_space<hbm>>) target(%arg10 : memref<128x32xf32, #tpu.memory_space<vmem>>) offsets(%dma_start3A_75 : memref<128xi32, #tpu.memory_space<vmem>>) semaphore(%arg16 : memref<!tpu.dma_semaphore, #tpu.memory_space<semaphore_mem>>) {add = true}
    %dma_start3A_79 = arith.constant 9 : i32
    %dma_start3A_80 = arith.constant 0 : i32
    %dma_start3A_81 = tpu.memref_slice %arg9[%dma_start3A_79, %dma_start3A_80] : memref<16x128xi32, #tpu.memory_space<vmem>> -> memref<1x128xi32, #tpu.memory_space<vmem>>
    %dma_start3A_82 = tpu.memref_squeeze %dma_start3A_81 : memref<1x128xi32, #tpu.memory_space<vmem>> -> memref<128xi32, #tpu.memory_space<vmem>>
    %dma_start3A_83 = arith.constant 0 : i32
    %dma_start3A_84 = arith.constant 0 : i32
    %dma_start3A_85 = tpu.memref_slice %arg6[%dma_start3A_83, %dma_start3A_84] : memref<8194x32xf32, #tpu.memory_space<hbm>> -> memref<8194x32xf32, #tpu.memory_space<hbm>>
    tpu.enqueue_indirect_dma source(%dma_start3A_85 : memref<8194x32xf32, #tpu.memory_space<hbm>>) target(%arg10 : memref<128x32xf32, #tpu.memory_space<vmem>>) offsets(%dma_start3A_82 : memref<128xi32, #tpu.memory_space<vmem>>) semaphore(%arg16 : memref<!tpu.dma_semaphore, #tpu.memory_space<semaphore_mem>>) {add = true}
    %dma_start3A_86 = arith.constant 10 : i32
    %dma_start3A_87 = arith.constant 0 : i32
    %dma_start3A_88 = tpu.memref_slice %arg9[%dma_start3A_86, %dma_start3A_87] : memref<16x128xi32, #tpu.memory_space<vmem>> -> memref<1x128xi32, #tpu.memory_space<vmem>>
    %dma_start3A_89 = tpu.memref_squeeze %dma_start3A_88 : memref<1x128xi32, #tpu.memory_space<vmem>> -> memref<128xi32, #tpu.memory_space<vmem>>
    %dma_start3A_90 = arith.constant 0 : i32
    %dma_start3A_91 = arith.constant 0 : i32
    %dma_start3A_92 = tpu.memref_slice %arg6[%dma_start3A_90, %dma_start3A_91] : memref<8194x32xf32, #tpu.memory_space<hbm>> -> memref<8194x32xf32, #tpu.memory_space<hbm>>
    tpu.enqueue_indirect_dma source(%dma_start3A_92 : memref<8194x32xf32, #tpu.memory_space<hbm>>) target(%arg10 : memref<128x32xf32, #tpu.memory_space<vmem>>) offsets(%dma_start3A_89 : memref<128xi32, #tpu.memory_space<vmem>>) semaphore(%arg16 : memref<!tpu.dma_semaphore, #tpu.memory_space<semaphore_mem>>) {add = true}
    %dma_start3A_93 = arith.constant 11 : i32
    %dma_start3A_94 = arith.constant 0 : i32
    %dma_start3A_95 = tpu.memref_slice %arg9[%dma_start3A_93, %dma_start3A_94] : memref<16x128xi32, #tpu.memory_space<vmem>> -> memref<1x128xi32, #tpu.memory_space<vmem>>
    %dma_start3A_96 = tpu.memref_squeeze %dma_start3A_95 : memref<1x128xi32, #tpu.memory_space<vmem>> -> memref<128xi32, #tpu.memory_space<vmem>>
    %dma_start3A_97 = arith.constant 0 : i32
    %dma_start3A_98 = arith.constant 0 : i32
    %dma_start3A_99 = tpu.memref_slice %arg6[%dma_start3A_97, %dma_start3A_98] : memref<8194x32xf32, #tpu.memory_space<hbm>> -> memref<8194x32xf32, #tpu.memory_space<hbm>>
    tpu.enqueue_indirect_dma source(%dma_start3A_99 : memref<8194x32xf32, #tpu.memory_space<hbm>>) target(%arg10 : memref<128x32xf32, #tpu.memory_space<vmem>>) offsets(%dma_start3A_96 : memref<128xi32, #tpu.memory_space<vmem>>) semaphore(%arg16 : memref<!tpu.dma_semaphore, #tpu.memory_space<semaphore_mem>>) {add = true}
    %dma_start3A_100 = arith.constant 12 : i32
    %dma_start3A_101 = arith.constant 0 : i32
    %dma_start3A_102 = tpu.memref_slice %arg9[%dma_start3A_100, %dma_start3A_101] : memref<16x128xi32, #tpu.memory_space<vmem>> -> memref<1x128xi32, #tpu.memory_space<vmem>>
    %dma_start3A_103 = tpu.memref_squeeze %dma_start3A_102 : memref<1x128xi32, #tpu.memory_space<vmem>> -> memref<128xi32, #tpu.memory_space<vmem>>
    %dma_start3A_104 = arith.constant 0 : i32
    %dma_start3A_105 = arith.constant 0 : i32
    %dma_start3A_106 = tpu.memref_slice %arg6[%dma_start3A_104, %dma_start3A_105] : memref<8194x32xf32, #tpu.memory_space<hbm>> -> memref<8194x32xf32, #tpu.memory_space<hbm>>
    tpu.enqueue_indirect_dma source(%dma_start3A_106 : memref<8194x32xf32, #tpu.memory_space<hbm>>) target(%arg10 : memref<128x32xf32, #tpu.memory_space<vmem>>) offsets(%dma_start3A_103 : memref<128xi32, #tpu.memory_space<vmem>>) semaphore(%arg16 : memref<!tpu.dma_semaphore, #tpu.memory_space<semaphore_mem>>) {add = true}
    %dma_start3A_107 = arith.constant 13 : i32
    %dma_start3A_108 = arith.constant 0 : i32
    %dma_start3A_109 = tpu.memref_slice %arg9[%dma_start3A_107, %dma_start3A_108] : memref<16x128xi32, #tpu.memory_space<vmem>> -> memref<1x128xi32, #tpu.memory_space<vmem>>
    %dma_start3A_110 = tpu.memref_squeeze %dma_start3A_109 : memref<1x128xi32, #tpu.memory_space<vmem>> -> memref<128xi32, #tpu.memory_space<vmem>>
    %dma_start3A_111 = arith.constant 0 : i32
    %dma_start3A_112 = arith.constant 0 : i32
    %dma_start3A_113 = tpu.memref_slice %arg6[%dma_start3A_111, %dma_start3A_112] : memref<8194x32xf32, #tpu.memory_space<hbm>> -> memref<8194x32xf32, #tpu.memory_space<hbm>>
    tpu.enqueue_indirect_dma source(%dma_start3A_113 : memref<8194x32xf32, #tpu.memory_space<hbm>>) target(%arg10 : memref<128x32xf32, #tpu.memory_space<vmem>>) offsets(%dma_start3A_110 : memref<128xi32, #tpu.memory_space<vmem>>) semaphore(%arg16 : memref<!tpu.dma_semaphore, #tpu.memory_space<semaphore_mem>>) {add = true}
    %dma_start3A_114 = arith.constant 14 : i32
    %dma_start3A_115 = arith.constant 0 : i32
    %dma_start3A_116 = tpu.memref_slice %arg9[%dma_start3A_114, %dma_start3A_115] : memref<16x128xi32, #tpu.memory_space<vmem>> -> memref<1x128xi32, #tpu.memory_space<vmem>>
    %dma_start3A_117 = tpu.memref_squeeze %dma_start3A_116 : memref<1x128xi32, #tpu.memory_space<vmem>> -> memref<128xi32, #tpu.memory_space<vmem>>
    %dma_start3A_118 = arith.constant 0 : i32
    %dma_start3A_119 = arith.constant 0 : i32
    %dma_start3A_120 = tpu.memref_slice %arg6[%dma_start3A_118, %dma_start3A_119] : memref<8194x32xf32, #tpu.memory_space<hbm>> -> memref<8194x32xf32, #tpu.memory_space<hbm>>
    tpu.enqueue_indirect_dma source(%dma_start3A_120 : memref<8194x32xf32, #tpu.memory_space<hbm>>) target(%arg10 : memref<128x32xf32, #tpu.memory_space<vmem>>) offsets(%dma_start3A_117 : memref<128xi32, #tpu.memory_space<vmem>>) semaphore(%arg16 : memref<!tpu.dma_semaphore, #tpu.memory_space<semaphore_mem>>) {add = true}
    %dma_start3A_121 = arith.constant 15 : i32
    %dma_start3A_122 = arith.constant 0 : i32
    %dma_start3A_123 = tpu.memref_slice %arg9[%dma_start3A_121, %dma_start3A_122] : memref<16x128xi32, #tpu.memory_space<vmem>> -> memref<1x128xi32, #tpu.memory_space<vmem>>
    %dma_start3A_124 = tpu.memref_squeeze %dma_start3A_123 : memref<1x128xi32, #tpu.memory_space<vmem>> -> memref<128xi32, #tpu.memory_space<vmem>>
    %dma_start3A_125 = arith.constant 0 : i32
    %dma_start3A_126 = arith.constant 0 : i32
    %dma_start3A_127 = tpu.memref_slice %arg6[%dma_start3A_125, %dma_start3A_126] : memref<8194x32xf32, #tpu.memory_space<hbm>> -> memref<8194x32xf32, #tpu.memory_space<hbm>>
    tpu.enqueue_indirect_dma source(%dma_start3A_127 : memref<8194x32xf32, #tpu.memory_space<hbm>>) target(%arg10 : memref<128x32xf32, #tpu.memory_space<vmem>>) offsets(%dma_start3A_124 : memref<128xi32, #tpu.memory_space<vmem>>) semaphore(%arg16 : memref<!tpu.dma_semaphore, #tpu.memory_space<semaphore_mem>>) {add = true}
    %dma_wait3A = arith.constant 0 : i32
    %dma_wait3A_128 = arith.constant 0 : i32
    %dma_wait3A_129 = tpu.memref_slice %arg9[%dma_wait3A, %dma_wait3A_128] : memref<16x128xi32, #tpu.memory_space<vmem>> -> memref<1x128xi32, #tpu.memory_space<vmem>>
    %dma_wait3A_130 = tpu.memref_squeeze %dma_wait3A_129 : memref<1x128xi32, #tpu.memory_space<vmem>> -> memref<128xi32, #tpu.memory_space<vmem>>
    %dma_wait3A_131 = arith.constant 0 : i32
    %dma_wait3A_132 = arith.constant 0 : i32
    %dma_wait3A_133 = tpu.memref_slice %arg6[%dma_wait3A_131, %dma_wait3A_132] : memref<8194x32xf32, #tpu.memory_space<hbm>> -> memref<8194x32xf32, #tpu.memory_space<hbm>>
    tpu.wait_indirect_dma semaphore(%arg16 : memref<!tpu.dma_semaphore, #tpu.memory_space<semaphore_mem>>) src(%dma_wait3A_133 : memref<8194x32xf32, #tpu.memory_space<hbm>>) dst(%arg10 : memref<128x32xf32, #tpu.memory_space<vmem>>)
    %dma_wait3A_134 = arith.constant 1 : i32
    %dma_wait3A_135 = arith.constant 0 : i32
    %dma_wait3A_136 = tpu.memref_slice %arg9[%dma_wait3A_134, %dma_wait3A_135] : memref<16x128xi32, #tpu.memory_space<vmem>> -> memref<1x128xi32, #tpu.memory_space<vmem>>
    %dma_wait3A_137 = tpu.memref_squeeze %dma_wait3A_136 : memref<1x128xi32, #tpu.memory_space<vmem>> -> memref<128xi32, #tpu.memory_space<vmem>>
    %dma_wait3A_138 = arith.constant 0 : i32
    %dma_wait3A_139 = arith.constant 0 : i32
    %dma_wait3A_140 = tpu.memref_slice %arg6[%dma_wait3A_138, %dma_wait3A_139] : memref<8194x32xf32, #tpu.memory_space<hbm>> -> memref<8194x32xf32, #tpu.memory_space<hbm>>
    tpu.wait_indirect_dma semaphore(%arg16 : memref<!tpu.dma_semaphore, #tpu.memory_space<semaphore_mem>>) src(%dma_wait3A_140 : memref<8194x32xf32, #tpu.memory_space<hbm>>) dst(%arg10 : memref<128x32xf32, #tpu.memory_space<vmem>>)
    %dma_wait3A_141 = arith.constant 2 : i32
    %dma_wait3A_142 = arith.constant 0 : i32
    %dma_wait3A_143 = tpu.memref_slice %arg9[%dma_wait3A_141, %dma_wait3A_142] : memref<16x128xi32, #tpu.memory_space<vmem>> -> memref<1x128xi32, #tpu.memory_space<vmem>>
    %dma_wait3A_144 = tpu.memref_squeeze %dma_wait3A_143 : memref<1x128xi32, #tpu.memory_space<vmem>> -> memref<128xi32, #tpu.memory_space<vmem>>
    %dma_wait3A_145 = arith.constant 0 : i32
    %dma_wait3A_146 = arith.constant 0 : i32
    %dma_wait3A_147 = tpu.memref_slice %arg6[%dma_wait3A_145, %dma_wait3A_146] : memref<8194x32xf32, #tpu.memory_space<hbm>> -> memref<8194x32xf32, #tpu.memory_space<hbm>>
    tpu.wait_indirect_dma semaphore(%arg16 : memref<!tpu.dma_semaphore, #tpu.memory_space<semaphore_mem>>) src(%dma_wait3A_147 : memref<8194x32xf32, #tpu.memory_space<hbm>>) dst(%arg10 : memref<128x32xf32, #tpu.memory_space<vmem>>)
    %dma_wait3A_148 = arith.constant 3 : i32
    %dma_wait3A_149 = arith.constant 0 : i32
    %dma_wait3A_150 = tpu.memref_slice %arg9[%dma_wait3A_148, %dma_wait3A_149] : memref<16x128xi32, #tpu.memory_space<vmem>> -> memref<1x128xi32, #tpu.memory_space<vmem>>
    %dma_wait3A_151 = tpu.memref_squeeze %dma_wait3A_150 : memref<1x128xi32, #tpu.memory_space<vmem>> -> memref<128xi32, #tpu.memory_space<vmem>>
    %dma_wait3A_152 = arith.constant 0 : i32
    %dma_wait3A_153 = arith.constant 0 : i32
    %dma_wait3A_154 = tpu.memref_slice %arg6[%dma_wait3A_152, %dma_wait3A_153] : memref<8194x32xf32, #tpu.memory_space<hbm>> -> memref<8194x32xf32, #tpu.memory_space<hbm>>
    tpu.wait_indirect_dma semaphore(%arg16 : memref<!tpu.dma_semaphore, #tpu.memory_space<semaphore_mem>>) src(%dma_wait3A_154 : memref<8194x32xf32, #tpu.memory_space<hbm>>) dst(%arg10 : memref<128x32xf32, #tpu.memory_space<vmem>>)
    %dma_wait3A_155 = arith.constant 4 : i32
    %dma_wait3A_156 = arith.constant 0 : i32
    %dma_wait3A_157 = tpu.memref_slice %arg9[%dma_wait3A_155, %dma_wait3A_156] : memref<16x128xi32, #tpu.memory_space<vmem>> -> memref<1x128xi32, #tpu.memory_space<vmem>>
    %dma_wait3A_158 = tpu.memref_squeeze %dma_wait3A_157 : memref<1x128xi32, #tpu.memory_space<vmem>> -> memref<128xi32, #tpu.memory_space<vmem>>
    %dma_wait3A_159 = arith.constant 0 : i32
    %dma_wait3A_160 = arith.constant 0 : i32
    %dma_wait3A_161 = tpu.memref_slice %arg6[%dma_wait3A_159, %dma_wait3A_160] : memref<8194x32xf32, #tpu.memory_space<hbm>> -> memref<8194x32xf32, #tpu.memory_space<hbm>>
    tpu.wait_indirect_dma semaphore(%arg16 : memref<!tpu.dma_semaphore, #tpu.memory_space<semaphore_mem>>) src(%dma_wait3A_161 : memref<8194x32xf32, #tpu.memory_space<hbm>>) dst(%arg10 : memref<128x32xf32, #tpu.memory_space<vmem>>)
    %dma_wait3A_162 = arith.constant 5 : i32
    %dma_wait3A_163 = arith.constant 0 : i32
    %dma_wait3A_164 = tpu.memref_slice %arg9[%dma_wait3A_162, %dma_wait3A_163] : memref<16x128xi32, #tpu.memory_space<vmem>> -> memref<1x128xi32, #tpu.memory_space<vmem>>
    %dma_wait3A_165 = tpu.memref_squeeze %dma_wait3A_164 : memref<1x128xi32, #tpu.memory_space<vmem>> -> memref<128xi32, #tpu.memory_space<vmem>>
    %dma_wait3A_166 = arith.constant 0 : i32
    %dma_wait3A_167 = arith.constant 0 : i32
    %dma_wait3A_168 = tpu.memref_slice %arg6[%dma_wait3A_166, %dma_wait3A_167] : memref<8194x32xf32, #tpu.memory_space<hbm>> -> memref<8194x32xf32, #tpu.memory_space<hbm>>
    tpu.wait_indirect_dma semaphore(%arg16 : memref<!tpu.dma_semaphore, #tpu.memory_space<semaphore_mem>>) src(%dma_wait3A_168 : memref<8194x32xf32, #tpu.memory_space<hbm>>) dst(%arg10 : memref<128x32xf32, #tpu.memory_space<vmem>>)
    %dma_wait3A_169 = arith.constant 6 : i32
    %dma_wait3A_170 = arith.constant 0 : i32
    %dma_wait3A_171 = tpu.memref_slice %arg9[%dma_wait3A_169, %dma_wait3A_170] : memref<16x128xi32, #tpu.memory_space<vmem>> -> memref<1x128xi32, #tpu.memory_space<vmem>>
    %dma_wait3A_172 = tpu.memref_squeeze %dma_wait3A_171 : memref<1x128xi32, #tpu.memory_space<vmem>> -> memref<128xi32, #tpu.memory_space<vmem>>
    %dma_wait3A_173 = arith.constant 0 : i32
    %dma_wait3A_174 = arith.constant 0 : i32
    %dma_wait3A_175 = tpu.memref_slice %arg6[%dma_wait3A_173, %dma_wait3A_174] : memref<8194x32xf32, #tpu.memory_space<hbm>> -> memref<8194x32xf32, #tpu.memory_space<hbm>>
    tpu.wait_indirect_dma semaphore(%arg16 : memref<!tpu.dma_semaphore, #tpu.memory_space<semaphore_mem>>) src(%dma_wait3A_175 : memref<8194x32xf32, #tpu.memory_space<hbm>>) dst(%arg10 : memref<128x32xf32, #tpu.memory_space<vmem>>)
    %dma_wait3A_176 = arith.constant 7 : i32
    %dma_wait3A_177 = arith.constant 0 : i32
    %dma_wait3A_178 = tpu.memref_slice %arg9[%dma_wait3A_176, %dma_wait3A_177] : memref<16x128xi32, #tpu.memory_space<vmem>> -> memref<1x128xi32, #tpu.memory_space<vmem>>
    %dma_wait3A_179 = tpu.memref_squeeze %dma_wait3A_178 : memref<1x128xi32, #tpu.memory_space<vmem>> -> memref<128xi32, #tpu.memory_space<vmem>>
    %dma_wait3A_180 = arith.constant 0 : i32
    %dma_wait3A_181 = arith.constant 0 : i32
    %dma_wait3A_182 = tpu.memref_slice %arg6[%dma_wait3A_180, %dma_wait3A_181] : memref<8194x32xf32, #tpu.memory_space<hbm>> -> memref<8194x32xf32, #tpu.memory_space<hbm>>
    tpu.wait_indirect_dma semaphore(%arg16 : memref<!tpu.dma_semaphore, #tpu.memory_space<semaphore_mem>>) src(%dma_wait3A_182 : memref<8194x32xf32, #tpu.memory_space<hbm>>) dst(%arg10 : memref<128x32xf32, #tpu.memory_space<vmem>>)
    %dma_wait3A_183 = arith.constant 8 : i32
    %dma_wait3A_184 = arith.constant 0 : i32
    %dma_wait3A_185 = tpu.memref_slice %arg9[%dma_wait3A_183, %dma_wait3A_184] : memref<16x128xi32, #tpu.memory_space<vmem>> -> memref<1x128xi32, #tpu.memory_space<vmem>>
    %dma_wait3A_186 = tpu.memref_squeeze %dma_wait3A_185 : memref<1x128xi32, #tpu.memory_space<vmem>> -> memref<128xi32, #tpu.memory_space<vmem>>
    %dma_wait3A_187 = arith.constant 0 : i32
    %dma_wait3A_188 = arith.constant 0 : i32
    %dma_wait3A_189 = tpu.memref_slice %arg6[%dma_wait3A_187, %dma_wait3A_188] : memref<8194x32xf32, #tpu.memory_space<hbm>> -> memref<8194x32xf32, #tpu.memory_space<hbm>>
    tpu.wait_indirect_dma semaphore(%arg16 : memref<!tpu.dma_semaphore, #tpu.memory_space<semaphore_mem>>) src(%dma_wait3A_189 : memref<8194x32xf32, #tpu.memory_space<hbm>>) dst(%arg10 : memref<128x32xf32, #tpu.memory_space<vmem>>)
    %dma_wait3A_190 = arith.constant 9 : i32
    %dma_wait3A_191 = arith.constant 0 : i32
    %dma_wait3A_192 = tpu.memref_slice %arg9[%dma_wait3A_190, %dma_wait3A_191] : memref<16x128xi32, #tpu.memory_space<vmem>> -> memref<1x128xi32, #tpu.memory_space<vmem>>
    %dma_wait3A_193 = tpu.memref_squeeze %dma_wait3A_192 : memref<1x128xi32, #tpu.memory_space<vmem>> -> memref<128xi32, #tpu.memory_space<vmem>>
    %dma_wait3A_194 = arith.constant 0 : i32
    %dma_wait3A_195 = arith.constant 0 : i32
    %dma_wait3A_196 = tpu.memref_slice %arg6[%dma_wait3A_194, %dma_wait3A_195] : memref<8194x32xf32, #tpu.memory_space<hbm>> -> memref<8194x32xf32, #tpu.memory_space<hbm>>
    tpu.wait_indirect_dma semaphore(%arg16 : memref<!tpu.dma_semaphore, #tpu.memory_space<semaphore_mem>>) src(%dma_wait3A_196 : memref<8194x32xf32, #tpu.memory_space<hbm>>) dst(%arg10 : memref<128x32xf32, #tpu.memory_space<vmem>>)
    %dma_wait3A_197 = arith.constant 10 : i32
    %dma_wait3A_198 = arith.constant 0 : i32
    %dma_wait3A_199 = tpu.memref_slice %arg9[%dma_wait3A_197, %dma_wait3A_198] : memref<16x128xi32, #tpu.memory_space<vmem>> -> memref<1x128xi32, #tpu.memory_space<vmem>>
    %dma_wait3A_200 = tpu.memref_squeeze %dma_wait3A_199 : memref<1x128xi32, #tpu.memory_space<vmem>> -> memref<128xi32, #tpu.memory_space<vmem>>
    %dma_wait3A_201 = arith.constant 0 : i32
    %dma_wait3A_202 = arith.constant 0 : i32
    %dma_wait3A_203 = tpu.memref_slice %arg6[%dma_wait3A_201, %dma_wait3A_202] : memref<8194x32xf32, #tpu.memory_space<hbm>> -> memref<8194x32xf32, #tpu.memory_space<hbm>>
    tpu.wait_indirect_dma semaphore(%arg16 : memref<!tpu.dma_semaphore, #tpu.memory_space<semaphore_mem>>) src(%dma_wait3A_203 : memref<8194x32xf32, #tpu.memory_space<hbm>>) dst(%arg10 : memref<128x32xf32, #tpu.memory_space<vmem>>)
    %dma_wait3A_204 = arith.constant 11 : i32
    %dma_wait3A_205 = arith.constant 0 : i32
    %dma_wait3A_206 = tpu.memref_slice %arg9[%dma_wait3A_204, %dma_wait3A_205] : memref<16x128xi32, #tpu.memory_space<vmem>> -> memref<1x128xi32, #tpu.memory_space<vmem>>
    %dma_wait3A_207 = tpu.memref_squeeze %dma_wait3A_206 : memref<1x128xi32, #tpu.memory_space<vmem>> -> memref<128xi32, #tpu.memory_space<vmem>>
    %dma_wait3A_208 = arith.constant 0 : i32
    %dma_wait3A_209 = arith.constant 0 : i32
    %dma_wait3A_210 = tpu.memref_slice %arg6[%dma_wait3A_208, %dma_wait3A_209] : memref<8194x32xf32, #tpu.memory_space<hbm>> -> memref<8194x32xf32, #tpu.memory_space<hbm>>
    tpu.wait_indirect_dma semaphore(%arg16 : memref<!tpu.dma_semaphore, #tpu.memory_space<semaphore_mem>>) src(%dma_wait3A_210 : memref<8194x32xf32, #tpu.memory_space<hbm>>) dst(%arg10 : memref<128x32xf32, #tpu.memory_space<vmem>>)
    %dma_wait3A_211 = arith.constant 12 : i32
    %dma_wait3A_212 = arith.constant 0 : i32
    %dma_wait3A_213 = tpu.memref_slice %arg9[%dma_wait3A_211, %dma_wait3A_212] : memref<16x128xi32, #tpu.memory_space<vmem>> -> memref<1x128xi32, #tpu.memory_space<vmem>>
    %dma_wait3A_214 = tpu.memref_squeeze %dma_wait3A_213 : memref<1x128xi32, #tpu.memory_space<vmem>> -> memref<128xi32, #tpu.memory_space<vmem>>
    %dma_wait3A_215 = arith.constant 0 : i32
    %dma_wait3A_216 = arith.constant 0 : i32
    %dma_wait3A_217 = tpu.memref_slice %arg6[%dma_wait3A_215, %dma_wait3A_216] : memref<8194x32xf32, #tpu.memory_space<hbm>> -> memref<8194x32xf32, #tpu.memory_space<hbm>>
    tpu.wait_indirect_dma semaphore(%arg16 : memref<!tpu.dma_semaphore, #tpu.memory_space<semaphore_mem>>) src(%dma_wait3A_217 : memref<8194x32xf32, #tpu.memory_space<hbm>>) dst(%arg10 : memref<128x32xf32, #tpu.memory_space<vmem>>)
    %dma_wait3A_218 = arith.constant 13 : i32
    %dma_wait3A_219 = arith.constant 0 : i32
    %dma_wait3A_220 = tpu.memref_slice %arg9[%dma_wait3A_218, %dma_wait3A_219] : memref<16x128xi32, #tpu.memory_space<vmem>> -> memref<1x128xi32, #tpu.memory_space<vmem>>
    %dma_wait3A_221 = tpu.memref_squeeze %dma_wait3A_220 : memref<1x128xi32, #tpu.memory_space<vmem>> -> memref<128xi32, #tpu.memory_space<vmem>>
    %dma_wait3A_222 = arith.constant 0 : i32
    %dma_wait3A_223 = arith.constant 0 : i32
    %dma_wait3A_224 = tpu.memref_slice %arg6[%dma_wait3A_222, %dma_wait3A_223] : memref<8194x32xf32, #tpu.memory_space<hbm>> -> memref<8194x32xf32, #tpu.memory_space<hbm>>
    tpu.wait_indirect_dma semaphore(%arg16 : memref<!tpu.dma_semaphore, #tpu.memory_space<semaphore_mem>>) src(%dma_wait3A_224 : memref<8194x32xf32, #tpu.memory_space<hbm>>) dst(%arg10 : memref<128x32xf32, #tpu.memory_space<vmem>>)
    %dma_wait3A_225 = arith.constant 14 : i32
    %dma_wait3A_226 = arith.constant 0 : i32
    %dma_wait3A_227 = tpu.memref_slice %arg9[%dma_wait3A_225, %dma_wait3A_226] : memref<16x128xi32, #tpu.memory_space<vmem>> -> memref<1x128xi32, #tpu.memory_space<vmem>>
    %dma_wait3A_228 = tpu.memref_squeeze %dma_wait3A_227 : memref<1x128xi32, #tpu.memory_space<vmem>> -> memref<128xi32, #tpu.memory_space<vmem>>
    %dma_wait3A_229 = arith.constant 0 : i32
    %dma_wait3A_230 = arith.constant 0 : i32
    %dma_wait3A_231 = tpu.memref_slice %arg6[%dma_wait3A_229, %dma_wait3A_230] : memref<8194x32xf32, #tpu.memory_space<hbm>> -> memref<8194x32xf32, #tpu.memory_space<hbm>>
    tpu.wait_indirect_dma semaphore(%arg16 : memref<!tpu.dma_semaphore, #tpu.memory_space<semaphore_mem>>) src(%dma_wait3A_231 : memref<8194x32xf32, #tpu.memory_space<hbm>>) dst(%arg10 : memref<128x32xf32, #tpu.memory_space<vmem>>)
    %dma_wait3A_232 = arith.constant 15 : i32
    %dma_wait3A_233 = arith.constant 0 : i32
    %dma_wait3A_234 = tpu.memref_slice %arg9[%dma_wait3A_232, %dma_wait3A_233] : memref<16x128xi32, #tpu.memory_space<vmem>> -> memref<1x128xi32, #tpu.memory_space<vmem>>
    %dma_wait3A_235 = tpu.memref_squeeze %dma_wait3A_234 : memref<1x128xi32, #tpu.memory_space<vmem>> -> memref<128xi32, #tpu.memory_space<vmem>>
    %dma_wait3A_236 = arith.constant 0 : i32
    %dma_wait3A_237 = arith.constant 0 : i32
    %dma_wait3A_238 = tpu.memref_slice %arg6[%dma_wait3A_236, %dma_wait3A_237] : memref<8194x32xf32, #tpu.memory_space<hbm>> -> memref<8194x32xf32, #tpu.memory_space<hbm>>
    tpu.wait_indirect_dma semaphore(%arg16 : memref<!tpu.dma_semaphore, #tpu.memory_space<semaphore_mem>>) src(%dma_wait3A_238 : memref<8194x32xf32, #tpu.memory_space<hbm>>) dst(%arg10 : memref<128x32xf32, #tpu.memory_space<vmem>>)
    %scan3A_239 = arith.constant 0 : i32
    %scan3A_240 = arith.constant 128 : i32
    %scan3A_241 = arith.addi %scan3A_239, %scan3A_240 : i32
    %scan3A_242 = arith.constant 1 : i32
    %scan3A_243 = scf.for %scan3A_250 = %scan3A_239 to %scan3A_241 step %scan3A_242 iter_args(%scan3A_251 = %broadcast_in_dim3A_5) -> (vector<16xf32>)  : i32 {
      %get3A_252 = arith.index_cast %scan3A_250 : i32 to index
      %get3A_253 = arith.constant 0 : index
      %get3A_254 = tpu.vector_load %arg10[%get3A_252, %get3A_253] {strides = array<i32>} : memref<128x32xf32, #tpu.memory_space<vmem>>, vector<1x16xf32>,
      %get3A_255 = vector.shape_cast %get3A_254 : vector<1x16xf32> to vector<16xf32>
      %div3A = arith.divf %get3A_255, %get3A_4 : vector<16xf32>
      %get3A_256 = arith.index_cast %scan3A_250 : i32 to index
      %get3A_257 = arith.constant 16 : index
      %get3A_258 = tpu.vector_load %arg10[%get3A_256, %get3A_257] {strides = array<i32>} : memref<128x32xf32, #tpu.memory_space<vmem>>, vector<1x16xf32>,
      %get3A_259 = vector.shape_cast %get3A_258 : vector<1x16xf32> to vector<16xf32>
      %div3A_260 = arith.divf %get3A_259, %get3A_4 : vector<16xf32>
      %mul3A_261 = arith.constant 32 : i32
      %mul3A_262 = arith.muli %scan3A_250, %mul3A_261 : i32
      %get3A_263 = arith.index_cast %mul3A_262 : i32 to index
      %get3A_264 = tpu.vector_load %arg11[%get3A_263] {strides = array<i32>} : memref<4096xf32, #tpu.memory_space<vmem>>, vector<16xf32>,
      %get3A_265 = vector.shape_cast %get3A_264 : vector<16xf32> to vector<16xf32>
      %mul3A_266 = arith.constant 32 : i32
      %mul3A_267 = arith.muli %scan3A_250, %mul3A_266 : i32
      %add3A_268 = arith.constant 16 : i32
      %add3A_269 = arith.addi %mul3A_267, %add3A_268 : i32
      %get3A_270 = arith.index_cast %add3A_269 : i32 to index
      %get3A_271 = tpu.vector_load %arg11[%get3A_270] {strides = array<i32>} : memref<4096xf32, #tpu.memory_space<vmem>>, vector<16xf32>,
      %get3A_272 = vector.shape_cast %get3A_271 : vector<16xf32> to vector<16xf32>
      %sub3A = arith.subf %div3A, %get3A_265 : vector<16xf32>
      %add3A_273 = arith.addf %get3A_265, %sub3A : vector<16xf32>
      %mul3A_274 = arith.constant 32 : i32
      %mul3A_275 = arith.muli %scan3A_250, %mul3A_274 : i32
      %swap3A_276 = arith.index_cast %mul3A_275 : i32 to index
      %swap3A_277 = tpu.vector_load %arg13[%swap3A_276] {strides = array<i32>} : memref<4096xf32, #tpu.memory_space<vmem>>, vector<16xf32>,
      %swap3A_278 = vector.shape_cast %swap3A_277 : vector<16xf32> to vector<16xf32>
      %swap3A_279 = vector.shape_cast %add3A_273 : vector<16xf32> to vector<16xf32>
      tpu.vector_store %arg13[%swap3A_276], %swap3A_279 {strides = array<i32>} : memref<4096xf32, #tpu.memory_space<vmem>>, vector<16xf32>,
      %sub3A_280 = arith.subf %div3A_260, %get3A_272 : vector<16xf32>
      %add3A_281 = arith.addf %get3A_272, %sub3A_280 : vector<16xf32>
      %mul3A_282 = arith.constant 32 : i32
      %mul3A_283 = arith.muli %scan3A_250, %mul3A_282 : i32
      %add3A_284 = arith.constant 16 : i32
      %add3A_285 = arith.addi %mul3A_283, %add3A_284 : i32
      %swap3A_286 = arith.index_cast %add3A_285 : i32 to index
      %swap3A_287 = tpu.vector_load %arg13[%swap3A_286] {strides = array<i32>} : memref<4096xf32, #tpu.memory_space<vmem>>, vector<16xf32>,
      %swap3A_288 = vector.shape_cast %swap3A_287 : vector<16xf32> to vector<16xf32>
      %swap3A_289 = vector.shape_cast %add3A_281 : vector<16xf32> to vector<16xf32>
      tpu.vector_store %arg13[%swap3A_286], %swap3A_289 {strides = array<i32>} : memref<4096xf32, #tpu.memory_space<vmem>>, vector<16xf32>,
      %mul3A_290 = arith.constant 32 : i32
      %mul3A_291 = arith.muli %scan3A_250, %mul3A_290 : i32
      %get3A_292 = arith.index_cast %mul3A_291 : i32 to index
      %get3A_293 = tpu.vector_load %arg12[%get3A_292] {strides = array<i32>} : memref<4096xf32, #tpu.memory_space<vmem>>, vector<16xf32>,
      %get3A_294 = vector.shape_cast %get3A_293 : vector<16xf32> to vector<16xf32>
      %mul3A_295 = arith.constant 32 : i32
      %mul3A_296 = arith.muli %scan3A_250, %mul3A_295 : i32
      %add3A_297 = arith.constant 16 : i32
      %add3A_298 = arith.addi %mul3A_296, %add3A_297 : i32
      %get3A_299 = arith.index_cast %add3A_298 : i32 to index
      %get3A_300 = tpu.vector_load %arg12[%get3A_299] {strides = array<i32>} : memref<4096xf32, #tpu.memory_space<vmem>>, vector<16xf32>,
      %get3A_301 = vector.shape_cast %get3A_300 : vector<16xf32> to vector<16xf32>
      %mul3A_302 = arith.mulf %div3A, %get3A_294 : vector<16xf32>
      %mul3A_303 = arith.mulf %get3A_265, %get3A_294 : vector<16xf32>
      %sub3A_304 = arith.subf %mul3A_302, %mul3A_303 : vector<16xf32>
      %mul3A_305 = arith.mulf %div3A_260, %get3A_301 : vector<16xf32>
      %mul3A_306 = arith.mulf %get3A_272, %get3A_301 : vector<16xf32>
      %sub3A_307 = arith.subf %mul3A_305, %mul3A_306 : vector<16xf32>
      %mul3A_308 = arith.mulf %sub3A_304, %sub3A_304 : vector<16xf32>
      %add3A_309 = arith.addf %scan3A_251, %mul3A_308 : vector<16xf32>
      %mul3A_310 = arith.mulf %sub3A_307, %sub3A_307 : vector<16xf32>
      %add3A_311 = arith.addf %add3A_309, %mul3A_310 : vector<16xf32>
      scf.yield %add3A_311 : vector<16xf32>
    }
    %scan3A_244 = arith.constant 128 : i32
    %mul3A_245 = arith.constant 32 : i32
    %mul3A_246 = arith.muli %add3A_7, %mul3A_245 : i32
    "tpu.region"() ({
      %run_scoped3A = tpu.sem_alloc : memref<!tpu.dma_semaphore, #tpu.memory_space<semaphore_mem>>
      %dma_start3A_250 = tpu.memref_slice %arg7[%mul3A_246] : memref<131072xf32, #tpu.memory_space<hbm>> -> memref<4096xf32, #tpu.memory_space<hbm>>
      %dma_start3A_251 = tpu.memref_slice %arg7[%mul3A_246] : memref<131072xf32, #tpu.memory_space<hbm>> -> memref<4096xf32, #tpu.memory_space<hbm>>
      tpu.enqueue_dma source(%arg13 : memref<4096xf32, #tpu.memory_space<vmem>>) target(%dma_start3A_251 : memref<4096xf32, #tpu.memory_space<hbm>>) target_semaphore(%run_scoped3A : memref<!tpu.dma_semaphore, #tpu.memory_space<semaphore_mem>>)
      %dma_wait3A_252 = tpu.memref_slice %arg7[%mul3A_246] : memref<131072xf32, #tpu.memory_space<hbm>> -> memref<4096xf32, #tpu.memory_space<hbm>>
      %dma_wait3A_253 = tpu.memref_slice %arg7[%mul3A_246] : memref<131072xf32, #tpu.memory_space<hbm>> -> memref<4096xf32, #tpu.memory_space<hbm>>
      tpu.wait_dma2 semaphore(%run_scoped3A : memref<!tpu.dma_semaphore, #tpu.memory_space<semaphore_mem>>) src(%arg13 : memref<4096xf32, #tpu.memory_space<vmem>>) dst(%dma_wait3A_253 : memref<4096xf32, #tpu.memory_space<hbm>>)
      tpu.yield
    }) : () -> ()
    %swap3A = arith.constant 0 : index
    %swap3A_247 = tpu.vector_load %arg15[%swap3A] {strides = array<i32>} : memref<16xf32, #tpu.memory_space<vmem>>, vector<16xf32>,
    %swap3A_248 = vector.shape_cast %swap3A_247 : vector<16xf32> to vector<16xf32>
    %swap3A_249 = vector.shape_cast %scan3A_243 : vector<16xf32> to vector<16xf32>
    tpu.vector_store %arg15[%swap3A], %swap3A_249 {strides = array<i32>} : memref<16xf32, #tpu.memory_space<vmem>>, vector<16xf32>,
    "tpu.region"() ({
      %run_scoped3A = tpu.sem_alloc : memref<!tpu.dma_semaphore, #tpu.memory_space<semaphore_mem>>
      %dma_start3A_250 = arith.constant 0 : i32
      %dma_start3A_251 = tpu.memref_slice %arg8[%add3A, %dma_start3A_250] : memref<32x16xf32, #tpu.memory_space<hbm>> -> memref<1x16xf32, #tpu.memory_space<hbm>>
      %dma_start3A_252 = tpu.memref_squeeze %dma_start3A_251 : memref<1x16xf32, #tpu.memory_space<hbm>> -> memref<16xf32, #tpu.memory_space<hbm>>
      %dma_start3A_253 = arith.constant 0 : i32
      %dma_start3A_254 = tpu.memref_slice %arg8[%add3A, %dma_start3A_253] : memref<32x16xf32, #tpu.memory_space<hbm>> -> memref<1x16xf32, #tpu.memory_space<hbm>>
      %dma_start3A_255 = tpu.memref_squeeze %dma_start3A_254 : memref<1x16xf32, #tpu.memory_space<hbm>> -> memref<16xf32, #tpu.memory_space<hbm>>
      tpu.enqueue_dma source(%arg15 : memref<16xf32, #tpu.memory_space<vmem>>) target(%dma_start3A_255 : memref<16xf32, #tpu.memory_space<hbm>>) target_semaphore(%run_scoped3A : memref<!tpu.dma_semaphore, #tpu.memory_space<semaphore_mem>>)
      %dma_wait3A_256 = arith.constant 0 : i32
      %dma_wait3A_257 = tpu.memref_slice %arg8[%add3A, %dma_wait3A_256] : memref<32x16xf32, #tpu.memory_space<hbm>> -> memref<1x16xf32, #tpu.memory_space<hbm>>
      %dma_wait3A_258 = tpu.memref_squeeze %dma_wait3A_257 : memref<1x16xf32, #tpu.memory_space<hbm>> -> memref<16xf32, #tpu.memory_space<hbm>>
      %dma_wait3A_259 = arith.constant 0 : i32
      %dma_wait3A_260 = tpu.memref_slice %arg8[%add3A, %dma_wait3A_259] : memref<32x16xf32, #tpu.memory_space<hbm>> -> memref<1x16xf32, #tpu.memory_space<hbm>>
      %dma_wait3A_261 = tpu.memref_squeeze %dma_wait3A_260 : memref<1x16xf32, #tpu.memory_space<hbm>> -> memref<16xf32, #tpu.memory_space<hbm>>
      tpu.wait_dma2 semaphore(%run_scoped3A : memref<!tpu.dma_semaphore, #tpu.memory_space<semaphore_mem>>) src(%arg15 : memref<16xf32, #tpu.memory_space<vmem>>) dst(%dma_wait3A_261 : memref<16xf32, #tpu.memory_space<hbm>>)
      tpu.yield
    }) : () -> ()
    return
  }
}

#map = affine_map<(d0, d1) -> (0, 0)>
#map1 = affine_map<(d0, d1) -> (0)>
module attributes {stable_mosaic.version = 14 : i64} {
  func.func @_sc_gather_body(%arg0: i32, %arg1: i32, %arg2: memref<16x4096xi32, #tpu.memory_space<hbm>>, %arg3: memref<524288xf32, #tpu.memory_space<hbm>>, %arg4: memref<524288xf32, #tpu.memory_space<hbm>>, %arg5: memref<16xf32, #tpu.memory_space<hbm>>, %arg6: memref<8194x32xf32, #tpu.memory_space<hbm>>, %arg7: memref<131072xf32, #tpu.memory_space<hbm>>, %arg8: memref<32x16xf32, #tpu.memory_space<hbm>>, %arg9: memref<16x128xi32, #tpu.memory_space<vmem>>, %arg10: memref<128x32xf32, #tpu.memory_space<vmem>>, %arg11: memref<4096xf32, #tpu.memory_space<vmem>>, %arg12: memref<4096xf32, #tpu.memory_space<vmem>>, %arg13: memref<4096xf32, #tpu.memory_space<vmem>>, %arg14: memref<16xf32, #tpu.memory_space<vmem>>, %arg15: memref<16xf32, #tpu.memory_space<vmem>>, %arg16: memref<!tpu.dma_semaphore, #tpu.memory_space<semaphore_mem>>) attributes {dimension_semantics = [#tpu.dimension_semantics<core_parallel>, #tpu.dimension_semantics<subcore_parallel>], iteration_bounds = array<i64: 2, 16>, scalar_prefetch = 0 : i64, scratch_operands = 8 : i64, tpu.core_type = #tpu.core_type<sc_vector_subcore>, window_params = [{transform_indices = #map}, {transform_indices = #map1}, {transform_indices = #map1}, {transform_indices = #map1}, {transform_indices = #map}, {transform_indices = #map1}, {transform_indices = #map}]} {
    %mul3A = arith.constant 2 : i32
    %mul3A_0 = arith.muli %arg1, %mul3A : i32
    %add3A = arith.addi %mul3A_0, %arg0 : i32
    %mul3A_1 = arith.constant 128 : i32
    %mul3A_2 = arith.muli %add3A, %mul3A_1 : i32
    "tpu.region"() ({
      %run_scoped3A = tpu.sem_alloc : memref<!tpu.dma_semaphore, #tpu.memory_space<semaphore_mem>>
      tpu.enqueue_dma source(%arg5 : memref<16xf32, #tpu.memory_space<hbm>>) target(%arg14 : memref<16xf32, #tpu.memory_space<vmem>>) target_semaphore(%run_scoped3A : memref<!tpu.dma_semaphore, #tpu.memory_space<semaphore_mem>>)
      tpu.wait_dma2 semaphore(%run_scoped3A : memref<!tpu.dma_semaphore, #tpu.memory_space<semaphore_mem>>) src(%arg5 : memref<16xf32, #tpu.memory_space<hbm>>) dst(%arg14 : memref<16xf32, #tpu.memory_space<vmem>>)
      tpu.yield
    }) : () -> ()
    %get3A = arith.constant 0 : index
    %get3A_3 = tpu.vector_load %arg14[%get3A] {strides = array<i32>} : memref<16xf32, #tpu.memory_space<vmem>>, vector<16xf32>,
    %get3A_4 = vector.shape_cast %get3A_3 : vector<16xf32> to vector<16xf32>
    %broadcast_in_dim3A = arith.constant 0.000000e+00 : f32
    %broadcast_in_dim3A_5 = vector.broadcast %broadcast_in_dim3A : f32 to vector<16xf32>
    %add3A_6 = arith.constant 0 : i32
    %add3A_7 = arith.addi %mul3A_2, %add3A_6 : i32
    %add3A_8 = arith.constant 0 : i32
    %add3A_9 = arith.addi %add3A_8, %add3A_7 : i32
    %mul3A_10 = arith.constant 32 : i32
    %mul3A_11 = arith.muli %add3A_9, %mul3A_10 : i32
    "tpu.region"() ({
      %run_scoped3A = tpu.sem_alloc : memref<!tpu.dma_semaphore, #tpu.memory_space<semaphore_mem>>
      %dma_start3A_250 = arith.constant 0 : i32
      %dma_start3A_251 = tpu.memref_slice %arg2[%dma_start3A_250, %add3A_7] : memref<16x4096xi32, #tpu.memory_space<hbm>> -> memref<16x128xi32, #tpu.memory_space<hbm>>
      %dma_start3A_252 = arith.constant 0 : i32
      %dma_start3A_253 = tpu.memref_slice %arg2[%dma_start3A_252, %add3A_7] : memref<16x4096xi32, #tpu.memory_space<hbm>> -> memref<16x128xi32, #tpu.memory_space<hbm>>
      tpu.enqueue_dma source(%dma_start3A_253 : memref<16x128xi32, #tpu.memory_space<hbm>>) target(%arg9 : memref<16x128xi32, #tpu.memory_space<vmem>>) target_semaphore(%run_scoped3A : memref<!tpu.dma_semaphore, #tpu.memory_space<semaphore_mem>>)
      %dma_wait3A_254 = arith.constant 0 : i32
      %dma_wait3A_255 = tpu.memref_slice %arg2[%dma_wait3A_254, %add3A_7] : memref<16x4096xi32, #tpu.memory_space<hbm>> -> memref<16x128xi32, #tpu.memory_space<hbm>>
      %dma_wait3A_256 = arith.constant 0 : i32
      %dma_wait3A_257 = tpu.memref_slice %arg2[%dma_wait3A_256, %add3A_7] : memref<16x4096xi32, #tpu.memory_space<hbm>> -> memref<16x128xi32, #tpu.memory_space<hbm>>
      tpu.wait_dma2 semaphore(%run_scoped3A : memref<!tpu.dma_semaphore, #tpu.memory_space<semaphore_mem>>) src(%dma_wait3A_257 : memref<16x128xi32, #tpu.memory_space<hbm>>) dst(%arg9 : memref<16x128xi32, #tpu.memory_space<vmem>>)
      tpu.yield
    }) : () -> ()
    "tpu.region"() ({
      %run_scoped3A = tpu.sem_alloc : memref<!tpu.dma_semaphore, #tpu.memory_space<semaphore_mem>>
      %dma_start3A_250 = tpu.memref_slice %arg3[%mul3A_11] : memref<524288xf32, #tpu.memory_space<hbm>> -> memref<4096xf32, #tpu.memory_space<hbm>>
      %dma_start3A_251 = tpu.memref_slice %arg3[%mul3A_11] : memref<524288xf32, #tpu.memory_space<hbm>> -> memref<4096xf32, #tpu.memory_space<hbm>>
      tpu.enqueue_dma source(%dma_start3A_251 : memref<4096xf32, #tpu.memory_space<hbm>>) target(%arg11 : memref<4096xf32, #tpu.memory_space<vmem>>) target_semaphore(%run_scoped3A : memref<!tpu.dma_semaphore, #tpu.memory_space<semaphore_mem>>)
      %dma_wait3A_252 = tpu.memref_slice %arg3[%mul3A_11] : memref<524288xf32, #tpu.memory_space<hbm>> -> memref<4096xf32, #tpu.memory_space<hbm>>
      %dma_wait3A_253 = tpu.memref_slice %arg3[%mul3A_11] : memref<524288xf32, #tpu.memory_space<hbm>> -> memref<4096xf32, #tpu.memory_space<hbm>>
      tpu.wait_dma2 semaphore(%run_scoped3A : memref<!tpu.dma_semaphore, #tpu.memory_space<semaphore_mem>>) src(%dma_wait3A_253 : memref<4096xf32, #tpu.memory_space<hbm>>) dst(%arg11 : memref<4096xf32, #tpu.memory_space<vmem>>)
      tpu.yield
    }) : () -> ()
    "tpu.region"() ({
      %run_scoped3A = tpu.sem_alloc : memref<!tpu.dma_semaphore, #tpu.memory_space<semaphore_mem>>
      %dma_start3A_250 = tpu.memref_slice %arg4[%mul3A_11] : memref<524288xf32, #tpu.memory_space<hbm>> -> memref<4096xf32, #tpu.memory_space<hbm>>
      %dma_start3A_251 = tpu.memref_slice %arg4[%mul3A_11] : memref<524288xf32, #tpu.memory_space<hbm>> -> memref<4096xf32, #tpu.memory_space<hbm>>
      tpu.enqueue_dma source(%dma_start3A_251 : memref<4096xf32, #tpu.memory_space<hbm>>) target(%arg12 : memref<4096xf32, #tpu.memory_space<vmem>>) target_semaphore(%run_scoped3A : memref<!tpu.dma_semaphore, #tpu.memory_space<semaphore_mem>>)
      %dma_wait3A_252 = tpu.memref_slice %arg4[%mul3A_11] : memref<524288xf32, #tpu.memory_space<hbm>> -> memref<4096xf32, #tpu.memory_space<hbm>>
      %dma_wait3A_253 = tpu.memref_slice %arg4[%mul3A_11] : memref<524288xf32, #tpu.memory_space<hbm>> -> memref<4096xf32, #tpu.memory_space<hbm>>
      tpu.wait_dma2 semaphore(%run_scoped3A : memref<!tpu.dma_semaphore, #tpu.memory_space<semaphore_mem>>) src(%dma_wait3A_253 : memref<4096xf32, #tpu.memory_space<hbm>>) dst(%arg12 : memref<4096xf32, #tpu.memory_space<vmem>>)
      tpu.yield
    }) : () -> ()
    %scan3A = arith.constant 0 : i32
    %scan3A_12 = arith.constant 0 : i32
    %scan3A_13 = arith.constant 128 : i32
    %scan3A_14 = arith.addi %scan3A_12, %scan3A_13 : i32
    %scan3A_15 = arith.constant 1 : i32
    scf.for %scan3A_250 = %scan3A_12 to %scan3A_14 step %scan3A_15  : i32 {
      %broadcast_in_dim3A_251 = arith.constant 0.000000e+00 : f32
      %broadcast_in_dim3A_252 = vector.broadcast %broadcast_in_dim3A_251 : f32 to vector<16xf32>
      %swap3A_253 = arith.index_cast %scan3A_250 : i32 to index
      %swap3A_254 = arith.constant 0 : index
      %swap3A_255 = tpu.vector_load %arg10[%swap3A_253, %swap3A_254] {strides = array<i32>} : memref<128x32xf32, #tpu.memory_space<vmem>>, vector<1x16xf32>,
      %swap3A_256 = vector.shape_cast %swap3A_255 : vector<1x16xf32> to vector<16xf32>
      %swap3A_257 = vector.shape_cast %broadcast_in_dim3A_252 : vector<16xf32> to vector<1x16xf32>
      tpu.vector_store %arg10[%swap3A_253, %swap3A_254], %swap3A_257 {strides = array<i32>} : memref<128x32xf32, #tpu.memory_space<vmem>>, vector<1x16xf32>,
      %broadcast_in_dim3A_258 = arith.constant 0.000000e+00 : f32
      %broadcast_in_dim3A_259 = vector.broadcast %broadcast_in_dim3A_258 : f32 to vector<16xf32>
      %swap3A_260 = arith.index_cast %scan3A_250 : i32 to index
      %swap3A_261 = arith.constant 16 : index
      %swap3A_262 = tpu.vector_load %arg10[%swap3A_260, %swap3A_261] {strides = array<i32>} : memref<128x32xf32, #tpu.memory_space<vmem>>, vector<1x16xf32>,
      %swap3A_263 = vector.shape_cast %swap3A_262 : vector<1x16xf32> to vector<16xf32>
      %swap3A_264 = vector.shape_cast %broadcast_in_dim3A_259 : vector<16xf32> to vector<1x16xf32>
      tpu.vector_store %arg10[%swap3A_260, %swap3A_261], %swap3A_264 {strides = array<i32>} : memref<128x32xf32, #tpu.memory_space<vmem>>, vector<1x16xf32>,
    }
    %scan3A_16 = arith.constant 128 : i32
    %dma_start3A = arith.constant 0 : i32
    %dma_start3A_17 = arith.constant 0 : i32
    %dma_start3A_18 = tpu.memref_slice %arg9[%dma_start3A, %dma_start3A_17] : memref<16x128xi32, #tpu.memory_space<vmem>> -> memref<1x128xi32, #tpu.memory_space<vmem>>
    %dma_start3A_19 = tpu.memref_squeeze %dma_start3A_18 : memref<1x128xi32, #tpu.memory_space<vmem>> -> memref<128xi32, #tpu.memory_space<vmem>>
    %dma_start3A_20 = arith.constant 0 : i32
    %dma_start3A_21 = arith.constant 0 : i32
    %dma_start3A_22 = tpu.memref_slice %arg6[%dma_start3A_20, %dma_start3A_21] : memref<8194x32xf32, #tpu.memory_space<hbm>> -> memref<8194x32xf32, #tpu.memory_space<hbm>>
    tpu.enqueue_indirect_dma source(%dma_start3A_22 : memref<8194x32xf32, #tpu.memory_space<hbm>>) target(%arg10 : memref<128x32xf32, #tpu.memory_space<vmem>>) offsets(%dma_start3A_19 : memref<128xi32, #tpu.memory_space<vmem>>) semaphore(%arg16 : memref<!tpu.dma_semaphore, #tpu.memory_space<semaphore_mem>>) {add = true}
    %dma_start3A_23 = arith.constant 1 : i32
    %dma_start3A_24 = arith.constant 0 : i32
    %dma_start3A_25 = tpu.memref_slice %arg9[%dma_start3A_23, %dma_start3A_24] : memref<16x128xi32, #tpu.memory_space<vmem>> -> memref<1x128xi32, #tpu.memory_space<vmem>>
    %dma_start3A_26 = tpu.memref_squeeze %dma_start3A_25 : memref<1x128xi32, #tpu.memory_space<vmem>> -> memref<128xi32, #tpu.memory_space<vmem>>
    %dma_start3A_27 = arith.constant 0 : i32
    %dma_start3A_28 = arith.constant 0 : i32
    %dma_start3A_29 = tpu.memref_slice %arg6[%dma_start3A_27, %dma_start3A_28] : memref<8194x32xf32, #tpu.memory_space<hbm>> -> memref<8194x32xf32, #tpu.memory_space<hbm>>
    tpu.enqueue_indirect_dma source(%dma_start3A_29 : memref<8194x32xf32, #tpu.memory_space<hbm>>) target(%arg10 : memref<128x32xf32, #tpu.memory_space<vmem>>) offsets(%dma_start3A_26 : memref<128xi32, #tpu.memory_space<vmem>>) semaphore(%arg16 : memref<!tpu.dma_semaphore, #tpu.memory_space<semaphore_mem>>) {add = true}
    %dma_start3A_30 = arith.constant 2 : i32
    %dma_start3A_31 = arith.constant 0 : i32
    %dma_start3A_32 = tpu.memref_slice %arg9[%dma_start3A_30, %dma_start3A_31] : memref<16x128xi32, #tpu.memory_space<vmem>> -> memref<1x128xi32, #tpu.memory_space<vmem>>
    %dma_start3A_33 = tpu.memref_squeeze %dma_start3A_32 : memref<1x128xi32, #tpu.memory_space<vmem>> -> memref<128xi32, #tpu.memory_space<vmem>>
    %dma_start3A_34 = arith.constant 0 : i32
    %dma_start3A_35 = arith.constant 0 : i32
    %dma_start3A_36 = tpu.memref_slice %arg6[%dma_start3A_34, %dma_start3A_35] : memref<8194x32xf32, #tpu.memory_space<hbm>> -> memref<8194x32xf32, #tpu.memory_space<hbm>>
    tpu.enqueue_indirect_dma source(%dma_start3A_36 : memref<8194x32xf32, #tpu.memory_space<hbm>>) target(%arg10 : memref<128x32xf32, #tpu.memory_space<vmem>>) offsets(%dma_start3A_33 : memref<128xi32, #tpu.memory_space<vmem>>) semaphore(%arg16 : memref<!tpu.dma_semaphore, #tpu.memory_space<semaphore_mem>>) {add = true}
    %dma_start3A_37 = arith.constant 3 : i32
    %dma_start3A_38 = arith.constant 0 : i32
    %dma_start3A_39 = tpu.memref_slice %arg9[%dma_start3A_37, %dma_start3A_38] : memref<16x128xi32, #tpu.memory_space<vmem>> -> memref<1x128xi32, #tpu.memory_space<vmem>>
    %dma_start3A_40 = tpu.memref_squeeze %dma_start3A_39 : memref<1x128xi32, #tpu.memory_space<vmem>> -> memref<128xi32, #tpu.memory_space<vmem>>
    %dma_start3A_41 = arith.constant 0 : i32
    %dma_start3A_42 = arith.constant 0 : i32
    %dma_start3A_43 = tpu.memref_slice %arg6[%dma_start3A_41, %dma_start3A_42] : memref<8194x32xf32, #tpu.memory_space<hbm>> -> memref<8194x32xf32, #tpu.memory_space<hbm>>
    tpu.enqueue_indirect_dma source(%dma_start3A_43 : memref<8194x32xf32, #tpu.memory_space<hbm>>) target(%arg10 : memref<128x32xf32, #tpu.memory_space<vmem>>) offsets(%dma_start3A_40 : memref<128xi32, #tpu.memory_space<vmem>>) semaphore(%arg16 : memref<!tpu.dma_semaphore, #tpu.memory_space<semaphore_mem>>) {add = true}
    %dma_start3A_44 = arith.constant 4 : i32
    %dma_start3A_45 = arith.constant 0 : i32
    %dma_start3A_46 = tpu.memref_slice %arg9[%dma_start3A_44, %dma_start3A_45] : memref<16x128xi32, #tpu.memory_space<vmem>> -> memref<1x128xi32, #tpu.memory_space<vmem>>
    %dma_start3A_47 = tpu.memref_squeeze %dma_start3A_46 : memref<1x128xi32, #tpu.memory_space<vmem>> -> memref<128xi32, #tpu.memory_space<vmem>>
    %dma_start3A_48 = arith.constant 0 : i32
    %dma_start3A_49 = arith.constant 0 : i32
    %dma_start3A_50 = tpu.memref_slice %arg6[%dma_start3A_48, %dma_start3A_49] : memref<8194x32xf32, #tpu.memory_space<hbm>> -> memref<8194x32xf32, #tpu.memory_space<hbm>>
    tpu.enqueue_indirect_dma source(%dma_start3A_50 : memref<8194x32xf32, #tpu.memory_space<hbm>>) target(%arg10 : memref<128x32xf32, #tpu.memory_space<vmem>>) offsets(%dma_start3A_47 : memref<128xi32, #tpu.memory_space<vmem>>) semaphore(%arg16 : memref<!tpu.dma_semaphore, #tpu.memory_space<semaphore_mem>>) {add = true}
    %dma_start3A_51 = arith.constant 5 : i32
    %dma_start3A_52 = arith.constant 0 : i32
    %dma_start3A_53 = tpu.memref_slice %arg9[%dma_start3A_51, %dma_start3A_52] : memref<16x128xi32, #tpu.memory_space<vmem>> -> memref<1x128xi32, #tpu.memory_space<vmem>>
    %dma_start3A_54 = tpu.memref_squeeze %dma_start3A_53 : memref<1x128xi32, #tpu.memory_space<vmem>> -> memref<128xi32, #tpu.memory_space<vmem>>
    %dma_start3A_55 = arith.constant 0 : i32
    %dma_start3A_56 = arith.constant 0 : i32
    %dma_start3A_57 = tpu.memref_slice %arg6[%dma_start3A_55, %dma_start3A_56] : memref<8194x32xf32, #tpu.memory_space<hbm>> -> memref<8194x32xf32, #tpu.memory_space<hbm>>
    tpu.enqueue_indirect_dma source(%dma_start3A_57 : memref<8194x32xf32, #tpu.memory_space<hbm>>) target(%arg10 : memref<128x32xf32, #tpu.memory_space<vmem>>) offsets(%dma_start3A_54 : memref<128xi32, #tpu.memory_space<vmem>>) semaphore(%arg16 : memref<!tpu.dma_semaphore, #tpu.memory_space<semaphore_mem>>) {add = true}
    %dma_start3A_58 = arith.constant 6 : i32
    %dma_start3A_59 = arith.constant 0 : i32
    %dma_start3A_60 = tpu.memref_slice %arg9[%dma_start3A_58, %dma_start3A_59] : memref<16x128xi32, #tpu.memory_space<vmem>> -> memref<1x128xi32, #tpu.memory_space<vmem>>
    %dma_start3A_61 = tpu.memref_squeeze %dma_start3A_60 : memref<1x128xi32, #tpu.memory_space<vmem>> -> memref<128xi32, #tpu.memory_space<vmem>>
    %dma_start3A_62 = arith.constant 0 : i32
    %dma_start3A_63 = arith.constant 0 : i32
    %dma_start3A_64 = tpu.memref_slice %arg6[%dma_start3A_62, %dma_start3A_63] : memref<8194x32xf32, #tpu.memory_space<hbm>> -> memref<8194x32xf32, #tpu.memory_space<hbm>>
    tpu.enqueue_indirect_dma source(%dma_start3A_64 : memref<8194x32xf32, #tpu.memory_space<hbm>>) target(%arg10 : memref<128x32xf32, #tpu.memory_space<vmem>>) offsets(%dma_start3A_61 : memref<128xi32, #tpu.memory_space<vmem>>) semaphore(%arg16 : memref<!tpu.dma_semaphore, #tpu.memory_space<semaphore_mem>>) {add = true}
    %dma_start3A_65 = arith.constant 7 : i32
    %dma_start3A_66 = arith.constant 0 : i32
    %dma_start3A_67 = tpu.memref_slice %arg9[%dma_start3A_65, %dma_start3A_66] : memref<16x128xi32, #tpu.memory_space<vmem>> -> memref<1x128xi32, #tpu.memory_space<vmem>>
    %dma_start3A_68 = tpu.memref_squeeze %dma_start3A_67 : memref<1x128xi32, #tpu.memory_space<vmem>> -> memref<128xi32, #tpu.memory_space<vmem>>
    %dma_start3A_69 = arith.constant 0 : i32
    %dma_start3A_70 = arith.constant 0 : i32
    %dma_start3A_71 = tpu.memref_slice %arg6[%dma_start3A_69, %dma_start3A_70] : memref<8194x32xf32, #tpu.memory_space<hbm>> -> memref<8194x32xf32, #tpu.memory_space<hbm>>
    tpu.enqueue_indirect_dma source(%dma_start3A_71 : memref<8194x32xf32, #tpu.memory_space<hbm>>) target(%arg10 : memref<128x32xf32, #tpu.memory_space<vmem>>) offsets(%dma_start3A_68 : memref<128xi32, #tpu.memory_space<vmem>>) semaphore(%arg16 : memref<!tpu.dma_semaphore, #tpu.memory_space<semaphore_mem>>) {add = true}
    %dma_start3A_72 = arith.constant 8 : i32
    %dma_start3A_73 = arith.constant 0 : i32
    %dma_start3A_74 = tpu.memref_slice %arg9[%dma_start3A_72, %dma_start3A_73] : memref<16x128xi32, #tpu.memory_space<vmem>> -> memref<1x128xi32, #tpu.memory_space<vmem>>
    %dma_start3A_75 = tpu.memref_squeeze %dma_start3A_74 : memref<1x128xi32, #tpu.memory_space<vmem>> -> memref<128xi32, #tpu.memory_space<vmem>>
    %dma_start3A_76 = arith.constant 0 : i32
    %dma_start3A_77 = arith.constant 0 : i32
    %dma_start3A_78 = tpu.memref_slice %arg6[%dma_start3A_76, %dma_start3A_77] : memref<8194x32xf32, #tpu.memory_space<hbm>> -> memref<8194x32xf32, #tpu.memory_space<hbm>>
    tpu.enqueue_indirect_dma source(%dma_start3A_78 : memref<8194x32xf32, #tpu.memory_space<hbm>>) target(%arg10 : memref<128x32xf32, #tpu.memory_space<vmem>>) offsets(%dma_start3A_75 : memref<128xi32, #tpu.memory_space<vmem>>) semaphore(%arg16 : memref<!tpu.dma_semaphore, #tpu.memory_space<semaphore_mem>>) {add = true}
    %dma_start3A_79 = arith.constant 9 : i32
    %dma_start3A_80 = arith.constant 0 : i32
    %dma_start3A_81 = tpu.memref_slice %arg9[%dma_start3A_79, %dma_start3A_80] : memref<16x128xi32, #tpu.memory_space<vmem>> -> memref<1x128xi32, #tpu.memory_space<vmem>>
    %dma_start3A_82 = tpu.memref_squeeze %dma_start3A_81 : memref<1x128xi32, #tpu.memory_space<vmem>> -> memref<128xi32, #tpu.memory_space<vmem>>
    %dma_start3A_83 = arith.constant 0 : i32
    %dma_start3A_84 = arith.constant 0 : i32
    %dma_start3A_85 = tpu.memref_slice %arg6[%dma_start3A_83, %dma_start3A_84] : memref<8194x32xf32, #tpu.memory_space<hbm>> -> memref<8194x32xf32, #tpu.memory_space<hbm>>
    tpu.enqueue_indirect_dma source(%dma_start3A_85 : memref<8194x32xf32, #tpu.memory_space<hbm>>) target(%arg10 : memref<128x32xf32, #tpu.memory_space<vmem>>) offsets(%dma_start3A_82 : memref<128xi32, #tpu.memory_space<vmem>>) semaphore(%arg16 : memref<!tpu.dma_semaphore, #tpu.memory_space<semaphore_mem>>) {add = true}
    %dma_start3A_86 = arith.constant 10 : i32
    %dma_start3A_87 = arith.constant 0 : i32
    %dma_start3A_88 = tpu.memref_slice %arg9[%dma_start3A_86, %dma_start3A_87] : memref<16x128xi32, #tpu.memory_space<vmem>> -> memref<1x128xi32, #tpu.memory_space<vmem>>
    %dma_start3A_89 = tpu.memref_squeeze %dma_start3A_88 : memref<1x128xi32, #tpu.memory_space<vmem>> -> memref<128xi32, #tpu.memory_space<vmem>>
    %dma_start3A_90 = arith.constant 0 : i32
    %dma_start3A_91 = arith.constant 0 : i32
    %dma_start3A_92 = tpu.memref_slice %arg6[%dma_start3A_90, %dma_start3A_91] : memref<8194x32xf32, #tpu.memory_space<hbm>> -> memref<8194x32xf32, #tpu.memory_space<hbm>>
    tpu.enqueue_indirect_dma source(%dma_start3A_92 : memref<8194x32xf32, #tpu.memory_space<hbm>>) target(%arg10 : memref<128x32xf32, #tpu.memory_space<vmem>>) offsets(%dma_start3A_89 : memref<128xi32, #tpu.memory_space<vmem>>) semaphore(%arg16 : memref<!tpu.dma_semaphore, #tpu.memory_space<semaphore_mem>>) {add = true}
    %dma_start3A_93 = arith.constant 11 : i32
    %dma_start3A_94 = arith.constant 0 : i32
    %dma_start3A_95 = tpu.memref_slice %arg9[%dma_start3A_93, %dma_start3A_94] : memref<16x128xi32, #tpu.memory_space<vmem>> -> memref<1x128xi32, #tpu.memory_space<vmem>>
    %dma_start3A_96 = tpu.memref_squeeze %dma_start3A_95 : memref<1x128xi32, #tpu.memory_space<vmem>> -> memref<128xi32, #tpu.memory_space<vmem>>
    %dma_start3A_97 = arith.constant 0 : i32
    %dma_start3A_98 = arith.constant 0 : i32
    %dma_start3A_99 = tpu.memref_slice %arg6[%dma_start3A_97, %dma_start3A_98] : memref<8194x32xf32, #tpu.memory_space<hbm>> -> memref<8194x32xf32, #tpu.memory_space<hbm>>
    tpu.enqueue_indirect_dma source(%dma_start3A_99 : memref<8194x32xf32, #tpu.memory_space<hbm>>) target(%arg10 : memref<128x32xf32, #tpu.memory_space<vmem>>) offsets(%dma_start3A_96 : memref<128xi32, #tpu.memory_space<vmem>>) semaphore(%arg16 : memref<!tpu.dma_semaphore, #tpu.memory_space<semaphore_mem>>) {add = true}
    %dma_start3A_100 = arith.constant 12 : i32
    %dma_start3A_101 = arith.constant 0 : i32
    %dma_start3A_102 = tpu.memref_slice %arg9[%dma_start3A_100, %dma_start3A_101] : memref<16x128xi32, #tpu.memory_space<vmem>> -> memref<1x128xi32, #tpu.memory_space<vmem>>
    %dma_start3A_103 = tpu.memref_squeeze %dma_start3A_102 : memref<1x128xi32, #tpu.memory_space<vmem>> -> memref<128xi32, #tpu.memory_space<vmem>>
    %dma_start3A_104 = arith.constant 0 : i32
    %dma_start3A_105 = arith.constant 0 : i32
    %dma_start3A_106 = tpu.memref_slice %arg6[%dma_start3A_104, %dma_start3A_105] : memref<8194x32xf32, #tpu.memory_space<hbm>> -> memref<8194x32xf32, #tpu.memory_space<hbm>>
    tpu.enqueue_indirect_dma source(%dma_start3A_106 : memref<8194x32xf32, #tpu.memory_space<hbm>>) target(%arg10 : memref<128x32xf32, #tpu.memory_space<vmem>>) offsets(%dma_start3A_103 : memref<128xi32, #tpu.memory_space<vmem>>) semaphore(%arg16 : memref<!tpu.dma_semaphore, #tpu.memory_space<semaphore_mem>>) {add = true}
    %dma_start3A_107 = arith.constant 13 : i32
    %dma_start3A_108 = arith.constant 0 : i32
    %dma_start3A_109 = tpu.memref_slice %arg9[%dma_start3A_107, %dma_start3A_108] : memref<16x128xi32, #tpu.memory_space<vmem>> -> memref<1x128xi32, #tpu.memory_space<vmem>>
    %dma_start3A_110 = tpu.memref_squeeze %dma_start3A_109 : memref<1x128xi32, #tpu.memory_space<vmem>> -> memref<128xi32, #tpu.memory_space<vmem>>
    %dma_start3A_111 = arith.constant 0 : i32
    %dma_start3A_112 = arith.constant 0 : i32
    %dma_start3A_113 = tpu.memref_slice %arg6[%dma_start3A_111, %dma_start3A_112] : memref<8194x32xf32, #tpu.memory_space<hbm>> -> memref<8194x32xf32, #tpu.memory_space<hbm>>
    tpu.enqueue_indirect_dma source(%dma_start3A_113 : memref<8194x32xf32, #tpu.memory_space<hbm>>) target(%arg10 : memref<128x32xf32, #tpu.memory_space<vmem>>) offsets(%dma_start3A_110 : memref<128xi32, #tpu.memory_space<vmem>>) semaphore(%arg16 : memref<!tpu.dma_semaphore, #tpu.memory_space<semaphore_mem>>) {add = true}
    %dma_start3A_114 = arith.constant 14 : i32
    %dma_start3A_115 = arith.constant 0 : i32
    %dma_start3A_116 = tpu.memref_slice %arg9[%dma_start3A_114, %dma_start3A_115] : memref<16x128xi32, #tpu.memory_space<vmem>> -> memref<1x128xi32, #tpu.memory_space<vmem>>
    %dma_start3A_117 = tpu.memref_squeeze %dma_start3A_116 : memref<1x128xi32, #tpu.memory_space<vmem>> -> memref<128xi32, #tpu.memory_space<vmem>>
    %dma_start3A_118 = arith.constant 0 : i32
    %dma_start3A_119 = arith.constant 0 : i32
    %dma_start3A_120 = tpu.memref_slice %arg6[%dma_start3A_118, %dma_start3A_119] : memref<8194x32xf32, #tpu.memory_space<hbm>> -> memref<8194x32xf32, #tpu.memory_space<hbm>>
    tpu.enqueue_indirect_dma source(%dma_start3A_120 : memref<8194x32xf32, #tpu.memory_space<hbm>>) target(%arg10 : memref<128x32xf32, #tpu.memory_space<vmem>>) offsets(%dma_start3A_117 : memref<128xi32, #tpu.memory_space<vmem>>) semaphore(%arg16 : memref<!tpu.dma_semaphore, #tpu.memory_space<semaphore_mem>>) {add = true}
    %dma_start3A_121 = arith.constant 15 : i32
    %dma_start3A_122 = arith.constant 0 : i32
    %dma_start3A_123 = tpu.memref_slice %arg9[%dma_start3A_121, %dma_start3A_122] : memref<16x128xi32, #tpu.memory_space<vmem>> -> memref<1x128xi32, #tpu.memory_space<vmem>>
    %dma_start3A_124 = tpu.memref_squeeze %dma_start3A_123 : memref<1x128xi32, #tpu.memory_space<vmem>> -> memref<128xi32, #tpu.memory_space<vmem>>
    %dma_start3A_125 = arith.constant 0 : i32
    %dma_start3A_126 = arith.constant 0 : i32
    %dma_start3A_127 = tpu.memref_slice %arg6[%dma_start3A_125, %dma_start3A_126] : memref<8194x32xf32, #tpu.memory_space<hbm>> -> memref<8194x32xf32, #tpu.memory_space<hbm>>
    tpu.enqueue_indirect_dma source(%dma_start3A_127 : memref<8194x32xf32, #tpu.memory_space<hbm>>) target(%arg10 : memref<128x32xf32, #tpu.memory_space<vmem>>) offsets(%dma_start3A_124 : memref<128xi32, #tpu.memory_space<vmem>>) semaphore(%arg16 : memref<!tpu.dma_semaphore, #tpu.memory_space<semaphore_mem>>) {add = true}
    %dma_wait3A = arith.constant 0 : i32
    %dma_wait3A_128 = arith.constant 0 : i32
    %dma_wait3A_129 = tpu.memref_slice %arg9[%dma_wait3A, %dma_wait3A_128] : memref<16x128xi32, #tpu.memory_space<vmem>> -> memref<1x128xi32, #tpu.memory_space<vmem>>
    %dma_wait3A_130 = tpu.memref_squeeze %dma_wait3A_129 : memref<1x128xi32, #tpu.memory_space<vmem>> -> memref<128xi32, #tpu.memory_space<vmem>>
    %dma_wait3A_131 = arith.constant 0 : i32
    %dma_wait3A_132 = arith.constant 0 : i32
    %dma_wait3A_133 = tpu.memref_slice %arg6[%dma_wait3A_131, %dma_wait3A_132] : memref<8194x32xf32, #tpu.memory_space<hbm>> -> memref<8194x32xf32, #tpu.memory_space<hbm>>
    tpu.wait_indirect_dma semaphore(%arg16 : memref<!tpu.dma_semaphore, #tpu.memory_space<semaphore_mem>>) src(%dma_wait3A_133 : memref<8194x32xf32, #tpu.memory_space<hbm>>) dst(%arg10 : memref<128x32xf32, #tpu.memory_space<vmem>>)
    %dma_wait3A_134 = arith.constant 1 : i32
    %dma_wait3A_135 = arith.constant 0 : i32
    %dma_wait3A_136 = tpu.memref_slice %arg9[%dma_wait3A_134, %dma_wait3A_135] : memref<16x128xi32, #tpu.memory_space<vmem>> -> memref<1x128xi32, #tpu.memory_space<vmem>>
    %dma_wait3A_137 = tpu.memref_squeeze %dma_wait3A_136 : memref<1x128xi32, #tpu.memory_space<vmem>> -> memref<128xi32, #tpu.memory_space<vmem>>
    %dma_wait3A_138 = arith.constant 0 : i32
    %dma_wait3A_139 = arith.constant 0 : i32
    %dma_wait3A_140 = tpu.memref_slice %arg6[%dma_wait3A_138, %dma_wait3A_139] : memref<8194x32xf32, #tpu.memory_space<hbm>> -> memref<8194x32xf32, #tpu.memory_space<hbm>>
    tpu.wait_indirect_dma semaphore(%arg16 : memref<!tpu.dma_semaphore, #tpu.memory_space<semaphore_mem>>) src(%dma_wait3A_140 : memref<8194x32xf32, #tpu.memory_space<hbm>>) dst(%arg10 : memref<128x32xf32, #tpu.memory_space<vmem>>)
    %dma_wait3A_141 = arith.constant 2 : i32
    %dma_wait3A_142 = arith.constant 0 : i32
    %dma_wait3A_143 = tpu.memref_slice %arg9[%dma_wait3A_141, %dma_wait3A_142] : memref<16x128xi32, #tpu.memory_space<vmem>> -> memref<1x128xi32, #tpu.memory_space<vmem>>
    %dma_wait3A_144 = tpu.memref_squeeze %dma_wait3A_143 : memref<1x128xi32, #tpu.memory_space<vmem>> -> memref<128xi32, #tpu.memory_space<vmem>>
    %dma_wait3A_145 = arith.constant 0 : i32
    %dma_wait3A_146 = arith.constant 0 : i32
    %dma_wait3A_147 = tpu.memref_slice %arg6[%dma_wait3A_145, %dma_wait3A_146] : memref<8194x32xf32, #tpu.memory_space<hbm>> -> memref<8194x32xf32, #tpu.memory_space<hbm>>
    tpu.wait_indirect_dma semaphore(%arg16 : memref<!tpu.dma_semaphore, #tpu.memory_space<semaphore_mem>>) src(%dma_wait3A_147 : memref<8194x32xf32, #tpu.memory_space<hbm>>) dst(%arg10 : memref<128x32xf32, #tpu.memory_space<vmem>>)
    %dma_wait3A_148 = arith.constant 3 : i32
    %dma_wait3A_149 = arith.constant 0 : i32
    %dma_wait3A_150 = tpu.memref_slice %arg9[%dma_wait3A_148, %dma_wait3A_149] : memref<16x128xi32, #tpu.memory_space<vmem>> -> memref<1x128xi32, #tpu.memory_space<vmem>>
    %dma_wait3A_151 = tpu.memref_squeeze %dma_wait3A_150 : memref<1x128xi32, #tpu.memory_space<vmem>> -> memref<128xi32, #tpu.memory_space<vmem>>
    %dma_wait3A_152 = arith.constant 0 : i32
    %dma_wait3A_153 = arith.constant 0 : i32
    %dma_wait3A_154 = tpu.memref_slice %arg6[%dma_wait3A_152, %dma_wait3A_153] : memref<8194x32xf32, #tpu.memory_space<hbm>> -> memref<8194x32xf32, #tpu.memory_space<hbm>>
    tpu.wait_indirect_dma semaphore(%arg16 : memref<!tpu.dma_semaphore, #tpu.memory_space<semaphore_mem>>) src(%dma_wait3A_154 : memref<8194x32xf32, #tpu.memory_space<hbm>>) dst(%arg10 : memref<128x32xf32, #tpu.memory_space<vmem>>)
    %dma_wait3A_155 = arith.constant 4 : i32
    %dma_wait3A_156 = arith.constant 0 : i32
    %dma_wait3A_157 = tpu.memref_slice %arg9[%dma_wait3A_155, %dma_wait3A_156] : memref<16x128xi32, #tpu.memory_space<vmem>> -> memref<1x128xi32, #tpu.memory_space<vmem>>
    %dma_wait3A_158 = tpu.memref_squeeze %dma_wait3A_157 : memref<1x128xi32, #tpu.memory_space<vmem>> -> memref<128xi32, #tpu.memory_space<vmem>>
    %dma_wait3A_159 = arith.constant 0 : i32
    %dma_wait3A_160 = arith.constant 0 : i32
    %dma_wait3A_161 = tpu.memref_slice %arg6[%dma_wait3A_159, %dma_wait3A_160] : memref<8194x32xf32, #tpu.memory_space<hbm>> -> memref<8194x32xf32, #tpu.memory_space<hbm>>
    tpu.wait_indirect_dma semaphore(%arg16 : memref<!tpu.dma_semaphore, #tpu.memory_space<semaphore_mem>>) src(%dma_wait3A_161 : memref<8194x32xf32, #tpu.memory_space<hbm>>) dst(%arg10 : memref<128x32xf32, #tpu.memory_space<vmem>>)
    %dma_wait3A_162 = arith.constant 5 : i32
    %dma_wait3A_163 = arith.constant 0 : i32
    %dma_wait3A_164 = tpu.memref_slice %arg9[%dma_wait3A_162, %dma_wait3A_163] : memref<16x128xi32, #tpu.memory_space<vmem>> -> memref<1x128xi32, #tpu.memory_space<vmem>>
    %dma_wait3A_165 = tpu.memref_squeeze %dma_wait3A_164 : memref<1x128xi32, #tpu.memory_space<vmem>> -> memref<128xi32, #tpu.memory_space<vmem>>
    %dma_wait3A_166 = arith.constant 0 : i32
    %dma_wait3A_167 = arith.constant 0 : i32
    %dma_wait3A_168 = tpu.memref_slice %arg6[%dma_wait3A_166, %dma_wait3A_167] : memref<8194x32xf32, #tpu.memory_space<hbm>> -> memref<8194x32xf32, #tpu.memory_space<hbm>>
    tpu.wait_indirect_dma semaphore(%arg16 : memref<!tpu.dma_semaphore, #tpu.memory_space<semaphore_mem>>) src(%dma_wait3A_168 : memref<8194x32xf32, #tpu.memory_space<hbm>>) dst(%arg10 : memref<128x32xf32, #tpu.memory_space<vmem>>)
    %dma_wait3A_169 = arith.constant 6 : i32
    %dma_wait3A_170 = arith.constant 0 : i32
    %dma_wait3A_171 = tpu.memref_slice %arg9[%dma_wait3A_169, %dma_wait3A_170] : memref<16x128xi32, #tpu.memory_space<vmem>> -> memref<1x128xi32, #tpu.memory_space<vmem>>
    %dma_wait3A_172 = tpu.memref_squeeze %dma_wait3A_171 : memref<1x128xi32, #tpu.memory_space<vmem>> -> memref<128xi32, #tpu.memory_space<vmem>>
    %dma_wait3A_173 = arith.constant 0 : i32
    %dma_wait3A_174 = arith.constant 0 : i32
    %dma_wait3A_175 = tpu.memref_slice %arg6[%dma_wait3A_173, %dma_wait3A_174] : memref<8194x32xf32, #tpu.memory_space<hbm>> -> memref<8194x32xf32, #tpu.memory_space<hbm>>
    tpu.wait_indirect_dma semaphore(%arg16 : memref<!tpu.dma_semaphore, #tpu.memory_space<semaphore_mem>>) src(%dma_wait3A_175 : memref<8194x32xf32, #tpu.memory_space<hbm>>) dst(%arg10 : memref<128x32xf32, #tpu.memory_space<vmem>>)
    %dma_wait3A_176 = arith.constant 7 : i32
    %dma_wait3A_177 = arith.constant 0 : i32
    %dma_wait3A_178 = tpu.memref_slice %arg9[%dma_wait3A_176, %dma_wait3A_177] : memref<16x128xi32, #tpu.memory_space<vmem>> -> memref<1x128xi32, #tpu.memory_space<vmem>>
    %dma_wait3A_179 = tpu.memref_squeeze %dma_wait3A_178 : memref<1x128xi32, #tpu.memory_space<vmem>> -> memref<128xi32, #tpu.memory_space<vmem>>
    %dma_wait3A_180 = arith.constant 0 : i32
    %dma_wait3A_181 = arith.constant 0 : i32
    %dma_wait3A_182 = tpu.memref_slice %arg6[%dma_wait3A_180, %dma_wait3A_181] : memref<8194x32xf32, #tpu.memory_space<hbm>> -> memref<8194x32xf32, #tpu.memory_space<hbm>>
    tpu.wait_indirect_dma semaphore(%arg16 : memref<!tpu.dma_semaphore, #tpu.memory_space<semaphore_mem>>) src(%dma_wait3A_182 : memref<8194x32xf32, #tpu.memory_space<hbm>>) dst(%arg10 : memref<128x32xf32, #tpu.memory_space<vmem>>)
    %dma_wait3A_183 = arith.constant 8 : i32
    %dma_wait3A_184 = arith.constant 0 : i32
    %dma_wait3A_185 = tpu.memref_slice %arg9[%dma_wait3A_183, %dma_wait3A_184] : memref<16x128xi32, #tpu.memory_space<vmem>> -> memref<1x128xi32, #tpu.memory_space<vmem>>
    %dma_wait3A_186 = tpu.memref_squeeze %dma_wait3A_185 : memref<1x128xi32, #tpu.memory_space<vmem>> -> memref<128xi32, #tpu.memory_space<vmem>>
    %dma_wait3A_187 = arith.constant 0 : i32
    %dma_wait3A_188 = arith.constant 0 : i32
    %dma_wait3A_189 = tpu.memref_slice %arg6[%dma_wait3A_187, %dma_wait3A_188] : memref<8194x32xf32, #tpu.memory_space<hbm>> -> memref<8194x32xf32, #tpu.memory_space<hbm>>
    tpu.wait_indirect_dma semaphore(%arg16 : memref<!tpu.dma_semaphore, #tpu.memory_space<semaphore_mem>>) src(%dma_wait3A_189 : memref<8194x32xf32, #tpu.memory_space<hbm>>) dst(%arg10 : memref<128x32xf32, #tpu.memory_space<vmem>>)
    %dma_wait3A_190 = arith.constant 9 : i32
    %dma_wait3A_191 = arith.constant 0 : i32
    %dma_wait3A_192 = tpu.memref_slice %arg9[%dma_wait3A_190, %dma_wait3A_191] : memref<16x128xi32, #tpu.memory_space<vmem>> -> memref<1x128xi32, #tpu.memory_space<vmem>>
    %dma_wait3A_193 = tpu.memref_squeeze %dma_wait3A_192 : memref<1x128xi32, #tpu.memory_space<vmem>> -> memref<128xi32, #tpu.memory_space<vmem>>
    %dma_wait3A_194 = arith.constant 0 : i32
    %dma_wait3A_195 = arith.constant 0 : i32
    %dma_wait3A_196 = tpu.memref_slice %arg6[%dma_wait3A_194, %dma_wait3A_195] : memref<8194x32xf32, #tpu.memory_space<hbm>> -> memref<8194x32xf32, #tpu.memory_space<hbm>>
    tpu.wait_indirect_dma semaphore(%arg16 : memref<!tpu.dma_semaphore, #tpu.memory_space<semaphore_mem>>) src(%dma_wait3A_196 : memref<8194x32xf32, #tpu.memory_space<hbm>>) dst(%arg10 : memref<128x32xf32, #tpu.memory_space<vmem>>)
    %dma_wait3A_197 = arith.constant 10 : i32
    %dma_wait3A_198 = arith.constant 0 : i32
    %dma_wait3A_199 = tpu.memref_slice %arg9[%dma_wait3A_197, %dma_wait3A_198] : memref<16x128xi32, #tpu.memory_space<vmem>> -> memref<1x128xi32, #tpu.memory_space<vmem>>
    %dma_wait3A_200 = tpu.memref_squeeze %dma_wait3A_199 : memref<1x128xi32, #tpu.memory_space<vmem>> -> memref<128xi32, #tpu.memory_space<vmem>>
    %dma_wait3A_201 = arith.constant 0 : i32
    %dma_wait3A_202 = arith.constant 0 : i32
    %dma_wait3A_203 = tpu.memref_slice %arg6[%dma_wait3A_201, %dma_wait3A_202] : memref<8194x32xf32, #tpu.memory_space<hbm>> -> memref<8194x32xf32, #tpu.memory_space<hbm>>
    tpu.wait_indirect_dma semaphore(%arg16 : memref<!tpu.dma_semaphore, #tpu.memory_space<semaphore_mem>>) src(%dma_wait3A_203 : memref<8194x32xf32, #tpu.memory_space<hbm>>) dst(%arg10 : memref<128x32xf32, #tpu.memory_space<vmem>>)
    %dma_wait3A_204 = arith.constant 11 : i32
    %dma_wait3A_205 = arith.constant 0 : i32
    %dma_wait3A_206 = tpu.memref_slice %arg9[%dma_wait3A_204, %dma_wait3A_205] : memref<16x128xi32, #tpu.memory_space<vmem>> -> memref<1x128xi32, #tpu.memory_space<vmem>>
    %dma_wait3A_207 = tpu.memref_squeeze %dma_wait3A_206 : memref<1x128xi32, #tpu.memory_space<vmem>> -> memref<128xi32, #tpu.memory_space<vmem>>
    %dma_wait3A_208 = arith.constant 0 : i32
    %dma_wait3A_209 = arith.constant 0 : i32
    %dma_wait3A_210 = tpu.memref_slice %arg6[%dma_wait3A_208, %dma_wait3A_209] : memref<8194x32xf32, #tpu.memory_space<hbm>> -> memref<8194x32xf32, #tpu.memory_space<hbm>>
    tpu.wait_indirect_dma semaphore(%arg16 : memref<!tpu.dma_semaphore, #tpu.memory_space<semaphore_mem>>) src(%dma_wait3A_210 : memref<8194x32xf32, #tpu.memory_space<hbm>>) dst(%arg10 : memref<128x32xf32, #tpu.memory_space<vmem>>)
    %dma_wait3A_211 = arith.constant 12 : i32
    %dma_wait3A_212 = arith.constant 0 : i32
    %dma_wait3A_213 = tpu.memref_slice %arg9[%dma_wait3A_211, %dma_wait3A_212] : memref<16x128xi32, #tpu.memory_space<vmem>> -> memref<1x128xi32, #tpu.memory_space<vmem>>
    %dma_wait3A_214 = tpu.memref_squeeze %dma_wait3A_213 : memref<1x128xi32, #tpu.memory_space<vmem>> -> memref<128xi32, #tpu.memory_space<vmem>>
    %dma_wait3A_215 = arith.constant 0 : i32
    %dma_wait3A_216 = arith.constant 0 : i32
    %dma_wait3A_217 = tpu.memref_slice %arg6[%dma_wait3A_215, %dma_wait3A_216] : memref<8194x32xf32, #tpu.memory_space<hbm>> -> memref<8194x32xf32, #tpu.memory_space<hbm>>
    tpu.wait_indirect_dma semaphore(%arg16 : memref<!tpu.dma_semaphore, #tpu.memory_space<semaphore_mem>>) src(%dma_wait3A_217 : memref<8194x32xf32, #tpu.memory_space<hbm>>) dst(%arg10 : memref<128x32xf32, #tpu.memory_space<vmem>>)
    %dma_wait3A_218 = arith.constant 13 : i32
    %dma_wait3A_219 = arith.constant 0 : i32
    %dma_wait3A_220 = tpu.memref_slice %arg9[%dma_wait3A_218, %dma_wait3A_219] : memref<16x128xi32, #tpu.memory_space<vmem>> -> memref<1x128xi32, #tpu.memory_space<vmem>>
    %dma_wait3A_221 = tpu.memref_squeeze %dma_wait3A_220 : memref<1x128xi32, #tpu.memory_space<vmem>> -> memref<128xi32, #tpu.memory_space<vmem>>
    %dma_wait3A_222 = arith.constant 0 : i32
    %dma_wait3A_223 = arith.constant 0 : i32
    %dma_wait3A_224 = tpu.memref_slice %arg6[%dma_wait3A_222, %dma_wait3A_223] : memref<8194x32xf32, #tpu.memory_space<hbm>> -> memref<8194x32xf32, #tpu.memory_space<hbm>>
    tpu.wait_indirect_dma semaphore(%arg16 : memref<!tpu.dma_semaphore, #tpu.memory_space<semaphore_mem>>) src(%dma_wait3A_224 : memref<8194x32xf32, #tpu.memory_space<hbm>>) dst(%arg10 : memref<128x32xf32, #tpu.memory_space<vmem>>)
    %dma_wait3A_225 = arith.constant 14 : i32
    %dma_wait3A_226 = arith.constant 0 : i32
    %dma_wait3A_227 = tpu.memref_slice %arg9[%dma_wait3A_225, %dma_wait3A_226] : memref<16x128xi32, #tpu.memory_space<vmem>> -> memref<1x128xi32, #tpu.memory_space<vmem>>
    %dma_wait3A_228 = tpu.memref_squeeze %dma_wait3A_227 : memref<1x128xi32, #tpu.memory_space<vmem>> -> memref<128xi32, #tpu.memory_space<vmem>>
    %dma_wait3A_229 = arith.constant 0 : i32
    %dma_wait3A_230 = arith.constant 0 : i32
    %dma_wait3A_231 = tpu.memref_slice %arg6[%dma_wait3A_229, %dma_wait3A_230] : memref<8194x32xf32, #tpu.memory_space<hbm>> -> memref<8194x32xf32, #tpu.memory_space<hbm>>
    tpu.wait_indirect_dma semaphore(%arg16 : memref<!tpu.dma_semaphore, #tpu.memory_space<semaphore_mem>>) src(%dma_wait3A_231 : memref<8194x32xf32, #tpu.memory_space<hbm>>) dst(%arg10 : memref<128x32xf32, #tpu.memory_space<vmem>>)
    %dma_wait3A_232 = arith.constant 15 : i32
    %dma_wait3A_233 = arith.constant 0 : i32
    %dma_wait3A_234 = tpu.memref_slice %arg9[%dma_wait3A_232, %dma_wait3A_233] : memref<16x128xi32, #tpu.memory_space<vmem>> -> memref<1x128xi32, #tpu.memory_space<vmem>>
    %dma_wait3A_235 = tpu.memref_squeeze %dma_wait3A_234 : memref<1x128xi32, #tpu.memory_space<vmem>> -> memref<128xi32, #tpu.memory_space<vmem>>
    %dma_wait3A_236 = arith.constant 0 : i32
    %dma_wait3A_237 = arith.constant 0 : i32
    %dma_wait3A_238 = tpu.memref_slice %arg6[%dma_wait3A_236, %dma_wait3A_237] : memref<8194x32xf32, #tpu.memory_space<hbm>> -> memref<8194x32xf32, #tpu.memory_space<hbm>>
    tpu.wait_indirect_dma semaphore(%arg16 : memref<!tpu.dma_semaphore, #tpu.memory_space<semaphore_mem>>) src(%dma_wait3A_238 : memref<8194x32xf32, #tpu.memory_space<hbm>>) dst(%arg10 : memref<128x32xf32, #tpu.memory_space<vmem>>)
    %scan3A_239 = arith.constant 0 : i32
    %scan3A_240 = arith.constant 128 : i32
    %scan3A_241 = arith.addi %scan3A_239, %scan3A_240 : i32
    %scan3A_242 = arith.constant 1 : i32
    %scan3A_243 = scf.for %scan3A_250 = %scan3A_239 to %scan3A_241 step %scan3A_242 iter_args(%scan3A_251 = %broadcast_in_dim3A_5) -> (vector<16xf32>)  : i32 {
      %get3A_252 = arith.index_cast %scan3A_250 : i32 to index
      %get3A_253 = arith.constant 0 : index
      %get3A_254 = tpu.vector_load %arg10[%get3A_252, %get3A_253] {strides = array<i32>} : memref<128x32xf32, #tpu.memory_space<vmem>>, vector<1x16xf32>,
      %get3A_255 = vector.shape_cast %get3A_254 : vector<1x16xf32> to vector<16xf32>
      %div3A = arith.divf %get3A_255, %get3A_4 : vector<16xf32>
      %get3A_256 = arith.index_cast %scan3A_250 : i32 to index
      %get3A_257 = arith.constant 16 : index
      %get3A_258 = tpu.vector_load %arg10[%get3A_256, %get3A_257] {strides = array<i32>} : memref<128x32xf32, #tpu.memory_space<vmem>>, vector<1x16xf32>,
      %get3A_259 = vector.shape_cast %get3A_258 : vector<1x16xf32> to vector<16xf32>
      %div3A_260 = arith.divf %get3A_259, %get3A_4 : vector<16xf32>
      %mul3A_261 = arith.constant 32 : i32
      %mul3A_262 = arith.muli %scan3A_250, %mul3A_261 : i32
      %get3A_263 = arith.index_cast %mul3A_262 : i32 to index
      %get3A_264 = tpu.vector_load %arg11[%get3A_263] {strides = array<i32>} : memref<4096xf32, #tpu.memory_space<vmem>>, vector<16xf32>,
      %get3A_265 = vector.shape_cast %get3A_264 : vector<16xf32> to vector<16xf32>
      %mul3A_266 = arith.constant 32 : i32
      %mul3A_267 = arith.muli %scan3A_250, %mul3A_266 : i32
      %add3A_268 = arith.constant 16 : i32
      %add3A_269 = arith.addi %mul3A_267, %add3A_268 : i32
      %get3A_270 = arith.index_cast %add3A_269 : i32 to index
      %get3A_271 = tpu.vector_load %arg11[%get3A_270] {strides = array<i32>} : memref<4096xf32, #tpu.memory_space<vmem>>, vector<16xf32>,
      %get3A_272 = vector.shape_cast %get3A_271 : vector<16xf32> to vector<16xf32>
      %sub3A = arith.subf %div3A, %get3A_265 : vector<16xf32>
      %add3A_273 = arith.addf %get3A_265, %sub3A : vector<16xf32>
      %mul3A_274 = arith.constant 32 : i32
      %mul3A_275 = arith.muli %scan3A_250, %mul3A_274 : i32
      %swap3A_276 = arith.index_cast %mul3A_275 : i32 to index
      %swap3A_277 = tpu.vector_load %arg13[%swap3A_276] {strides = array<i32>} : memref<4096xf32, #tpu.memory_space<vmem>>, vector<16xf32>,
      %swap3A_278 = vector.shape_cast %swap3A_277 : vector<16xf32> to vector<16xf32>
      %swap3A_279 = vector.shape_cast %add3A_273 : vector<16xf32> to vector<16xf32>
      tpu.vector_store %arg13[%swap3A_276], %swap3A_279 {strides = array<i32>} : memref<4096xf32, #tpu.memory_space<vmem>>, vector<16xf32>,
      %sub3A_280 = arith.subf %div3A_260, %get3A_272 : vector<16xf32>
      %add3A_281 = arith.addf %get3A_272, %sub3A_280 : vector<16xf32>
      %mul3A_282 = arith.constant 32 : i32
      %mul3A_283 = arith.muli %scan3A_250, %mul3A_282 : i32
      %add3A_284 = arith.constant 16 : i32
      %add3A_285 = arith.addi %mul3A_283, %add3A_284 : i32
      %swap3A_286 = arith.index_cast %add3A_285 : i32 to index
      %swap3A_287 = tpu.vector_load %arg13[%swap3A_286] {strides = array<i32>} : memref<4096xf32, #tpu.memory_space<vmem>>, vector<16xf32>,
      %swap3A_288 = vector.shape_cast %swap3A_287 : vector<16xf32> to vector<16xf32>
      %swap3A_289 = vector.shape_cast %add3A_281 : vector<16xf32> to vector<16xf32>
      tpu.vector_store %arg13[%swap3A_286], %swap3A_289 {strides = array<i32>} : memref<4096xf32, #tpu.memory_space<vmem>>, vector<16xf32>,
      %mul3A_290 = arith.constant 32 : i32
      %mul3A_291 = arith.muli %scan3A_250, %mul3A_290 : i32
      %get3A_292 = arith.index_cast %mul3A_291 : i32 to index
      %get3A_293 = tpu.vector_load %arg12[%get3A_292] {strides = array<i32>} : memref<4096xf32, #tpu.memory_space<vmem>>, vector<16xf32>,
      %get3A_294 = vector.shape_cast %get3A_293 : vector<16xf32> to vector<16xf32>
      %mul3A_295 = arith.constant 32 : i32
      %mul3A_296 = arith.muli %scan3A_250, %mul3A_295 : i32
      %add3A_297 = arith.constant 16 : i32
      %add3A_298 = arith.addi %mul3A_296, %add3A_297 : i32
      %get3A_299 = arith.index_cast %add3A_298 : i32 to index
      %get3A_300 = tpu.vector_load %arg12[%get3A_299] {strides = array<i32>} : memref<4096xf32, #tpu.memory_space<vmem>>, vector<16xf32>,
      %get3A_301 = vector.shape_cast %get3A_300 : vector<16xf32> to vector<16xf32>
      %mul3A_302 = arith.mulf %div3A, %get3A_294 : vector<16xf32>
      %mul3A_303 = arith.mulf %get3A_265, %get3A_294 : vector<16xf32>
      %sub3A_304 = arith.subf %mul3A_302, %mul3A_303 : vector<16xf32>
      %mul3A_305 = arith.mulf %div3A_260, %get3A_301 : vector<16xf32>
      %mul3A_306 = arith.mulf %get3A_272, %get3A_301 : vector<16xf32>
      %sub3A_307 = arith.subf %mul3A_305, %mul3A_306 : vector<16xf32>
      %mul3A_308 = arith.mulf %sub3A_304, %sub3A_304 : vector<16xf32>
      %add3A_309 = arith.addf %scan3A_251, %mul3A_308 : vector<16xf32>
      %mul3A_310 = arith.mulf %sub3A_307, %sub3A_307 : vector<16xf32>
      %add3A_311 = arith.addf %add3A_309, %mul3A_310 : vector<16xf32>
      scf.yield %add3A_311 : vector<16xf32>
    }
    %scan3A_244 = arith.constant 128 : i32
    %mul3A_245 = arith.constant 32 : i32
    %mul3A_246 = arith.muli %add3A_7, %mul3A_245 : i32
    "tpu.region"() ({
      %run_scoped3A = tpu.sem_alloc : memref<!tpu.dma_semaphore, #tpu.memory_space<semaphore_mem>>
      %dma_start3A_250 = tpu.memref_slice %arg7[%mul3A_246] : memref<131072xf32, #tpu.memory_space<hbm>> -> memref<4096xf32, #tpu.memory_space<hbm>>
      %dma_start3A_251 = tpu.memref_slice %arg7[%mul3A_246] : memref<131072xf32, #tpu.memory_space<hbm>> -> memref<4096xf32, #tpu.memory_space<hbm>>
      tpu.enqueue_dma source(%arg13 : memref<4096xf32, #tpu.memory_space<vmem>>) target(%dma_start3A_251 : memref<4096xf32, #tpu.memory_space<hbm>>) target_semaphore(%run_scoped3A : memref<!tpu.dma_semaphore, #tpu.memory_space<semaphore_mem>>)
      %dma_wait3A_252 = tpu.memref_slice %arg7[%mul3A_246] : memref<131072xf32, #tpu.memory_space<hbm>> -> memref<4096xf32, #tpu.memory_space<hbm>>
      %dma_wait3A_253 = tpu.memref_slice %arg7[%mul3A_246] : memref<131072xf32, #tpu.memory_space<hbm>> -> memref<4096xf32, #tpu.memory_space<hbm>>
      tpu.wait_dma2 semaphore(%run_scoped3A : memref<!tpu.dma_semaphore, #tpu.memory_space<semaphore_mem>>) src(%arg13 : memref<4096xf32, #tpu.memory_space<vmem>>) dst(%dma_wait3A_253 : memref<4096xf32, #tpu.memory_space<hbm>>)
      tpu.yield
    }) : () -> ()
    %swap3A = arith.constant 0 : index
    %swap3A_247 = tpu.vector_load %arg15[%swap3A] {strides = array<i32>} : memref<16xf32, #tpu.memory_space<vmem>>, vector<16xf32>,
    %swap3A_248 = vector.shape_cast %swap3A_247 : vector<16xf32> to vector<16xf32>
    %swap3A_249 = vector.shape_cast %scan3A_243 : vector<16xf32> to vector<16xf32>
    tpu.vector_store %arg15[%swap3A], %swap3A_249 {strides = array<i32>} : memref<16xf32, #tpu.memory_space<vmem>>, vector<16xf32>,
    "tpu.region"() ({
      %run_scoped3A = tpu.sem_alloc : memref<!tpu.dma_semaphore, #tpu.memory_space<semaphore_mem>>
      %dma_start3A_250 = arith.constant 0 : i32
      %dma_start3A_251 = tpu.memref_slice %arg8[%add3A, %dma_start3A_250] : memref<32x16xf32, #tpu.memory_space<hbm>> -> memref<1x16xf32, #tpu.memory_space<hbm>>
      %dma_start3A_252 = tpu.memref_squeeze %dma_start3A_251 : memref<1x16xf32, #tpu.memory_space<hbm>> -> memref<16xf32, #tpu.memory_space<hbm>>
      %dma_start3A_253 = arith.constant 0 : i32
      %dma_start3A_254 = tpu.memref_slice %arg8[%add3A, %dma_start3A_253] : memref<32x16xf32, #tpu.memory_space<hbm>> -> memref<1x16xf32, #tpu.memory_space<hbm>>
      %dma_start3A_255 = tpu.memref_squeeze %dma_start3A_254 : memref<1x16xf32, #tpu.memory_space<hbm>> -> memref<16xf32, #tpu.memory_space<hbm>>
      tpu.enqueue_dma source(%arg15 : memref<16xf32, #tpu.memory_space<vmem>>) target(%dma_start3A_255 : memref<16xf32, #tpu.memory_space<hbm>>) target_semaphore(%run_scoped3A : memref<!tpu.dma_semaphore, #tpu.memory_space<semaphore_mem>>)
      %dma_wait3A_256 = arith.constant 0 : i32
      %dma_wait3A_257 = tpu.memref_slice %arg8[%add3A, %dma_wait3A_256] : memref<32x16xf32, #tpu.memory_space<hbm>> -> memref<1x16xf32, #tpu.memory_space<hbm>>
      %dma_wait3A_258 = tpu.memref_squeeze %dma_wait3A_257 : memref<1x16xf32, #tpu.memory_space<hbm>> -> memref<16xf32, #tpu.memory_space<hbm>>
      %dma_wait3A_259 = arith.constant 0 : i32
      %dma_wait3A_260 = tpu.memref_slice %arg8[%add3A, %dma_wait3A_259] : memref<32x16xf32, #tpu.memory_space<hbm>> -> memref<1x16xf32, #tpu.memory_space<hbm>>
      %dma_wait3A_261 = tpu.memref_squeeze %dma_wait3A_260 : memref<1x16xf32, #tpu.memory_space<hbm>> -> memref<16xf32, #tpu.memory_space<hbm>>
      tpu.wait_dma2 semaphore(%run_scoped3A : memref<!tpu.dma_semaphore, #tpu.memory_space<semaphore_mem>>) src(%arg15 : memref<16xf32, #tpu.memory_space<vmem>>) dst(%dma_wait3A_261 : memref<16xf32, #tpu.memory_space<hbm>>)
      tpu.yield
    }) : () -> ()
    return
  }
}

#map = affine_map<(d0, d1) -> (0, 0)>
#map1 = affine_map<(d0, d1) -> (0)>
module attributes {stable_mosaic.version = 14 : i64} {
  func.func @_sc_gather_body(%arg0: i32, %arg1: i32, %arg2: memref<16x4096xi32, #tpu.memory_space<hbm>>, %arg3: memref<524288xf32, #tpu.memory_space<hbm>>, %arg4: memref<524288xf32, #tpu.memory_space<hbm>>, %arg5: memref<16xf32, #tpu.memory_space<hbm>>, %arg6: memref<8194x32xf32, #tpu.memory_space<hbm>>, %arg7: memref<131072xf32, #tpu.memory_space<hbm>>, %arg8: memref<32x16xf32, #tpu.memory_space<hbm>>, %arg9: memref<16x128xi32, #tpu.memory_space<vmem>>, %arg10: memref<128x32xf32, #tpu.memory_space<vmem>>, %arg11: memref<4096xf32, #tpu.memory_space<vmem>>, %arg12: memref<4096xf32, #tpu.memory_space<vmem>>, %arg13: memref<4096xf32, #tpu.memory_space<vmem>>, %arg14: memref<16xf32, #tpu.memory_space<vmem>>, %arg15: memref<16xf32, #tpu.memory_space<vmem>>, %arg16: memref<!tpu.dma_semaphore, #tpu.memory_space<semaphore_mem>>) attributes {dimension_semantics = [#tpu.dimension_semantics<core_parallel>, #tpu.dimension_semantics<subcore_parallel>], iteration_bounds = array<i64: 2, 16>, scalar_prefetch = 0 : i64, scratch_operands = 8 : i64, tpu.core_type = #tpu.core_type<sc_vector_subcore>, window_params = [{transform_indices = #map}, {transform_indices = #map1}, {transform_indices = #map1}, {transform_indices = #map1}, {transform_indices = #map}, {transform_indices = #map1}, {transform_indices = #map}]} {
    %mul3A = arith.constant 2 : i32
    %mul3A_0 = arith.muli %arg1, %mul3A : i32
    %add3A = arith.addi %mul3A_0, %arg0 : i32
    %mul3A_1 = arith.constant 128 : i32
    %mul3A_2 = arith.muli %add3A, %mul3A_1 : i32
    "tpu.region"() ({
      %run_scoped3A = tpu.sem_alloc : memref<!tpu.dma_semaphore, #tpu.memory_space<semaphore_mem>>
      tpu.enqueue_dma source(%arg5 : memref<16xf32, #tpu.memory_space<hbm>>) target(%arg14 : memref<16xf32, #tpu.memory_space<vmem>>) target_semaphore(%run_scoped3A : memref<!tpu.dma_semaphore, #tpu.memory_space<semaphore_mem>>)
      tpu.wait_dma2 semaphore(%run_scoped3A : memref<!tpu.dma_semaphore, #tpu.memory_space<semaphore_mem>>) src(%arg5 : memref<16xf32, #tpu.memory_space<hbm>>) dst(%arg14 : memref<16xf32, #tpu.memory_space<vmem>>)
      tpu.yield
    }) : () -> ()
    %get3A = arith.constant 0 : index
    %get3A_3 = tpu.vector_load %arg14[%get3A] {strides = array<i32>} : memref<16xf32, #tpu.memory_space<vmem>>, vector<16xf32>,
    %get3A_4 = vector.shape_cast %get3A_3 : vector<16xf32> to vector<16xf32>
    %broadcast_in_dim3A = arith.constant 0.000000e+00 : f32
    %broadcast_in_dim3A_5 = vector.broadcast %broadcast_in_dim3A : f32 to vector<16xf32>
    %add3A_6 = arith.constant 0 : i32
    %add3A_7 = arith.addi %mul3A_2, %add3A_6 : i32
    %add3A_8 = arith.constant 8192 : i32
    %add3A_9 = arith.addi %add3A_8, %add3A_7 : i32
    %mul3A_10 = arith.constant 32 : i32
    %mul3A_11 = arith.muli %add3A_9, %mul3A_10 : i32
    "tpu.region"() ({
      %run_scoped3A = tpu.sem_alloc : memref<!tpu.dma_semaphore, #tpu.memory_space<semaphore_mem>>
      %dma_start3A_250 = arith.constant 0 : i32
      %dma_start3A_251 = tpu.memref_slice %arg2[%dma_start3A_250, %add3A_7] : memref<16x4096xi32, #tpu.memory_space<hbm>> -> memref<16x128xi32, #tpu.memory_space<hbm>>
      %dma_start3A_252 = arith.constant 0 : i32
      %dma_start3A_253 = tpu.memref_slice %arg2[%dma_start3A_252, %add3A_7] : memref<16x4096xi32, #tpu.memory_space<hbm>> -> memref<16x128xi32, #tpu.memory_space<hbm>>
      tpu.enqueue_dma source(%dma_start3A_253 : memref<16x128xi32, #tpu.memory_space<hbm>>) target(%arg9 : memref<16x128xi32, #tpu.memory_space<vmem>>) target_semaphore(%run_scoped3A : memref<!tpu.dma_semaphore, #tpu.memory_space<semaphore_mem>>)
      %dma_wait3A_254 = arith.constant 0 : i32
      %dma_wait3A_255 = tpu.memref_slice %arg2[%dma_wait3A_254, %add3A_7] : memref<16x4096xi32, #tpu.memory_space<hbm>> -> memref<16x128xi32, #tpu.memory_space<hbm>>
      %dma_wait3A_256 = arith.constant 0 : i32
      %dma_wait3A_257 = tpu.memref_slice %arg2[%dma_wait3A_256, %add3A_7] : memref<16x4096xi32, #tpu.memory_space<hbm>> -> memref<16x128xi32, #tpu.memory_space<hbm>>
      tpu.wait_dma2 semaphore(%run_scoped3A : memref<!tpu.dma_semaphore, #tpu.memory_space<semaphore_mem>>) src(%dma_wait3A_257 : memref<16x128xi32, #tpu.memory_space<hbm>>) dst(%arg9 : memref<16x128xi32, #tpu.memory_space<vmem>>)
      tpu.yield
    }) : () -> ()
    "tpu.region"() ({
      %run_scoped3A = tpu.sem_alloc : memref<!tpu.dma_semaphore, #tpu.memory_space<semaphore_mem>>
      %dma_start3A_250 = tpu.memref_slice %arg3[%mul3A_11] : memref<524288xf32, #tpu.memory_space<hbm>> -> memref<4096xf32, #tpu.memory_space<hbm>>
      %dma_start3A_251 = tpu.memref_slice %arg3[%mul3A_11] : memref<524288xf32, #tpu.memory_space<hbm>> -> memref<4096xf32, #tpu.memory_space<hbm>>
      tpu.enqueue_dma source(%dma_start3A_251 : memref<4096xf32, #tpu.memory_space<hbm>>) target(%arg11 : memref<4096xf32, #tpu.memory_space<vmem>>) target_semaphore(%run_scoped3A : memref<!tpu.dma_semaphore, #tpu.memory_space<semaphore_mem>>)
      %dma_wait3A_252 = tpu.memref_slice %arg3[%mul3A_11] : memref<524288xf32, #tpu.memory_space<hbm>> -> memref<4096xf32, #tpu.memory_space<hbm>>
      %dma_wait3A_253 = tpu.memref_slice %arg3[%mul3A_11] : memref<524288xf32, #tpu.memory_space<hbm>> -> memref<4096xf32, #tpu.memory_space<hbm>>
      tpu.wait_dma2 semaphore(%run_scoped3A : memref<!tpu.dma_semaphore, #tpu.memory_space<semaphore_mem>>) src(%dma_wait3A_253 : memref<4096xf32, #tpu.memory_space<hbm>>) dst(%arg11 : memref<4096xf32, #tpu.memory_space<vmem>>)
      tpu.yield
    }) : () -> ()
    "tpu.region"() ({
      %run_scoped3A = tpu.sem_alloc : memref<!tpu.dma_semaphore, #tpu.memory_space<semaphore_mem>>
      %dma_start3A_250 = tpu.memref_slice %arg4[%mul3A_11] : memref<524288xf32, #tpu.memory_space<hbm>> -> memref<4096xf32, #tpu.memory_space<hbm>>
      %dma_start3A_251 = tpu.memref_slice %arg4[%mul3A_11] : memref<524288xf32, #tpu.memory_space<hbm>> -> memref<4096xf32, #tpu.memory_space<hbm>>
      tpu.enqueue_dma source(%dma_start3A_251 : memref<4096xf32, #tpu.memory_space<hbm>>) target(%arg12 : memref<4096xf32, #tpu.memory_space<vmem>>) target_semaphore(%run_scoped3A : memref<!tpu.dma_semaphore, #tpu.memory_space<semaphore_mem>>)
      %dma_wait3A_252 = tpu.memref_slice %arg4[%mul3A_11] : memref<524288xf32, #tpu.memory_space<hbm>> -> memref<4096xf32, #tpu.memory_space<hbm>>
      %dma_wait3A_253 = tpu.memref_slice %arg4[%mul3A_11] : memref<524288xf32, #tpu.memory_space<hbm>> -> memref<4096xf32, #tpu.memory_space<hbm>>
      tpu.wait_dma2 semaphore(%run_scoped3A : memref<!tpu.dma_semaphore, #tpu.memory_space<semaphore_mem>>) src(%dma_wait3A_253 : memref<4096xf32, #tpu.memory_space<hbm>>) dst(%arg12 : memref<4096xf32, #tpu.memory_space<vmem>>)
      tpu.yield
    }) : () -> ()
    %scan3A = arith.constant 0 : i32
    %scan3A_12 = arith.constant 0 : i32
    %scan3A_13 = arith.constant 128 : i32
    %scan3A_14 = arith.addi %scan3A_12, %scan3A_13 : i32
    %scan3A_15 = arith.constant 1 : i32
    scf.for %scan3A_250 = %scan3A_12 to %scan3A_14 step %scan3A_15  : i32 {
      %broadcast_in_dim3A_251 = arith.constant 0.000000e+00 : f32
      %broadcast_in_dim3A_252 = vector.broadcast %broadcast_in_dim3A_251 : f32 to vector<16xf32>
      %swap3A_253 = arith.index_cast %scan3A_250 : i32 to index
      %swap3A_254 = arith.constant 0 : index
      %swap3A_255 = tpu.vector_load %arg10[%swap3A_253, %swap3A_254] {strides = array<i32>} : memref<128x32xf32, #tpu.memory_space<vmem>>, vector<1x16xf32>,
      %swap3A_256 = vector.shape_cast %swap3A_255 : vector<1x16xf32> to vector<16xf32>
      %swap3A_257 = vector.shape_cast %broadcast_in_dim3A_252 : vector<16xf32> to vector<1x16xf32>
      tpu.vector_store %arg10[%swap3A_253, %swap3A_254], %swap3A_257 {strides = array<i32>} : memref<128x32xf32, #tpu.memory_space<vmem>>, vector<1x16xf32>,
      %broadcast_in_dim3A_258 = arith.constant 0.000000e+00 : f32
      %broadcast_in_dim3A_259 = vector.broadcast %broadcast_in_dim3A_258 : f32 to vector<16xf32>
      %swap3A_260 = arith.index_cast %scan3A_250 : i32 to index
      %swap3A_261 = arith.constant 16 : index
      %swap3A_262 = tpu.vector_load %arg10[%swap3A_260, %swap3A_261] {strides = array<i32>} : memref<128x32xf32, #tpu.memory_space<vmem>>, vector<1x16xf32>,
      %swap3A_263 = vector.shape_cast %swap3A_262 : vector<1x16xf32> to vector<16xf32>
      %swap3A_264 = vector.shape_cast %broadcast_in_dim3A_259 : vector<16xf32> to vector<1x16xf32>
      tpu.vector_store %arg10[%swap3A_260, %swap3A_261], %swap3A_264 {strides = array<i32>} : memref<128x32xf32, #tpu.memory_space<vmem>>, vector<1x16xf32>,
    }
    %scan3A_16 = arith.constant 128 : i32
    %dma_start3A = arith.constant 0 : i32
    %dma_start3A_17 = arith.constant 0 : i32
    %dma_start3A_18 = tpu.memref_slice %arg9[%dma_start3A, %dma_start3A_17] : memref<16x128xi32, #tpu.memory_space<vmem>> -> memref<1x128xi32, #tpu.memory_space<vmem>>
    %dma_start3A_19 = tpu.memref_squeeze %dma_start3A_18 : memref<1x128xi32, #tpu.memory_space<vmem>> -> memref<128xi32, #tpu.memory_space<vmem>>
    %dma_start3A_20 = arith.constant 0 : i32
    %dma_start3A_21 = arith.constant 0 : i32
    %dma_start3A_22 = tpu.memref_slice %arg6[%dma_start3A_20, %dma_start3A_21] : memref<8194x32xf32, #tpu.memory_space<hbm>> -> memref<8194x32xf32, #tpu.memory_space<hbm>>
    tpu.enqueue_indirect_dma source(%dma_start3A_22 : memref<8194x32xf32, #tpu.memory_space<hbm>>) target(%arg10 : memref<128x32xf32, #tpu.memory_space<vmem>>) offsets(%dma_start3A_19 : memref<128xi32, #tpu.memory_space<vmem>>) semaphore(%arg16 : memref<!tpu.dma_semaphore, #tpu.memory_space<semaphore_mem>>) {add = true}
    %dma_start3A_23 = arith.constant 1 : i32
    %dma_start3A_24 = arith.constant 0 : i32
    %dma_start3A_25 = tpu.memref_slice %arg9[%dma_start3A_23, %dma_start3A_24] : memref<16x128xi32, #tpu.memory_space<vmem>> -> memref<1x128xi32, #tpu.memory_space<vmem>>
    %dma_start3A_26 = tpu.memref_squeeze %dma_start3A_25 : memref<1x128xi32, #tpu.memory_space<vmem>> -> memref<128xi32, #tpu.memory_space<vmem>>
    %dma_start3A_27 = arith.constant 0 : i32
    %dma_start3A_28 = arith.constant 0 : i32
    %dma_start3A_29 = tpu.memref_slice %arg6[%dma_start3A_27, %dma_start3A_28] : memref<8194x32xf32, #tpu.memory_space<hbm>> -> memref<8194x32xf32, #tpu.memory_space<hbm>>
    tpu.enqueue_indirect_dma source(%dma_start3A_29 : memref<8194x32xf32, #tpu.memory_space<hbm>>) target(%arg10 : memref<128x32xf32, #tpu.memory_space<vmem>>) offsets(%dma_start3A_26 : memref<128xi32, #tpu.memory_space<vmem>>) semaphore(%arg16 : memref<!tpu.dma_semaphore, #tpu.memory_space<semaphore_mem>>) {add = true}
    %dma_start3A_30 = arith.constant 2 : i32
    %dma_start3A_31 = arith.constant 0 : i32
    %dma_start3A_32 = tpu.memref_slice %arg9[%dma_start3A_30, %dma_start3A_31] : memref<16x128xi32, #tpu.memory_space<vmem>> -> memref<1x128xi32, #tpu.memory_space<vmem>>
    %dma_start3A_33 = tpu.memref_squeeze %dma_start3A_32 : memref<1x128xi32, #tpu.memory_space<vmem>> -> memref<128xi32, #tpu.memory_space<vmem>>
    %dma_start3A_34 = arith.constant 0 : i32
    %dma_start3A_35 = arith.constant 0 : i32
    %dma_start3A_36 = tpu.memref_slice %arg6[%dma_start3A_34, %dma_start3A_35] : memref<8194x32xf32, #tpu.memory_space<hbm>> -> memref<8194x32xf32, #tpu.memory_space<hbm>>
    tpu.enqueue_indirect_dma source(%dma_start3A_36 : memref<8194x32xf32, #tpu.memory_space<hbm>>) target(%arg10 : memref<128x32xf32, #tpu.memory_space<vmem>>) offsets(%dma_start3A_33 : memref<128xi32, #tpu.memory_space<vmem>>) semaphore(%arg16 : memref<!tpu.dma_semaphore, #tpu.memory_space<semaphore_mem>>) {add = true}
    %dma_start3A_37 = arith.constant 3 : i32
    %dma_start3A_38 = arith.constant 0 : i32
    %dma_start3A_39 = tpu.memref_slice %arg9[%dma_start3A_37, %dma_start3A_38] : memref<16x128xi32, #tpu.memory_space<vmem>> -> memref<1x128xi32, #tpu.memory_space<vmem>>
    %dma_start3A_40 = tpu.memref_squeeze %dma_start3A_39 : memref<1x128xi32, #tpu.memory_space<vmem>> -> memref<128xi32, #tpu.memory_space<vmem>>
    %dma_start3A_41 = arith.constant 0 : i32
    %dma_start3A_42 = arith.constant 0 : i32
    %dma_start3A_43 = tpu.memref_slice %arg6[%dma_start3A_41, %dma_start3A_42] : memref<8194x32xf32, #tpu.memory_space<hbm>> -> memref<8194x32xf32, #tpu.memory_space<hbm>>
    tpu.enqueue_indirect_dma source(%dma_start3A_43 : memref<8194x32xf32, #tpu.memory_space<hbm>>) target(%arg10 : memref<128x32xf32, #tpu.memory_space<vmem>>) offsets(%dma_start3A_40 : memref<128xi32, #tpu.memory_space<vmem>>) semaphore(%arg16 : memref<!tpu.dma_semaphore, #tpu.memory_space<semaphore_mem>>) {add = true}
    %dma_start3A_44 = arith.constant 4 : i32
    %dma_start3A_45 = arith.constant 0 : i32
    %dma_start3A_46 = tpu.memref_slice %arg9[%dma_start3A_44, %dma_start3A_45] : memref<16x128xi32, #tpu.memory_space<vmem>> -> memref<1x128xi32, #tpu.memory_space<vmem>>
    %dma_start3A_47 = tpu.memref_squeeze %dma_start3A_46 : memref<1x128xi32, #tpu.memory_space<vmem>> -> memref<128xi32, #tpu.memory_space<vmem>>
    %dma_start3A_48 = arith.constant 0 : i32
    %dma_start3A_49 = arith.constant 0 : i32
    %dma_start3A_50 = tpu.memref_slice %arg6[%dma_start3A_48, %dma_start3A_49] : memref<8194x32xf32, #tpu.memory_space<hbm>> -> memref<8194x32xf32, #tpu.memory_space<hbm>>
    tpu.enqueue_indirect_dma source(%dma_start3A_50 : memref<8194x32xf32, #tpu.memory_space<hbm>>) target(%arg10 : memref<128x32xf32, #tpu.memory_space<vmem>>) offsets(%dma_start3A_47 : memref<128xi32, #tpu.memory_space<vmem>>) semaphore(%arg16 : memref<!tpu.dma_semaphore, #tpu.memory_space<semaphore_mem>>) {add = true}
    %dma_start3A_51 = arith.constant 5 : i32
    %dma_start3A_52 = arith.constant 0 : i32
    %dma_start3A_53 = tpu.memref_slice %arg9[%dma_start3A_51, %dma_start3A_52] : memref<16x128xi32, #tpu.memory_space<vmem>> -> memref<1x128xi32, #tpu.memory_space<vmem>>
    %dma_start3A_54 = tpu.memref_squeeze %dma_start3A_53 : memref<1x128xi32, #tpu.memory_space<vmem>> -> memref<128xi32, #tpu.memory_space<vmem>>
    %dma_start3A_55 = arith.constant 0 : i32
    %dma_start3A_56 = arith.constant 0 : i32
    %dma_start3A_57 = tpu.memref_slice %arg6[%dma_start3A_55, %dma_start3A_56] : memref<8194x32xf32, #tpu.memory_space<hbm>> -> memref<8194x32xf32, #tpu.memory_space<hbm>>
    tpu.enqueue_indirect_dma source(%dma_start3A_57 : memref<8194x32xf32, #tpu.memory_space<hbm>>) target(%arg10 : memref<128x32xf32, #tpu.memory_space<vmem>>) offsets(%dma_start3A_54 : memref<128xi32, #tpu.memory_space<vmem>>) semaphore(%arg16 : memref<!tpu.dma_semaphore, #tpu.memory_space<semaphore_mem>>) {add = true}
    %dma_start3A_58 = arith.constant 6 : i32
    %dma_start3A_59 = arith.constant 0 : i32
    %dma_start3A_60 = tpu.memref_slice %arg9[%dma_start3A_58, %dma_start3A_59] : memref<16x128xi32, #tpu.memory_space<vmem>> -> memref<1x128xi32, #tpu.memory_space<vmem>>
    %dma_start3A_61 = tpu.memref_squeeze %dma_start3A_60 : memref<1x128xi32, #tpu.memory_space<vmem>> -> memref<128xi32, #tpu.memory_space<vmem>>
    %dma_start3A_62 = arith.constant 0 : i32
    %dma_start3A_63 = arith.constant 0 : i32
    %dma_start3A_64 = tpu.memref_slice %arg6[%dma_start3A_62, %dma_start3A_63] : memref<8194x32xf32, #tpu.memory_space<hbm>> -> memref<8194x32xf32, #tpu.memory_space<hbm>>
    tpu.enqueue_indirect_dma source(%dma_start3A_64 : memref<8194x32xf32, #tpu.memory_space<hbm>>) target(%arg10 : memref<128x32xf32, #tpu.memory_space<vmem>>) offsets(%dma_start3A_61 : memref<128xi32, #tpu.memory_space<vmem>>) semaphore(%arg16 : memref<!tpu.dma_semaphore, #tpu.memory_space<semaphore_mem>>) {add = true}
    %dma_start3A_65 = arith.constant 7 : i32
    %dma_start3A_66 = arith.constant 0 : i32
    %dma_start3A_67 = tpu.memref_slice %arg9[%dma_start3A_65, %dma_start3A_66] : memref<16x128xi32, #tpu.memory_space<vmem>> -> memref<1x128xi32, #tpu.memory_space<vmem>>
    %dma_start3A_68 = tpu.memref_squeeze %dma_start3A_67 : memref<1x128xi32, #tpu.memory_space<vmem>> -> memref<128xi32, #tpu.memory_space<vmem>>
    %dma_start3A_69 = arith.constant 0 : i32
    %dma_start3A_70 = arith.constant 0 : i32
    %dma_start3A_71 = tpu.memref_slice %arg6[%dma_start3A_69, %dma_start3A_70] : memref<8194x32xf32, #tpu.memory_space<hbm>> -> memref<8194x32xf32, #tpu.memory_space<hbm>>
    tpu.enqueue_indirect_dma source(%dma_start3A_71 : memref<8194x32xf32, #tpu.memory_space<hbm>>) target(%arg10 : memref<128x32xf32, #tpu.memory_space<vmem>>) offsets(%dma_start3A_68 : memref<128xi32, #tpu.memory_space<vmem>>) semaphore(%arg16 : memref<!tpu.dma_semaphore, #tpu.memory_space<semaphore_mem>>) {add = true}
    %dma_start3A_72 = arith.constant 8 : i32
    %dma_start3A_73 = arith.constant 0 : i32
    %dma_start3A_74 = tpu.memref_slice %arg9[%dma_start3A_72, %dma_start3A_73] : memref<16x128xi32, #tpu.memory_space<vmem>> -> memref<1x128xi32, #tpu.memory_space<vmem>>
    %dma_start3A_75 = tpu.memref_squeeze %dma_start3A_74 : memref<1x128xi32, #tpu.memory_space<vmem>> -> memref<128xi32, #tpu.memory_space<vmem>>
    %dma_start3A_76 = arith.constant 0 : i32
    %dma_start3A_77 = arith.constant 0 : i32
    %dma_start3A_78 = tpu.memref_slice %arg6[%dma_start3A_76, %dma_start3A_77] : memref<8194x32xf32, #tpu.memory_space<hbm>> -> memref<8194x32xf32, #tpu.memory_space<hbm>>
    tpu.enqueue_indirect_dma source(%dma_start3A_78 : memref<8194x32xf32, #tpu.memory_space<hbm>>) target(%arg10 : memref<128x32xf32, #tpu.memory_space<vmem>>) offsets(%dma_start3A_75 : memref<128xi32, #tpu.memory_space<vmem>>) semaphore(%arg16 : memref<!tpu.dma_semaphore, #tpu.memory_space<semaphore_mem>>) {add = true}
    %dma_start3A_79 = arith.constant 9 : i32
    %dma_start3A_80 = arith.constant 0 : i32
    %dma_start3A_81 = tpu.memref_slice %arg9[%dma_start3A_79, %dma_start3A_80] : memref<16x128xi32, #tpu.memory_space<vmem>> -> memref<1x128xi32, #tpu.memory_space<vmem>>
    %dma_start3A_82 = tpu.memref_squeeze %dma_start3A_81 : memref<1x128xi32, #tpu.memory_space<vmem>> -> memref<128xi32, #tpu.memory_space<vmem>>
    %dma_start3A_83 = arith.constant 0 : i32
    %dma_start3A_84 = arith.constant 0 : i32
    %dma_start3A_85 = tpu.memref_slice %arg6[%dma_start3A_83, %dma_start3A_84] : memref<8194x32xf32, #tpu.memory_space<hbm>> -> memref<8194x32xf32, #tpu.memory_space<hbm>>
    tpu.enqueue_indirect_dma source(%dma_start3A_85 : memref<8194x32xf32, #tpu.memory_space<hbm>>) target(%arg10 : memref<128x32xf32, #tpu.memory_space<vmem>>) offsets(%dma_start3A_82 : memref<128xi32, #tpu.memory_space<vmem>>) semaphore(%arg16 : memref<!tpu.dma_semaphore, #tpu.memory_space<semaphore_mem>>) {add = true}
    %dma_start3A_86 = arith.constant 10 : i32
    %dma_start3A_87 = arith.constant 0 : i32
    %dma_start3A_88 = tpu.memref_slice %arg9[%dma_start3A_86, %dma_start3A_87] : memref<16x128xi32, #tpu.memory_space<vmem>> -> memref<1x128xi32, #tpu.memory_space<vmem>>
    %dma_start3A_89 = tpu.memref_squeeze %dma_start3A_88 : memref<1x128xi32, #tpu.memory_space<vmem>> -> memref<128xi32, #tpu.memory_space<vmem>>
    %dma_start3A_90 = arith.constant 0 : i32
    %dma_start3A_91 = arith.constant 0 : i32
    %dma_start3A_92 = tpu.memref_slice %arg6[%dma_start3A_90, %dma_start3A_91] : memref<8194x32xf32, #tpu.memory_space<hbm>> -> memref<8194x32xf32, #tpu.memory_space<hbm>>
    tpu.enqueue_indirect_dma source(%dma_start3A_92 : memref<8194x32xf32, #tpu.memory_space<hbm>>) target(%arg10 : memref<128x32xf32, #tpu.memory_space<vmem>>) offsets(%dma_start3A_89 : memref<128xi32, #tpu.memory_space<vmem>>) semaphore(%arg16 : memref<!tpu.dma_semaphore, #tpu.memory_space<semaphore_mem>>) {add = true}
    %dma_start3A_93 = arith.constant 11 : i32
    %dma_start3A_94 = arith.constant 0 : i32
    %dma_start3A_95 = tpu.memref_slice %arg9[%dma_start3A_93, %dma_start3A_94] : memref<16x128xi32, #tpu.memory_space<vmem>> -> memref<1x128xi32, #tpu.memory_space<vmem>>
    %dma_start3A_96 = tpu.memref_squeeze %dma_start3A_95 : memref<1x128xi32, #tpu.memory_space<vmem>> -> memref<128xi32, #tpu.memory_space<vmem>>
    %dma_start3A_97 = arith.constant 0 : i32
    %dma_start3A_98 = arith.constant 0 : i32
    %dma_start3A_99 = tpu.memref_slice %arg6[%dma_start3A_97, %dma_start3A_98] : memref<8194x32xf32, #tpu.memory_space<hbm>> -> memref<8194x32xf32, #tpu.memory_space<hbm>>
    tpu.enqueue_indirect_dma source(%dma_start3A_99 : memref<8194x32xf32, #tpu.memory_space<hbm>>) target(%arg10 : memref<128x32xf32, #tpu.memory_space<vmem>>) offsets(%dma_start3A_96 : memref<128xi32, #tpu.memory_space<vmem>>) semaphore(%arg16 : memref<!tpu.dma_semaphore, #tpu.memory_space<semaphore_mem>>) {add = true}
    %dma_start3A_100 = arith.constant 12 : i32
    %dma_start3A_101 = arith.constant 0 : i32
    %dma_start3A_102 = tpu.memref_slice %arg9[%dma_start3A_100, %dma_start3A_101] : memref<16x128xi32, #tpu.memory_space<vmem>> -> memref<1x128xi32, #tpu.memory_space<vmem>>
    %dma_start3A_103 = tpu.memref_squeeze %dma_start3A_102 : memref<1x128xi32, #tpu.memory_space<vmem>> -> memref<128xi32, #tpu.memory_space<vmem>>
    %dma_start3A_104 = arith.constant 0 : i32
    %dma_start3A_105 = arith.constant 0 : i32
    %dma_start3A_106 = tpu.memref_slice %arg6[%dma_start3A_104, %dma_start3A_105] : memref<8194x32xf32, #tpu.memory_space<hbm>> -> memref<8194x32xf32, #tpu.memory_space<hbm>>
    tpu.enqueue_indirect_dma source(%dma_start3A_106 : memref<8194x32xf32, #tpu.memory_space<hbm>>) target(%arg10 : memref<128x32xf32, #tpu.memory_space<vmem>>) offsets(%dma_start3A_103 : memref<128xi32, #tpu.memory_space<vmem>>) semaphore(%arg16 : memref<!tpu.dma_semaphore, #tpu.memory_space<semaphore_mem>>) {add = true}
    %dma_start3A_107 = arith.constant 13 : i32
    %dma_start3A_108 = arith.constant 0 : i32
    %dma_start3A_109 = tpu.memref_slice %arg9[%dma_start3A_107, %dma_start3A_108] : memref<16x128xi32, #tpu.memory_space<vmem>> -> memref<1x128xi32, #tpu.memory_space<vmem>>
    %dma_start3A_110 = tpu.memref_squeeze %dma_start3A_109 : memref<1x128xi32, #tpu.memory_space<vmem>> -> memref<128xi32, #tpu.memory_space<vmem>>
    %dma_start3A_111 = arith.constant 0 : i32
    %dma_start3A_112 = arith.constant 0 : i32
    %dma_start3A_113 = tpu.memref_slice %arg6[%dma_start3A_111, %dma_start3A_112] : memref<8194x32xf32, #tpu.memory_space<hbm>> -> memref<8194x32xf32, #tpu.memory_space<hbm>>
    tpu.enqueue_indirect_dma source(%dma_start3A_113 : memref<8194x32xf32, #tpu.memory_space<hbm>>) target(%arg10 : memref<128x32xf32, #tpu.memory_space<vmem>>) offsets(%dma_start3A_110 : memref<128xi32, #tpu.memory_space<vmem>>) semaphore(%arg16 : memref<!tpu.dma_semaphore, #tpu.memory_space<semaphore_mem>>) {add = true}
    %dma_start3A_114 = arith.constant 14 : i32
    %dma_start3A_115 = arith.constant 0 : i32
    %dma_start3A_116 = tpu.memref_slice %arg9[%dma_start3A_114, %dma_start3A_115] : memref<16x128xi32, #tpu.memory_space<vmem>> -> memref<1x128xi32, #tpu.memory_space<vmem>>
    %dma_start3A_117 = tpu.memref_squeeze %dma_start3A_116 : memref<1x128xi32, #tpu.memory_space<vmem>> -> memref<128xi32, #tpu.memory_space<vmem>>
    %dma_start3A_118 = arith.constant 0 : i32
    %dma_start3A_119 = arith.constant 0 : i32
    %dma_start3A_120 = tpu.memref_slice %arg6[%dma_start3A_118, %dma_start3A_119] : memref<8194x32xf32, #tpu.memory_space<hbm>> -> memref<8194x32xf32, #tpu.memory_space<hbm>>
    tpu.enqueue_indirect_dma source(%dma_start3A_120 : memref<8194x32xf32, #tpu.memory_space<hbm>>) target(%arg10 : memref<128x32xf32, #tpu.memory_space<vmem>>) offsets(%dma_start3A_117 : memref<128xi32, #tpu.memory_space<vmem>>) semaphore(%arg16 : memref<!tpu.dma_semaphore, #tpu.memory_space<semaphore_mem>>) {add = true}
    %dma_start3A_121 = arith.constant 15 : i32
    %dma_start3A_122 = arith.constant 0 : i32
    %dma_start3A_123 = tpu.memref_slice %arg9[%dma_start3A_121, %dma_start3A_122] : memref<16x128xi32, #tpu.memory_space<vmem>> -> memref<1x128xi32, #tpu.memory_space<vmem>>
    %dma_start3A_124 = tpu.memref_squeeze %dma_start3A_123 : memref<1x128xi32, #tpu.memory_space<vmem>> -> memref<128xi32, #tpu.memory_space<vmem>>
    %dma_start3A_125 = arith.constant 0 : i32
    %dma_start3A_126 = arith.constant 0 : i32
    %dma_start3A_127 = tpu.memref_slice %arg6[%dma_start3A_125, %dma_start3A_126] : memref<8194x32xf32, #tpu.memory_space<hbm>> -> memref<8194x32xf32, #tpu.memory_space<hbm>>
    tpu.enqueue_indirect_dma source(%dma_start3A_127 : memref<8194x32xf32, #tpu.memory_space<hbm>>) target(%arg10 : memref<128x32xf32, #tpu.memory_space<vmem>>) offsets(%dma_start3A_124 : memref<128xi32, #tpu.memory_space<vmem>>) semaphore(%arg16 : memref<!tpu.dma_semaphore, #tpu.memory_space<semaphore_mem>>) {add = true}
    %dma_wait3A = arith.constant 0 : i32
    %dma_wait3A_128 = arith.constant 0 : i32
    %dma_wait3A_129 = tpu.memref_slice %arg9[%dma_wait3A, %dma_wait3A_128] : memref<16x128xi32, #tpu.memory_space<vmem>> -> memref<1x128xi32, #tpu.memory_space<vmem>>
    %dma_wait3A_130 = tpu.memref_squeeze %dma_wait3A_129 : memref<1x128xi32, #tpu.memory_space<vmem>> -> memref<128xi32, #tpu.memory_space<vmem>>
    %dma_wait3A_131 = arith.constant 0 : i32
    %dma_wait3A_132 = arith.constant 0 : i32
    %dma_wait3A_133 = tpu.memref_slice %arg6[%dma_wait3A_131, %dma_wait3A_132] : memref<8194x32xf32, #tpu.memory_space<hbm>> -> memref<8194x32xf32, #tpu.memory_space<hbm>>
    tpu.wait_indirect_dma semaphore(%arg16 : memref<!tpu.dma_semaphore, #tpu.memory_space<semaphore_mem>>) src(%dma_wait3A_133 : memref<8194x32xf32, #tpu.memory_space<hbm>>) dst(%arg10 : memref<128x32xf32, #tpu.memory_space<vmem>>)
    %dma_wait3A_134 = arith.constant 1 : i32
    %dma_wait3A_135 = arith.constant 0 : i32
    %dma_wait3A_136 = tpu.memref_slice %arg9[%dma_wait3A_134, %dma_wait3A_135] : memref<16x128xi32, #tpu.memory_space<vmem>> -> memref<1x128xi32, #tpu.memory_space<vmem>>
    %dma_wait3A_137 = tpu.memref_squeeze %dma_wait3A_136 : memref<1x128xi32, #tpu.memory_space<vmem>> -> memref<128xi32, #tpu.memory_space<vmem>>
    %dma_wait3A_138 = arith.constant 0 : i32
    %dma_wait3A_139 = arith.constant 0 : i32
    %dma_wait3A_140 = tpu.memref_slice %arg6[%dma_wait3A_138, %dma_wait3A_139] : memref<8194x32xf32, #tpu.memory_space<hbm>> -> memref<8194x32xf32, #tpu.memory_space<hbm>>
    tpu.wait_indirect_dma semaphore(%arg16 : memref<!tpu.dma_semaphore, #tpu.memory_space<semaphore_mem>>) src(%dma_wait3A_140 : memref<8194x32xf32, #tpu.memory_space<hbm>>) dst(%arg10 : memref<128x32xf32, #tpu.memory_space<vmem>>)
    %dma_wait3A_141 = arith.constant 2 : i32
    %dma_wait3A_142 = arith.constant 0 : i32
    %dma_wait3A_143 = tpu.memref_slice %arg9[%dma_wait3A_141, %dma_wait3A_142] : memref<16x128xi32, #tpu.memory_space<vmem>> -> memref<1x128xi32, #tpu.memory_space<vmem>>
    %dma_wait3A_144 = tpu.memref_squeeze %dma_wait3A_143 : memref<1x128xi32, #tpu.memory_space<vmem>> -> memref<128xi32, #tpu.memory_space<vmem>>
    %dma_wait3A_145 = arith.constant 0 : i32
    %dma_wait3A_146 = arith.constant 0 : i32
    %dma_wait3A_147 = tpu.memref_slice %arg6[%dma_wait3A_145, %dma_wait3A_146] : memref<8194x32xf32, #tpu.memory_space<hbm>> -> memref<8194x32xf32, #tpu.memory_space<hbm>>
    tpu.wait_indirect_dma semaphore(%arg16 : memref<!tpu.dma_semaphore, #tpu.memory_space<semaphore_mem>>) src(%dma_wait3A_147 : memref<8194x32xf32, #tpu.memory_space<hbm>>) dst(%arg10 : memref<128x32xf32, #tpu.memory_space<vmem>>)
    %dma_wait3A_148 = arith.constant 3 : i32
    %dma_wait3A_149 = arith.constant 0 : i32
    %dma_wait3A_150 = tpu.memref_slice %arg9[%dma_wait3A_148, %dma_wait3A_149] : memref<16x128xi32, #tpu.memory_space<vmem>> -> memref<1x128xi32, #tpu.memory_space<vmem>>
    %dma_wait3A_151 = tpu.memref_squeeze %dma_wait3A_150 : memref<1x128xi32, #tpu.memory_space<vmem>> -> memref<128xi32, #tpu.memory_space<vmem>>
    %dma_wait3A_152 = arith.constant 0 : i32
    %dma_wait3A_153 = arith.constant 0 : i32
    %dma_wait3A_154 = tpu.memref_slice %arg6[%dma_wait3A_152, %dma_wait3A_153] : memref<8194x32xf32, #tpu.memory_space<hbm>> -> memref<8194x32xf32, #tpu.memory_space<hbm>>
    tpu.wait_indirect_dma semaphore(%arg16 : memref<!tpu.dma_semaphore, #tpu.memory_space<semaphore_mem>>) src(%dma_wait3A_154 : memref<8194x32xf32, #tpu.memory_space<hbm>>) dst(%arg10 : memref<128x32xf32, #tpu.memory_space<vmem>>)
    %dma_wait3A_155 = arith.constant 4 : i32
    %dma_wait3A_156 = arith.constant 0 : i32
    %dma_wait3A_157 = tpu.memref_slice %arg9[%dma_wait3A_155, %dma_wait3A_156] : memref<16x128xi32, #tpu.memory_space<vmem>> -> memref<1x128xi32, #tpu.memory_space<vmem>>
    %dma_wait3A_158 = tpu.memref_squeeze %dma_wait3A_157 : memref<1x128xi32, #tpu.memory_space<vmem>> -> memref<128xi32, #tpu.memory_space<vmem>>
    %dma_wait3A_159 = arith.constant 0 : i32
    %dma_wait3A_160 = arith.constant 0 : i32
    %dma_wait3A_161 = tpu.memref_slice %arg6[%dma_wait3A_159, %dma_wait3A_160] : memref<8194x32xf32, #tpu.memory_space<hbm>> -> memref<8194x32xf32, #tpu.memory_space<hbm>>
    tpu.wait_indirect_dma semaphore(%arg16 : memref<!tpu.dma_semaphore, #tpu.memory_space<semaphore_mem>>) src(%dma_wait3A_161 : memref<8194x32xf32, #tpu.memory_space<hbm>>) dst(%arg10 : memref<128x32xf32, #tpu.memory_space<vmem>>)
    %dma_wait3A_162 = arith.constant 5 : i32
    %dma_wait3A_163 = arith.constant 0 : i32
    %dma_wait3A_164 = tpu.memref_slice %arg9[%dma_wait3A_162, %dma_wait3A_163] : memref<16x128xi32, #tpu.memory_space<vmem>> -> memref<1x128xi32, #tpu.memory_space<vmem>>
    %dma_wait3A_165 = tpu.memref_squeeze %dma_wait3A_164 : memref<1x128xi32, #tpu.memory_space<vmem>> -> memref<128xi32, #tpu.memory_space<vmem>>
    %dma_wait3A_166 = arith.constant 0 : i32
    %dma_wait3A_167 = arith.constant 0 : i32
    %dma_wait3A_168 = tpu.memref_slice %arg6[%dma_wait3A_166, %dma_wait3A_167] : memref<8194x32xf32, #tpu.memory_space<hbm>> -> memref<8194x32xf32, #tpu.memory_space<hbm>>
    tpu.wait_indirect_dma semaphore(%arg16 : memref<!tpu.dma_semaphore, #tpu.memory_space<semaphore_mem>>) src(%dma_wait3A_168 : memref<8194x32xf32, #tpu.memory_space<hbm>>) dst(%arg10 : memref<128x32xf32, #tpu.memory_space<vmem>>)
    %dma_wait3A_169 = arith.constant 6 : i32
    %dma_wait3A_170 = arith.constant 0 : i32
    %dma_wait3A_171 = tpu.memref_slice %arg9[%dma_wait3A_169, %dma_wait3A_170] : memref<16x128xi32, #tpu.memory_space<vmem>> -> memref<1x128xi32, #tpu.memory_space<vmem>>
    %dma_wait3A_172 = tpu.memref_squeeze %dma_wait3A_171 : memref<1x128xi32, #tpu.memory_space<vmem>> -> memref<128xi32, #tpu.memory_space<vmem>>
    %dma_wait3A_173 = arith.constant 0 : i32
    %dma_wait3A_174 = arith.constant 0 : i32
    %dma_wait3A_175 = tpu.memref_slice %arg6[%dma_wait3A_173, %dma_wait3A_174] : memref<8194x32xf32, #tpu.memory_space<hbm>> -> memref<8194x32xf32, #tpu.memory_space<hbm>>
    tpu.wait_indirect_dma semaphore(%arg16 : memref<!tpu.dma_semaphore, #tpu.memory_space<semaphore_mem>>) src(%dma_wait3A_175 : memref<8194x32xf32, #tpu.memory_space<hbm>>) dst(%arg10 : memref<128x32xf32, #tpu.memory_space<vmem>>)
    %dma_wait3A_176 = arith.constant 7 : i32
    %dma_wait3A_177 = arith.constant 0 : i32
    %dma_wait3A_178 = tpu.memref_slice %arg9[%dma_wait3A_176, %dma_wait3A_177] : memref<16x128xi32, #tpu.memory_space<vmem>> -> memref<1x128xi32, #tpu.memory_space<vmem>>
    %dma_wait3A_179 = tpu.memref_squeeze %dma_wait3A_178 : memref<1x128xi32, #tpu.memory_space<vmem>> -> memref<128xi32, #tpu.memory_space<vmem>>
    %dma_wait3A_180 = arith.constant 0 : i32
    %dma_wait3A_181 = arith.constant 0 : i32
    %dma_wait3A_182 = tpu.memref_slice %arg6[%dma_wait3A_180, %dma_wait3A_181] : memref<8194x32xf32, #tpu.memory_space<hbm>> -> memref<8194x32xf32, #tpu.memory_space<hbm>>
    tpu.wait_indirect_dma semaphore(%arg16 : memref<!tpu.dma_semaphore, #tpu.memory_space<semaphore_mem>>) src(%dma_wait3A_182 : memref<8194x32xf32, #tpu.memory_space<hbm>>) dst(%arg10 : memref<128x32xf32, #tpu.memory_space<vmem>>)
    %dma_wait3A_183 = arith.constant 8 : i32
    %dma_wait3A_184 = arith.constant 0 : i32
    %dma_wait3A_185 = tpu.memref_slice %arg9[%dma_wait3A_183, %dma_wait3A_184] : memref<16x128xi32, #tpu.memory_space<vmem>> -> memref<1x128xi32, #tpu.memory_space<vmem>>
    %dma_wait3A_186 = tpu.memref_squeeze %dma_wait3A_185 : memref<1x128xi32, #tpu.memory_space<vmem>> -> memref<128xi32, #tpu.memory_space<vmem>>
    %dma_wait3A_187 = arith.constant 0 : i32
    %dma_wait3A_188 = arith.constant 0 : i32
    %dma_wait3A_189 = tpu.memref_slice %arg6[%dma_wait3A_187, %dma_wait3A_188] : memref<8194x32xf32, #tpu.memory_space<hbm>> -> memref<8194x32xf32, #tpu.memory_space<hbm>>
    tpu.wait_indirect_dma semaphore(%arg16 : memref<!tpu.dma_semaphore, #tpu.memory_space<semaphore_mem>>) src(%dma_wait3A_189 : memref<8194x32xf32, #tpu.memory_space<hbm>>) dst(%arg10 : memref<128x32xf32, #tpu.memory_space<vmem>>)
    %dma_wait3A_190 = arith.constant 9 : i32
    %dma_wait3A_191 = arith.constant 0 : i32
    %dma_wait3A_192 = tpu.memref_slice %arg9[%dma_wait3A_190, %dma_wait3A_191] : memref<16x128xi32, #tpu.memory_space<vmem>> -> memref<1x128xi32, #tpu.memory_space<vmem>>
    %dma_wait3A_193 = tpu.memref_squeeze %dma_wait3A_192 : memref<1x128xi32, #tpu.memory_space<vmem>> -> memref<128xi32, #tpu.memory_space<vmem>>
    %dma_wait3A_194 = arith.constant 0 : i32
    %dma_wait3A_195 = arith.constant 0 : i32
    %dma_wait3A_196 = tpu.memref_slice %arg6[%dma_wait3A_194, %dma_wait3A_195] : memref<8194x32xf32, #tpu.memory_space<hbm>> -> memref<8194x32xf32, #tpu.memory_space<hbm>>
    tpu.wait_indirect_dma semaphore(%arg16 : memref<!tpu.dma_semaphore, #tpu.memory_space<semaphore_mem>>) src(%dma_wait3A_196 : memref<8194x32xf32, #tpu.memory_space<hbm>>) dst(%arg10 : memref<128x32xf32, #tpu.memory_space<vmem>>)
    %dma_wait3A_197 = arith.constant 10 : i32
    %dma_wait3A_198 = arith.constant 0 : i32
    %dma_wait3A_199 = tpu.memref_slice %arg9[%dma_wait3A_197, %dma_wait3A_198] : memref<16x128xi32, #tpu.memory_space<vmem>> -> memref<1x128xi32, #tpu.memory_space<vmem>>
    %dma_wait3A_200 = tpu.memref_squeeze %dma_wait3A_199 : memref<1x128xi32, #tpu.memory_space<vmem>> -> memref<128xi32, #tpu.memory_space<vmem>>
    %dma_wait3A_201 = arith.constant 0 : i32
    %dma_wait3A_202 = arith.constant 0 : i32
    %dma_wait3A_203 = tpu.memref_slice %arg6[%dma_wait3A_201, %dma_wait3A_202] : memref<8194x32xf32, #tpu.memory_space<hbm>> -> memref<8194x32xf32, #tpu.memory_space<hbm>>
    tpu.wait_indirect_dma semaphore(%arg16 : memref<!tpu.dma_semaphore, #tpu.memory_space<semaphore_mem>>) src(%dma_wait3A_203 : memref<8194x32xf32, #tpu.memory_space<hbm>>) dst(%arg10 : memref<128x32xf32, #tpu.memory_space<vmem>>)
    %dma_wait3A_204 = arith.constant 11 : i32
    %dma_wait3A_205 = arith.constant 0 : i32
    %dma_wait3A_206 = tpu.memref_slice %arg9[%dma_wait3A_204, %dma_wait3A_205] : memref<16x128xi32, #tpu.memory_space<vmem>> -> memref<1x128xi32, #tpu.memory_space<vmem>>
    %dma_wait3A_207 = tpu.memref_squeeze %dma_wait3A_206 : memref<1x128xi32, #tpu.memory_space<vmem>> -> memref<128xi32, #tpu.memory_space<vmem>>
    %dma_wait3A_208 = arith.constant 0 : i32
    %dma_wait3A_209 = arith.constant 0 : i32
    %dma_wait3A_210 = tpu.memref_slice %arg6[%dma_wait3A_208, %dma_wait3A_209] : memref<8194x32xf32, #tpu.memory_space<hbm>> -> memref<8194x32xf32, #tpu.memory_space<hbm>>
    tpu.wait_indirect_dma semaphore(%arg16 : memref<!tpu.dma_semaphore, #tpu.memory_space<semaphore_mem>>) src(%dma_wait3A_210 : memref<8194x32xf32, #tpu.memory_space<hbm>>) dst(%arg10 : memref<128x32xf32, #tpu.memory_space<vmem>>)
    %dma_wait3A_211 = arith.constant 12 : i32
    %dma_wait3A_212 = arith.constant 0 : i32
    %dma_wait3A_213 = tpu.memref_slice %arg9[%dma_wait3A_211, %dma_wait3A_212] : memref<16x128xi32, #tpu.memory_space<vmem>> -> memref<1x128xi32, #tpu.memory_space<vmem>>
    %dma_wait3A_214 = tpu.memref_squeeze %dma_wait3A_213 : memref<1x128xi32, #tpu.memory_space<vmem>> -> memref<128xi32, #tpu.memory_space<vmem>>
    %dma_wait3A_215 = arith.constant 0 : i32
    %dma_wait3A_216 = arith.constant 0 : i32
    %dma_wait3A_217 = tpu.memref_slice %arg6[%dma_wait3A_215, %dma_wait3A_216] : memref<8194x32xf32, #tpu.memory_space<hbm>> -> memref<8194x32xf32, #tpu.memory_space<hbm>>
    tpu.wait_indirect_dma semaphore(%arg16 : memref<!tpu.dma_semaphore, #tpu.memory_space<semaphore_mem>>) src(%dma_wait3A_217 : memref<8194x32xf32, #tpu.memory_space<hbm>>) dst(%arg10 : memref<128x32xf32, #tpu.memory_space<vmem>>)
    %dma_wait3A_218 = arith.constant 13 : i32
    %dma_wait3A_219 = arith.constant 0 : i32
    %dma_wait3A_220 = tpu.memref_slice %arg9[%dma_wait3A_218, %dma_wait3A_219] : memref<16x128xi32, #tpu.memory_space<vmem>> -> memref<1x128xi32, #tpu.memory_space<vmem>>
    %dma_wait3A_221 = tpu.memref_squeeze %dma_wait3A_220 : memref<1x128xi32, #tpu.memory_space<vmem>> -> memref<128xi32, #tpu.memory_space<vmem>>
    %dma_wait3A_222 = arith.constant 0 : i32
    %dma_wait3A_223 = arith.constant 0 : i32
    %dma_wait3A_224 = tpu.memref_slice %arg6[%dma_wait3A_222, %dma_wait3A_223] : memref<8194x32xf32, #tpu.memory_space<hbm>> -> memref<8194x32xf32, #tpu.memory_space<hbm>>
    tpu.wait_indirect_dma semaphore(%arg16 : memref<!tpu.dma_semaphore, #tpu.memory_space<semaphore_mem>>) src(%dma_wait3A_224 : memref<8194x32xf32, #tpu.memory_space<hbm>>) dst(%arg10 : memref<128x32xf32, #tpu.memory_space<vmem>>)
    %dma_wait3A_225 = arith.constant 14 : i32
    %dma_wait3A_226 = arith.constant 0 : i32
    %dma_wait3A_227 = tpu.memref_slice %arg9[%dma_wait3A_225, %dma_wait3A_226] : memref<16x128xi32, #tpu.memory_space<vmem>> -> memref<1x128xi32, #tpu.memory_space<vmem>>
    %dma_wait3A_228 = tpu.memref_squeeze %dma_wait3A_227 : memref<1x128xi32, #tpu.memory_space<vmem>> -> memref<128xi32, #tpu.memory_space<vmem>>
    %dma_wait3A_229 = arith.constant 0 : i32
    %dma_wait3A_230 = arith.constant 0 : i32
    %dma_wait3A_231 = tpu.memref_slice %arg6[%dma_wait3A_229, %dma_wait3A_230] : memref<8194x32xf32, #tpu.memory_space<hbm>> -> memref<8194x32xf32, #tpu.memory_space<hbm>>
    tpu.wait_indirect_dma semaphore(%arg16 : memref<!tpu.dma_semaphore, #tpu.memory_space<semaphore_mem>>) src(%dma_wait3A_231 : memref<8194x32xf32, #tpu.memory_space<hbm>>) dst(%arg10 : memref<128x32xf32, #tpu.memory_space<vmem>>)
    %dma_wait3A_232 = arith.constant 15 : i32
    %dma_wait3A_233 = arith.constant 0 : i32
    %dma_wait3A_234 = tpu.memref_slice %arg9[%dma_wait3A_232, %dma_wait3A_233] : memref<16x128xi32, #tpu.memory_space<vmem>> -> memref<1x128xi32, #tpu.memory_space<vmem>>
    %dma_wait3A_235 = tpu.memref_squeeze %dma_wait3A_234 : memref<1x128xi32, #tpu.memory_space<vmem>> -> memref<128xi32, #tpu.memory_space<vmem>>
    %dma_wait3A_236 = arith.constant 0 : i32
    %dma_wait3A_237 = arith.constant 0 : i32
    %dma_wait3A_238 = tpu.memref_slice %arg6[%dma_wait3A_236, %dma_wait3A_237] : memref<8194x32xf32, #tpu.memory_space<hbm>> -> memref<8194x32xf32, #tpu.memory_space<hbm>>
    tpu.wait_indirect_dma semaphore(%arg16 : memref<!tpu.dma_semaphore, #tpu.memory_space<semaphore_mem>>) src(%dma_wait3A_238 : memref<8194x32xf32, #tpu.memory_space<hbm>>) dst(%arg10 : memref<128x32xf32, #tpu.memory_space<vmem>>)
    %scan3A_239 = arith.constant 0 : i32
    %scan3A_240 = arith.constant 128 : i32
    %scan3A_241 = arith.addi %scan3A_239, %scan3A_240 : i32
    %scan3A_242 = arith.constant 1 : i32
    %scan3A_243 = scf.for %scan3A_250 = %scan3A_239 to %scan3A_241 step %scan3A_242 iter_args(%scan3A_251 = %broadcast_in_dim3A_5) -> (vector<16xf32>)  : i32 {
      %get3A_252 = arith.index_cast %scan3A_250 : i32 to index
      %get3A_253 = arith.constant 0 : index
      %get3A_254 = tpu.vector_load %arg10[%get3A_252, %get3A_253] {strides = array<i32>} : memref<128x32xf32, #tpu.memory_space<vmem>>, vector<1x16xf32>,
      %get3A_255 = vector.shape_cast %get3A_254 : vector<1x16xf32> to vector<16xf32>
      %div3A = arith.divf %get3A_255, %get3A_4 : vector<16xf32>
      %get3A_256 = arith.index_cast %scan3A_250 : i32 to index
      %get3A_257 = arith.constant 16 : index
      %get3A_258 = tpu.vector_load %arg10[%get3A_256, %get3A_257] {strides = array<i32>} : memref<128x32xf32, #tpu.memory_space<vmem>>, vector<1x16xf32>,
      %get3A_259 = vector.shape_cast %get3A_258 : vector<1x16xf32> to vector<16xf32>
      %div3A_260 = arith.divf %get3A_259, %get3A_4 : vector<16xf32>
      %mul3A_261 = arith.constant 32 : i32
      %mul3A_262 = arith.muli %scan3A_250, %mul3A_261 : i32
      %get3A_263 = arith.index_cast %mul3A_262 : i32 to index
      %get3A_264 = tpu.vector_load %arg11[%get3A_263] {strides = array<i32>} : memref<4096xf32, #tpu.memory_space<vmem>>, vector<16xf32>,
      %get3A_265 = vector.shape_cast %get3A_264 : vector<16xf32> to vector<16xf32>
      %mul3A_266 = arith.constant 32 : i32
      %mul3A_267 = arith.muli %scan3A_250, %mul3A_266 : i32
      %add3A_268 = arith.constant 16 : i32
      %add3A_269 = arith.addi %mul3A_267, %add3A_268 : i32
      %get3A_270 = arith.index_cast %add3A_269 : i32 to index
      %get3A_271 = tpu.vector_load %arg11[%get3A_270] {strides = array<i32>} : memref<4096xf32, #tpu.memory_space<vmem>>, vector<16xf32>,
      %get3A_272 = vector.shape_cast %get3A_271 : vector<16xf32> to vector<16xf32>
      %sub3A = arith.subf %div3A, %get3A_265 : vector<16xf32>
      %add3A_273 = arith.addf %get3A_265, %sub3A : vector<16xf32>
      %mul3A_274 = arith.constant 32 : i32
      %mul3A_275 = arith.muli %scan3A_250, %mul3A_274 : i32
      %swap3A_276 = arith.index_cast %mul3A_275 : i32 to index
      %swap3A_277 = tpu.vector_load %arg13[%swap3A_276] {strides = array<i32>} : memref<4096xf32, #tpu.memory_space<vmem>>, vector<16xf32>,
      %swap3A_278 = vector.shape_cast %swap3A_277 : vector<16xf32> to vector<16xf32>
      %swap3A_279 = vector.shape_cast %add3A_273 : vector<16xf32> to vector<16xf32>
      tpu.vector_store %arg13[%swap3A_276], %swap3A_279 {strides = array<i32>} : memref<4096xf32, #tpu.memory_space<vmem>>, vector<16xf32>,
      %sub3A_280 = arith.subf %div3A_260, %get3A_272 : vector<16xf32>
      %add3A_281 = arith.addf %get3A_272, %sub3A_280 : vector<16xf32>
      %mul3A_282 = arith.constant 32 : i32
      %mul3A_283 = arith.muli %scan3A_250, %mul3A_282 : i32
      %add3A_284 = arith.constant 16 : i32
      %add3A_285 = arith.addi %mul3A_283, %add3A_284 : i32
      %swap3A_286 = arith.index_cast %add3A_285 : i32 to index
      %swap3A_287 = tpu.vector_load %arg13[%swap3A_286] {strides = array<i32>} : memref<4096xf32, #tpu.memory_space<vmem>>, vector<16xf32>,
      %swap3A_288 = vector.shape_cast %swap3A_287 : vector<16xf32> to vector<16xf32>
      %swap3A_289 = vector.shape_cast %add3A_281 : vector<16xf32> to vector<16xf32>
      tpu.vector_store %arg13[%swap3A_286], %swap3A_289 {strides = array<i32>} : memref<4096xf32, #tpu.memory_space<vmem>>, vector<16xf32>,
      %mul3A_290 = arith.constant 32 : i32
      %mul3A_291 = arith.muli %scan3A_250, %mul3A_290 : i32
      %get3A_292 = arith.index_cast %mul3A_291 : i32 to index
      %get3A_293 = tpu.vector_load %arg12[%get3A_292] {strides = array<i32>} : memref<4096xf32, #tpu.memory_space<vmem>>, vector<16xf32>,
      %get3A_294 = vector.shape_cast %get3A_293 : vector<16xf32> to vector<16xf32>
      %mul3A_295 = arith.constant 32 : i32
      %mul3A_296 = arith.muli %scan3A_250, %mul3A_295 : i32
      %add3A_297 = arith.constant 16 : i32
      %add3A_298 = arith.addi %mul3A_296, %add3A_297 : i32
      %get3A_299 = arith.index_cast %add3A_298 : i32 to index
      %get3A_300 = tpu.vector_load %arg12[%get3A_299] {strides = array<i32>} : memref<4096xf32, #tpu.memory_space<vmem>>, vector<16xf32>,
      %get3A_301 = vector.shape_cast %get3A_300 : vector<16xf32> to vector<16xf32>
      %mul3A_302 = arith.mulf %div3A, %get3A_294 : vector<16xf32>
      %mul3A_303 = arith.mulf %get3A_265, %get3A_294 : vector<16xf32>
      %sub3A_304 = arith.subf %mul3A_302, %mul3A_303 : vector<16xf32>
      %mul3A_305 = arith.mulf %div3A_260, %get3A_301 : vector<16xf32>
      %mul3A_306 = arith.mulf %get3A_272, %get3A_301 : vector<16xf32>
      %sub3A_307 = arith.subf %mul3A_305, %mul3A_306 : vector<16xf32>
      %mul3A_308 = arith.mulf %sub3A_304, %sub3A_304 : vector<16xf32>
      %add3A_309 = arith.addf %scan3A_251, %mul3A_308 : vector<16xf32>
      %mul3A_310 = arith.mulf %sub3A_307, %sub3A_307 : vector<16xf32>
      %add3A_311 = arith.addf %add3A_309, %mul3A_310 : vector<16xf32>
      scf.yield %add3A_311 : vector<16xf32>
    }
    %scan3A_244 = arith.constant 128 : i32
    %mul3A_245 = arith.constant 32 : i32
    %mul3A_246 = arith.muli %add3A_7, %mul3A_245 : i32
    "tpu.region"() ({
      %run_scoped3A = tpu.sem_alloc : memref<!tpu.dma_semaphore, #tpu.memory_space<semaphore_mem>>
      %dma_start3A_250 = tpu.memref_slice %arg7[%mul3A_246] : memref<131072xf32, #tpu.memory_space<hbm>> -> memref<4096xf32, #tpu.memory_space<hbm>>
      %dma_start3A_251 = tpu.memref_slice %arg7[%mul3A_246] : memref<131072xf32, #tpu.memory_space<hbm>> -> memref<4096xf32, #tpu.memory_space<hbm>>
      tpu.enqueue_dma source(%arg13 : memref<4096xf32, #tpu.memory_space<vmem>>) target(%dma_start3A_251 : memref<4096xf32, #tpu.memory_space<hbm>>) target_semaphore(%run_scoped3A : memref<!tpu.dma_semaphore, #tpu.memory_space<semaphore_mem>>)
      %dma_wait3A_252 = tpu.memref_slice %arg7[%mul3A_246] : memref<131072xf32, #tpu.memory_space<hbm>> -> memref<4096xf32, #tpu.memory_space<hbm>>
      %dma_wait3A_253 = tpu.memref_slice %arg7[%mul3A_246] : memref<131072xf32, #tpu.memory_space<hbm>> -> memref<4096xf32, #tpu.memory_space<hbm>>
      tpu.wait_dma2 semaphore(%run_scoped3A : memref<!tpu.dma_semaphore, #tpu.memory_space<semaphore_mem>>) src(%arg13 : memref<4096xf32, #tpu.memory_space<vmem>>) dst(%dma_wait3A_253 : memref<4096xf32, #tpu.memory_space<hbm>>)
      tpu.yield
    }) : () -> ()
    %swap3A = arith.constant 0 : index
    %swap3A_247 = tpu.vector_load %arg15[%swap3A] {strides = array<i32>} : memref<16xf32, #tpu.memory_space<vmem>>, vector<16xf32>,
    %swap3A_248 = vector.shape_cast %swap3A_247 : vector<16xf32> to vector<16xf32>
    %swap3A_249 = vector.shape_cast %scan3A_243 : vector<16xf32> to vector<16xf32>
    tpu.vector_store %arg15[%swap3A], %swap3A_249 {strides = array<i32>} : memref<16xf32, #tpu.memory_space<vmem>>, vector<16xf32>,
    "tpu.region"() ({
      %run_scoped3A = tpu.sem_alloc : memref<!tpu.dma_semaphore, #tpu.memory_space<semaphore_mem>>
      %dma_start3A_250 = arith.constant 0 : i32
      %dma_start3A_251 = tpu.memref_slice %arg8[%add3A, %dma_start3A_250] : memref<32x16xf32, #tpu.memory_space<hbm>> -> memref<1x16xf32, #tpu.memory_space<hbm>>
      %dma_start3A_252 = tpu.memref_squeeze %dma_start3A_251 : memref<1x16xf32, #tpu.memory_space<hbm>> -> memref<16xf32, #tpu.memory_space<hbm>>
      %dma_start3A_253 = arith.constant 0 : i32
      %dma_start3A_254 = tpu.memref_slice %arg8[%add3A, %dma_start3A_253] : memref<32x16xf32, #tpu.memory_space<hbm>> -> memref<1x16xf32, #tpu.memory_space<hbm>>
      %dma_start3A_255 = tpu.memref_squeeze %dma_start3A_254 : memref<1x16xf32, #tpu.memory_space<hbm>> -> memref<16xf32, #tpu.memory_space<hbm>>
      tpu.enqueue_dma source(%arg15 : memref<16xf32, #tpu.memory_space<vmem>>) target(%dma_start3A_255 : memref<16xf32, #tpu.memory_space<hbm>>) target_semaphore(%run_scoped3A : memref<!tpu.dma_semaphore, #tpu.memory_space<semaphore_mem>>)
      %dma_wait3A_256 = arith.constant 0 : i32
      %dma_wait3A_257 = tpu.memref_slice %arg8[%add3A, %dma_wait3A_256] : memref<32x16xf32, #tpu.memory_space<hbm>> -> memref<1x16xf32, #tpu.memory_space<hbm>>
      %dma_wait3A_258 = tpu.memref_squeeze %dma_wait3A_257 : memref<1x16xf32, #tpu.memory_space<hbm>> -> memref<16xf32, #tpu.memory_space<hbm>>
      %dma_wait3A_259 = arith.constant 0 : i32
      %dma_wait3A_260 = tpu.memref_slice %arg8[%add3A, %dma_wait3A_259] : memref<32x16xf32, #tpu.memory_space<hbm>> -> memref<1x16xf32, #tpu.memory_space<hbm>>
      %dma_wait3A_261 = tpu.memref_squeeze %dma_wait3A_260 : memref<1x16xf32, #tpu.memory_space<hbm>> -> memref<16xf32, #tpu.memory_space<hbm>>
      tpu.wait_dma2 semaphore(%run_scoped3A : memref<!tpu.dma_semaphore, #tpu.memory_space<semaphore_mem>>) src(%arg15 : memref<16xf32, #tpu.memory_space<vmem>>) dst(%dma_wait3A_261 : memref<16xf32, #tpu.memory_space<hbm>>)
      tpu.yield
    }) : () -> ()
    return
  }
}

#map = affine_map<(d0, d1) -> (0, 0)>
#map1 = affine_map<(d0, d1) -> (0)>
module attributes {stable_mosaic.version = 14 : i64} {
  func.func @_sc_gather_body(%arg0: i32, %arg1: i32, %arg2: memref<16x4096xi32, #tpu.memory_space<hbm>>, %arg3: memref<524288xf32, #tpu.memory_space<hbm>>, %arg4: memref<524288xf32, #tpu.memory_space<hbm>>, %arg5: memref<16xf32, #tpu.memory_space<hbm>>, %arg6: memref<8194x32xf32, #tpu.memory_space<hbm>>, %arg7: memref<131072xf32, #tpu.memory_space<hbm>>, %arg8: memref<32x16xf32, #tpu.memory_space<hbm>>, %arg9: memref<16x128xi32, #tpu.memory_space<vmem>>, %arg10: memref<128x32xf32, #tpu.memory_space<vmem>>, %arg11: memref<4096xf32, #tpu.memory_space<vmem>>, %arg12: memref<4096xf32, #tpu.memory_space<vmem>>, %arg13: memref<4096xf32, #tpu.memory_space<vmem>>, %arg14: memref<16xf32, #tpu.memory_space<vmem>>, %arg15: memref<16xf32, #tpu.memory_space<vmem>>, %arg16: memref<!tpu.dma_semaphore, #tpu.memory_space<semaphore_mem>>) attributes {dimension_semantics = [#tpu.dimension_semantics<core_parallel>, #tpu.dimension_semantics<subcore_parallel>], iteration_bounds = array<i64: 2, 16>, scalar_prefetch = 0 : i64, scratch_operands = 8 : i64, tpu.core_type = #tpu.core_type<sc_vector_subcore>, window_params = [{transform_indices = #map}, {transform_indices = #map1}, {transform_indices = #map1}, {transform_indices = #map1}, {transform_indices = #map}, {transform_indices = #map1}, {transform_indices = #map}]} {
    %mul3A = arith.constant 2 : i32
    %mul3A_0 = arith.muli %arg1, %mul3A : i32
    %add3A = arith.addi %mul3A_0, %arg0 : i32
    %mul3A_1 = arith.constant 128 : i32
    %mul3A_2 = arith.muli %add3A, %mul3A_1 : i32
    "tpu.region"() ({
      %run_scoped3A = tpu.sem_alloc : memref<!tpu.dma_semaphore, #tpu.memory_space<semaphore_mem>>
      tpu.enqueue_dma source(%arg5 : memref<16xf32, #tpu.memory_space<hbm>>) target(%arg14 : memref<16xf32, #tpu.memory_space<vmem>>) target_semaphore(%run_scoped3A : memref<!tpu.dma_semaphore, #tpu.memory_space<semaphore_mem>>)
      tpu.wait_dma2 semaphore(%run_scoped3A : memref<!tpu.dma_semaphore, #tpu.memory_space<semaphore_mem>>) src(%arg5 : memref<16xf32, #tpu.memory_space<hbm>>) dst(%arg14 : memref<16xf32, #tpu.memory_space<vmem>>)
      tpu.yield
    }) : () -> ()
    %get3A = arith.constant 0 : index
    %get3A_3 = tpu.vector_load %arg14[%get3A] {strides = array<i32>} : memref<16xf32, #tpu.memory_space<vmem>>, vector<16xf32>,
    %get3A_4 = vector.shape_cast %get3A_3 : vector<16xf32> to vector<16xf32>
    %broadcast_in_dim3A = arith.constant 0.000000e+00 : f32
    %broadcast_in_dim3A_5 = vector.broadcast %broadcast_in_dim3A : f32 to vector<16xf32>
    %add3A_6 = arith.constant 0 : i32
    %add3A_7 = arith.addi %mul3A_2, %add3A_6 : i32
    %add3A_8 = arith.constant 4096 : i32
    %add3A_9 = arith.addi %add3A_8, %add3A_7 : i32
    %mul3A_10 = arith.constant 32 : i32
    %mul3A_11 = arith.muli %add3A_9, %mul3A_10 : i32
    "tpu.region"() ({
      %run_scoped3A = tpu.sem_alloc : memref<!tpu.dma_semaphore, #tpu.memory_space<semaphore_mem>>
      %dma_start3A_250 = arith.constant 0 : i32
      %dma_start3A_251 = tpu.memref_slice %arg2[%dma_start3A_250, %add3A_7] : memref<16x4096xi32, #tpu.memory_space<hbm>> -> memref<16x128xi32, #tpu.memory_space<hbm>>
      %dma_start3A_252 = arith.constant 0 : i32
      %dma_start3A_253 = tpu.memref_slice %arg2[%dma_start3A_252, %add3A_7] : memref<16x4096xi32, #tpu.memory_space<hbm>> -> memref<16x128xi32, #tpu.memory_space<hbm>>
      tpu.enqueue_dma source(%dma_start3A_253 : memref<16x128xi32, #tpu.memory_space<hbm>>) target(%arg9 : memref<16x128xi32, #tpu.memory_space<vmem>>) target_semaphore(%run_scoped3A : memref<!tpu.dma_semaphore, #tpu.memory_space<semaphore_mem>>)
      %dma_wait3A_254 = arith.constant 0 : i32
      %dma_wait3A_255 = tpu.memref_slice %arg2[%dma_wait3A_254, %add3A_7] : memref<16x4096xi32, #tpu.memory_space<hbm>> -> memref<16x128xi32, #tpu.memory_space<hbm>>
      %dma_wait3A_256 = arith.constant 0 : i32
      %dma_wait3A_257 = tpu.memref_slice %arg2[%dma_wait3A_256, %add3A_7] : memref<16x4096xi32, #tpu.memory_space<hbm>> -> memref<16x128xi32, #tpu.memory_space<hbm>>
      tpu.wait_dma2 semaphore(%run_scoped3A : memref<!tpu.dma_semaphore, #tpu.memory_space<semaphore_mem>>) src(%dma_wait3A_257 : memref<16x128xi32, #tpu.memory_space<hbm>>) dst(%arg9 : memref<16x128xi32, #tpu.memory_space<vmem>>)
      tpu.yield
    }) : () -> ()
    "tpu.region"() ({
      %run_scoped3A = tpu.sem_alloc : memref<!tpu.dma_semaphore, #tpu.memory_space<semaphore_mem>>
      %dma_start3A_250 = tpu.memref_slice %arg3[%mul3A_11] : memref<524288xf32, #tpu.memory_space<hbm>> -> memref<4096xf32, #tpu.memory_space<hbm>>
      %dma_start3A_251 = tpu.memref_slice %arg3[%mul3A_11] : memref<524288xf32, #tpu.memory_space<hbm>> -> memref<4096xf32, #tpu.memory_space<hbm>>
      tpu.enqueue_dma source(%dma_start3A_251 : memref<4096xf32, #tpu.memory_space<hbm>>) target(%arg11 : memref<4096xf32, #tpu.memory_space<vmem>>) target_semaphore(%run_scoped3A : memref<!tpu.dma_semaphore, #tpu.memory_space<semaphore_mem>>)
      %dma_wait3A_252 = tpu.memref_slice %arg3[%mul3A_11] : memref<524288xf32, #tpu.memory_space<hbm>> -> memref<4096xf32, #tpu.memory_space<hbm>>
      %dma_wait3A_253 = tpu.memref_slice %arg3[%mul3A_11] : memref<524288xf32, #tpu.memory_space<hbm>> -> memref<4096xf32, #tpu.memory_space<hbm>>
      tpu.wait_dma2 semaphore(%run_scoped3A : memref<!tpu.dma_semaphore, #tpu.memory_space<semaphore_mem>>) src(%dma_wait3A_253 : memref<4096xf32, #tpu.memory_space<hbm>>) dst(%arg11 : memref<4096xf32, #tpu.memory_space<vmem>>)
      tpu.yield
    }) : () -> ()
    "tpu.region"() ({
      %run_scoped3A = tpu.sem_alloc : memref<!tpu.dma_semaphore, #tpu.memory_space<semaphore_mem>>
      %dma_start3A_250 = tpu.memref_slice %arg4[%mul3A_11] : memref<524288xf32, #tpu.memory_space<hbm>> -> memref<4096xf32, #tpu.memory_space<hbm>>
      %dma_start3A_251 = tpu.memref_slice %arg4[%mul3A_11] : memref<524288xf32, #tpu.memory_space<hbm>> -> memref<4096xf32, #tpu.memory_space<hbm>>
      tpu.enqueue_dma source(%dma_start3A_251 : memref<4096xf32, #tpu.memory_space<hbm>>) target(%arg12 : memref<4096xf32, #tpu.memory_space<vmem>>) target_semaphore(%run_scoped3A : memref<!tpu.dma_semaphore, #tpu.memory_space<semaphore_mem>>)
      %dma_wait3A_252 = tpu.memref_slice %arg4[%mul3A_11] : memref<524288xf32, #tpu.memory_space<hbm>> -> memref<4096xf32, #tpu.memory_space<hbm>>
      %dma_wait3A_253 = tpu.memref_slice %arg4[%mul3A_11] : memref<524288xf32, #tpu.memory_space<hbm>> -> memref<4096xf32, #tpu.memory_space<hbm>>
      tpu.wait_dma2 semaphore(%run_scoped3A : memref<!tpu.dma_semaphore, #tpu.memory_space<semaphore_mem>>) src(%dma_wait3A_253 : memref<4096xf32, #tpu.memory_space<hbm>>) dst(%arg12 : memref<4096xf32, #tpu.memory_space<vmem>>)
      tpu.yield
    }) : () -> ()
    %scan3A = arith.constant 0 : i32
    %scan3A_12 = arith.constant 0 : i32
    %scan3A_13 = arith.constant 128 : i32
    %scan3A_14 = arith.addi %scan3A_12, %scan3A_13 : i32
    %scan3A_15 = arith.constant 1 : i32
    scf.for %scan3A_250 = %scan3A_12 to %scan3A_14 step %scan3A_15  : i32 {
      %broadcast_in_dim3A_251 = arith.constant 0.000000e+00 : f32
      %broadcast_in_dim3A_252 = vector.broadcast %broadcast_in_dim3A_251 : f32 to vector<16xf32>
      %swap3A_253 = arith.index_cast %scan3A_250 : i32 to index
      %swap3A_254 = arith.constant 0 : index
      %swap3A_255 = tpu.vector_load %arg10[%swap3A_253, %swap3A_254] {strides = array<i32>} : memref<128x32xf32, #tpu.memory_space<vmem>>, vector<1x16xf32>,
      %swap3A_256 = vector.shape_cast %swap3A_255 : vector<1x16xf32> to vector<16xf32>
      %swap3A_257 = vector.shape_cast %broadcast_in_dim3A_252 : vector<16xf32> to vector<1x16xf32>
      tpu.vector_store %arg10[%swap3A_253, %swap3A_254], %swap3A_257 {strides = array<i32>} : memref<128x32xf32, #tpu.memory_space<vmem>>, vector<1x16xf32>,
      %broadcast_in_dim3A_258 = arith.constant 0.000000e+00 : f32
      %broadcast_in_dim3A_259 = vector.broadcast %broadcast_in_dim3A_258 : f32 to vector<16xf32>
      %swap3A_260 = arith.index_cast %scan3A_250 : i32 to index
      %swap3A_261 = arith.constant 16 : index
      %swap3A_262 = tpu.vector_load %arg10[%swap3A_260, %swap3A_261] {strides = array<i32>} : memref<128x32xf32, #tpu.memory_space<vmem>>, vector<1x16xf32>,
      %swap3A_263 = vector.shape_cast %swap3A_262 : vector<1x16xf32> to vector<16xf32>
      %swap3A_264 = vector.shape_cast %broadcast_in_dim3A_259 : vector<16xf32> to vector<1x16xf32>
      tpu.vector_store %arg10[%swap3A_260, %swap3A_261], %swap3A_264 {strides = array<i32>} : memref<128x32xf32, #tpu.memory_space<vmem>>, vector<1x16xf32>,
    }
    %scan3A_16 = arith.constant 128 : i32
    %dma_start3A = arith.constant 0 : i32
    %dma_start3A_17 = arith.constant 0 : i32
    %dma_start3A_18 = tpu.memref_slice %arg9[%dma_start3A, %dma_start3A_17] : memref<16x128xi32, #tpu.memory_space<vmem>> -> memref<1x128xi32, #tpu.memory_space<vmem>>
    %dma_start3A_19 = tpu.memref_squeeze %dma_start3A_18 : memref<1x128xi32, #tpu.memory_space<vmem>> -> memref<128xi32, #tpu.memory_space<vmem>>
    %dma_start3A_20 = arith.constant 0 : i32
    %dma_start3A_21 = arith.constant 0 : i32
    %dma_start3A_22 = tpu.memref_slice %arg6[%dma_start3A_20, %dma_start3A_21] : memref<8194x32xf32, #tpu.memory_space<hbm>> -> memref<8194x32xf32, #tpu.memory_space<hbm>>
    tpu.enqueue_indirect_dma source(%dma_start3A_22 : memref<8194x32xf32, #tpu.memory_space<hbm>>) target(%arg10 : memref<128x32xf32, #tpu.memory_space<vmem>>) offsets(%dma_start3A_19 : memref<128xi32, #tpu.memory_space<vmem>>) semaphore(%arg16 : memref<!tpu.dma_semaphore, #tpu.memory_space<semaphore_mem>>) {add = true}
    %dma_start3A_23 = arith.constant 1 : i32
    %dma_start3A_24 = arith.constant 0 : i32
    %dma_start3A_25 = tpu.memref_slice %arg9[%dma_start3A_23, %dma_start3A_24] : memref<16x128xi32, #tpu.memory_space<vmem>> -> memref<1x128xi32, #tpu.memory_space<vmem>>
    %dma_start3A_26 = tpu.memref_squeeze %dma_start3A_25 : memref<1x128xi32, #tpu.memory_space<vmem>> -> memref<128xi32, #tpu.memory_space<vmem>>
    %dma_start3A_27 = arith.constant 0 : i32
    %dma_start3A_28 = arith.constant 0 : i32
    %dma_start3A_29 = tpu.memref_slice %arg6[%dma_start3A_27, %dma_start3A_28] : memref<8194x32xf32, #tpu.memory_space<hbm>> -> memref<8194x32xf32, #tpu.memory_space<hbm>>
    tpu.enqueue_indirect_dma source(%dma_start3A_29 : memref<8194x32xf32, #tpu.memory_space<hbm>>) target(%arg10 : memref<128x32xf32, #tpu.memory_space<vmem>>) offsets(%dma_start3A_26 : memref<128xi32, #tpu.memory_space<vmem>>) semaphore(%arg16 : memref<!tpu.dma_semaphore, #tpu.memory_space<semaphore_mem>>) {add = true}
    %dma_start3A_30 = arith.constant 2 : i32
    %dma_start3A_31 = arith.constant 0 : i32
    %dma_start3A_32 = tpu.memref_slice %arg9[%dma_start3A_30, %dma_start3A_31] : memref<16x128xi32, #tpu.memory_space<vmem>> -> memref<1x128xi32, #tpu.memory_space<vmem>>
    %dma_start3A_33 = tpu.memref_squeeze %dma_start3A_32 : memref<1x128xi32, #tpu.memory_space<vmem>> -> memref<128xi32, #tpu.memory_space<vmem>>
    %dma_start3A_34 = arith.constant 0 : i32
    %dma_start3A_35 = arith.constant 0 : i32
    %dma_start3A_36 = tpu.memref_slice %arg6[%dma_start3A_34, %dma_start3A_35] : memref<8194x32xf32, #tpu.memory_space<hbm>> -> memref<8194x32xf32, #tpu.memory_space<hbm>>
    tpu.enqueue_indirect_dma source(%dma_start3A_36 : memref<8194x32xf32, #tpu.memory_space<hbm>>) target(%arg10 : memref<128x32xf32, #tpu.memory_space<vmem>>) offsets(%dma_start3A_33 : memref<128xi32, #tpu.memory_space<vmem>>) semaphore(%arg16 : memref<!tpu.dma_semaphore, #tpu.memory_space<semaphore_mem>>) {add = true}
    %dma_start3A_37 = arith.constant 3 : i32
    %dma_start3A_38 = arith.constant 0 : i32
    %dma_start3A_39 = tpu.memref_slice %arg9[%dma_start3A_37, %dma_start3A_38] : memref<16x128xi32, #tpu.memory_space<vmem>> -> memref<1x128xi32, #tpu.memory_space<vmem>>
    %dma_start3A_40 = tpu.memref_squeeze %dma_start3A_39 : memref<1x128xi32, #tpu.memory_space<vmem>> -> memref<128xi32, #tpu.memory_space<vmem>>
    %dma_start3A_41 = arith.constant 0 : i32
    %dma_start3A_42 = arith.constant 0 : i32
    %dma_start3A_43 = tpu.memref_slice %arg6[%dma_start3A_41, %dma_start3A_42] : memref<8194x32xf32, #tpu.memory_space<hbm>> -> memref<8194x32xf32, #tpu.memory_space<hbm>>
    tpu.enqueue_indirect_dma source(%dma_start3A_43 : memref<8194x32xf32, #tpu.memory_space<hbm>>) target(%arg10 : memref<128x32xf32, #tpu.memory_space<vmem>>) offsets(%dma_start3A_40 : memref<128xi32, #tpu.memory_space<vmem>>) semaphore(%arg16 : memref<!tpu.dma_semaphore, #tpu.memory_space<semaphore_mem>>) {add = true}
    %dma_start3A_44 = arith.constant 4 : i32
    %dma_start3A_45 = arith.constant 0 : i32
    %dma_start3A_46 = tpu.memref_slice %arg9[%dma_start3A_44, %dma_start3A_45] : memref<16x128xi32, #tpu.memory_space<vmem>> -> memref<1x128xi32, #tpu.memory_space<vmem>>
    %dma_start3A_47 = tpu.memref_squeeze %dma_start3A_46 : memref<1x128xi32, #tpu.memory_space<vmem>> -> memref<128xi32, #tpu.memory_space<vmem>>
    %dma_start3A_48 = arith.constant 0 : i32
    %dma_start3A_49 = arith.constant 0 : i32
    %dma_start3A_50 = tpu.memref_slice %arg6[%dma_start3A_48, %dma_start3A_49] : memref<8194x32xf32, #tpu.memory_space<hbm>> -> memref<8194x32xf32, #tpu.memory_space<hbm>>
    tpu.enqueue_indirect_dma source(%dma_start3A_50 : memref<8194x32xf32, #tpu.memory_space<hbm>>) target(%arg10 : memref<128x32xf32, #tpu.memory_space<vmem>>) offsets(%dma_start3A_47 : memref<128xi32, #tpu.memory_space<vmem>>) semaphore(%arg16 : memref<!tpu.dma_semaphore, #tpu.memory_space<semaphore_mem>>) {add = true}
    %dma_start3A_51 = arith.constant 5 : i32
    %dma_start3A_52 = arith.constant 0 : i32
    %dma_start3A_53 = tpu.memref_slice %arg9[%dma_start3A_51, %dma_start3A_52] : memref<16x128xi32, #tpu.memory_space<vmem>> -> memref<1x128xi32, #tpu.memory_space<vmem>>
    %dma_start3A_54 = tpu.memref_squeeze %dma_start3A_53 : memref<1x128xi32, #tpu.memory_space<vmem>> -> memref<128xi32, #tpu.memory_space<vmem>>
    %dma_start3A_55 = arith.constant 0 : i32
    %dma_start3A_56 = arith.constant 0 : i32
    %dma_start3A_57 = tpu.memref_slice %arg6[%dma_start3A_55, %dma_start3A_56] : memref<8194x32xf32, #tpu.memory_space<hbm>> -> memref<8194x32xf32, #tpu.memory_space<hbm>>
    tpu.enqueue_indirect_dma source(%dma_start3A_57 : memref<8194x32xf32, #tpu.memory_space<hbm>>) target(%arg10 : memref<128x32xf32, #tpu.memory_space<vmem>>) offsets(%dma_start3A_54 : memref<128xi32, #tpu.memory_space<vmem>>) semaphore(%arg16 : memref<!tpu.dma_semaphore, #tpu.memory_space<semaphore_mem>>) {add = true}
    %dma_start3A_58 = arith.constant 6 : i32
    %dma_start3A_59 = arith.constant 0 : i32
    %dma_start3A_60 = tpu.memref_slice %arg9[%dma_start3A_58, %dma_start3A_59] : memref<16x128xi32, #tpu.memory_space<vmem>> -> memref<1x128xi32, #tpu.memory_space<vmem>>
    %dma_start3A_61 = tpu.memref_squeeze %dma_start3A_60 : memref<1x128xi32, #tpu.memory_space<vmem>> -> memref<128xi32, #tpu.memory_space<vmem>>
    %dma_start3A_62 = arith.constant 0 : i32
    %dma_start3A_63 = arith.constant 0 : i32
    %dma_start3A_64 = tpu.memref_slice %arg6[%dma_start3A_62, %dma_start3A_63] : memref<8194x32xf32, #tpu.memory_space<hbm>> -> memref<8194x32xf32, #tpu.memory_space<hbm>>
    tpu.enqueue_indirect_dma source(%dma_start3A_64 : memref<8194x32xf32, #tpu.memory_space<hbm>>) target(%arg10 : memref<128x32xf32, #tpu.memory_space<vmem>>) offsets(%dma_start3A_61 : memref<128xi32, #tpu.memory_space<vmem>>) semaphore(%arg16 : memref<!tpu.dma_semaphore, #tpu.memory_space<semaphore_mem>>) {add = true}
    %dma_start3A_65 = arith.constant 7 : i32
    %dma_start3A_66 = arith.constant 0 : i32
    %dma_start3A_67 = tpu.memref_slice %arg9[%dma_start3A_65, %dma_start3A_66] : memref<16x128xi32, #tpu.memory_space<vmem>> -> memref<1x128xi32, #tpu.memory_space<vmem>>
    %dma_start3A_68 = tpu.memref_squeeze %dma_start3A_67 : memref<1x128xi32, #tpu.memory_space<vmem>> -> memref<128xi32, #tpu.memory_space<vmem>>
    %dma_start3A_69 = arith.constant 0 : i32
    %dma_start3A_70 = arith.constant 0 : i32
    %dma_start3A_71 = tpu.memref_slice %arg6[%dma_start3A_69, %dma_start3A_70] : memref<8194x32xf32, #tpu.memory_space<hbm>> -> memref<8194x32xf32, #tpu.memory_space<hbm>>
    tpu.enqueue_indirect_dma source(%dma_start3A_71 : memref<8194x32xf32, #tpu.memory_space<hbm>>) target(%arg10 : memref<128x32xf32, #tpu.memory_space<vmem>>) offsets(%dma_start3A_68 : memref<128xi32, #tpu.memory_space<vmem>>) semaphore(%arg16 : memref<!tpu.dma_semaphore, #tpu.memory_space<semaphore_mem>>) {add = true}
    %dma_start3A_72 = arith.constant 8 : i32
    %dma_start3A_73 = arith.constant 0 : i32
    %dma_start3A_74 = tpu.memref_slice %arg9[%dma_start3A_72, %dma_start3A_73] : memref<16x128xi32, #tpu.memory_space<vmem>> -> memref<1x128xi32, #tpu.memory_space<vmem>>
    %dma_start3A_75 = tpu.memref_squeeze %dma_start3A_74 : memref<1x128xi32, #tpu.memory_space<vmem>> -> memref<128xi32, #tpu.memory_space<vmem>>
    %dma_start3A_76 = arith.constant 0 : i32
    %dma_start3A_77 = arith.constant 0 : i32
    %dma_start3A_78 = tpu.memref_slice %arg6[%dma_start3A_76, %dma_start3A_77] : memref<8194x32xf32, #tpu.memory_space<hbm>> -> memref<8194x32xf32, #tpu.memory_space<hbm>>
    tpu.enqueue_indirect_dma source(%dma_start3A_78 : memref<8194x32xf32, #tpu.memory_space<hbm>>) target(%arg10 : memref<128x32xf32, #tpu.memory_space<vmem>>) offsets(%dma_start3A_75 : memref<128xi32, #tpu.memory_space<vmem>>) semaphore(%arg16 : memref<!tpu.dma_semaphore, #tpu.memory_space<semaphore_mem>>) {add = true}
    %dma_start3A_79 = arith.constant 9 : i32
    %dma_start3A_80 = arith.constant 0 : i32
    %dma_start3A_81 = tpu.memref_slice %arg9[%dma_start3A_79, %dma_start3A_80] : memref<16x128xi32, #tpu.memory_space<vmem>> -> memref<1x128xi32, #tpu.memory_space<vmem>>
    %dma_start3A_82 = tpu.memref_squeeze %dma_start3A_81 : memref<1x128xi32, #tpu.memory_space<vmem>> -> memref<128xi32, #tpu.memory_space<vmem>>
    %dma_start3A_83 = arith.constant 0 : i32
    %dma_start3A_84 = arith.constant 0 : i32
    %dma_start3A_85 = tpu.memref_slice %arg6[%dma_start3A_83, %dma_start3A_84] : memref<8194x32xf32, #tpu.memory_space<hbm>> -> memref<8194x32xf32, #tpu.memory_space<hbm>>
    tpu.enqueue_indirect_dma source(%dma_start3A_85 : memref<8194x32xf32, #tpu.memory_space<hbm>>) target(%arg10 : memref<128x32xf32, #tpu.memory_space<vmem>>) offsets(%dma_start3A_82 : memref<128xi32, #tpu.memory_space<vmem>>) semaphore(%arg16 : memref<!tpu.dma_semaphore, #tpu.memory_space<semaphore_mem>>) {add = true}
    %dma_start3A_86 = arith.constant 10 : i32
    %dma_start3A_87 = arith.constant 0 : i32
    %dma_start3A_88 = tpu.memref_slice %arg9[%dma_start3A_86, %dma_start3A_87] : memref<16x128xi32, #tpu.memory_space<vmem>> -> memref<1x128xi32, #tpu.memory_space<vmem>>
    %dma_start3A_89 = tpu.memref_squeeze %dma_start3A_88 : memref<1x128xi32, #tpu.memory_space<vmem>> -> memref<128xi32, #tpu.memory_space<vmem>>
    %dma_start3A_90 = arith.constant 0 : i32
    %dma_start3A_91 = arith.constant 0 : i32
    %dma_start3A_92 = tpu.memref_slice %arg6[%dma_start3A_90, %dma_start3A_91] : memref<8194x32xf32, #tpu.memory_space<hbm>> -> memref<8194x32xf32, #tpu.memory_space<hbm>>
    tpu.enqueue_indirect_dma source(%dma_start3A_92 : memref<8194x32xf32, #tpu.memory_space<hbm>>) target(%arg10 : memref<128x32xf32, #tpu.memory_space<vmem>>) offsets(%dma_start3A_89 : memref<128xi32, #tpu.memory_space<vmem>>) semaphore(%arg16 : memref<!tpu.dma_semaphore, #tpu.memory_space<semaphore_mem>>) {add = true}
    %dma_start3A_93 = arith.constant 11 : i32
    %dma_start3A_94 = arith.constant 0 : i32
    %dma_start3A_95 = tpu.memref_slice %arg9[%dma_start3A_93, %dma_start3A_94] : memref<16x128xi32, #tpu.memory_space<vmem>> -> memref<1x128xi32, #tpu.memory_space<vmem>>
    %dma_start3A_96 = tpu.memref_squeeze %dma_start3A_95 : memref<1x128xi32, #tpu.memory_space<vmem>> -> memref<128xi32, #tpu.memory_space<vmem>>
    %dma_start3A_97 = arith.constant 0 : i32
    %dma_start3A_98 = arith.constant 0 : i32
    %dma_start3A_99 = tpu.memref_slice %arg6[%dma_start3A_97, %dma_start3A_98] : memref<8194x32xf32, #tpu.memory_space<hbm>> -> memref<8194x32xf32, #tpu.memory_space<hbm>>
    tpu.enqueue_indirect_dma source(%dma_start3A_99 : memref<8194x32xf32, #tpu.memory_space<hbm>>) target(%arg10 : memref<128x32xf32, #tpu.memory_space<vmem>>) offsets(%dma_start3A_96 : memref<128xi32, #tpu.memory_space<vmem>>) semaphore(%arg16 : memref<!tpu.dma_semaphore, #tpu.memory_space<semaphore_mem>>) {add = true}
    %dma_start3A_100 = arith.constant 12 : i32
    %dma_start3A_101 = arith.constant 0 : i32
    %dma_start3A_102 = tpu.memref_slice %arg9[%dma_start3A_100, %dma_start3A_101] : memref<16x128xi32, #tpu.memory_space<vmem>> -> memref<1x128xi32, #tpu.memory_space<vmem>>
    %dma_start3A_103 = tpu.memref_squeeze %dma_start3A_102 : memref<1x128xi32, #tpu.memory_space<vmem>> -> memref<128xi32, #tpu.memory_space<vmem>>
    %dma_start3A_104 = arith.constant 0 : i32
    %dma_start3A_105 = arith.constant 0 : i32
    %dma_start3A_106 = tpu.memref_slice %arg6[%dma_start3A_104, %dma_start3A_105] : memref<8194x32xf32, #tpu.memory_space<hbm>> -> memref<8194x32xf32, #tpu.memory_space<hbm>>
    tpu.enqueue_indirect_dma source(%dma_start3A_106 : memref<8194x32xf32, #tpu.memory_space<hbm>>) target(%arg10 : memref<128x32xf32, #tpu.memory_space<vmem>>) offsets(%dma_start3A_103 : memref<128xi32, #tpu.memory_space<vmem>>) semaphore(%arg16 : memref<!tpu.dma_semaphore, #tpu.memory_space<semaphore_mem>>) {add = true}
    %dma_start3A_107 = arith.constant 13 : i32
    %dma_start3A_108 = arith.constant 0 : i32
    %dma_start3A_109 = tpu.memref_slice %arg9[%dma_start3A_107, %dma_start3A_108] : memref<16x128xi32, #tpu.memory_space<vmem>> -> memref<1x128xi32, #tpu.memory_space<vmem>>
    %dma_start3A_110 = tpu.memref_squeeze %dma_start3A_109 : memref<1x128xi32, #tpu.memory_space<vmem>> -> memref<128xi32, #tpu.memory_space<vmem>>
    %dma_start3A_111 = arith.constant 0 : i32
    %dma_start3A_112 = arith.constant 0 : i32
    %dma_start3A_113 = tpu.memref_slice %arg6[%dma_start3A_111, %dma_start3A_112] : memref<8194x32xf32, #tpu.memory_space<hbm>> -> memref<8194x32xf32, #tpu.memory_space<hbm>>
    tpu.enqueue_indirect_dma source(%dma_start3A_113 : memref<8194x32xf32, #tpu.memory_space<hbm>>) target(%arg10 : memref<128x32xf32, #tpu.memory_space<vmem>>) offsets(%dma_start3A_110 : memref<128xi32, #tpu.memory_space<vmem>>) semaphore(%arg16 : memref<!tpu.dma_semaphore, #tpu.memory_space<semaphore_mem>>) {add = true}
    %dma_start3A_114 = arith.constant 14 : i32
    %dma_start3A_115 = arith.constant 0 : i32
    %dma_start3A_116 = tpu.memref_slice %arg9[%dma_start3A_114, %dma_start3A_115] : memref<16x128xi32, #tpu.memory_space<vmem>> -> memref<1x128xi32, #tpu.memory_space<vmem>>
    %dma_start3A_117 = tpu.memref_squeeze %dma_start3A_116 : memref<1x128xi32, #tpu.memory_space<vmem>> -> memref<128xi32, #tpu.memory_space<vmem>>
    %dma_start3A_118 = arith.constant 0 : i32
    %dma_start3A_119 = arith.constant 0 : i32
    %dma_start3A_120 = tpu.memref_slice %arg6[%dma_start3A_118, %dma_start3A_119] : memref<8194x32xf32, #tpu.memory_space<hbm>> -> memref<8194x32xf32, #tpu.memory_space<hbm>>
    tpu.enqueue_indirect_dma source(%dma_start3A_120 : memref<8194x32xf32, #tpu.memory_space<hbm>>) target(%arg10 : memref<128x32xf32, #tpu.memory_space<vmem>>) offsets(%dma_start3A_117 : memref<128xi32, #tpu.memory_space<vmem>>) semaphore(%arg16 : memref<!tpu.dma_semaphore, #tpu.memory_space<semaphore_mem>>) {add = true}
    %dma_start3A_121 = arith.constant 15 : i32
    %dma_start3A_122 = arith.constant 0 : i32
    %dma_start3A_123 = tpu.memref_slice %arg9[%dma_start3A_121, %dma_start3A_122] : memref<16x128xi32, #tpu.memory_space<vmem>> -> memref<1x128xi32, #tpu.memory_space<vmem>>
    %dma_start3A_124 = tpu.memref_squeeze %dma_start3A_123 : memref<1x128xi32, #tpu.memory_space<vmem>> -> memref<128xi32, #tpu.memory_space<vmem>>
    %dma_start3A_125 = arith.constant 0 : i32
    %dma_start3A_126 = arith.constant 0 : i32
    %dma_start3A_127 = tpu.memref_slice %arg6[%dma_start3A_125, %dma_start3A_126] : memref<8194x32xf32, #tpu.memory_space<hbm>> -> memref<8194x32xf32, #tpu.memory_space<hbm>>
    tpu.enqueue_indirect_dma source(%dma_start3A_127 : memref<8194x32xf32, #tpu.memory_space<hbm>>) target(%arg10 : memref<128x32xf32, #tpu.memory_space<vmem>>) offsets(%dma_start3A_124 : memref<128xi32, #tpu.memory_space<vmem>>) semaphore(%arg16 : memref<!tpu.dma_semaphore, #tpu.memory_space<semaphore_mem>>) {add = true}
    %dma_wait3A = arith.constant 0 : i32
    %dma_wait3A_128 = arith.constant 0 : i32
    %dma_wait3A_129 = tpu.memref_slice %arg9[%dma_wait3A, %dma_wait3A_128] : memref<16x128xi32, #tpu.memory_space<vmem>> -> memref<1x128xi32, #tpu.memory_space<vmem>>
    %dma_wait3A_130 = tpu.memref_squeeze %dma_wait3A_129 : memref<1x128xi32, #tpu.memory_space<vmem>> -> memref<128xi32, #tpu.memory_space<vmem>>
    %dma_wait3A_131 = arith.constant 0 : i32
    %dma_wait3A_132 = arith.constant 0 : i32
    %dma_wait3A_133 = tpu.memref_slice %arg6[%dma_wait3A_131, %dma_wait3A_132] : memref<8194x32xf32, #tpu.memory_space<hbm>> -> memref<8194x32xf32, #tpu.memory_space<hbm>>
    tpu.wait_indirect_dma semaphore(%arg16 : memref<!tpu.dma_semaphore, #tpu.memory_space<semaphore_mem>>) src(%dma_wait3A_133 : memref<8194x32xf32, #tpu.memory_space<hbm>>) dst(%arg10 : memref<128x32xf32, #tpu.memory_space<vmem>>)
    %dma_wait3A_134 = arith.constant 1 : i32
    %dma_wait3A_135 = arith.constant 0 : i32
    %dma_wait3A_136 = tpu.memref_slice %arg9[%dma_wait3A_134, %dma_wait3A_135] : memref<16x128xi32, #tpu.memory_space<vmem>> -> memref<1x128xi32, #tpu.memory_space<vmem>>
    %dma_wait3A_137 = tpu.memref_squeeze %dma_wait3A_136 : memref<1x128xi32, #tpu.memory_space<vmem>> -> memref<128xi32, #tpu.memory_space<vmem>>
    %dma_wait3A_138 = arith.constant 0 : i32
    %dma_wait3A_139 = arith.constant 0 : i32
    %dma_wait3A_140 = tpu.memref_slice %arg6[%dma_wait3A_138, %dma_wait3A_139] : memref<8194x32xf32, #tpu.memory_space<hbm>> -> memref<8194x32xf32, #tpu.memory_space<hbm>>
    tpu.wait_indirect_dma semaphore(%arg16 : memref<!tpu.dma_semaphore, #tpu.memory_space<semaphore_mem>>) src(%dma_wait3A_140 : memref<8194x32xf32, #tpu.memory_space<hbm>>) dst(%arg10 : memref<128x32xf32, #tpu.memory_space<vmem>>)
    %dma_wait3A_141 = arith.constant 2 : i32
    %dma_wait3A_142 = arith.constant 0 : i32
    %dma_wait3A_143 = tpu.memref_slice %arg9[%dma_wait3A_141, %dma_wait3A_142] : memref<16x128xi32, #tpu.memory_space<vmem>> -> memref<1x128xi32, #tpu.memory_space<vmem>>
    %dma_wait3A_144 = tpu.memref_squeeze %dma_wait3A_143 : memref<1x128xi32, #tpu.memory_space<vmem>> -> memref<128xi32, #tpu.memory_space<vmem>>
    %dma_wait3A_145 = arith.constant 0 : i32
    %dma_wait3A_146 = arith.constant 0 : i32
    %dma_wait3A_147 = tpu.memref_slice %arg6[%dma_wait3A_145, %dma_wait3A_146] : memref<8194x32xf32, #tpu.memory_space<hbm>> -> memref<8194x32xf32, #tpu.memory_space<hbm>>
    tpu.wait_indirect_dma semaphore(%arg16 : memref<!tpu.dma_semaphore, #tpu.memory_space<semaphore_mem>>) src(%dma_wait3A_147 : memref<8194x32xf32, #tpu.memory_space<hbm>>) dst(%arg10 : memref<128x32xf32, #tpu.memory_space<vmem>>)
    %dma_wait3A_148 = arith.constant 3 : i32
    %dma_wait3A_149 = arith.constant 0 : i32
    %dma_wait3A_150 = tpu.memref_slice %arg9[%dma_wait3A_148, %dma_wait3A_149] : memref<16x128xi32, #tpu.memory_space<vmem>> -> memref<1x128xi32, #tpu.memory_space<vmem>>
    %dma_wait3A_151 = tpu.memref_squeeze %dma_wait3A_150 : memref<1x128xi32, #tpu.memory_space<vmem>> -> memref<128xi32, #tpu.memory_space<vmem>>
    %dma_wait3A_152 = arith.constant 0 : i32
    %dma_wait3A_153 = arith.constant 0 : i32
    %dma_wait3A_154 = tpu.memref_slice %arg6[%dma_wait3A_152, %dma_wait3A_153] : memref<8194x32xf32, #tpu.memory_space<hbm>> -> memref<8194x32xf32, #tpu.memory_space<hbm>>
    tpu.wait_indirect_dma semaphore(%arg16 : memref<!tpu.dma_semaphore, #tpu.memory_space<semaphore_mem>>) src(%dma_wait3A_154 : memref<8194x32xf32, #tpu.memory_space<hbm>>) dst(%arg10 : memref<128x32xf32, #tpu.memory_space<vmem>>)
    %dma_wait3A_155 = arith.constant 4 : i32
    %dma_wait3A_156 = arith.constant 0 : i32
    %dma_wait3A_157 = tpu.memref_slice %arg9[%dma_wait3A_155, %dma_wait3A_156] : memref<16x128xi32, #tpu.memory_space<vmem>> -> memref<1x128xi32, #tpu.memory_space<vmem>>
    %dma_wait3A_158 = tpu.memref_squeeze %dma_wait3A_157 : memref<1x128xi32, #tpu.memory_space<vmem>> -> memref<128xi32, #tpu.memory_space<vmem>>
    %dma_wait3A_159 = arith.constant 0 : i32
    %dma_wait3A_160 = arith.constant 0 : i32
    %dma_wait3A_161 = tpu.memref_slice %arg6[%dma_wait3A_159, %dma_wait3A_160] : memref<8194x32xf32, #tpu.memory_space<hbm>> -> memref<8194x32xf32, #tpu.memory_space<hbm>>
    tpu.wait_indirect_dma semaphore(%arg16 : memref<!tpu.dma_semaphore, #tpu.memory_space<semaphore_mem>>) src(%dma_wait3A_161 : memref<8194x32xf32, #tpu.memory_space<hbm>>) dst(%arg10 : memref<128x32xf32, #tpu.memory_space<vmem>>)
    %dma_wait3A_162 = arith.constant 5 : i32
    %dma_wait3A_163 = arith.constant 0 : i32
    %dma_wait3A_164 = tpu.memref_slice %arg9[%dma_wait3A_162, %dma_wait3A_163] : memref<16x128xi32, #tpu.memory_space<vmem>> -> memref<1x128xi32, #tpu.memory_space<vmem>>
    %dma_wait3A_165 = tpu.memref_squeeze %dma_wait3A_164 : memref<1x128xi32, #tpu.memory_space<vmem>> -> memref<128xi32, #tpu.memory_space<vmem>>
    %dma_wait3A_166 = arith.constant 0 : i32
    %dma_wait3A_167 = arith.constant 0 : i32
    %dma_wait3A_168 = tpu.memref_slice %arg6[%dma_wait3A_166, %dma_wait3A_167] : memref<8194x32xf32, #tpu.memory_space<hbm>> -> memref<8194x32xf32, #tpu.memory_space<hbm>>
    tpu.wait_indirect_dma semaphore(%arg16 : memref<!tpu.dma_semaphore, #tpu.memory_space<semaphore_mem>>) src(%dma_wait3A_168 : memref<8194x32xf32, #tpu.memory_space<hbm>>) dst(%arg10 : memref<128x32xf32, #tpu.memory_space<vmem>>)
    %dma_wait3A_169 = arith.constant 6 : i32
    %dma_wait3A_170 = arith.constant 0 : i32
    %dma_wait3A_171 = tpu.memref_slice %arg9[%dma_wait3A_169, %dma_wait3A_170] : memref<16x128xi32, #tpu.memory_space<vmem>> -> memref<1x128xi32, #tpu.memory_space<vmem>>
    %dma_wait3A_172 = tpu.memref_squeeze %dma_wait3A_171 : memref<1x128xi32, #tpu.memory_space<vmem>> -> memref<128xi32, #tpu.memory_space<vmem>>
    %dma_wait3A_173 = arith.constant 0 : i32
    %dma_wait3A_174 = arith.constant 0 : i32
    %dma_wait3A_175 = tpu.memref_slice %arg6[%dma_wait3A_173, %dma_wait3A_174] : memref<8194x32xf32, #tpu.memory_space<hbm>> -> memref<8194x32xf32, #tpu.memory_space<hbm>>
    tpu.wait_indirect_dma semaphore(%arg16 : memref<!tpu.dma_semaphore, #tpu.memory_space<semaphore_mem>>) src(%dma_wait3A_175 : memref<8194x32xf32, #tpu.memory_space<hbm>>) dst(%arg10 : memref<128x32xf32, #tpu.memory_space<vmem>>)
    %dma_wait3A_176 = arith.constant 7 : i32
    %dma_wait3A_177 = arith.constant 0 : i32
    %dma_wait3A_178 = tpu.memref_slice %arg9[%dma_wait3A_176, %dma_wait3A_177] : memref<16x128xi32, #tpu.memory_space<vmem>> -> memref<1x128xi32, #tpu.memory_space<vmem>>
    %dma_wait3A_179 = tpu.memref_squeeze %dma_wait3A_178 : memref<1x128xi32, #tpu.memory_space<vmem>> -> memref<128xi32, #tpu.memory_space<vmem>>
    %dma_wait3A_180 = arith.constant 0 : i32
    %dma_wait3A_181 = arith.constant 0 : i32
    %dma_wait3A_182 = tpu.memref_slice %arg6[%dma_wait3A_180, %dma_wait3A_181] : memref<8194x32xf32, #tpu.memory_space<hbm>> -> memref<8194x32xf32, #tpu.memory_space<hbm>>
    tpu.wait_indirect_dma semaphore(%arg16 : memref<!tpu.dma_semaphore, #tpu.memory_space<semaphore_mem>>) src(%dma_wait3A_182 : memref<8194x32xf32, #tpu.memory_space<hbm>>) dst(%arg10 : memref<128x32xf32, #tpu.memory_space<vmem>>)
    %dma_wait3A_183 = arith.constant 8 : i32
    %dma_wait3A_184 = arith.constant 0 : i32
    %dma_wait3A_185 = tpu.memref_slice %arg9[%dma_wait3A_183, %dma_wait3A_184] : memref<16x128xi32, #tpu.memory_space<vmem>> -> memref<1x128xi32, #tpu.memory_space<vmem>>
    %dma_wait3A_186 = tpu.memref_squeeze %dma_wait3A_185 : memref<1x128xi32, #tpu.memory_space<vmem>> -> memref<128xi32, #tpu.memory_space<vmem>>
    %dma_wait3A_187 = arith.constant 0 : i32
    %dma_wait3A_188 = arith.constant 0 : i32
    %dma_wait3A_189 = tpu.memref_slice %arg6[%dma_wait3A_187, %dma_wait3A_188] : memref<8194x32xf32, #tpu.memory_space<hbm>> -> memref<8194x32xf32, #tpu.memory_space<hbm>>
    tpu.wait_indirect_dma semaphore(%arg16 : memref<!tpu.dma_semaphore, #tpu.memory_space<semaphore_mem>>) src(%dma_wait3A_189 : memref<8194x32xf32, #tpu.memory_space<hbm>>) dst(%arg10 : memref<128x32xf32, #tpu.memory_space<vmem>>)
    %dma_wait3A_190 = arith.constant 9 : i32
    %dma_wait3A_191 = arith.constant 0 : i32
    %dma_wait3A_192 = tpu.memref_slice %arg9[%dma_wait3A_190, %dma_wait3A_191] : memref<16x128xi32, #tpu.memory_space<vmem>> -> memref<1x128xi32, #tpu.memory_space<vmem>>
    %dma_wait3A_193 = tpu.memref_squeeze %dma_wait3A_192 : memref<1x128xi32, #tpu.memory_space<vmem>> -> memref<128xi32, #tpu.memory_space<vmem>>
    %dma_wait3A_194 = arith.constant 0 : i32
    %dma_wait3A_195 = arith.constant 0 : i32
    %dma_wait3A_196 = tpu.memref_slice %arg6[%dma_wait3A_194, %dma_wait3A_195] : memref<8194x32xf32, #tpu.memory_space<hbm>> -> memref<8194x32xf32, #tpu.memory_space<hbm>>
    tpu.wait_indirect_dma semaphore(%arg16 : memref<!tpu.dma_semaphore, #tpu.memory_space<semaphore_mem>>) src(%dma_wait3A_196 : memref<8194x32xf32, #tpu.memory_space<hbm>>) dst(%arg10 : memref<128x32xf32, #tpu.memory_space<vmem>>)
    %dma_wait3A_197 = arith.constant 10 : i32
    %dma_wait3A_198 = arith.constant 0 : i32
    %dma_wait3A_199 = tpu.memref_slice %arg9[%dma_wait3A_197, %dma_wait3A_198] : memref<16x128xi32, #tpu.memory_space<vmem>> -> memref<1x128xi32, #tpu.memory_space<vmem>>
    %dma_wait3A_200 = tpu.memref_squeeze %dma_wait3A_199 : memref<1x128xi32, #tpu.memory_space<vmem>> -> memref<128xi32, #tpu.memory_space<vmem>>
    %dma_wait3A_201 = arith.constant 0 : i32
    %dma_wait3A_202 = arith.constant 0 : i32
    %dma_wait3A_203 = tpu.memref_slice %arg6[%dma_wait3A_201, %dma_wait3A_202] : memref<8194x32xf32, #tpu.memory_space<hbm>> -> memref<8194x32xf32, #tpu.memory_space<hbm>>
    tpu.wait_indirect_dma semaphore(%arg16 : memref<!tpu.dma_semaphore, #tpu.memory_space<semaphore_mem>>) src(%dma_wait3A_203 : memref<8194x32xf32, #tpu.memory_space<hbm>>) dst(%arg10 : memref<128x32xf32, #tpu.memory_space<vmem>>)
    %dma_wait3A_204 = arith.constant 11 : i32
    %dma_wait3A_205 = arith.constant 0 : i32
    %dma_wait3A_206 = tpu.memref_slice %arg9[%dma_wait3A_204, %dma_wait3A_205] : memref<16x128xi32, #tpu.memory_space<vmem>> -> memref<1x128xi32, #tpu.memory_space<vmem>>
    %dma_wait3A_207 = tpu.memref_squeeze %dma_wait3A_206 : memref<1x128xi32, #tpu.memory_space<vmem>> -> memref<128xi32, #tpu.memory_space<vmem>>
    %dma_wait3A_208 = arith.constant 0 : i32
    %dma_wait3A_209 = arith.constant 0 : i32
    %dma_wait3A_210 = tpu.memref_slice %arg6[%dma_wait3A_208, %dma_wait3A_209] : memref<8194x32xf32, #tpu.memory_space<hbm>> -> memref<8194x32xf32, #tpu.memory_space<hbm>>
    tpu.wait_indirect_dma semaphore(%arg16 : memref<!tpu.dma_semaphore, #tpu.memory_space<semaphore_mem>>) src(%dma_wait3A_210 : memref<8194x32xf32, #tpu.memory_space<hbm>>) dst(%arg10 : memref<128x32xf32, #tpu.memory_space<vmem>>)
    %dma_wait3A_211 = arith.constant 12 : i32
    %dma_wait3A_212 = arith.constant 0 : i32
    %dma_wait3A_213 = tpu.memref_slice %arg9[%dma_wait3A_211, %dma_wait3A_212] : memref<16x128xi32, #tpu.memory_space<vmem>> -> memref<1x128xi32, #tpu.memory_space<vmem>>
    %dma_wait3A_214 = tpu.memref_squeeze %dma_wait3A_213 : memref<1x128xi32, #tpu.memory_space<vmem>> -> memref<128xi32, #tpu.memory_space<vmem>>
    %dma_wait3A_215 = arith.constant 0 : i32
    %dma_wait3A_216 = arith.constant 0 : i32
    %dma_wait3A_217 = tpu.memref_slice %arg6[%dma_wait3A_215, %dma_wait3A_216] : memref<8194x32xf32, #tpu.memory_space<hbm>> -> memref<8194x32xf32, #tpu.memory_space<hbm>>
    tpu.wait_indirect_dma semaphore(%arg16 : memref<!tpu.dma_semaphore, #tpu.memory_space<semaphore_mem>>) src(%dma_wait3A_217 : memref<8194x32xf32, #tpu.memory_space<hbm>>) dst(%arg10 : memref<128x32xf32, #tpu.memory_space<vmem>>)
    %dma_wait3A_218 = arith.constant 13 : i32
    %dma_wait3A_219 = arith.constant 0 : i32
    %dma_wait3A_220 = tpu.memref_slice %arg9[%dma_wait3A_218, %dma_wait3A_219] : memref<16x128xi32, #tpu.memory_space<vmem>> -> memref<1x128xi32, #tpu.memory_space<vmem>>
    %dma_wait3A_221 = tpu.memref_squeeze %dma_wait3A_220 : memref<1x128xi32, #tpu.memory_space<vmem>> -> memref<128xi32, #tpu.memory_space<vmem>>
    %dma_wait3A_222 = arith.constant 0 : i32
    %dma_wait3A_223 = arith.constant 0 : i32
    %dma_wait3A_224 = tpu.memref_slice %arg6[%dma_wait3A_222, %dma_wait3A_223] : memref<8194x32xf32, #tpu.memory_space<hbm>> -> memref<8194x32xf32, #tpu.memory_space<hbm>>
    tpu.wait_indirect_dma semaphore(%arg16 : memref<!tpu.dma_semaphore, #tpu.memory_space<semaphore_mem>>) src(%dma_wait3A_224 : memref<8194x32xf32, #tpu.memory_space<hbm>>) dst(%arg10 : memref<128x32xf32, #tpu.memory_space<vmem>>)
    %dma_wait3A_225 = arith.constant 14 : i32
    %dma_wait3A_226 = arith.constant 0 : i32
    %dma_wait3A_227 = tpu.memref_slice %arg9[%dma_wait3A_225, %dma_wait3A_226] : memref<16x128xi32, #tpu.memory_space<vmem>> -> memref<1x128xi32, #tpu.memory_space<vmem>>
    %dma_wait3A_228 = tpu.memref_squeeze %dma_wait3A_227 : memref<1x128xi32, #tpu.memory_space<vmem>> -> memref<128xi32, #tpu.memory_space<vmem>>
    %dma_wait3A_229 = arith.constant 0 : i32
    %dma_wait3A_230 = arith.constant 0 : i32
    %dma_wait3A_231 = tpu.memref_slice %arg6[%dma_wait3A_229, %dma_wait3A_230] : memref<8194x32xf32, #tpu.memory_space<hbm>> -> memref<8194x32xf32, #tpu.memory_space<hbm>>
    tpu.wait_indirect_dma semaphore(%arg16 : memref<!tpu.dma_semaphore, #tpu.memory_space<semaphore_mem>>) src(%dma_wait3A_231 : memref<8194x32xf32, #tpu.memory_space<hbm>>) dst(%arg10 : memref<128x32xf32, #tpu.memory_space<vmem>>)
    %dma_wait3A_232 = arith.constant 15 : i32
    %dma_wait3A_233 = arith.constant 0 : i32
    %dma_wait3A_234 = tpu.memref_slice %arg9[%dma_wait3A_232, %dma_wait3A_233] : memref<16x128xi32, #tpu.memory_space<vmem>> -> memref<1x128xi32, #tpu.memory_space<vmem>>
    %dma_wait3A_235 = tpu.memref_squeeze %dma_wait3A_234 : memref<1x128xi32, #tpu.memory_space<vmem>> -> memref<128xi32, #tpu.memory_space<vmem>>
    %dma_wait3A_236 = arith.constant 0 : i32
    %dma_wait3A_237 = arith.constant 0 : i32
    %dma_wait3A_238 = tpu.memref_slice %arg6[%dma_wait3A_236, %dma_wait3A_237] : memref<8194x32xf32, #tpu.memory_space<hbm>> -> memref<8194x32xf32, #tpu.memory_space<hbm>>
    tpu.wait_indirect_dma semaphore(%arg16 : memref<!tpu.dma_semaphore, #tpu.memory_space<semaphore_mem>>) src(%dma_wait3A_238 : memref<8194x32xf32, #tpu.memory_space<hbm>>) dst(%arg10 : memref<128x32xf32, #tpu.memory_space<vmem>>)
    %scan3A_239 = arith.constant 0 : i32
    %scan3A_240 = arith.constant 128 : i32
    %scan3A_241 = arith.addi %scan3A_239, %scan3A_240 : i32
    %scan3A_242 = arith.constant 1 : i32
    %scan3A_243 = scf.for %scan3A_250 = %scan3A_239 to %scan3A_241 step %scan3A_242 iter_args(%scan3A_251 = %broadcast_in_dim3A_5) -> (vector<16xf32>)  : i32 {
      %get3A_252 = arith.index_cast %scan3A_250 : i32 to index
      %get3A_253 = arith.constant 0 : index
      %get3A_254 = tpu.vector_load %arg10[%get3A_252, %get3A_253] {strides = array<i32>} : memref<128x32xf32, #tpu.memory_space<vmem>>, vector<1x16xf32>,
      %get3A_255 = vector.shape_cast %get3A_254 : vector<1x16xf32> to vector<16xf32>
      %div3A = arith.divf %get3A_255, %get3A_4 : vector<16xf32>
      %get3A_256 = arith.index_cast %scan3A_250 : i32 to index
      %get3A_257 = arith.constant 16 : index
      %get3A_258 = tpu.vector_load %arg10[%get3A_256, %get3A_257] {strides = array<i32>} : memref<128x32xf32, #tpu.memory_space<vmem>>, vector<1x16xf32>,
      %get3A_259 = vector.shape_cast %get3A_258 : vector<1x16xf32> to vector<16xf32>
      %div3A_260 = arith.divf %get3A_259, %get3A_4 : vector<16xf32>
      %mul3A_261 = arith.constant 32 : i32
      %mul3A_262 = arith.muli %scan3A_250, %mul3A_261 : i32
      %get3A_263 = arith.index_cast %mul3A_262 : i32 to index
      %get3A_264 = tpu.vector_load %arg11[%get3A_263] {strides = array<i32>} : memref<4096xf32, #tpu.memory_space<vmem>>, vector<16xf32>,
      %get3A_265 = vector.shape_cast %get3A_264 : vector<16xf32> to vector<16xf32>
      %mul3A_266 = arith.constant 32 : i32
      %mul3A_267 = arith.muli %scan3A_250, %mul3A_266 : i32
      %add3A_268 = arith.constant 16 : i32
      %add3A_269 = arith.addi %mul3A_267, %add3A_268 : i32
      %get3A_270 = arith.index_cast %add3A_269 : i32 to index
      %get3A_271 = tpu.vector_load %arg11[%get3A_270] {strides = array<i32>} : memref<4096xf32, #tpu.memory_space<vmem>>, vector<16xf32>,
      %get3A_272 = vector.shape_cast %get3A_271 : vector<16xf32> to vector<16xf32>
      %sub3A = arith.subf %div3A, %get3A_265 : vector<16xf32>
      %add3A_273 = arith.addf %get3A_265, %sub3A : vector<16xf32>
      %mul3A_274 = arith.constant 32 : i32
      %mul3A_275 = arith.muli %scan3A_250, %mul3A_274 : i32
      %swap3A_276 = arith.index_cast %mul3A_275 : i32 to index
      %swap3A_277 = tpu.vector_load %arg13[%swap3A_276] {strides = array<i32>} : memref<4096xf32, #tpu.memory_space<vmem>>, vector<16xf32>,
      %swap3A_278 = vector.shape_cast %swap3A_277 : vector<16xf32> to vector<16xf32>
      %swap3A_279 = vector.shape_cast %add3A_273 : vector<16xf32> to vector<16xf32>
      tpu.vector_store %arg13[%swap3A_276], %swap3A_279 {strides = array<i32>} : memref<4096xf32, #tpu.memory_space<vmem>>, vector<16xf32>,
      %sub3A_280 = arith.subf %div3A_260, %get3A_272 : vector<16xf32>
      %add3A_281 = arith.addf %get3A_272, %sub3A_280 : vector<16xf32>
      %mul3A_282 = arith.constant 32 : i32
      %mul3A_283 = arith.muli %scan3A_250, %mul3A_282 : i32
      %add3A_284 = arith.constant 16 : i32
      %add3A_285 = arith.addi %mul3A_283, %add3A_284 : i32
      %swap3A_286 = arith.index_cast %add3A_285 : i32 to index
      %swap3A_287 = tpu.vector_load %arg13[%swap3A_286] {strides = array<i32>} : memref<4096xf32, #tpu.memory_space<vmem>>, vector<16xf32>,
      %swap3A_288 = vector.shape_cast %swap3A_287 : vector<16xf32> to vector<16xf32>
      %swap3A_289 = vector.shape_cast %add3A_281 : vector<16xf32> to vector<16xf32>
      tpu.vector_store %arg13[%swap3A_286], %swap3A_289 {strides = array<i32>} : memref<4096xf32, #tpu.memory_space<vmem>>, vector<16xf32>,
      %mul3A_290 = arith.constant 32 : i32
      %mul3A_291 = arith.muli %scan3A_250, %mul3A_290 : i32
      %get3A_292 = arith.index_cast %mul3A_291 : i32 to index
      %get3A_293 = tpu.vector_load %arg12[%get3A_292] {strides = array<i32>} : memref<4096xf32, #tpu.memory_space<vmem>>, vector<16xf32>,
      %get3A_294 = vector.shape_cast %get3A_293 : vector<16xf32> to vector<16xf32>
      %mul3A_295 = arith.constant 32 : i32
      %mul3A_296 = arith.muli %scan3A_250, %mul3A_295 : i32
      %add3A_297 = arith.constant 16 : i32
      %add3A_298 = arith.addi %mul3A_296, %add3A_297 : i32
      %get3A_299 = arith.index_cast %add3A_298 : i32 to index
      %get3A_300 = tpu.vector_load %arg12[%get3A_299] {strides = array<i32>} : memref<4096xf32, #tpu.memory_space<vmem>>, vector<16xf32>,
      %get3A_301 = vector.shape_cast %get3A_300 : vector<16xf32> to vector<16xf32>
      %mul3A_302 = arith.mulf %div3A, %get3A_294 : vector<16xf32>
      %mul3A_303 = arith.mulf %get3A_265, %get3A_294 : vector<16xf32>
      %sub3A_304 = arith.subf %mul3A_302, %mul3A_303 : vector<16xf32>
      %mul3A_305 = arith.mulf %div3A_260, %get3A_301 : vector<16xf32>
      %mul3A_306 = arith.mulf %get3A_272, %get3A_301 : vector<16xf32>
      %sub3A_307 = arith.subf %mul3A_305, %mul3A_306 : vector<16xf32>
      %mul3A_308 = arith.mulf %sub3A_304, %sub3A_304 : vector<16xf32>
      %add3A_309 = arith.addf %scan3A_251, %mul3A_308 : vector<16xf32>
      %mul3A_310 = arith.mulf %sub3A_307, %sub3A_307 : vector<16xf32>
      %add3A_311 = arith.addf %add3A_309, %mul3A_310 : vector<16xf32>
      scf.yield %add3A_311 : vector<16xf32>
    }
    %scan3A_244 = arith.constant 128 : i32
    %mul3A_245 = arith.constant 32 : i32
    %mul3A_246 = arith.muli %add3A_7, %mul3A_245 : i32
    "tpu.region"() ({
      %run_scoped3A = tpu.sem_alloc : memref<!tpu.dma_semaphore, #tpu.memory_space<semaphore_mem>>
      %dma_start3A_250 = tpu.memref_slice %arg7[%mul3A_246] : memref<131072xf32, #tpu.memory_space<hbm>> -> memref<4096xf32, #tpu.memory_space<hbm>>
      %dma_start3A_251 = tpu.memref_slice %arg7[%mul3A_246] : memref<131072xf32, #tpu.memory_space<hbm>> -> memref<4096xf32, #tpu.memory_space<hbm>>
      tpu.enqueue_dma source(%arg13 : memref<4096xf32, #tpu.memory_space<vmem>>) target(%dma_start3A_251 : memref<4096xf32, #tpu.memory_space<hbm>>) target_semaphore(%run_scoped3A : memref<!tpu.dma_semaphore, #tpu.memory_space<semaphore_mem>>)
      %dma_wait3A_252 = tpu.memref_slice %arg7[%mul3A_246] : memref<131072xf32, #tpu.memory_space<hbm>> -> memref<4096xf32, #tpu.memory_space<hbm>>
      %dma_wait3A_253 = tpu.memref_slice %arg7[%mul3A_246] : memref<131072xf32, #tpu.memory_space<hbm>> -> memref<4096xf32, #tpu.memory_space<hbm>>
      tpu.wait_dma2 semaphore(%run_scoped3A : memref<!tpu.dma_semaphore, #tpu.memory_space<semaphore_mem>>) src(%arg13 : memref<4096xf32, #tpu.memory_space<vmem>>) dst(%dma_wait3A_253 : memref<4096xf32, #tpu.memory_space<hbm>>)
      tpu.yield
    }) : () -> ()
    %swap3A = arith.constant 0 : index
    %swap3A_247 = tpu.vector_load %arg15[%swap3A] {strides = array<i32>} : memref<16xf32, #tpu.memory_space<vmem>>, vector<16xf32>,
    %swap3A_248 = vector.shape_cast %swap3A_247 : vector<16xf32> to vector<16xf32>
    %swap3A_249 = vector.shape_cast %scan3A_243 : vector<16xf32> to vector<16xf32>
    tpu.vector_store %arg15[%swap3A], %swap3A_249 {strides = array<i32>} : memref<16xf32, #tpu.memory_space<vmem>>, vector<16xf32>,
    "tpu.region"() ({
      %run_scoped3A = tpu.sem_alloc : memref<!tpu.dma_semaphore, #tpu.memory_space<semaphore_mem>>
      %dma_start3A_250 = arith.constant 0 : i32
      %dma_start3A_251 = tpu.memref_slice %arg8[%add3A, %dma_start3A_250] : memref<32x16xf32, #tpu.memory_space<hbm>> -> memref<1x16xf32, #tpu.memory_space<hbm>>
      %dma_start3A_252 = tpu.memref_squeeze %dma_start3A_251 : memref<1x16xf32, #tpu.memory_space<hbm>> -> memref<16xf32, #tpu.memory_space<hbm>>
      %dma_start3A_253 = arith.constant 0 : i32
      %dma_start3A_254 = tpu.memref_slice %arg8[%add3A, %dma_start3A_253] : memref<32x16xf32, #tpu.memory_space<hbm>> -> memref<1x16xf32, #tpu.memory_space<hbm>>
      %dma_start3A_255 = tpu.memref_squeeze %dma_start3A_254 : memref<1x16xf32, #tpu.memory_space<hbm>> -> memref<16xf32, #tpu.memory_space<hbm>>
      tpu.enqueue_dma source(%arg15 : memref<16xf32, #tpu.memory_space<vmem>>) target(%dma_start3A_255 : memref<16xf32, #tpu.memory_space<hbm>>) target_semaphore(%run_scoped3A : memref<!tpu.dma_semaphore, #tpu.memory_space<semaphore_mem>>)
      %dma_wait3A_256 = arith.constant 0 : i32
      %dma_wait3A_257 = tpu.memref_slice %arg8[%add3A, %dma_wait3A_256] : memref<32x16xf32, #tpu.memory_space<hbm>> -> memref<1x16xf32, #tpu.memory_space<hbm>>
      %dma_wait3A_258 = tpu.memref_squeeze %dma_wait3A_257 : memref<1x16xf32, #tpu.memory_space<hbm>> -> memref<16xf32, #tpu.memory_space<hbm>>
      %dma_wait3A_259 = arith.constant 0 : i32
      %dma_wait3A_260 = tpu.memref_slice %arg8[%add3A, %dma_wait3A_259] : memref<32x16xf32, #tpu.memory_space<hbm>> -> memref<1x16xf32, #tpu.memory_space<hbm>>
      %dma_wait3A_261 = tpu.memref_squeeze %dma_wait3A_260 : memref<1x16xf32, #tpu.memory_space<hbm>> -> memref<16xf32, #tpu.memory_space<hbm>>
      tpu.wait_dma2 semaphore(%run_scoped3A : memref<!tpu.dma_semaphore, #tpu.memory_space<semaphore_mem>>) src(%arg15 : memref<16xf32, #tpu.memory_space<vmem>>) dst(%dma_wait3A_261 : memref<16xf32, #tpu.memory_space<hbm>>)
      tpu.yield
    }) : () -> ()
    return
  }
}

module attributes {stable_mosaic.version = 14 : i64} {
  func.func @_tc_argmin_body(%arg0: i32, %arg1: memref<512x32xf32, #tpu.memory_space<vmem>>, %arg2: memref<8192x32xf32, #tpu.memory_space<vmem>>, %arg3: memref<16x512xi32, #tpu.memory_space<vmem>>) attributes {dimension_semantics = [#tpu.dimension_semantics<arbitrary>], iteration_bounds = array<i64: 8>, scalar_prefetch = 0 : i64, scratch_operands = 0 : i64, tpu.core_type = #tpu.core_type<tc>, window_params = [{transform_indices = @transform_0, window_bounds = array<i64: 512, 32>}, {pipeline_mode = #tpu.pipeline_mode<synchronous>, transform_indices = @transform_1, window_bounds = array<i64: 8192, 32>}, {transform_indices = @transform_2, window_bounds = array<i64: 16, 512>}]} {
    %get3A = arith.constant 0 : index
    %get3A_0 = arith.constant 0 : index
    %get3A_1 = vector.load %arg1[%get3A, %get3A_0] : memref<512x32xf32, #tpu.memory_space<vmem>>, vector<512x32xf32>
    %mul3A = arith.mulf %get3A_1, %get3A_1 : vector<512x32xf32>
    %reduce_sum3A = arith.constant dense<0.000000e+00> : vector<512xf32>
    %reduce_sum3A_2 = vector.multi_reduction <add>, %mul3A, %reduce_sum3A [1] : vector<512x32xf32> to vector<512xf32>
    %broadcast_in_dim3A = vector.shape_cast %reduce_sum3A_2 : vector<512xf32> to vector<512x1xf32>
    %add3A = arith.addf %get3A_1, %get3A_1 : vector<512x32xf32>
    %get3A_3 = arith.constant 0 : index
    %get3A_4 = arith.constant 0 : index
    %get3A_5 = vector.load %arg2[%get3A_3, %get3A_4] : memref<8192x32xf32, #tpu.memory_space<vmem>>, vector<512x32xf32>
    %mul3A_6 = arith.mulf %get3A_5, %get3A_5 : vector<512x32xf32>
    %reduce_sum3A_7 = arith.constant dense<0.000000e+00> : vector<512xf32>
    %reduce_sum3A_8 = vector.multi_reduction <add>, %mul3A_6, %reduce_sum3A_7 [1] : vector<512x32xf32> to vector<512xf32>
    %broadcast_in_dim3A_9 = vector.shape_cast %reduce_sum3A_8 : vector<512xf32> to vector<1x512xf32>
    %dot_general3A = arith.constant dense<0.000000e+00> : vector<512x512xf32>
    %dot_general3A_10 = tpu.matmul %add3A, %get3A_5, %dot_general3A {dimension_numbers = #tpu.dot_dimension_numbers<[1], [1], [0], [0], [0, 0, 1, 0], [], []>, transpose_lhs_hint = false} : vector<512x32xf32>, vector<512x32xf32>, vector<512x512xf32> -> vector<512x512xf32>
    %add3A_11 = vector.broadcast %broadcast_in_dim3A : vector<512x1xf32> to vector<512x512xf32>
    %add3A_12 = vector.broadcast %broadcast_in_dim3A_9 : vector<1x512xf32> to vector<512x512xf32>
    %add3A_13 = arith.addf %add3A_11, %add3A_12 : vector<512x512xf32>
    %sub3A = arith.subf %add3A_13, %dot_general3A_10 : vector<512x512xf32>
    %reduce_min3A = arith.constant dense<0x7F800000> : vector<512xf32>
    %reduce_min3A_14 = vector.multi_reduction <minimumf>, %sub3A, %reduce_min3A [1] : vector<512x512xf32> to vector<512xf32>
    %broadcast_in_dim3A_15 = vector.shape_cast %reduce_min3A_14 : vector<512xf32> to vector<512x1xf32>
    %iota3A = tpu.iota {dimensions = array<i32: 1>} : vector<1x512xi32>
    %convert_element_type3A = arith.sitofp %iota3A : vector<1x512xi32> to vector<1x512xf32>
    %le3A = vector.broadcast %broadcast_in_dim3A_15 : vector<512x1xf32> to vector<512x512xf32>
    %le3A_16 = arith.cmpf ole, %sub3A, %le3A : vector<512x512xf32>
    %jit3A = arith.constant 5.120000e+02 : f32
    %broadcast_in_dim3A_17 = vector.shape_cast %convert_element_type3A : vector<1x512xf32> to vector<1x512xf32>
    %broadcast_in_dim3A_18 = vector.broadcast %broadcast_in_dim3A_17 : vector<1x512xf32> to vector<512x512xf32>
    %broadcast_in_dim3A_19 = vector.broadcast %jit3A : f32 to vector<512x512xf32>
    %select_n3A = arith.select %le3A_16, %broadcast_in_dim3A_18, %broadcast_in_dim3A_19 : vector<512x512xi1>, vector<512x512xf32>
    %reduce_min3A_20 = arith.constant dense<0x7F800000> : vector<512xf32>
    %reduce_min3A_21 = vector.multi_reduction <minimumf>, %select_n3A, %reduce_min3A_20 [1] : vector<512x512xf32> to vector<512xf32>
    %convert_element_type3A_22 = arith.fptosi %reduce_min3A_21 : vector<512xf32> to vector<512xi32>
    %add3A_23 = arith.constant 2 : i32
    %add3A_24 = vector.broadcast %add3A_23 : i32 to vector<512xi32>
    %add3A_25 = arith.addi %convert_element_type3A_22, %add3A_24 : vector<512xi32>
    %get3A_26 = arith.constant 512 : index
    %get3A_27 = arith.constant 0 : index
    %get3A_28 = vector.load %arg2[%get3A_26, %get3A_27] : memref<8192x32xf32, #tpu.memory_space<vmem>>, vector<512x32xf32>
    %mul3A_29 = arith.mulf %get3A_28, %get3A_28 : vector<512x32xf32>
    %reduce_sum3A_30 = arith.constant dense<0.000000e+00> : vector<512xf32>
    %reduce_sum3A_31 = vector.multi_reduction <add>, %mul3A_29, %reduce_sum3A_30 [1] : vector<512x32xf32> to vector<512xf32>
    %broadcast_in_dim3A_32 = vector.shape_cast %reduce_sum3A_31 : vector<512xf32> to vector<1x512xf32>
    %dot_general3A_33 = arith.constant dense<0.000000e+00> : vector<512x512xf32>
    %dot_general3A_34 = tpu.matmul %add3A, %get3A_28, %dot_general3A_33 {dimension_numbers = #tpu.dot_dimension_numbers<[1], [1], [0], [0], [0, 0, 1, 0], [], []>, transpose_lhs_hint = false} : vector<512x32xf32>, vector<512x32xf32>, vector<512x512xf32> -> vector<512x512xf32>
    %add3A_35 = vector.broadcast %broadcast_in_dim3A : vector<512x1xf32> to vector<512x512xf32>
    %add3A_36 = vector.broadcast %broadcast_in_dim3A_32 : vector<1x512xf32> to vector<512x512xf32>
    %add3A_37 = arith.addf %add3A_35, %add3A_36 : vector<512x512xf32>
    %sub3A_38 = arith.subf %add3A_37, %dot_general3A_34 : vector<512x512xf32>
    %reduce_min3A_39 = arith.constant dense<0x7F800000> : vector<512xf32>
    %reduce_min3A_40 = vector.multi_reduction <minimumf>, %sub3A_38, %reduce_min3A_39 [1] : vector<512x512xf32> to vector<512xf32>
    %broadcast_in_dim3A_41 = vector.shape_cast %reduce_min3A_40 : vector<512xf32> to vector<512x1xf32>
    %iota3A_42 = tpu.iota {dimensions = array<i32: 1>} : vector<1x512xi32>
    %convert_element_type3A_43 = arith.sitofp %iota3A_42 : vector<1x512xi32> to vector<1x512xf32>
    %le3A_44 = vector.broadcast %broadcast_in_dim3A_41 : vector<512x1xf32> to vector<512x512xf32>
    %le3A_45 = arith.cmpf ole, %sub3A_38, %le3A_44 : vector<512x512xf32>
    %jit3A_46 = arith.constant 5.120000e+02 : f32
    %broadcast_in_dim3A_47 = vector.shape_cast %convert_element_type3A_43 : vector<1x512xf32> to vector<1x512xf32>
    %broadcast_in_dim3A_48 = vector.broadcast %broadcast_in_dim3A_47 : vector<1x512xf32> to vector<512x512xf32>
    %broadcast_in_dim3A_49 = vector.broadcast %jit3A_46 : f32 to vector<512x512xf32>
    %select_n3A_50 = arith.select %le3A_45, %broadcast_in_dim3A_48, %broadcast_in_dim3A_49 : vector<512x512xi1>, vector<512x512xf32>
    %reduce_min3A_51 = arith.constant dense<0x7F800000> : vector<512xf32>
    %reduce_min3A_52 = vector.multi_reduction <minimumf>, %select_n3A_50, %reduce_min3A_51 [1] : vector<512x512xf32> to vector<512xf32>
    %convert_element_type3A_53 = arith.fptosi %reduce_min3A_52 : vector<512xf32> to vector<512xi32>
    %add3A_54 = arith.constant 514 : i32
    %add3A_55 = vector.broadcast %add3A_54 : i32 to vector<512xi32>
    %add3A_56 = arith.addi %convert_element_type3A_53, %add3A_55 : vector<512xi32>
    %get3A_57 = arith.constant 1024 : index
    %get3A_58 = arith.constant 0 : index
    %get3A_59 = vector.load %arg2[%get3A_57, %get3A_58] : memref<8192x32xf32, #tpu.memory_space<vmem>>, vector<512x32xf32>
    %mul3A_60 = arith.mulf %get3A_59, %get3A_59 : vector<512x32xf32>
    %reduce_sum3A_61 = arith.constant dense<0.000000e+00> : vector<512xf32>
    %reduce_sum3A_62 = vector.multi_reduction <add>, %mul3A_60, %reduce_sum3A_61 [1] : vector<512x32xf32> to vector<512xf32>
    %broadcast_in_dim3A_63 = vector.shape_cast %reduce_sum3A_62 : vector<512xf32> to vector<1x512xf32>
    %dot_general3A_64 = arith.constant dense<0.000000e+00> : vector<512x512xf32>
    %dot_general3A_65 = tpu.matmul %add3A, %get3A_59, %dot_general3A_64 {dimension_numbers = #tpu.dot_dimension_numbers<[1], [1], [0], [0], [0, 0, 1, 0], [], []>, transpose_lhs_hint = false} : vector<512x32xf32>, vector<512x32xf32>, vector<512x512xf32> -> vector<512x512xf32>
    %add3A_66 = vector.broadcast %broadcast_in_dim3A : vector<512x1xf32> to vector<512x512xf32>
    %add3A_67 = vector.broadcast %broadcast_in_dim3A_63 : vector<1x512xf32> to vector<512x512xf32>
    %add3A_68 = arith.addf %add3A_66, %add3A_67 : vector<512x512xf32>
    %sub3A_69 = arith.subf %add3A_68, %dot_general3A_65 : vector<512x512xf32>
    %reduce_min3A_70 = arith.constant dense<0x7F800000> : vector<512xf32>
    %reduce_min3A_71 = vector.multi_reduction <minimumf>, %sub3A_69, %reduce_min3A_70 [1] : vector<512x512xf32> to vector<512xf32>
    %broadcast_in_dim3A_72 = vector.shape_cast %reduce_min3A_71 : vector<512xf32> to vector<512x1xf32>
    %iota3A_73 = tpu.iota {dimensions = array<i32: 1>} : vector<1x512xi32>
    %convert_element_type3A_74 = arith.sitofp %iota3A_73 : vector<1x512xi32> to vector<1x512xf32>
    %le3A_75 = vector.broadcast %broadcast_in_dim3A_72 : vector<512x1xf32> to vector<512x512xf32>
    %le3A_76 = arith.cmpf ole, %sub3A_69, %le3A_75 : vector<512x512xf32>
    %jit3A_77 = arith.constant 5.120000e+02 : f32
    %broadcast_in_dim3A_78 = vector.shape_cast %convert_element_type3A_74 : vector<1x512xf32> to vector<1x512xf32>
    %broadcast_in_dim3A_79 = vector.broadcast %broadcast_in_dim3A_78 : vector<1x512xf32> to vector<512x512xf32>
    %broadcast_in_dim3A_80 = vector.broadcast %jit3A_77 : f32 to vector<512x512xf32>
    %select_n3A_81 = arith.select %le3A_76, %broadcast_in_dim3A_79, %broadcast_in_dim3A_80 : vector<512x512xi1>, vector<512x512xf32>
    %reduce_min3A_82 = arith.constant dense<0x7F800000> : vector<512xf32>
    %reduce_min3A_83 = vector.multi_reduction <minimumf>, %select_n3A_81, %reduce_min3A_82 [1] : vector<512x512xf32> to vector<512xf32>
    %convert_element_type3A_84 = arith.fptosi %reduce_min3A_83 : vector<512xf32> to vector<512xi32>
    %add3A_85 = arith.constant 1026 : i32
    %add3A_86 = vector.broadcast %add3A_85 : i32 to vector<512xi32>
    %add3A_87 = arith.addi %convert_element_type3A_84, %add3A_86 : vector<512xi32>
    %get3A_88 = arith.constant 1536 : index
    %get3A_89 = arith.constant 0 : index
    %get3A_90 = vector.load %arg2[%get3A_88, %get3A_89] : memref<8192x32xf32, #tpu.memory_space<vmem>>, vector<512x32xf32>
    %mul3A_91 = arith.mulf %get3A_90, %get3A_90 : vector<512x32xf32>
    %reduce_sum3A_92 = arith.constant dense<0.000000e+00> : vector<512xf32>
    %reduce_sum3A_93 = vector.multi_reduction <add>, %mul3A_91, %reduce_sum3A_92 [1] : vector<512x32xf32> to vector<512xf32>
    %broadcast_in_dim3A_94 = vector.shape_cast %reduce_sum3A_93 : vector<512xf32> to vector<1x512xf32>
    %dot_general3A_95 = arith.constant dense<0.000000e+00> : vector<512x512xf32>
    %dot_general3A_96 = tpu.matmul %add3A, %get3A_90, %dot_general3A_95 {dimension_numbers = #tpu.dot_dimension_numbers<[1], [1], [0], [0], [0, 0, 1, 0], [], []>, transpose_lhs_hint = false} : vector<512x32xf32>, vector<512x32xf32>, vector<512x512xf32> -> vector<512x512xf32>
    %add3A_97 = vector.broadcast %broadcast_in_dim3A : vector<512x1xf32> to vector<512x512xf32>
    %add3A_98 = vector.broadcast %broadcast_in_dim3A_94 : vector<1x512xf32> to vector<512x512xf32>
    %add3A_99 = arith.addf %add3A_97, %add3A_98 : vector<512x512xf32>
    %sub3A_100 = arith.subf %add3A_99, %dot_general3A_96 : vector<512x512xf32>
    %reduce_min3A_101 = arith.constant dense<0x7F800000> : vector<512xf32>
    %reduce_min3A_102 = vector.multi_reduction <minimumf>, %sub3A_100, %reduce_min3A_101 [1] : vector<512x512xf32> to vector<512xf32>
    %broadcast_in_dim3A_103 = vector.shape_cast %reduce_min3A_102 : vector<512xf32> to vector<512x1xf32>
    %iota3A_104 = tpu.iota {dimensions = array<i32: 1>} : vector<1x512xi32>
    %convert_element_type3A_105 = arith.sitofp %iota3A_104 : vector<1x512xi32> to vector<1x512xf32>
    %le3A_106 = vector.broadcast %broadcast_in_dim3A_103 : vector<512x1xf32> to vector<512x512xf32>
    %le3A_107 = arith.cmpf ole, %sub3A_100, %le3A_106 : vector<512x512xf32>
    %jit3A_108 = arith.constant 5.120000e+02 : f32
    %broadcast_in_dim3A_109 = vector.shape_cast %convert_element_type3A_105 : vector<1x512xf32> to vector<1x512xf32>
    %broadcast_in_dim3A_110 = vector.broadcast %broadcast_in_dim3A_109 : vector<1x512xf32> to vector<512x512xf32>
    %broadcast_in_dim3A_111 = vector.broadcast %jit3A_108 : f32 to vector<512x512xf32>
    %select_n3A_112 = arith.select %le3A_107, %broadcast_in_dim3A_110, %broadcast_in_dim3A_111 : vector<512x512xi1>, vector<512x512xf32>
    %reduce_min3A_113 = arith.constant dense<0x7F800000> : vector<512xf32>
    %reduce_min3A_114 = vector.multi_reduction <minimumf>, %select_n3A_112, %reduce_min3A_113 [1] : vector<512x512xf32> to vector<512xf32>
    %convert_element_type3A_115 = arith.fptosi %reduce_min3A_114 : vector<512xf32> to vector<512xi32>
    %add3A_116 = arith.constant 1538 : i32
    %add3A_117 = vector.broadcast %add3A_116 : i32 to vector<512xi32>
    %add3A_118 = arith.addi %convert_element_type3A_115, %add3A_117 : vector<512xi32>
    %get3A_119 = arith.constant 2048 : index
    %get3A_120 = arith.constant 0 : index
    %get3A_121 = vector.load %arg2[%get3A_119, %get3A_120] : memref<8192x32xf32, #tpu.memory_space<vmem>>, vector<512x32xf32>
    %mul3A_122 = arith.mulf %get3A_121, %get3A_121 : vector<512x32xf32>
    %reduce_sum3A_123 = arith.constant dense<0.000000e+00> : vector<512xf32>
    %reduce_sum3A_124 = vector.multi_reduction <add>, %mul3A_122, %reduce_sum3A_123 [1] : vector<512x32xf32> to vector<512xf32>
    %broadcast_in_dim3A_125 = vector.shape_cast %reduce_sum3A_124 : vector<512xf32> to vector<1x512xf32>
    %dot_general3A_126 = arith.constant dense<0.000000e+00> : vector<512x512xf32>
    %dot_general3A_127 = tpu.matmul %add3A, %get3A_121, %dot_general3A_126 {dimension_numbers = #tpu.dot_dimension_numbers<[1], [1], [0], [0], [0, 0, 1, 0], [], []>, transpose_lhs_hint = false} : vector<512x32xf32>, vector<512x32xf32>, vector<512x512xf32> -> vector<512x512xf32>
    %add3A_128 = vector.broadcast %broadcast_in_dim3A : vector<512x1xf32> to vector<512x512xf32>
    %add3A_129 = vector.broadcast %broadcast_in_dim3A_125 : vector<1x512xf32> to vector<512x512xf32>
    %add3A_130 = arith.addf %add3A_128, %add3A_129 : vector<512x512xf32>
    %sub3A_131 = arith.subf %add3A_130, %dot_general3A_127 : vector<512x512xf32>
    %reduce_min3A_132 = arith.constant dense<0x7F800000> : vector<512xf32>
    %reduce_min3A_133 = vector.multi_reduction <minimumf>, %sub3A_131, %reduce_min3A_132 [1] : vector<512x512xf32> to vector<512xf32>
    %broadcast_in_dim3A_134 = vector.shape_cast %reduce_min3A_133 : vector<512xf32> to vector<512x1xf32>
    %iota3A_135 = tpu.iota {dimensions = array<i32: 1>} : vector<1x512xi32>
    %convert_element_type3A_136 = arith.sitofp %iota3A_135 : vector<1x512xi32> to vector<1x512xf32>
    %le3A_137 = vector.broadcast %broadcast_in_dim3A_134 : vector<512x1xf32> to vector<512x512xf32>
    %le3A_138 = arith.cmpf ole, %sub3A_131, %le3A_137 : vector<512x512xf32>
    %jit3A_139 = arith.constant 5.120000e+02 : f32
    %broadcast_in_dim3A_140 = vector.shape_cast %convert_element_type3A_136 : vector<1x512xf32> to vector<1x512xf32>
    %broadcast_in_dim3A_141 = vector.broadcast %broadcast_in_dim3A_140 : vector<1x512xf32> to vector<512x512xf32>
    %broadcast_in_dim3A_142 = vector.broadcast %jit3A_139 : f32 to vector<512x512xf32>
    %select_n3A_143 = arith.select %le3A_138, %broadcast_in_dim3A_141, %broadcast_in_dim3A_142 : vector<512x512xi1>, vector<512x512xf32>
    %reduce_min3A_144 = arith.constant dense<0x7F800000> : vector<512xf32>
    %reduce_min3A_145 = vector.multi_reduction <minimumf>, %select_n3A_143, %reduce_min3A_144 [1] : vector<512x512xf32> to vector<512xf32>
    %convert_element_type3A_146 = arith.fptosi %reduce_min3A_145 : vector<512xf32> to vector<512xi32>
    %add3A_147 = arith.constant 2050 : i32
    %add3A_148 = vector.broadcast %add3A_147 : i32 to vector<512xi32>
    %add3A_149 = arith.addi %convert_element_type3A_146, %add3A_148 : vector<512xi32>
    %get3A_150 = arith.constant 2560 : index
    %get3A_151 = arith.constant 0 : index
    %get3A_152 = vector.load %arg2[%get3A_150, %get3A_151] : memref<8192x32xf32, #tpu.memory_space<vmem>>, vector<512x32xf32>
    %mul3A_153 = arith.mulf %get3A_152, %get3A_152 : vector<512x32xf32>
    %reduce_sum3A_154 = arith.constant dense<0.000000e+00> : vector<512xf32>
    %reduce_sum3A_155 = vector.multi_reduction <add>, %mul3A_153, %reduce_sum3A_154 [1] : vector<512x32xf32> to vector<512xf32>
    %broadcast_in_dim3A_156 = vector.shape_cast %reduce_sum3A_155 : vector<512xf32> to vector<1x512xf32>
    %dot_general3A_157 = arith.constant dense<0.000000e+00> : vector<512x512xf32>
    %dot_general3A_158 = tpu.matmul %add3A, %get3A_152, %dot_general3A_157 {dimension_numbers = #tpu.dot_dimension_numbers<[1], [1], [0], [0], [0, 0, 1, 0], [], []>, transpose_lhs_hint = false} : vector<512x32xf32>, vector<512x32xf32>, vector<512x512xf32> -> vector<512x512xf32>
    %add3A_159 = vector.broadcast %broadcast_in_dim3A : vector<512x1xf32> to vector<512x512xf32>
    %add3A_160 = vector.broadcast %broadcast_in_dim3A_156 : vector<1x512xf32> to vector<512x512xf32>
    %add3A_161 = arith.addf %add3A_159, %add3A_160 : vector<512x512xf32>
    %sub3A_162 = arith.subf %add3A_161, %dot_general3A_158 : vector<512x512xf32>
    %reduce_min3A_163 = arith.constant dense<0x7F800000> : vector<512xf32>
    %reduce_min3A_164 = vector.multi_reduction <minimumf>, %sub3A_162, %reduce_min3A_163 [1] : vector<512x512xf32> to vector<512xf32>
    %broadcast_in_dim3A_165 = vector.shape_cast %reduce_min3A_164 : vector<512xf32> to vector<512x1xf32>
    %iota3A_166 = tpu.iota {dimensions = array<i32: 1>} : vector<1x512xi32>
    %convert_element_type3A_167 = arith.sitofp %iota3A_166 : vector<1x512xi32> to vector<1x512xf32>
    %le3A_168 = vector.broadcast %broadcast_in_dim3A_165 : vector<512x1xf32> to vector<512x512xf32>
    %le3A_169 = arith.cmpf ole, %sub3A_162, %le3A_168 : vector<512x512xf32>
    %jit3A_170 = arith.constant 5.120000e+02 : f32
    %broadcast_in_dim3A_171 = vector.shape_cast %convert_element_type3A_167 : vector<1x512xf32> to vector<1x512xf32>
    %broadcast_in_dim3A_172 = vector.broadcast %broadcast_in_dim3A_171 : vector<1x512xf32> to vector<512x512xf32>
    %broadcast_in_dim3A_173 = vector.broadcast %jit3A_170 : f32 to vector<512x512xf32>
    %select_n3A_174 = arith.select %le3A_169, %broadcast_in_dim3A_172, %broadcast_in_dim3A_173 : vector<512x512xi1>, vector<512x512xf32>
    %reduce_min3A_175 = arith.constant dense<0x7F800000> : vector<512xf32>
    %reduce_min3A_176 = vector.multi_reduction <minimumf>, %select_n3A_174, %reduce_min3A_175 [1] : vector<512x512xf32> to vector<512xf32>
    %convert_element_type3A_177 = arith.fptosi %reduce_min3A_176 : vector<512xf32> to vector<512xi32>
    %add3A_178 = arith.constant 2562 : i32
    %add3A_179 = vector.broadcast %add3A_178 : i32 to vector<512xi32>
    %add3A_180 = arith.addi %convert_element_type3A_177, %add3A_179 : vector<512xi32>
    %get3A_181 = arith.constant 3072 : index
    %get3A_182 = arith.constant 0 : index
    %get3A_183 = vector.load %arg2[%get3A_181, %get3A_182] : memref<8192x32xf32, #tpu.memory_space<vmem>>, vector<512x32xf32>
    %mul3A_184 = arith.mulf %get3A_183, %get3A_183 : vector<512x32xf32>
    %reduce_sum3A_185 = arith.constant dense<0.000000e+00> : vector<512xf32>
    %reduce_sum3A_186 = vector.multi_reduction <add>, %mul3A_184, %reduce_sum3A_185 [1] : vector<512x32xf32> to vector<512xf32>
    %broadcast_in_dim3A_187 = vector.shape_cast %reduce_sum3A_186 : vector<512xf32> to vector<1x512xf32>
    %dot_general3A_188 = arith.constant dense<0.000000e+00> : vector<512x512xf32>
    %dot_general3A_189 = tpu.matmul %add3A, %get3A_183, %dot_general3A_188 {dimension_numbers = #tpu.dot_dimension_numbers<[1], [1], [0], [0], [0, 0, 1, 0], [], []>, transpose_lhs_hint = false} : vector<512x32xf32>, vector<512x32xf32>, vector<512x512xf32> -> vector<512x512xf32>
    %add3A_190 = vector.broadcast %broadcast_in_dim3A : vector<512x1xf32> to vector<512x512xf32>
    %add3A_191 = vector.broadcast %broadcast_in_dim3A_187 : vector<1x512xf32> to vector<512x512xf32>
    %add3A_192 = arith.addf %add3A_190, %add3A_191 : vector<512x512xf32>
    %sub3A_193 = arith.subf %add3A_192, %dot_general3A_189 : vector<512x512xf32>
    %reduce_min3A_194 = arith.constant dense<0x7F800000> : vector<512xf32>
    %reduce_min3A_195 = vector.multi_reduction <minimumf>, %sub3A_193, %reduce_min3A_194 [1] : vector<512x512xf32> to vector<512xf32>
    %broadcast_in_dim3A_196 = vector.shape_cast %reduce_min3A_195 : vector<512xf32> to vector<512x1xf32>
    %iota3A_197 = tpu.iota {dimensions = array<i32: 1>} : vector<1x512xi32>
    %convert_element_type3A_198 = arith.sitofp %iota3A_197 : vector<1x512xi32> to vector<1x512xf32>
    %le3A_199 = vector.broadcast %broadcast_in_dim3A_196 : vector<512x1xf32> to vector<512x512xf32>
    %le3A_200 = arith.cmpf ole, %sub3A_193, %le3A_199 : vector<512x512xf32>
    %jit3A_201 = arith.constant 5.120000e+02 : f32
    %broadcast_in_dim3A_202 = vector.shape_cast %convert_element_type3A_198 : vector<1x512xf32> to vector<1x512xf32>
    %broadcast_in_dim3A_203 = vector.broadcast %broadcast_in_dim3A_202 : vector<1x512xf32> to vector<512x512xf32>
    %broadcast_in_dim3A_204 = vector.broadcast %jit3A_201 : f32 to vector<512x512xf32>
    %select_n3A_205 = arith.select %le3A_200, %broadcast_in_dim3A_203, %broadcast_in_dim3A_204 : vector<512x512xi1>, vector<512x512xf32>
    %reduce_min3A_206 = arith.constant dense<0x7F800000> : vector<512xf32>
    %reduce_min3A_207 = vector.multi_reduction <minimumf>, %select_n3A_205, %reduce_min3A_206 [1] : vector<512x512xf32> to vector<512xf32>
    %convert_element_type3A_208 = arith.fptosi %reduce_min3A_207 : vector<512xf32> to vector<512xi32>
    %add3A_209 = arith.constant 3074 : i32
    %add3A_210 = vector.broadcast %add3A_209 : i32 to vector<512xi32>
    %add3A_211 = arith.addi %convert_element_type3A_208, %add3A_210 : vector<512xi32>
    %get3A_212 = arith.constant 3584 : index
    %get3A_213 = arith.constant 0 : index
    %get3A_214 = vector.load %arg2[%get3A_212, %get3A_213] : memref<8192x32xf32, #tpu.memory_space<vmem>>, vector<512x32xf32>
    %mul3A_215 = arith.mulf %get3A_214, %get3A_214 : vector<512x32xf32>
    %reduce_sum3A_216 = arith.constant dense<0.000000e+00> : vector<512xf32>
    %reduce_sum3A_217 = vector.multi_reduction <add>, %mul3A_215, %reduce_sum3A_216 [1] : vector<512x32xf32> to vector<512xf32>
    %broadcast_in_dim3A_218 = vector.shape_cast %reduce_sum3A_217 : vector<512xf32> to vector<1x512xf32>
    %dot_general3A_219 = arith.constant dense<0.000000e+00> : vector<512x512xf32>
    %dot_general3A_220 = tpu.matmul %add3A, %get3A_214, %dot_general3A_219 {dimension_numbers = #tpu.dot_dimension_numbers<[1], [1], [0], [0], [0, 0, 1, 0], [], []>, transpose_lhs_hint = false} : vector<512x32xf32>, vector<512x32xf32>, vector<512x512xf32> -> vector<512x512xf32>
    %add3A_221 = vector.broadcast %broadcast_in_dim3A : vector<512x1xf32> to vector<512x512xf32>
    %add3A_222 = vector.broadcast %broadcast_in_dim3A_218 : vector<1x512xf32> to vector<512x512xf32>
    %add3A_223 = arith.addf %add3A_221, %add3A_222 : vector<512x512xf32>
    %sub3A_224 = arith.subf %add3A_223, %dot_general3A_220 : vector<512x512xf32>
    %reduce_min3A_225 = arith.constant dense<0x7F800000> : vector<512xf32>
    %reduce_min3A_226 = vector.multi_reduction <minimumf>, %sub3A_224, %reduce_min3A_225 [1] : vector<512x512xf32> to vector<512xf32>
    %broadcast_in_dim3A_227 = vector.shape_cast %reduce_min3A_226 : vector<512xf32> to vector<512x1xf32>
    %iota3A_228 = tpu.iota {dimensions = array<i32: 1>} : vector<1x512xi32>
    %convert_element_type3A_229 = arith.sitofp %iota3A_228 : vector<1x512xi32> to vector<1x512xf32>
    %le3A_230 = vector.broadcast %broadcast_in_dim3A_227 : vector<512x1xf32> to vector<512x512xf32>
    %le3A_231 = arith.cmpf ole, %sub3A_224, %le3A_230 : vector<512x512xf32>
    %jit3A_232 = arith.constant 5.120000e+02 : f32
    %broadcast_in_dim3A_233 = vector.shape_cast %convert_element_type3A_229 : vector<1x512xf32> to vector<1x512xf32>
    %broadcast_in_dim3A_234 = vector.broadcast %broadcast_in_dim3A_233 : vector<1x512xf32> to vector<512x512xf32>
    %broadcast_in_dim3A_235 = vector.broadcast %jit3A_232 : f32 to vector<512x512xf32>
    %select_n3A_236 = arith.select %le3A_231, %broadcast_in_dim3A_234, %broadcast_in_dim3A_235 : vector<512x512xi1>, vector<512x512xf32>
    %reduce_min3A_237 = arith.constant dense<0x7F800000> : vector<512xf32>
    %reduce_min3A_238 = vector.multi_reduction <minimumf>, %select_n3A_236, %reduce_min3A_237 [1] : vector<512x512xf32> to vector<512xf32>
    %convert_element_type3A_239 = arith.fptosi %reduce_min3A_238 : vector<512xf32> to vector<512xi32>
    %add3A_240 = arith.constant 3586 : i32
    %add3A_241 = vector.broadcast %add3A_240 : i32 to vector<512xi32>
    %add3A_242 = arith.addi %convert_element_type3A_239, %add3A_241 : vector<512xi32>
    %get3A_243 = arith.constant 4096 : index
    %get3A_244 = arith.constant 0 : index
    %get3A_245 = vector.load %arg2[%get3A_243, %get3A_244] : memref<8192x32xf32, #tpu.memory_space<vmem>>, vector<512x32xf32>
    %mul3A_246 = arith.mulf %get3A_245, %get3A_245 : vector<512x32xf32>
    %reduce_sum3A_247 = arith.constant dense<0.000000e+00> : vector<512xf32>
    %reduce_sum3A_248 = vector.multi_reduction <add>, %mul3A_246, %reduce_sum3A_247 [1] : vector<512x32xf32> to vector<512xf32>
    %broadcast_in_dim3A_249 = vector.shape_cast %reduce_sum3A_248 : vector<512xf32> to vector<1x512xf32>
    %dot_general3A_250 = arith.constant dense<0.000000e+00> : vector<512x512xf32>
    %dot_general3A_251 = tpu.matmul %add3A, %get3A_245, %dot_general3A_250 {dimension_numbers = #tpu.dot_dimension_numbers<[1], [1], [0], [0], [0, 0, 1, 0], [], []>, transpose_lhs_hint = false} : vector<512x32xf32>, vector<512x32xf32>, vector<512x512xf32> -> vector<512x512xf32>
    %add3A_252 = vector.broadcast %broadcast_in_dim3A : vector<512x1xf32> to vector<512x512xf32>
    %add3A_253 = vector.broadcast %broadcast_in_dim3A_249 : vector<1x512xf32> to vector<512x512xf32>
    %add3A_254 = arith.addf %add3A_252, %add3A_253 : vector<512x512xf32>
    %sub3A_255 = arith.subf %add3A_254, %dot_general3A_251 : vector<512x512xf32>
    %reduce_min3A_256 = arith.constant dense<0x7F800000> : vector<512xf32>
    %reduce_min3A_257 = vector.multi_reduction <minimumf>, %sub3A_255, %reduce_min3A_256 [1] : vector<512x512xf32> to vector<512xf32>
    %broadcast_in_dim3A_258 = vector.shape_cast %reduce_min3A_257 : vector<512xf32> to vector<512x1xf32>
    %iota3A_259 = tpu.iota {dimensions = array<i32: 1>} : vector<1x512xi32>
    %convert_element_type3A_260 = arith.sitofp %iota3A_259 : vector<1x512xi32> to vector<1x512xf32>
    %le3A_261 = vector.broadcast %broadcast_in_dim3A_258 : vector<512x1xf32> to vector<512x512xf32>
    %le3A_262 = arith.cmpf ole, %sub3A_255, %le3A_261 : vector<512x512xf32>
    %jit3A_263 = arith.constant 5.120000e+02 : f32
    %broadcast_in_dim3A_264 = vector.shape_cast %convert_element_type3A_260 : vector<1x512xf32> to vector<1x512xf32>
    %broadcast_in_dim3A_265 = vector.broadcast %broadcast_in_dim3A_264 : vector<1x512xf32> to vector<512x512xf32>
    %broadcast_in_dim3A_266 = vector.broadcast %jit3A_263 : f32 to vector<512x512xf32>
    %select_n3A_267 = arith.select %le3A_262, %broadcast_in_dim3A_265, %broadcast_in_dim3A_266 : vector<512x512xi1>, vector<512x512xf32>
    %reduce_min3A_268 = arith.constant dense<0x7F800000> : vector<512xf32>
    %reduce_min3A_269 = vector.multi_reduction <minimumf>, %select_n3A_267, %reduce_min3A_268 [1] : vector<512x512xf32> to vector<512xf32>
    %convert_element_type3A_270 = arith.fptosi %reduce_min3A_269 : vector<512xf32> to vector<512xi32>
    %add3A_271 = arith.constant 4098 : i32
    %add3A_272 = vector.broadcast %add3A_271 : i32 to vector<512xi32>
    %add3A_273 = arith.addi %convert_element_type3A_270, %add3A_272 : vector<512xi32>
    %get3A_274 = arith.constant 4608 : index
    %get3A_275 = arith.constant 0 : index
    %get3A_276 = vector.load %arg2[%get3A_274, %get3A_275] : memref<8192x32xf32, #tpu.memory_space<vmem>>, vector<512x32xf32>
    %mul3A_277 = arith.mulf %get3A_276, %get3A_276 : vector<512x32xf32>
    %reduce_sum3A_278 = arith.constant dense<0.000000e+00> : vector<512xf32>
    %reduce_sum3A_279 = vector.multi_reduction <add>, %mul3A_277, %reduce_sum3A_278 [1] : vector<512x32xf32> to vector<512xf32>
    %broadcast_in_dim3A_280 = vector.shape_cast %reduce_sum3A_279 : vector<512xf32> to vector<1x512xf32>
    %dot_general3A_281 = arith.constant dense<0.000000e+00> : vector<512x512xf32>
    %dot_general3A_282 = tpu.matmul %add3A, %get3A_276, %dot_general3A_281 {dimension_numbers = #tpu.dot_dimension_numbers<[1], [1], [0], [0], [0, 0, 1, 0], [], []>, transpose_lhs_hint = false} : vector<512x32xf32>, vector<512x32xf32>, vector<512x512xf32> -> vector<512x512xf32>
    %add3A_283 = vector.broadcast %broadcast_in_dim3A : vector<512x1xf32> to vector<512x512xf32>
    %add3A_284 = vector.broadcast %broadcast_in_dim3A_280 : vector<1x512xf32> to vector<512x512xf32>
    %add3A_285 = arith.addf %add3A_283, %add3A_284 : vector<512x512xf32>
    %sub3A_286 = arith.subf %add3A_285, %dot_general3A_282 : vector<512x512xf32>
    %reduce_min3A_287 = arith.constant dense<0x7F800000> : vector<512xf32>
    %reduce_min3A_288 = vector.multi_reduction <minimumf>, %sub3A_286, %reduce_min3A_287 [1] : vector<512x512xf32> to vector<512xf32>
    %broadcast_in_dim3A_289 = vector.shape_cast %reduce_min3A_288 : vector<512xf32> to vector<512x1xf32>
    %iota3A_290 = tpu.iota {dimensions = array<i32: 1>} : vector<1x512xi32>
    %convert_element_type3A_291 = arith.sitofp %iota3A_290 : vector<1x512xi32> to vector<1x512xf32>
    %le3A_292 = vector.broadcast %broadcast_in_dim3A_289 : vector<512x1xf32> to vector<512x512xf32>
    %le3A_293 = arith.cmpf ole, %sub3A_286, %le3A_292 : vector<512x512xf32>
    %jit3A_294 = arith.constant 5.120000e+02 : f32
    %broadcast_in_dim3A_295 = vector.shape_cast %convert_element_type3A_291 : vector<1x512xf32> to vector<1x512xf32>
    %broadcast_in_dim3A_296 = vector.broadcast %broadcast_in_dim3A_295 : vector<1x512xf32> to vector<512x512xf32>
    %broadcast_in_dim3A_297 = vector.broadcast %jit3A_294 : f32 to vector<512x512xf32>
    %select_n3A_298 = arith.select %le3A_293, %broadcast_in_dim3A_296, %broadcast_in_dim3A_297 : vector<512x512xi1>, vector<512x512xf32>
    %reduce_min3A_299 = arith.constant dense<0x7F800000> : vector<512xf32>
    %reduce_min3A_300 = vector.multi_reduction <minimumf>, %select_n3A_298, %reduce_min3A_299 [1] : vector<512x512xf32> to vector<512xf32>
    %convert_element_type3A_301 = arith.fptosi %reduce_min3A_300 : vector<512xf32> to vector<512xi32>
    %add3A_302 = arith.constant 4610 : i32
    %add3A_303 = vector.broadcast %add3A_302 : i32 to vector<512xi32>
    %add3A_304 = arith.addi %convert_element_type3A_301, %add3A_303 : vector<512xi32>
    %get3A_305 = arith.constant 5120 : index
    %get3A_306 = arith.constant 0 : index
    %get3A_307 = vector.load %arg2[%get3A_305, %get3A_306] : memref<8192x32xf32, #tpu.memory_space<vmem>>, vector<512x32xf32>
    %mul3A_308 = arith.mulf %get3A_307, %get3A_307 : vector<512x32xf32>
    %reduce_sum3A_309 = arith.constant dense<0.000000e+00> : vector<512xf32>
    %reduce_sum3A_310 = vector.multi_reduction <add>, %mul3A_308, %reduce_sum3A_309 [1] : vector<512x32xf32> to vector<512xf32>
    %broadcast_in_dim3A_311 = vector.shape_cast %reduce_sum3A_310 : vector<512xf32> to vector<1x512xf32>
    %dot_general3A_312 = arith.constant dense<0.000000e+00> : vector<512x512xf32>
    %dot_general3A_313 = tpu.matmul %add3A, %get3A_307, %dot_general3A_312 {dimension_numbers = #tpu.dot_dimension_numbers<[1], [1], [0], [0], [0, 0, 1, 0], [], []>, transpose_lhs_hint = false} : vector<512x32xf32>, vector<512x32xf32>, vector<512x512xf32> -> vector<512x512xf32>
    %add3A_314 = vector.broadcast %broadcast_in_dim3A : vector<512x1xf32> to vector<512x512xf32>
    %add3A_315 = vector.broadcast %broadcast_in_dim3A_311 : vector<1x512xf32> to vector<512x512xf32>
    %add3A_316 = arith.addf %add3A_314, %add3A_315 : vector<512x512xf32>
    %sub3A_317 = arith.subf %add3A_316, %dot_general3A_313 : vector<512x512xf32>
    %reduce_min3A_318 = arith.constant dense<0x7F800000> : vector<512xf32>
    %reduce_min3A_319 = vector.multi_reduction <minimumf>, %sub3A_317, %reduce_min3A_318 [1] : vector<512x512xf32> to vector<512xf32>
    %broadcast_in_dim3A_320 = vector.shape_cast %reduce_min3A_319 : vector<512xf32> to vector<512x1xf32>
    %iota3A_321 = tpu.iota {dimensions = array<i32: 1>} : vector<1x512xi32>
    %convert_element_type3A_322 = arith.sitofp %iota3A_321 : vector<1x512xi32> to vector<1x512xf32>
    %le3A_323 = vector.broadcast %broadcast_in_dim3A_320 : vector<512x1xf32> to vector<512x512xf32>
    %le3A_324 = arith.cmpf ole, %sub3A_317, %le3A_323 : vector<512x512xf32>
    %jit3A_325 = arith.constant 5.120000e+02 : f32
    %broadcast_in_dim3A_326 = vector.shape_cast %convert_element_type3A_322 : vector<1x512xf32> to vector<1x512xf32>
    %broadcast_in_dim3A_327 = vector.broadcast %broadcast_in_dim3A_326 : vector<1x512xf32> to vector<512x512xf32>
    %broadcast_in_dim3A_328 = vector.broadcast %jit3A_325 : f32 to vector<512x512xf32>
    %select_n3A_329 = arith.select %le3A_324, %broadcast_in_dim3A_327, %broadcast_in_dim3A_328 : vector<512x512xi1>, vector<512x512xf32>
    %reduce_min3A_330 = arith.constant dense<0x7F800000> : vector<512xf32>
    %reduce_min3A_331 = vector.multi_reduction <minimumf>, %select_n3A_329, %reduce_min3A_330 [1] : vector<512x512xf32> to vector<512xf32>
    %convert_element_type3A_332 = arith.fptosi %reduce_min3A_331 : vector<512xf32> to vector<512xi32>
    %add3A_333 = arith.constant 5122 : i32
    %add3A_334 = vector.broadcast %add3A_333 : i32 to vector<512xi32>
    %add3A_335 = arith.addi %convert_element_type3A_332, %add3A_334 : vector<512xi32>
    %get3A_336 = arith.constant 5632 : index
    %get3A_337 = arith.constant 0 : index
    %get3A_338 = vector.load %arg2[%get3A_336, %get3A_337] : memref<8192x32xf32, #tpu.memory_space<vmem>>, vector<512x32xf32>
    %mul3A_339 = arith.mulf %get3A_338, %get3A_338 : vector<512x32xf32>
    %reduce_sum3A_340 = arith.constant dense<0.000000e+00> : vector<512xf32>
    %reduce_sum3A_341 = vector.multi_reduction <add>, %mul3A_339, %reduce_sum3A_340 [1] : vector<512x32xf32> to vector<512xf32>
    %broadcast_in_dim3A_342 = vector.shape_cast %reduce_sum3A_341 : vector<512xf32> to vector<1x512xf32>
    %dot_general3A_343 = arith.constant dense<0.000000e+00> : vector<512x512xf32>
    %dot_general3A_344 = tpu.matmul %add3A, %get3A_338, %dot_general3A_343 {dimension_numbers = #tpu.dot_dimension_numbers<[1], [1], [0], [0], [0, 0, 1, 0], [], []>, transpose_lhs_hint = false} : vector<512x32xf32>, vector<512x32xf32>, vector<512x512xf32> -> vector<512x512xf32>
    %add3A_345 = vector.broadcast %broadcast_in_dim3A : vector<512x1xf32> to vector<512x512xf32>
    %add3A_346 = vector.broadcast %broadcast_in_dim3A_342 : vector<1x512xf32> to vector<512x512xf32>
    %add3A_347 = arith.addf %add3A_345, %add3A_346 : vector<512x512xf32>
    %sub3A_348 = arith.subf %add3A_347, %dot_general3A_344 : vector<512x512xf32>
    %reduce_min3A_349 = arith.constant dense<0x7F800000> : vector<512xf32>
    %reduce_min3A_350 = vector.multi_reduction <minimumf>, %sub3A_348, %reduce_min3A_349 [1] : vector<512x512xf32> to vector<512xf32>
    %broadcast_in_dim3A_351 = vector.shape_cast %reduce_min3A_350 : vector<512xf32> to vector<512x1xf32>
    %iota3A_352 = tpu.iota {dimensions = array<i32: 1>} : vector<1x512xi32>
    %convert_element_type3A_353 = arith.sitofp %iota3A_352 : vector<1x512xi32> to vector<1x512xf32>
    %le3A_354 = vector.broadcast %broadcast_in_dim3A_351 : vector<512x1xf32> to vector<512x512xf32>
    %le3A_355 = arith.cmpf ole, %sub3A_348, %le3A_354 : vector<512x512xf32>
    %jit3A_356 = arith.constant 5.120000e+02 : f32
    %broadcast_in_dim3A_357 = vector.shape_cast %convert_element_type3A_353 : vector<1x512xf32> to vector<1x512xf32>
    %broadcast_in_dim3A_358 = vector.broadcast %broadcast_in_dim3A_357 : vector<1x512xf32> to vector<512x512xf32>
    %broadcast_in_dim3A_359 = vector.broadcast %jit3A_356 : f32 to vector<512x512xf32>
    %select_n3A_360 = arith.select %le3A_355, %broadcast_in_dim3A_358, %broadcast_in_dim3A_359 : vector<512x512xi1>, vector<512x512xf32>
    %reduce_min3A_361 = arith.constant dense<0x7F800000> : vector<512xf32>
    %reduce_min3A_362 = vector.multi_reduction <minimumf>, %select_n3A_360, %reduce_min3A_361 [1] : vector<512x512xf32> to vector<512xf32>
    %convert_element_type3A_363 = arith.fptosi %reduce_min3A_362 : vector<512xf32> to vector<512xi32>
    %add3A_364 = arith.constant 5634 : i32
    %add3A_365 = vector.broadcast %add3A_364 : i32 to vector<512xi32>
    %add3A_366 = arith.addi %convert_element_type3A_363, %add3A_365 : vector<512xi32>
    %get3A_367 = arith.constant 6144 : index
    %get3A_368 = arith.constant 0 : index
    %get3A_369 = vector.load %arg2[%get3A_367, %get3A_368] : memref<8192x32xf32, #tpu.memory_space<vmem>>, vector<512x32xf32>
    %mul3A_370 = arith.mulf %get3A_369, %get3A_369 : vector<512x32xf32>
    %reduce_sum3A_371 = arith.constant dense<0.000000e+00> : vector<512xf32>
    %reduce_sum3A_372 = vector.multi_reduction <add>, %mul3A_370, %reduce_sum3A_371 [1] : vector<512x32xf32> to vector<512xf32>
    %broadcast_in_dim3A_373 = vector.shape_cast %reduce_sum3A_372 : vector<512xf32> to vector<1x512xf32>
    %dot_general3A_374 = arith.constant dense<0.000000e+00> : vector<512x512xf32>
    %dot_general3A_375 = tpu.matmul %add3A, %get3A_369, %dot_general3A_374 {dimension_numbers = #tpu.dot_dimension_numbers<[1], [1], [0], [0], [0, 0, 1, 0], [], []>, transpose_lhs_hint = false} : vector<512x32xf32>, vector<512x32xf32>, vector<512x512xf32> -> vector<512x512xf32>
    %add3A_376 = vector.broadcast %broadcast_in_dim3A : vector<512x1xf32> to vector<512x512xf32>
    %add3A_377 = vector.broadcast %broadcast_in_dim3A_373 : vector<1x512xf32> to vector<512x512xf32>
    %add3A_378 = arith.addf %add3A_376, %add3A_377 : vector<512x512xf32>
    %sub3A_379 = arith.subf %add3A_378, %dot_general3A_375 : vector<512x512xf32>
    %reduce_min3A_380 = arith.constant dense<0x7F800000> : vector<512xf32>
    %reduce_min3A_381 = vector.multi_reduction <minimumf>, %sub3A_379, %reduce_min3A_380 [1] : vector<512x512xf32> to vector<512xf32>
    %broadcast_in_dim3A_382 = vector.shape_cast %reduce_min3A_381 : vector<512xf32> to vector<512x1xf32>
    %iota3A_383 = tpu.iota {dimensions = array<i32: 1>} : vector<1x512xi32>
    %convert_element_type3A_384 = arith.sitofp %iota3A_383 : vector<1x512xi32> to vector<1x512xf32>
    %le3A_385 = vector.broadcast %broadcast_in_dim3A_382 : vector<512x1xf32> to vector<512x512xf32>
    %le3A_386 = arith.cmpf ole, %sub3A_379, %le3A_385 : vector<512x512xf32>
    %jit3A_387 = arith.constant 5.120000e+02 : f32
    %broadcast_in_dim3A_388 = vector.shape_cast %convert_element_type3A_384 : vector<1x512xf32> to vector<1x512xf32>
    %broadcast_in_dim3A_389 = vector.broadcast %broadcast_in_dim3A_388 : vector<1x512xf32> to vector<512x512xf32>
    %broadcast_in_dim3A_390 = vector.broadcast %jit3A_387 : f32 to vector<512x512xf32>
    %select_n3A_391 = arith.select %le3A_386, %broadcast_in_dim3A_389, %broadcast_in_dim3A_390 : vector<512x512xi1>, vector<512x512xf32>
    %reduce_min3A_392 = arith.constant dense<0x7F800000> : vector<512xf32>
    %reduce_min3A_393 = vector.multi_reduction <minimumf>, %select_n3A_391, %reduce_min3A_392 [1] : vector<512x512xf32> to vector<512xf32>
    %convert_element_type3A_394 = arith.fptosi %reduce_min3A_393 : vector<512xf32> to vector<512xi32>
    %add3A_395 = arith.constant 6146 : i32
    %add3A_396 = vector.broadcast %add3A_395 : i32 to vector<512xi32>
    %add3A_397 = arith.addi %convert_element_type3A_394, %add3A_396 : vector<512xi32>
    %get3A_398 = arith.constant 6656 : index
    %get3A_399 = arith.constant 0 : index
    %get3A_400 = vector.load %arg2[%get3A_398, %get3A_399] : memref<8192x32xf32, #tpu.memory_space<vmem>>, vector<512x32xf32>
    %mul3A_401 = arith.mulf %get3A_400, %get3A_400 : vector<512x32xf32>
    %reduce_sum3A_402 = arith.constant dense<0.000000e+00> : vector<512xf32>
    %reduce_sum3A_403 = vector.multi_reduction <add>, %mul3A_401, %reduce_sum3A_402 [1] : vector<512x32xf32> to vector<512xf32>
    %broadcast_in_dim3A_404 = vector.shape_cast %reduce_sum3A_403 : vector<512xf32> to vector<1x512xf32>
    %dot_general3A_405 = arith.constant dense<0.000000e+00> : vector<512x512xf32>
    %dot_general3A_406 = tpu.matmul %add3A, %get3A_400, %dot_general3A_405 {dimension_numbers = #tpu.dot_dimension_numbers<[1], [1], [0], [0], [0, 0, 1, 0], [], []>, transpose_lhs_hint = false} : vector<512x32xf32>, vector<512x32xf32>, vector<512x512xf32> -> vector<512x512xf32>
    %add3A_407 = vector.broadcast %broadcast_in_dim3A : vector<512x1xf32> to vector<512x512xf32>
    %add3A_408 = vector.broadcast %broadcast_in_dim3A_404 : vector<1x512xf32> to vector<512x512xf32>
    %add3A_409 = arith.addf %add3A_407, %add3A_408 : vector<512x512xf32>
    %sub3A_410 = arith.subf %add3A_409, %dot_general3A_406 : vector<512x512xf32>
    %reduce_min3A_411 = arith.constant dense<0x7F800000> : vector<512xf32>
    %reduce_min3A_412 = vector.multi_reduction <minimumf>, %sub3A_410, %reduce_min3A_411 [1] : vector<512x512xf32> to vector<512xf32>
    %broadcast_in_dim3A_413 = vector.shape_cast %reduce_min3A_412 : vector<512xf32> to vector<512x1xf32>
    %iota3A_414 = tpu.iota {dimensions = array<i32: 1>} : vector<1x512xi32>
    %convert_element_type3A_415 = arith.sitofp %iota3A_414 : vector<1x512xi32> to vector<1x512xf32>
    %le3A_416 = vector.broadcast %broadcast_in_dim3A_413 : vector<512x1xf32> to vector<512x512xf32>
    %le3A_417 = arith.cmpf ole, %sub3A_410, %le3A_416 : vector<512x512xf32>
    %jit3A_418 = arith.constant 5.120000e+02 : f32
    %broadcast_in_dim3A_419 = vector.shape_cast %convert_element_type3A_415 : vector<1x512xf32> to vector<1x512xf32>
    %broadcast_in_dim3A_420 = vector.broadcast %broadcast_in_dim3A_419 : vector<1x512xf32> to vector<512x512xf32>
    %broadcast_in_dim3A_421 = vector.broadcast %jit3A_418 : f32 to vector<512x512xf32>
    %select_n3A_422 = arith.select %le3A_417, %broadcast_in_dim3A_420, %broadcast_in_dim3A_421 : vector<512x512xi1>, vector<512x512xf32>
    %reduce_min3A_423 = arith.constant dense<0x7F800000> : vector<512xf32>
    %reduce_min3A_424 = vector.multi_reduction <minimumf>, %select_n3A_422, %reduce_min3A_423 [1] : vector<512x512xf32> to vector<512xf32>
    %convert_element_type3A_425 = arith.fptosi %reduce_min3A_424 : vector<512xf32> to vector<512xi32>
    %add3A_426 = arith.constant 6658 : i32
    %add3A_427 = vector.broadcast %add3A_426 : i32 to vector<512xi32>
    %add3A_428 = arith.addi %convert_element_type3A_425, %add3A_427 : vector<512xi32>
    %get3A_429 = arith.constant 7168 : index
    %get3A_430 = arith.constant 0 : index
    %get3A_431 = vector.load %arg2[%get3A_429, %get3A_430] : memref<8192x32xf32, #tpu.memory_space<vmem>>, vector<512x32xf32>
    %mul3A_432 = arith.mulf %get3A_431, %get3A_431 : vector<512x32xf32>
    %reduce_sum3A_433 = arith.constant dense<0.000000e+00> : vector<512xf32>
    %reduce_sum3A_434 = vector.multi_reduction <add>, %mul3A_432, %reduce_sum3A_433 [1] : vector<512x32xf32> to vector<512xf32>
    %broadcast_in_dim3A_435 = vector.shape_cast %reduce_sum3A_434 : vector<512xf32> to vector<1x512xf32>
    %dot_general3A_436 = arith.constant dense<0.000000e+00> : vector<512x512xf32>
    %dot_general3A_437 = tpu.matmul %add3A, %get3A_431, %dot_general3A_436 {dimension_numbers = #tpu.dot_dimension_numbers<[1], [1], [0], [0], [0, 0, 1, 0], [], []>, transpose_lhs_hint = false} : vector<512x32xf32>, vector<512x32xf32>, vector<512x512xf32> -> vector<512x512xf32>
    %add3A_438 = vector.broadcast %broadcast_in_dim3A : vector<512x1xf32> to vector<512x512xf32>
    %add3A_439 = vector.broadcast %broadcast_in_dim3A_435 : vector<1x512xf32> to vector<512x512xf32>
    %add3A_440 = arith.addf %add3A_438, %add3A_439 : vector<512x512xf32>
    %sub3A_441 = arith.subf %add3A_440, %dot_general3A_437 : vector<512x512xf32>
    %reduce_min3A_442 = arith.constant dense<0x7F800000> : vector<512xf32>
    %reduce_min3A_443 = vector.multi_reduction <minimumf>, %sub3A_441, %reduce_min3A_442 [1] : vector<512x512xf32> to vector<512xf32>
    %broadcast_in_dim3A_444 = vector.shape_cast %reduce_min3A_443 : vector<512xf32> to vector<512x1xf32>
    %iota3A_445 = tpu.iota {dimensions = array<i32: 1>} : vector<1x512xi32>
    %convert_element_type3A_446 = arith.sitofp %iota3A_445 : vector<1x512xi32> to vector<1x512xf32>
    %le3A_447 = vector.broadcast %broadcast_in_dim3A_444 : vector<512x1xf32> to vector<512x512xf32>
    %le3A_448 = arith.cmpf ole, %sub3A_441, %le3A_447 : vector<512x512xf32>
    %jit3A_449 = arith.constant 5.120000e+02 : f32
    %broadcast_in_dim3A_450 = vector.shape_cast %convert_element_type3A_446 : vector<1x512xf32> to vector<1x512xf32>
    %broadcast_in_dim3A_451 = vector.broadcast %broadcast_in_dim3A_450 : vector<1x512xf32> to vector<512x512xf32>
    %broadcast_in_dim3A_452 = vector.broadcast %jit3A_449 : f32 to vector<512x512xf32>
    %select_n3A_453 = arith.select %le3A_448, %broadcast_in_dim3A_451, %broadcast_in_dim3A_452 : vector<512x512xi1>, vector<512x512xf32>
    %reduce_min3A_454 = arith.constant dense<0x7F800000> : vector<512xf32>
    %reduce_min3A_455 = vector.multi_reduction <minimumf>, %select_n3A_453, %reduce_min3A_454 [1] : vector<512x512xf32> to vector<512xf32>
    %convert_element_type3A_456 = arith.fptosi %reduce_min3A_455 : vector<512xf32> to vector<512xi32>
    %add3A_457 = arith.constant 7170 : i32
    %add3A_458 = vector.broadcast %add3A_457 : i32 to vector<512xi32>
    %add3A_459 = arith.addi %convert_element_type3A_456, %add3A_458 : vector<512xi32>
    %get3A_460 = arith.constant 7680 : index
    %get3A_461 = arith.constant 0 : index
    %get3A_462 = vector.load %arg2[%get3A_460, %get3A_461] : memref<8192x32xf32, #tpu.memory_space<vmem>>, vector<512x32xf32>
    %mul3A_463 = arith.mulf %get3A_462, %get3A_462 : vector<512x32xf32>
    %reduce_sum3A_464 = arith.constant dense<0.000000e+00> : vector<512xf32>
    %reduce_sum3A_465 = vector.multi_reduction <add>, %mul3A_463, %reduce_sum3A_464 [1] : vector<512x32xf32> to vector<512xf32>
    %broadcast_in_dim3A_466 = vector.shape_cast %reduce_sum3A_465 : vector<512xf32> to vector<1x512xf32>
    %dot_general3A_467 = arith.constant dense<0.000000e+00> : vector<512x512xf32>
    %dot_general3A_468 = tpu.matmul %add3A, %get3A_462, %dot_general3A_467 {dimension_numbers = #tpu.dot_dimension_numbers<[1], [1], [0], [0], [0, 0, 1, 0], [], []>, transpose_lhs_hint = false} : vector<512x32xf32>, vector<512x32xf32>, vector<512x512xf32> -> vector<512x512xf32>
    %add3A_469 = vector.broadcast %broadcast_in_dim3A : vector<512x1xf32> to vector<512x512xf32>
    %add3A_470 = vector.broadcast %broadcast_in_dim3A_466 : vector<1x512xf32> to vector<512x512xf32>
    %add3A_471 = arith.addf %add3A_469, %add3A_470 : vector<512x512xf32>
    %sub3A_472 = arith.subf %add3A_471, %dot_general3A_468 : vector<512x512xf32>
    %reduce_min3A_473 = arith.constant dense<0x7F800000> : vector<512xf32>
    %reduce_min3A_474 = vector.multi_reduction <minimumf>, %sub3A_472, %reduce_min3A_473 [1] : vector<512x512xf32> to vector<512xf32>
    %broadcast_in_dim3A_475 = vector.shape_cast %reduce_min3A_474 : vector<512xf32> to vector<512x1xf32>
    %iota3A_476 = tpu.iota {dimensions = array<i32: 1>} : vector<1x512xi32>
    %convert_element_type3A_477 = arith.sitofp %iota3A_476 : vector<1x512xi32> to vector<1x512xf32>
    %le3A_478 = vector.broadcast %broadcast_in_dim3A_475 : vector<512x1xf32> to vector<512x512xf32>
    %le3A_479 = arith.cmpf ole, %sub3A_472, %le3A_478 : vector<512x512xf32>
    %jit3A_480 = arith.constant 5.120000e+02 : f32
    %broadcast_in_dim3A_481 = vector.shape_cast %convert_element_type3A_477 : vector<1x512xf32> to vector<1x512xf32>
    %broadcast_in_dim3A_482 = vector.broadcast %broadcast_in_dim3A_481 : vector<1x512xf32> to vector<512x512xf32>
    %broadcast_in_dim3A_483 = vector.broadcast %jit3A_480 : f32 to vector<512x512xf32>
    %select_n3A_484 = arith.select %le3A_479, %broadcast_in_dim3A_482, %broadcast_in_dim3A_483 : vector<512x512xi1>, vector<512x512xf32>
    %reduce_min3A_485 = arith.constant dense<0x7F800000> : vector<512xf32>
    %reduce_min3A_486 = vector.multi_reduction <minimumf>, %select_n3A_484, %reduce_min3A_485 [1] : vector<512x512xf32> to vector<512xf32>
    %convert_element_type3A_487 = arith.fptosi %reduce_min3A_486 : vector<512xf32> to vector<512xi32>
    %add3A_488 = arith.constant 7682 : i32
    %add3A_489 = vector.broadcast %add3A_488 : i32 to vector<512xi32>
    %add3A_490 = arith.addi %convert_element_type3A_487, %add3A_489 : vector<512xi32>
    %stack3A = vector.shape_cast %add3A_25 : vector<512xi32> to vector<1x512xi32>
    %stack3A_491 = vector.shape_cast %add3A_56 : vector<512xi32> to vector<1x512xi32>
    %stack3A_492 = vector.shape_cast %add3A_87 : vector<512xi32> to vector<1x512xi32>
    %stack3A_493 = vector.shape_cast %add3A_118 : vector<512xi32> to vector<1x512xi32>
    %stack3A_494 = vector.shape_cast %add3A_149 : vector<512xi32> to vector<1x512xi32>
    %stack3A_495 = vector.shape_cast %add3A_180 : vector<512xi32> to vector<1x512xi32>
    %stack3A_496 = vector.shape_cast %add3A_211 : vector<512xi32> to vector<1x512xi32>
    %stack3A_497 = vector.shape_cast %add3A_242 : vector<512xi32> to vector<1x512xi32>
    %stack3A_498 = vector.shape_cast %add3A_273 : vector<512xi32> to vector<1x512xi32>
    %stack3A_499 = vector.shape_cast %add3A_304 : vector<512xi32> to vector<1x512xi32>
    %stack3A_500 = vector.shape_cast %add3A_335 : vector<512xi32> to vector<1x512xi32>
    %stack3A_501 = vector.shape_cast %add3A_366 : vector<512xi32> to vector<1x512xi32>
    %stack3A_502 = vector.shape_cast %add3A_397 : vector<512xi32> to vector<1x512xi32>
    %stack3A_503 = vector.shape_cast %add3A_428 : vector<512xi32> to vector<1x512xi32>
    %stack3A_504 = vector.shape_cast %add3A_459 : vector<512xi32> to vector<1x512xi32>
    %stack3A_505 = vector.shape_cast %add3A_490 : vector<512xi32> to vector<1x512xi32>
    %stack3A_506 = tpu.concatenate %stack3A, %stack3A_491, %stack3A_492, %stack3A_493, %stack3A_494, %stack3A_495, %stack3A_496, %stack3A_497, %stack3A_498, %stack3A_499, %stack3A_500, %stack3A_501, %stack3A_502, %stack3A_503, %stack3A_504, %stack3A_505 in 0 : vector<1x512xi32>, vector<1x512xi32>, vector<1x512xi32>, vector<1x512xi32>, vector<1x512xi32>, vector<1x512xi32>, vector<1x512xi32>, vector<1x512xi32>, vector<1x512xi32>, vector<1x512xi32>, vector<1x512xi32>, vector<1x512xi32>, vector<1x512xi32>, vector<1x512xi32>, vector<1x512xi32>, vector<1x512xi32> -> vector<16x512xi32>
    %swap3A = arith.constant 0 : index
    %swap3A_507 = arith.constant 0 : index
    %swap3A_508 = vector.load %arg3[%swap3A, %swap3A_507] : memref<16x512xi32, #tpu.memory_space<vmem>>, vector<16x512xi32>
    tpu.vector_store %arg3[%swap3A, %swap3A_507], %stack3A_506 {strides = array<i32>} : memref<16x512xi32, #tpu.memory_space<vmem>>, vector<16x512xi32>,
    return
  }
  func.func @transform_0(%arg0: i32) -> (i32, i32) {
    %add3A = arith.constant 24 : i32
    %add3A_0 = arith.addi %arg0, %add3A : i32
    %c0_i32 = arith.constant 0 : i32
    %c0_i32_1 = arith.constant 0 : i32
    return %add3A_0, %c0_i32 : i32, i32
  }
  func.func @transform_1(%arg0: i32) -> (i32, i32) {
    %c0_i32 = arith.constant 0 : i32
    %c0_i32_0 = arith.constant 0 : i32
    %c0_i32_1 = arith.constant 0 : i32
    return %c0_i32, %c0_i32_0 : i32, i32
  }
  func.func @transform_2(%arg0: i32) -> (i32, i32) {
    %c0_i32 = arith.constant 0 : i32
    %c0_i32_0 = arith.constant 0 : i32
    return %c0_i32, %arg0 : i32, i32
  }
}

module attributes {stable_mosaic.version = 14 : i64} {
  func.func @_tc_argmin_body(%arg0: i32, %arg1: memref<512x32xf32, #tpu.memory_space<vmem>>, %arg2: memref<8192x32xf32, #tpu.memory_space<vmem>>, %arg3: memref<16x512xi32, #tpu.memory_space<vmem>>) attributes {dimension_semantics = [#tpu.dimension_semantics<arbitrary>], iteration_bounds = array<i64: 8>, scalar_prefetch = 0 : i64, scratch_operands = 0 : i64, tpu.core_type = #tpu.core_type<tc>, window_params = [{transform_indices = @transform_0, window_bounds = array<i64: 512, 32>}, {pipeline_mode = #tpu.pipeline_mode<synchronous>, transform_indices = @transform_1, window_bounds = array<i64: 8192, 32>}, {transform_indices = @transform_2, window_bounds = array<i64: 16, 512>}]} {
    %get3A = arith.constant 0 : index
    %get3A_0 = arith.constant 0 : index
    %get3A_1 = vector.load %arg1[%get3A, %get3A_0] : memref<512x32xf32, #tpu.memory_space<vmem>>, vector<512x32xf32>
    %mul3A = arith.mulf %get3A_1, %get3A_1 : vector<512x32xf32>
    %reduce_sum3A = arith.constant dense<0.000000e+00> : vector<512xf32>
    %reduce_sum3A_2 = vector.multi_reduction <add>, %mul3A, %reduce_sum3A [1] : vector<512x32xf32> to vector<512xf32>
    %broadcast_in_dim3A = vector.shape_cast %reduce_sum3A_2 : vector<512xf32> to vector<512x1xf32>
    %add3A = arith.addf %get3A_1, %get3A_1 : vector<512x32xf32>
    %get3A_3 = arith.constant 0 : index
    %get3A_4 = arith.constant 0 : index
    %get3A_5 = vector.load %arg2[%get3A_3, %get3A_4] : memref<8192x32xf32, #tpu.memory_space<vmem>>, vector<512x32xf32>
    %mul3A_6 = arith.mulf %get3A_5, %get3A_5 : vector<512x32xf32>
    %reduce_sum3A_7 = arith.constant dense<0.000000e+00> : vector<512xf32>
    %reduce_sum3A_8 = vector.multi_reduction <add>, %mul3A_6, %reduce_sum3A_7 [1] : vector<512x32xf32> to vector<512xf32>
    %broadcast_in_dim3A_9 = vector.shape_cast %reduce_sum3A_8 : vector<512xf32> to vector<1x512xf32>
    %dot_general3A = arith.constant dense<0.000000e+00> : vector<512x512xf32>
    %dot_general3A_10 = tpu.matmul %add3A, %get3A_5, %dot_general3A {dimension_numbers = #tpu.dot_dimension_numbers<[1], [1], [0], [0], [0, 0, 1, 0], [], []>, transpose_lhs_hint = false} : vector<512x32xf32>, vector<512x32xf32>, vector<512x512xf32> -> vector<512x512xf32>
    %add3A_11 = vector.broadcast %broadcast_in_dim3A : vector<512x1xf32> to vector<512x512xf32>
    %add3A_12 = vector.broadcast %broadcast_in_dim3A_9 : vector<1x512xf32> to vector<512x512xf32>
    %add3A_13 = arith.addf %add3A_11, %add3A_12 : vector<512x512xf32>
    %sub3A = arith.subf %add3A_13, %dot_general3A_10 : vector<512x512xf32>
    %reduce_min3A = arith.constant dense<0x7F800000> : vector<512xf32>
    %reduce_min3A_14 = vector.multi_reduction <minimumf>, %sub3A, %reduce_min3A [1] : vector<512x512xf32> to vector<512xf32>
    %broadcast_in_dim3A_15 = vector.shape_cast %reduce_min3A_14 : vector<512xf32> to vector<512x1xf32>
    %iota3A = tpu.iota {dimensions = array<i32: 1>} : vector<1x512xi32>
    %convert_element_type3A = arith.sitofp %iota3A : vector<1x512xi32> to vector<1x512xf32>
    %le3A = vector.broadcast %broadcast_in_dim3A_15 : vector<512x1xf32> to vector<512x512xf32>
    %le3A_16 = arith.cmpf ole, %sub3A, %le3A : vector<512x512xf32>
    %jit3A = arith.constant 5.120000e+02 : f32
    %broadcast_in_dim3A_17 = vector.shape_cast %convert_element_type3A : vector<1x512xf32> to vector<1x512xf32>
    %broadcast_in_dim3A_18 = vector.broadcast %broadcast_in_dim3A_17 : vector<1x512xf32> to vector<512x512xf32>
    %broadcast_in_dim3A_19 = vector.broadcast %jit3A : f32 to vector<512x512xf32>
    %select_n3A = arith.select %le3A_16, %broadcast_in_dim3A_18, %broadcast_in_dim3A_19 : vector<512x512xi1>, vector<512x512xf32>
    %reduce_min3A_20 = arith.constant dense<0x7F800000> : vector<512xf32>
    %reduce_min3A_21 = vector.multi_reduction <minimumf>, %select_n3A, %reduce_min3A_20 [1] : vector<512x512xf32> to vector<512xf32>
    %convert_element_type3A_22 = arith.fptosi %reduce_min3A_21 : vector<512xf32> to vector<512xi32>
    %add3A_23 = arith.constant 2 : i32
    %add3A_24 = vector.broadcast %add3A_23 : i32 to vector<512xi32>
    %add3A_25 = arith.addi %convert_element_type3A_22, %add3A_24 : vector<512xi32>
    %get3A_26 = arith.constant 512 : index
    %get3A_27 = arith.constant 0 : index
    %get3A_28 = vector.load %arg2[%get3A_26, %get3A_27] : memref<8192x32xf32, #tpu.memory_space<vmem>>, vector<512x32xf32>
    %mul3A_29 = arith.mulf %get3A_28, %get3A_28 : vector<512x32xf32>
    %reduce_sum3A_30 = arith.constant dense<0.000000e+00> : vector<512xf32>
    %reduce_sum3A_31 = vector.multi_reduction <add>, %mul3A_29, %reduce_sum3A_30 [1] : vector<512x32xf32> to vector<512xf32>
    %broadcast_in_dim3A_32 = vector.shape_cast %reduce_sum3A_31 : vector<512xf32> to vector<1x512xf32>
    %dot_general3A_33 = arith.constant dense<0.000000e+00> : vector<512x512xf32>
    %dot_general3A_34 = tpu.matmul %add3A, %get3A_28, %dot_general3A_33 {dimension_numbers = #tpu.dot_dimension_numbers<[1], [1], [0], [0], [0, 0, 1, 0], [], []>, transpose_lhs_hint = false} : vector<512x32xf32>, vector<512x32xf32>, vector<512x512xf32> -> vector<512x512xf32>
    %add3A_35 = vector.broadcast %broadcast_in_dim3A : vector<512x1xf32> to vector<512x512xf32>
    %add3A_36 = vector.broadcast %broadcast_in_dim3A_32 : vector<1x512xf32> to vector<512x512xf32>
    %add3A_37 = arith.addf %add3A_35, %add3A_36 : vector<512x512xf32>
    %sub3A_38 = arith.subf %add3A_37, %dot_general3A_34 : vector<512x512xf32>
    %reduce_min3A_39 = arith.constant dense<0x7F800000> : vector<512xf32>
    %reduce_min3A_40 = vector.multi_reduction <minimumf>, %sub3A_38, %reduce_min3A_39 [1] : vector<512x512xf32> to vector<512xf32>
    %broadcast_in_dim3A_41 = vector.shape_cast %reduce_min3A_40 : vector<512xf32> to vector<512x1xf32>
    %iota3A_42 = tpu.iota {dimensions = array<i32: 1>} : vector<1x512xi32>
    %convert_element_type3A_43 = arith.sitofp %iota3A_42 : vector<1x512xi32> to vector<1x512xf32>
    %le3A_44 = vector.broadcast %broadcast_in_dim3A_41 : vector<512x1xf32> to vector<512x512xf32>
    %le3A_45 = arith.cmpf ole, %sub3A_38, %le3A_44 : vector<512x512xf32>
    %jit3A_46 = arith.constant 5.120000e+02 : f32
    %broadcast_in_dim3A_47 = vector.shape_cast %convert_element_type3A_43 : vector<1x512xf32> to vector<1x512xf32>
    %broadcast_in_dim3A_48 = vector.broadcast %broadcast_in_dim3A_47 : vector<1x512xf32> to vector<512x512xf32>
    %broadcast_in_dim3A_49 = vector.broadcast %jit3A_46 : f32 to vector<512x512xf32>
    %select_n3A_50 = arith.select %le3A_45, %broadcast_in_dim3A_48, %broadcast_in_dim3A_49 : vector<512x512xi1>, vector<512x512xf32>
    %reduce_min3A_51 = arith.constant dense<0x7F800000> : vector<512xf32>
    %reduce_min3A_52 = vector.multi_reduction <minimumf>, %select_n3A_50, %reduce_min3A_51 [1] : vector<512x512xf32> to vector<512xf32>
    %convert_element_type3A_53 = arith.fptosi %reduce_min3A_52 : vector<512xf32> to vector<512xi32>
    %add3A_54 = arith.constant 514 : i32
    %add3A_55 = vector.broadcast %add3A_54 : i32 to vector<512xi32>
    %add3A_56 = arith.addi %convert_element_type3A_53, %add3A_55 : vector<512xi32>
    %get3A_57 = arith.constant 1024 : index
    %get3A_58 = arith.constant 0 : index
    %get3A_59 = vector.load %arg2[%get3A_57, %get3A_58] : memref<8192x32xf32, #tpu.memory_space<vmem>>, vector<512x32xf32>
    %mul3A_60 = arith.mulf %get3A_59, %get3A_59 : vector<512x32xf32>
    %reduce_sum3A_61 = arith.constant dense<0.000000e+00> : vector<512xf32>
    %reduce_sum3A_62 = vector.multi_reduction <add>, %mul3A_60, %reduce_sum3A_61 [1] : vector<512x32xf32> to vector<512xf32>
    %broadcast_in_dim3A_63 = vector.shape_cast %reduce_sum3A_62 : vector<512xf32> to vector<1x512xf32>
    %dot_general3A_64 = arith.constant dense<0.000000e+00> : vector<512x512xf32>
    %dot_general3A_65 = tpu.matmul %add3A, %get3A_59, %dot_general3A_64 {dimension_numbers = #tpu.dot_dimension_numbers<[1], [1], [0], [0], [0, 0, 1, 0], [], []>, transpose_lhs_hint = false} : vector<512x32xf32>, vector<512x32xf32>, vector<512x512xf32> -> vector<512x512xf32>
    %add3A_66 = vector.broadcast %broadcast_in_dim3A : vector<512x1xf32> to vector<512x512xf32>
    %add3A_67 = vector.broadcast %broadcast_in_dim3A_63 : vector<1x512xf32> to vector<512x512xf32>
    %add3A_68 = arith.addf %add3A_66, %add3A_67 : vector<512x512xf32>
    %sub3A_69 = arith.subf %add3A_68, %dot_general3A_65 : vector<512x512xf32>
    %reduce_min3A_70 = arith.constant dense<0x7F800000> : vector<512xf32>
    %reduce_min3A_71 = vector.multi_reduction <minimumf>, %sub3A_69, %reduce_min3A_70 [1] : vector<512x512xf32> to vector<512xf32>
    %broadcast_in_dim3A_72 = vector.shape_cast %reduce_min3A_71 : vector<512xf32> to vector<512x1xf32>
    %iota3A_73 = tpu.iota {dimensions = array<i32: 1>} : vector<1x512xi32>
    %convert_element_type3A_74 = arith.sitofp %iota3A_73 : vector<1x512xi32> to vector<1x512xf32>
    %le3A_75 = vector.broadcast %broadcast_in_dim3A_72 : vector<512x1xf32> to vector<512x512xf32>
    %le3A_76 = arith.cmpf ole, %sub3A_69, %le3A_75 : vector<512x512xf32>
    %jit3A_77 = arith.constant 5.120000e+02 : f32
    %broadcast_in_dim3A_78 = vector.shape_cast %convert_element_type3A_74 : vector<1x512xf32> to vector<1x512xf32>
    %broadcast_in_dim3A_79 = vector.broadcast %broadcast_in_dim3A_78 : vector<1x512xf32> to vector<512x512xf32>
    %broadcast_in_dim3A_80 = vector.broadcast %jit3A_77 : f32 to vector<512x512xf32>
    %select_n3A_81 = arith.select %le3A_76, %broadcast_in_dim3A_79, %broadcast_in_dim3A_80 : vector<512x512xi1>, vector<512x512xf32>
    %reduce_min3A_82 = arith.constant dense<0x7F800000> : vector<512xf32>
    %reduce_min3A_83 = vector.multi_reduction <minimumf>, %select_n3A_81, %reduce_min3A_82 [1] : vector<512x512xf32> to vector<512xf32>
    %convert_element_type3A_84 = arith.fptosi %reduce_min3A_83 : vector<512xf32> to vector<512xi32>
    %add3A_85 = arith.constant 1026 : i32
    %add3A_86 = vector.broadcast %add3A_85 : i32 to vector<512xi32>
    %add3A_87 = arith.addi %convert_element_type3A_84, %add3A_86 : vector<512xi32>
    %get3A_88 = arith.constant 1536 : index
    %get3A_89 = arith.constant 0 : index
    %get3A_90 = vector.load %arg2[%get3A_88, %get3A_89] : memref<8192x32xf32, #tpu.memory_space<vmem>>, vector<512x32xf32>
    %mul3A_91 = arith.mulf %get3A_90, %get3A_90 : vector<512x32xf32>
    %reduce_sum3A_92 = arith.constant dense<0.000000e+00> : vector<512xf32>
    %reduce_sum3A_93 = vector.multi_reduction <add>, %mul3A_91, %reduce_sum3A_92 [1] : vector<512x32xf32> to vector<512xf32>
    %broadcast_in_dim3A_94 = vector.shape_cast %reduce_sum3A_93 : vector<512xf32> to vector<1x512xf32>
    %dot_general3A_95 = arith.constant dense<0.000000e+00> : vector<512x512xf32>
    %dot_general3A_96 = tpu.matmul %add3A, %get3A_90, %dot_general3A_95 {dimension_numbers = #tpu.dot_dimension_numbers<[1], [1], [0], [0], [0, 0, 1, 0], [], []>, transpose_lhs_hint = false} : vector<512x32xf32>, vector<512x32xf32>, vector<512x512xf32> -> vector<512x512xf32>
    %add3A_97 = vector.broadcast %broadcast_in_dim3A : vector<512x1xf32> to vector<512x512xf32>
    %add3A_98 = vector.broadcast %broadcast_in_dim3A_94 : vector<1x512xf32> to vector<512x512xf32>
    %add3A_99 = arith.addf %add3A_97, %add3A_98 : vector<512x512xf32>
    %sub3A_100 = arith.subf %add3A_99, %dot_general3A_96 : vector<512x512xf32>
    %reduce_min3A_101 = arith.constant dense<0x7F800000> : vector<512xf32>
    %reduce_min3A_102 = vector.multi_reduction <minimumf>, %sub3A_100, %reduce_min3A_101 [1] : vector<512x512xf32> to vector<512xf32>
    %broadcast_in_dim3A_103 = vector.shape_cast %reduce_min3A_102 : vector<512xf32> to vector<512x1xf32>
    %iota3A_104 = tpu.iota {dimensions = array<i32: 1>} : vector<1x512xi32>
    %convert_element_type3A_105 = arith.sitofp %iota3A_104 : vector<1x512xi32> to vector<1x512xf32>
    %le3A_106 = vector.broadcast %broadcast_in_dim3A_103 : vector<512x1xf32> to vector<512x512xf32>
    %le3A_107 = arith.cmpf ole, %sub3A_100, %le3A_106 : vector<512x512xf32>
    %jit3A_108 = arith.constant 5.120000e+02 : f32
    %broadcast_in_dim3A_109 = vector.shape_cast %convert_element_type3A_105 : vector<1x512xf32> to vector<1x512xf32>
    %broadcast_in_dim3A_110 = vector.broadcast %broadcast_in_dim3A_109 : vector<1x512xf32> to vector<512x512xf32>
    %broadcast_in_dim3A_111 = vector.broadcast %jit3A_108 : f32 to vector<512x512xf32>
    %select_n3A_112 = arith.select %le3A_107, %broadcast_in_dim3A_110, %broadcast_in_dim3A_111 : vector<512x512xi1>, vector<512x512xf32>
    %reduce_min3A_113 = arith.constant dense<0x7F800000> : vector<512xf32>
    %reduce_min3A_114 = vector.multi_reduction <minimumf>, %select_n3A_112, %reduce_min3A_113 [1] : vector<512x512xf32> to vector<512xf32>
    %convert_element_type3A_115 = arith.fptosi %reduce_min3A_114 : vector<512xf32> to vector<512xi32>
    %add3A_116 = arith.constant 1538 : i32
    %add3A_117 = vector.broadcast %add3A_116 : i32 to vector<512xi32>
    %add3A_118 = arith.addi %convert_element_type3A_115, %add3A_117 : vector<512xi32>
    %get3A_119 = arith.constant 2048 : index
    %get3A_120 = arith.constant 0 : index
    %get3A_121 = vector.load %arg2[%get3A_119, %get3A_120] : memref<8192x32xf32, #tpu.memory_space<vmem>>, vector<512x32xf32>
    %mul3A_122 = arith.mulf %get3A_121, %get3A_121 : vector<512x32xf32>
    %reduce_sum3A_123 = arith.constant dense<0.000000e+00> : vector<512xf32>
    %reduce_sum3A_124 = vector.multi_reduction <add>, %mul3A_122, %reduce_sum3A_123 [1] : vector<512x32xf32> to vector<512xf32>
    %broadcast_in_dim3A_125 = vector.shape_cast %reduce_sum3A_124 : vector<512xf32> to vector<1x512xf32>
    %dot_general3A_126 = arith.constant dense<0.000000e+00> : vector<512x512xf32>
    %dot_general3A_127 = tpu.matmul %add3A, %get3A_121, %dot_general3A_126 {dimension_numbers = #tpu.dot_dimension_numbers<[1], [1], [0], [0], [0, 0, 1, 0], [], []>, transpose_lhs_hint = false} : vector<512x32xf32>, vector<512x32xf32>, vector<512x512xf32> -> vector<512x512xf32>
    %add3A_128 = vector.broadcast %broadcast_in_dim3A : vector<512x1xf32> to vector<512x512xf32>
    %add3A_129 = vector.broadcast %broadcast_in_dim3A_125 : vector<1x512xf32> to vector<512x512xf32>
    %add3A_130 = arith.addf %add3A_128, %add3A_129 : vector<512x512xf32>
    %sub3A_131 = arith.subf %add3A_130, %dot_general3A_127 : vector<512x512xf32>
    %reduce_min3A_132 = arith.constant dense<0x7F800000> : vector<512xf32>
    %reduce_min3A_133 = vector.multi_reduction <minimumf>, %sub3A_131, %reduce_min3A_132 [1] : vector<512x512xf32> to vector<512xf32>
    %broadcast_in_dim3A_134 = vector.shape_cast %reduce_min3A_133 : vector<512xf32> to vector<512x1xf32>
    %iota3A_135 = tpu.iota {dimensions = array<i32: 1>} : vector<1x512xi32>
    %convert_element_type3A_136 = arith.sitofp %iota3A_135 : vector<1x512xi32> to vector<1x512xf32>
    %le3A_137 = vector.broadcast %broadcast_in_dim3A_134 : vector<512x1xf32> to vector<512x512xf32>
    %le3A_138 = arith.cmpf ole, %sub3A_131, %le3A_137 : vector<512x512xf32>
    %jit3A_139 = arith.constant 5.120000e+02 : f32
    %broadcast_in_dim3A_140 = vector.shape_cast %convert_element_type3A_136 : vector<1x512xf32> to vector<1x512xf32>
    %broadcast_in_dim3A_141 = vector.broadcast %broadcast_in_dim3A_140 : vector<1x512xf32> to vector<512x512xf32>
    %broadcast_in_dim3A_142 = vector.broadcast %jit3A_139 : f32 to vector<512x512xf32>
    %select_n3A_143 = arith.select %le3A_138, %broadcast_in_dim3A_141, %broadcast_in_dim3A_142 : vector<512x512xi1>, vector<512x512xf32>
    %reduce_min3A_144 = arith.constant dense<0x7F800000> : vector<512xf32>
    %reduce_min3A_145 = vector.multi_reduction <minimumf>, %select_n3A_143, %reduce_min3A_144 [1] : vector<512x512xf32> to vector<512xf32>
    %convert_element_type3A_146 = arith.fptosi %reduce_min3A_145 : vector<512xf32> to vector<512xi32>
    %add3A_147 = arith.constant 2050 : i32
    %add3A_148 = vector.broadcast %add3A_147 : i32 to vector<512xi32>
    %add3A_149 = arith.addi %convert_element_type3A_146, %add3A_148 : vector<512xi32>
    %get3A_150 = arith.constant 2560 : index
    %get3A_151 = arith.constant 0 : index
    %get3A_152 = vector.load %arg2[%get3A_150, %get3A_151] : memref<8192x32xf32, #tpu.memory_space<vmem>>, vector<512x32xf32>
    %mul3A_153 = arith.mulf %get3A_152, %get3A_152 : vector<512x32xf32>
    %reduce_sum3A_154 = arith.constant dense<0.000000e+00> : vector<512xf32>
    %reduce_sum3A_155 = vector.multi_reduction <add>, %mul3A_153, %reduce_sum3A_154 [1] : vector<512x32xf32> to vector<512xf32>
    %broadcast_in_dim3A_156 = vector.shape_cast %reduce_sum3A_155 : vector<512xf32> to vector<1x512xf32>
    %dot_general3A_157 = arith.constant dense<0.000000e+00> : vector<512x512xf32>
    %dot_general3A_158 = tpu.matmul %add3A, %get3A_152, %dot_general3A_157 {dimension_numbers = #tpu.dot_dimension_numbers<[1], [1], [0], [0], [0, 0, 1, 0], [], []>, transpose_lhs_hint = false} : vector<512x32xf32>, vector<512x32xf32>, vector<512x512xf32> -> vector<512x512xf32>
    %add3A_159 = vector.broadcast %broadcast_in_dim3A : vector<512x1xf32> to vector<512x512xf32>
    %add3A_160 = vector.broadcast %broadcast_in_dim3A_156 : vector<1x512xf32> to vector<512x512xf32>
    %add3A_161 = arith.addf %add3A_159, %add3A_160 : vector<512x512xf32>
    %sub3A_162 = arith.subf %add3A_161, %dot_general3A_158 : vector<512x512xf32>
    %reduce_min3A_163 = arith.constant dense<0x7F800000> : vector<512xf32>
    %reduce_min3A_164 = vector.multi_reduction <minimumf>, %sub3A_162, %reduce_min3A_163 [1] : vector<512x512xf32> to vector<512xf32>
    %broadcast_in_dim3A_165 = vector.shape_cast %reduce_min3A_164 : vector<512xf32> to vector<512x1xf32>
    %iota3A_166 = tpu.iota {dimensions = array<i32: 1>} : vector<1x512xi32>
    %convert_element_type3A_167 = arith.sitofp %iota3A_166 : vector<1x512xi32> to vector<1x512xf32>
    %le3A_168 = vector.broadcast %broadcast_in_dim3A_165 : vector<512x1xf32> to vector<512x512xf32>
    %le3A_169 = arith.cmpf ole, %sub3A_162, %le3A_168 : vector<512x512xf32>
    %jit3A_170 = arith.constant 5.120000e+02 : f32
    %broadcast_in_dim3A_171 = vector.shape_cast %convert_element_type3A_167 : vector<1x512xf32> to vector<1x512xf32>
    %broadcast_in_dim3A_172 = vector.broadcast %broadcast_in_dim3A_171 : vector<1x512xf32> to vector<512x512xf32>
    %broadcast_in_dim3A_173 = vector.broadcast %jit3A_170 : f32 to vector<512x512xf32>
    %select_n3A_174 = arith.select %le3A_169, %broadcast_in_dim3A_172, %broadcast_in_dim3A_173 : vector<512x512xi1>, vector<512x512xf32>
    %reduce_min3A_175 = arith.constant dense<0x7F800000> : vector<512xf32>
    %reduce_min3A_176 = vector.multi_reduction <minimumf>, %select_n3A_174, %reduce_min3A_175 [1] : vector<512x512xf32> to vector<512xf32>
    %convert_element_type3A_177 = arith.fptosi %reduce_min3A_176 : vector<512xf32> to vector<512xi32>
    %add3A_178 = arith.constant 2562 : i32
    %add3A_179 = vector.broadcast %add3A_178 : i32 to vector<512xi32>
    %add3A_180 = arith.addi %convert_element_type3A_177, %add3A_179 : vector<512xi32>
    %get3A_181 = arith.constant 3072 : index
    %get3A_182 = arith.constant 0 : index
    %get3A_183 = vector.load %arg2[%get3A_181, %get3A_182] : memref<8192x32xf32, #tpu.memory_space<vmem>>, vector<512x32xf32>
    %mul3A_184 = arith.mulf %get3A_183, %get3A_183 : vector<512x32xf32>
    %reduce_sum3A_185 = arith.constant dense<0.000000e+00> : vector<512xf32>
    %reduce_sum3A_186 = vector.multi_reduction <add>, %mul3A_184, %reduce_sum3A_185 [1] : vector<512x32xf32> to vector<512xf32>
    %broadcast_in_dim3A_187 = vector.shape_cast %reduce_sum3A_186 : vector<512xf32> to vector<1x512xf32>
    %dot_general3A_188 = arith.constant dense<0.000000e+00> : vector<512x512xf32>
    %dot_general3A_189 = tpu.matmul %add3A, %get3A_183, %dot_general3A_188 {dimension_numbers = #tpu.dot_dimension_numbers<[1], [1], [0], [0], [0, 0, 1, 0], [], []>, transpose_lhs_hint = false} : vector<512x32xf32>, vector<512x32xf32>, vector<512x512xf32> -> vector<512x512xf32>
    %add3A_190 = vector.broadcast %broadcast_in_dim3A : vector<512x1xf32> to vector<512x512xf32>
    %add3A_191 = vector.broadcast %broadcast_in_dim3A_187 : vector<1x512xf32> to vector<512x512xf32>
    %add3A_192 = arith.addf %add3A_190, %add3A_191 : vector<512x512xf32>
    %sub3A_193 = arith.subf %add3A_192, %dot_general3A_189 : vector<512x512xf32>
    %reduce_min3A_194 = arith.constant dense<0x7F800000> : vector<512xf32>
    %reduce_min3A_195 = vector.multi_reduction <minimumf>, %sub3A_193, %reduce_min3A_194 [1] : vector<512x512xf32> to vector<512xf32>
    %broadcast_in_dim3A_196 = vector.shape_cast %reduce_min3A_195 : vector<512xf32> to vector<512x1xf32>
    %iota3A_197 = tpu.iota {dimensions = array<i32: 1>} : vector<1x512xi32>
    %convert_element_type3A_198 = arith.sitofp %iota3A_197 : vector<1x512xi32> to vector<1x512xf32>
    %le3A_199 = vector.broadcast %broadcast_in_dim3A_196 : vector<512x1xf32> to vector<512x512xf32>
    %le3A_200 = arith.cmpf ole, %sub3A_193, %le3A_199 : vector<512x512xf32>
    %jit3A_201 = arith.constant 5.120000e+02 : f32
    %broadcast_in_dim3A_202 = vector.shape_cast %convert_element_type3A_198 : vector<1x512xf32> to vector<1x512xf32>
    %broadcast_in_dim3A_203 = vector.broadcast %broadcast_in_dim3A_202 : vector<1x512xf32> to vector<512x512xf32>
    %broadcast_in_dim3A_204 = vector.broadcast %jit3A_201 : f32 to vector<512x512xf32>
    %select_n3A_205 = arith.select %le3A_200, %broadcast_in_dim3A_203, %broadcast_in_dim3A_204 : vector<512x512xi1>, vector<512x512xf32>
    %reduce_min3A_206 = arith.constant dense<0x7F800000> : vector<512xf32>
    %reduce_min3A_207 = vector.multi_reduction <minimumf>, %select_n3A_205, %reduce_min3A_206 [1] : vector<512x512xf32> to vector<512xf32>
    %convert_element_type3A_208 = arith.fptosi %reduce_min3A_207 : vector<512xf32> to vector<512xi32>
    %add3A_209 = arith.constant 3074 : i32
    %add3A_210 = vector.broadcast %add3A_209 : i32 to vector<512xi32>
    %add3A_211 = arith.addi %convert_element_type3A_208, %add3A_210 : vector<512xi32>
    %get3A_212 = arith.constant 3584 : index
    %get3A_213 = arith.constant 0 : index
    %get3A_214 = vector.load %arg2[%get3A_212, %get3A_213] : memref<8192x32xf32, #tpu.memory_space<vmem>>, vector<512x32xf32>
    %mul3A_215 = arith.mulf %get3A_214, %get3A_214 : vector<512x32xf32>
    %reduce_sum3A_216 = arith.constant dense<0.000000e+00> : vector<512xf32>
    %reduce_sum3A_217 = vector.multi_reduction <add>, %mul3A_215, %reduce_sum3A_216 [1] : vector<512x32xf32> to vector<512xf32>
    %broadcast_in_dim3A_218 = vector.shape_cast %reduce_sum3A_217 : vector<512xf32> to vector<1x512xf32>
    %dot_general3A_219 = arith.constant dense<0.000000e+00> : vector<512x512xf32>
    %dot_general3A_220 = tpu.matmul %add3A, %get3A_214, %dot_general3A_219 {dimension_numbers = #tpu.dot_dimension_numbers<[1], [1], [0], [0], [0, 0, 1, 0], [], []>, transpose_lhs_hint = false} : vector<512x32xf32>, vector<512x32xf32>, vector<512x512xf32> -> vector<512x512xf32>
    %add3A_221 = vector.broadcast %broadcast_in_dim3A : vector<512x1xf32> to vector<512x512xf32>
    %add3A_222 = vector.broadcast %broadcast_in_dim3A_218 : vector<1x512xf32> to vector<512x512xf32>
    %add3A_223 = arith.addf %add3A_221, %add3A_222 : vector<512x512xf32>
    %sub3A_224 = arith.subf %add3A_223, %dot_general3A_220 : vector<512x512xf32>
    %reduce_min3A_225 = arith.constant dense<0x7F800000> : vector<512xf32>
    %reduce_min3A_226 = vector.multi_reduction <minimumf>, %sub3A_224, %reduce_min3A_225 [1] : vector<512x512xf32> to vector<512xf32>
    %broadcast_in_dim3A_227 = vector.shape_cast %reduce_min3A_226 : vector<512xf32> to vector<512x1xf32>
    %iota3A_228 = tpu.iota {dimensions = array<i32: 1>} : vector<1x512xi32>
    %convert_element_type3A_229 = arith.sitofp %iota3A_228 : vector<1x512xi32> to vector<1x512xf32>
    %le3A_230 = vector.broadcast %broadcast_in_dim3A_227 : vector<512x1xf32> to vector<512x512xf32>
    %le3A_231 = arith.cmpf ole, %sub3A_224, %le3A_230 : vector<512x512xf32>
    %jit3A_232 = arith.constant 5.120000e+02 : f32
    %broadcast_in_dim3A_233 = vector.shape_cast %convert_element_type3A_229 : vector<1x512xf32> to vector<1x512xf32>
    %broadcast_in_dim3A_234 = vector.broadcast %broadcast_in_dim3A_233 : vector<1x512xf32> to vector<512x512xf32>
    %broadcast_in_dim3A_235 = vector.broadcast %jit3A_232 : f32 to vector<512x512xf32>
    %select_n3A_236 = arith.select %le3A_231, %broadcast_in_dim3A_234, %broadcast_in_dim3A_235 : vector<512x512xi1>, vector<512x512xf32>
    %reduce_min3A_237 = arith.constant dense<0x7F800000> : vector<512xf32>
    %reduce_min3A_238 = vector.multi_reduction <minimumf>, %select_n3A_236, %reduce_min3A_237 [1] : vector<512x512xf32> to vector<512xf32>
    %convert_element_type3A_239 = arith.fptosi %reduce_min3A_238 : vector<512xf32> to vector<512xi32>
    %add3A_240 = arith.constant 3586 : i32
    %add3A_241 = vector.broadcast %add3A_240 : i32 to vector<512xi32>
    %add3A_242 = arith.addi %convert_element_type3A_239, %add3A_241 : vector<512xi32>
    %get3A_243 = arith.constant 4096 : index
    %get3A_244 = arith.constant 0 : index
    %get3A_245 = vector.load %arg2[%get3A_243, %get3A_244] : memref<8192x32xf32, #tpu.memory_space<vmem>>, vector<512x32xf32>
    %mul3A_246 = arith.mulf %get3A_245, %get3A_245 : vector<512x32xf32>
    %reduce_sum3A_247 = arith.constant dense<0.000000e+00> : vector<512xf32>
    %reduce_sum3A_248 = vector.multi_reduction <add>, %mul3A_246, %reduce_sum3A_247 [1] : vector<512x32xf32> to vector<512xf32>
    %broadcast_in_dim3A_249 = vector.shape_cast %reduce_sum3A_248 : vector<512xf32> to vector<1x512xf32>
    %dot_general3A_250 = arith.constant dense<0.000000e+00> : vector<512x512xf32>
    %dot_general3A_251 = tpu.matmul %add3A, %get3A_245, %dot_general3A_250 {dimension_numbers = #tpu.dot_dimension_numbers<[1], [1], [0], [0], [0, 0, 1, 0], [], []>, transpose_lhs_hint = false} : vector<512x32xf32>, vector<512x32xf32>, vector<512x512xf32> -> vector<512x512xf32>
    %add3A_252 = vector.broadcast %broadcast_in_dim3A : vector<512x1xf32> to vector<512x512xf32>
    %add3A_253 = vector.broadcast %broadcast_in_dim3A_249 : vector<1x512xf32> to vector<512x512xf32>
    %add3A_254 = arith.addf %add3A_252, %add3A_253 : vector<512x512xf32>
    %sub3A_255 = arith.subf %add3A_254, %dot_general3A_251 : vector<512x512xf32>
    %reduce_min3A_256 = arith.constant dense<0x7F800000> : vector<512xf32>
    %reduce_min3A_257 = vector.multi_reduction <minimumf>, %sub3A_255, %reduce_min3A_256 [1] : vector<512x512xf32> to vector<512xf32>
    %broadcast_in_dim3A_258 = vector.shape_cast %reduce_min3A_257 : vector<512xf32> to vector<512x1xf32>
    %iota3A_259 = tpu.iota {dimensions = array<i32: 1>} : vector<1x512xi32>
    %convert_element_type3A_260 = arith.sitofp %iota3A_259 : vector<1x512xi32> to vector<1x512xf32>
    %le3A_261 = vector.broadcast %broadcast_in_dim3A_258 : vector<512x1xf32> to vector<512x512xf32>
    %le3A_262 = arith.cmpf ole, %sub3A_255, %le3A_261 : vector<512x512xf32>
    %jit3A_263 = arith.constant 5.120000e+02 : f32
    %broadcast_in_dim3A_264 = vector.shape_cast %convert_element_type3A_260 : vector<1x512xf32> to vector<1x512xf32>
    %broadcast_in_dim3A_265 = vector.broadcast %broadcast_in_dim3A_264 : vector<1x512xf32> to vector<512x512xf32>
    %broadcast_in_dim3A_266 = vector.broadcast %jit3A_263 : f32 to vector<512x512xf32>
    %select_n3A_267 = arith.select %le3A_262, %broadcast_in_dim3A_265, %broadcast_in_dim3A_266 : vector<512x512xi1>, vector<512x512xf32>
    %reduce_min3A_268 = arith.constant dense<0x7F800000> : vector<512xf32>
    %reduce_min3A_269 = vector.multi_reduction <minimumf>, %select_n3A_267, %reduce_min3A_268 [1] : vector<512x512xf32> to vector<512xf32>
    %convert_element_type3A_270 = arith.fptosi %reduce_min3A_269 : vector<512xf32> to vector<512xi32>
    %add3A_271 = arith.constant 4098 : i32
    %add3A_272 = vector.broadcast %add3A_271 : i32 to vector<512xi32>
    %add3A_273 = arith.addi %convert_element_type3A_270, %add3A_272 : vector<512xi32>
    %get3A_274 = arith.constant 4608 : index
    %get3A_275 = arith.constant 0 : index
    %get3A_276 = vector.load %arg2[%get3A_274, %get3A_275] : memref<8192x32xf32, #tpu.memory_space<vmem>>, vector<512x32xf32>
    %mul3A_277 = arith.mulf %get3A_276, %get3A_276 : vector<512x32xf32>
    %reduce_sum3A_278 = arith.constant dense<0.000000e+00> : vector<512xf32>
    %reduce_sum3A_279 = vector.multi_reduction <add>, %mul3A_277, %reduce_sum3A_278 [1] : vector<512x32xf32> to vector<512xf32>
    %broadcast_in_dim3A_280 = vector.shape_cast %reduce_sum3A_279 : vector<512xf32> to vector<1x512xf32>
    %dot_general3A_281 = arith.constant dense<0.000000e+00> : vector<512x512xf32>
    %dot_general3A_282 = tpu.matmul %add3A, %get3A_276, %dot_general3A_281 {dimension_numbers = #tpu.dot_dimension_numbers<[1], [1], [0], [0], [0, 0, 1, 0], [], []>, transpose_lhs_hint = false} : vector<512x32xf32>, vector<512x32xf32>, vector<512x512xf32> -> vector<512x512xf32>
    %add3A_283 = vector.broadcast %broadcast_in_dim3A : vector<512x1xf32> to vector<512x512xf32>
    %add3A_284 = vector.broadcast %broadcast_in_dim3A_280 : vector<1x512xf32> to vector<512x512xf32>
    %add3A_285 = arith.addf %add3A_283, %add3A_284 : vector<512x512xf32>
    %sub3A_286 = arith.subf %add3A_285, %dot_general3A_282 : vector<512x512xf32>
    %reduce_min3A_287 = arith.constant dense<0x7F800000> : vector<512xf32>
    %reduce_min3A_288 = vector.multi_reduction <minimumf>, %sub3A_286, %reduce_min3A_287 [1] : vector<512x512xf32> to vector<512xf32>
    %broadcast_in_dim3A_289 = vector.shape_cast %reduce_min3A_288 : vector<512xf32> to vector<512x1xf32>
    %iota3A_290 = tpu.iota {dimensions = array<i32: 1>} : vector<1x512xi32>
    %convert_element_type3A_291 = arith.sitofp %iota3A_290 : vector<1x512xi32> to vector<1x512xf32>
    %le3A_292 = vector.broadcast %broadcast_in_dim3A_289 : vector<512x1xf32> to vector<512x512xf32>
    %le3A_293 = arith.cmpf ole, %sub3A_286, %le3A_292 : vector<512x512xf32>
    %jit3A_294 = arith.constant 5.120000e+02 : f32
    %broadcast_in_dim3A_295 = vector.shape_cast %convert_element_type3A_291 : vector<1x512xf32> to vector<1x512xf32>
    %broadcast_in_dim3A_296 = vector.broadcast %broadcast_in_dim3A_295 : vector<1x512xf32> to vector<512x512xf32>
    %broadcast_in_dim3A_297 = vector.broadcast %jit3A_294 : f32 to vector<512x512xf32>
    %select_n3A_298 = arith.select %le3A_293, %broadcast_in_dim3A_296, %broadcast_in_dim3A_297 : vector<512x512xi1>, vector<512x512xf32>
    %reduce_min3A_299 = arith.constant dense<0x7F800000> : vector<512xf32>
    %reduce_min3A_300 = vector.multi_reduction <minimumf>, %select_n3A_298, %reduce_min3A_299 [1] : vector<512x512xf32> to vector<512xf32>
    %convert_element_type3A_301 = arith.fptosi %reduce_min3A_300 : vector<512xf32> to vector<512xi32>
    %add3A_302 = arith.constant 4610 : i32
    %add3A_303 = vector.broadcast %add3A_302 : i32 to vector<512xi32>
    %add3A_304 = arith.addi %convert_element_type3A_301, %add3A_303 : vector<512xi32>
    %get3A_305 = arith.constant 5120 : index
    %get3A_306 = arith.constant 0 : index
    %get3A_307 = vector.load %arg2[%get3A_305, %get3A_306] : memref<8192x32xf32, #tpu.memory_space<vmem>>, vector<512x32xf32>
    %mul3A_308 = arith.mulf %get3A_307, %get3A_307 : vector<512x32xf32>
    %reduce_sum3A_309 = arith.constant dense<0.000000e+00> : vector<512xf32>
    %reduce_sum3A_310 = vector.multi_reduction <add>, %mul3A_308, %reduce_sum3A_309 [1] : vector<512x32xf32> to vector<512xf32>
    %broadcast_in_dim3A_311 = vector.shape_cast %reduce_sum3A_310 : vector<512xf32> to vector<1x512xf32>
    %dot_general3A_312 = arith.constant dense<0.000000e+00> : vector<512x512xf32>
    %dot_general3A_313 = tpu.matmul %add3A, %get3A_307, %dot_general3A_312 {dimension_numbers = #tpu.dot_dimension_numbers<[1], [1], [0], [0], [0, 0, 1, 0], [], []>, transpose_lhs_hint = false} : vector<512x32xf32>, vector<512x32xf32>, vector<512x512xf32> -> vector<512x512xf32>
    %add3A_314 = vector.broadcast %broadcast_in_dim3A : vector<512x1xf32> to vector<512x512xf32>
    %add3A_315 = vector.broadcast %broadcast_in_dim3A_311 : vector<1x512xf32> to vector<512x512xf32>
    %add3A_316 = arith.addf %add3A_314, %add3A_315 : vector<512x512xf32>
    %sub3A_317 = arith.subf %add3A_316, %dot_general3A_313 : vector<512x512xf32>
    %reduce_min3A_318 = arith.constant dense<0x7F800000> : vector<512xf32>
    %reduce_min3A_319 = vector.multi_reduction <minimumf>, %sub3A_317, %reduce_min3A_318 [1] : vector<512x512xf32> to vector<512xf32>
    %broadcast_in_dim3A_320 = vector.shape_cast %reduce_min3A_319 : vector<512xf32> to vector<512x1xf32>
    %iota3A_321 = tpu.iota {dimensions = array<i32: 1>} : vector<1x512xi32>
    %convert_element_type3A_322 = arith.sitofp %iota3A_321 : vector<1x512xi32> to vector<1x512xf32>
    %le3A_323 = vector.broadcast %broadcast_in_dim3A_320 : vector<512x1xf32> to vector<512x512xf32>
    %le3A_324 = arith.cmpf ole, %sub3A_317, %le3A_323 : vector<512x512xf32>
    %jit3A_325 = arith.constant 5.120000e+02 : f32
    %broadcast_in_dim3A_326 = vector.shape_cast %convert_element_type3A_322 : vector<1x512xf32> to vector<1x512xf32>
    %broadcast_in_dim3A_327 = vector.broadcast %broadcast_in_dim3A_326 : vector<1x512xf32> to vector<512x512xf32>
    %broadcast_in_dim3A_328 = vector.broadcast %jit3A_325 : f32 to vector<512x512xf32>
    %select_n3A_329 = arith.select %le3A_324, %broadcast_in_dim3A_327, %broadcast_in_dim3A_328 : vector<512x512xi1>, vector<512x512xf32>
    %reduce_min3A_330 = arith.constant dense<0x7F800000> : vector<512xf32>
    %reduce_min3A_331 = vector.multi_reduction <minimumf>, %select_n3A_329, %reduce_min3A_330 [1] : vector<512x512xf32> to vector<512xf32>
    %convert_element_type3A_332 = arith.fptosi %reduce_min3A_331 : vector<512xf32> to vector<512xi32>
    %add3A_333 = arith.constant 5122 : i32
    %add3A_334 = vector.broadcast %add3A_333 : i32 to vector<512xi32>
    %add3A_335 = arith.addi %convert_element_type3A_332, %add3A_334 : vector<512xi32>
    %get3A_336 = arith.constant 5632 : index
    %get3A_337 = arith.constant 0 : index
    %get3A_338 = vector.load %arg2[%get3A_336, %get3A_337] : memref<8192x32xf32, #tpu.memory_space<vmem>>, vector<512x32xf32>
    %mul3A_339 = arith.mulf %get3A_338, %get3A_338 : vector<512x32xf32>
    %reduce_sum3A_340 = arith.constant dense<0.000000e+00> : vector<512xf32>
    %reduce_sum3A_341 = vector.multi_reduction <add>, %mul3A_339, %reduce_sum3A_340 [1] : vector<512x32xf32> to vector<512xf32>
    %broadcast_in_dim3A_342 = vector.shape_cast %reduce_sum3A_341 : vector<512xf32> to vector<1x512xf32>
    %dot_general3A_343 = arith.constant dense<0.000000e+00> : vector<512x512xf32>
    %dot_general3A_344 = tpu.matmul %add3A, %get3A_338, %dot_general3A_343 {dimension_numbers = #tpu.dot_dimension_numbers<[1], [1], [0], [0], [0, 0, 1, 0], [], []>, transpose_lhs_hint = false} : vector<512x32xf32>, vector<512x32xf32>, vector<512x512xf32> -> vector<512x512xf32>
    %add3A_345 = vector.broadcast %broadcast_in_dim3A : vector<512x1xf32> to vector<512x512xf32>
    %add3A_346 = vector.broadcast %broadcast_in_dim3A_342 : vector<1x512xf32> to vector<512x512xf32>
    %add3A_347 = arith.addf %add3A_345, %add3A_346 : vector<512x512xf32>
    %sub3A_348 = arith.subf %add3A_347, %dot_general3A_344 : vector<512x512xf32>
    %reduce_min3A_349 = arith.constant dense<0x7F800000> : vector<512xf32>
    %reduce_min3A_350 = vector.multi_reduction <minimumf>, %sub3A_348, %reduce_min3A_349 [1] : vector<512x512xf32> to vector<512xf32>
    %broadcast_in_dim3A_351 = vector.shape_cast %reduce_min3A_350 : vector<512xf32> to vector<512x1xf32>
    %iota3A_352 = tpu.iota {dimensions = array<i32: 1>} : vector<1x512xi32>
    %convert_element_type3A_353 = arith.sitofp %iota3A_352 : vector<1x512xi32> to vector<1x512xf32>
    %le3A_354 = vector.broadcast %broadcast_in_dim3A_351 : vector<512x1xf32> to vector<512x512xf32>
    %le3A_355 = arith.cmpf ole, %sub3A_348, %le3A_354 : vector<512x512xf32>
    %jit3A_356 = arith.constant 5.120000e+02 : f32
    %broadcast_in_dim3A_357 = vector.shape_cast %convert_element_type3A_353 : vector<1x512xf32> to vector<1x512xf32>
    %broadcast_in_dim3A_358 = vector.broadcast %broadcast_in_dim3A_357 : vector<1x512xf32> to vector<512x512xf32>
    %broadcast_in_dim3A_359 = vector.broadcast %jit3A_356 : f32 to vector<512x512xf32>
    %select_n3A_360 = arith.select %le3A_355, %broadcast_in_dim3A_358, %broadcast_in_dim3A_359 : vector<512x512xi1>, vector<512x512xf32>
    %reduce_min3A_361 = arith.constant dense<0x7F800000> : vector<512xf32>
    %reduce_min3A_362 = vector.multi_reduction <minimumf>, %select_n3A_360, %reduce_min3A_361 [1] : vector<512x512xf32> to vector<512xf32>
    %convert_element_type3A_363 = arith.fptosi %reduce_min3A_362 : vector<512xf32> to vector<512xi32>
    %add3A_364 = arith.constant 5634 : i32
    %add3A_365 = vector.broadcast %add3A_364 : i32 to vector<512xi32>
    %add3A_366 = arith.addi %convert_element_type3A_363, %add3A_365 : vector<512xi32>
    %get3A_367 = arith.constant 6144 : index
    %get3A_368 = arith.constant 0 : index
    %get3A_369 = vector.load %arg2[%get3A_367, %get3A_368] : memref<8192x32xf32, #tpu.memory_space<vmem>>, vector<512x32xf32>
    %mul3A_370 = arith.mulf %get3A_369, %get3A_369 : vector<512x32xf32>
    %reduce_sum3A_371 = arith.constant dense<0.000000e+00> : vector<512xf32>
    %reduce_sum3A_372 = vector.multi_reduction <add>, %mul3A_370, %reduce_sum3A_371 [1] : vector<512x32xf32> to vector<512xf32>
    %broadcast_in_dim3A_373 = vector.shape_cast %reduce_sum3A_372 : vector<512xf32> to vector<1x512xf32>
    %dot_general3A_374 = arith.constant dense<0.000000e+00> : vector<512x512xf32>
    %dot_general3A_375 = tpu.matmul %add3A, %get3A_369, %dot_general3A_374 {dimension_numbers = #tpu.dot_dimension_numbers<[1], [1], [0], [0], [0, 0, 1, 0], [], []>, transpose_lhs_hint = false} : vector<512x32xf32>, vector<512x32xf32>, vector<512x512xf32> -> vector<512x512xf32>
    %add3A_376 = vector.broadcast %broadcast_in_dim3A : vector<512x1xf32> to vector<512x512xf32>
    %add3A_377 = vector.broadcast %broadcast_in_dim3A_373 : vector<1x512xf32> to vector<512x512xf32>
    %add3A_378 = arith.addf %add3A_376, %add3A_377 : vector<512x512xf32>
    %sub3A_379 = arith.subf %add3A_378, %dot_general3A_375 : vector<512x512xf32>
    %reduce_min3A_380 = arith.constant dense<0x7F800000> : vector<512xf32>
    %reduce_min3A_381 = vector.multi_reduction <minimumf>, %sub3A_379, %reduce_min3A_380 [1] : vector<512x512xf32> to vector<512xf32>
    %broadcast_in_dim3A_382 = vector.shape_cast %reduce_min3A_381 : vector<512xf32> to vector<512x1xf32>
    %iota3A_383 = tpu.iota {dimensions = array<i32: 1>} : vector<1x512xi32>
    %convert_element_type3A_384 = arith.sitofp %iota3A_383 : vector<1x512xi32> to vector<1x512xf32>
    %le3A_385 = vector.broadcast %broadcast_in_dim3A_382 : vector<512x1xf32> to vector<512x512xf32>
    %le3A_386 = arith.cmpf ole, %sub3A_379, %le3A_385 : vector<512x512xf32>
    %jit3A_387 = arith.constant 5.120000e+02 : f32
    %broadcast_in_dim3A_388 = vector.shape_cast %convert_element_type3A_384 : vector<1x512xf32> to vector<1x512xf32>
    %broadcast_in_dim3A_389 = vector.broadcast %broadcast_in_dim3A_388 : vector<1x512xf32> to vector<512x512xf32>
    %broadcast_in_dim3A_390 = vector.broadcast %jit3A_387 : f32 to vector<512x512xf32>
    %select_n3A_391 = arith.select %le3A_386, %broadcast_in_dim3A_389, %broadcast_in_dim3A_390 : vector<512x512xi1>, vector<512x512xf32>
    %reduce_min3A_392 = arith.constant dense<0x7F800000> : vector<512xf32>
    %reduce_min3A_393 = vector.multi_reduction <minimumf>, %select_n3A_391, %reduce_min3A_392 [1] : vector<512x512xf32> to vector<512xf32>
    %convert_element_type3A_394 = arith.fptosi %reduce_min3A_393 : vector<512xf32> to vector<512xi32>
    %add3A_395 = arith.constant 6146 : i32
    %add3A_396 = vector.broadcast %add3A_395 : i32 to vector<512xi32>
    %add3A_397 = arith.addi %convert_element_type3A_394, %add3A_396 : vector<512xi32>
    %get3A_398 = arith.constant 6656 : index
    %get3A_399 = arith.constant 0 : index
    %get3A_400 = vector.load %arg2[%get3A_398, %get3A_399] : memref<8192x32xf32, #tpu.memory_space<vmem>>, vector<512x32xf32>
    %mul3A_401 = arith.mulf %get3A_400, %get3A_400 : vector<512x32xf32>
    %reduce_sum3A_402 = arith.constant dense<0.000000e+00> : vector<512xf32>
    %reduce_sum3A_403 = vector.multi_reduction <add>, %mul3A_401, %reduce_sum3A_402 [1] : vector<512x32xf32> to vector<512xf32>
    %broadcast_in_dim3A_404 = vector.shape_cast %reduce_sum3A_403 : vector<512xf32> to vector<1x512xf32>
    %dot_general3A_405 = arith.constant dense<0.000000e+00> : vector<512x512xf32>
    %dot_general3A_406 = tpu.matmul %add3A, %get3A_400, %dot_general3A_405 {dimension_numbers = #tpu.dot_dimension_numbers<[1], [1], [0], [0], [0, 0, 1, 0], [], []>, transpose_lhs_hint = false} : vector<512x32xf32>, vector<512x32xf32>, vector<512x512xf32> -> vector<512x512xf32>
    %add3A_407 = vector.broadcast %broadcast_in_dim3A : vector<512x1xf32> to vector<512x512xf32>
    %add3A_408 = vector.broadcast %broadcast_in_dim3A_404 : vector<1x512xf32> to vector<512x512xf32>
    %add3A_409 = arith.addf %add3A_407, %add3A_408 : vector<512x512xf32>
    %sub3A_410 = arith.subf %add3A_409, %dot_general3A_406 : vector<512x512xf32>
    %reduce_min3A_411 = arith.constant dense<0x7F800000> : vector<512xf32>
    %reduce_min3A_412 = vector.multi_reduction <minimumf>, %sub3A_410, %reduce_min3A_411 [1] : vector<512x512xf32> to vector<512xf32>
    %broadcast_in_dim3A_413 = vector.shape_cast %reduce_min3A_412 : vector<512xf32> to vector<512x1xf32>
    %iota3A_414 = tpu.iota {dimensions = array<i32: 1>} : vector<1x512xi32>
    %convert_element_type3A_415 = arith.sitofp %iota3A_414 : vector<1x512xi32> to vector<1x512xf32>
    %le3A_416 = vector.broadcast %broadcast_in_dim3A_413 : vector<512x1xf32> to vector<512x512xf32>
    %le3A_417 = arith.cmpf ole, %sub3A_410, %le3A_416 : vector<512x512xf32>
    %jit3A_418 = arith.constant 5.120000e+02 : f32
    %broadcast_in_dim3A_419 = vector.shape_cast %convert_element_type3A_415 : vector<1x512xf32> to vector<1x512xf32>
    %broadcast_in_dim3A_420 = vector.broadcast %broadcast_in_dim3A_419 : vector<1x512xf32> to vector<512x512xf32>
    %broadcast_in_dim3A_421 = vector.broadcast %jit3A_418 : f32 to vector<512x512xf32>
    %select_n3A_422 = arith.select %le3A_417, %broadcast_in_dim3A_420, %broadcast_in_dim3A_421 : vector<512x512xi1>, vector<512x512xf32>
    %reduce_min3A_423 = arith.constant dense<0x7F800000> : vector<512xf32>
    %reduce_min3A_424 = vector.multi_reduction <minimumf>, %select_n3A_422, %reduce_min3A_423 [1] : vector<512x512xf32> to vector<512xf32>
    %convert_element_type3A_425 = arith.fptosi %reduce_min3A_424 : vector<512xf32> to vector<512xi32>
    %add3A_426 = arith.constant 6658 : i32
    %add3A_427 = vector.broadcast %add3A_426 : i32 to vector<512xi32>
    %add3A_428 = arith.addi %convert_element_type3A_425, %add3A_427 : vector<512xi32>
    %get3A_429 = arith.constant 7168 : index
    %get3A_430 = arith.constant 0 : index
    %get3A_431 = vector.load %arg2[%get3A_429, %get3A_430] : memref<8192x32xf32, #tpu.memory_space<vmem>>, vector<512x32xf32>
    %mul3A_432 = arith.mulf %get3A_431, %get3A_431 : vector<512x32xf32>
    %reduce_sum3A_433 = arith.constant dense<0.000000e+00> : vector<512xf32>
    %reduce_sum3A_434 = vector.multi_reduction <add>, %mul3A_432, %reduce_sum3A_433 [1] : vector<512x32xf32> to vector<512xf32>
    %broadcast_in_dim3A_435 = vector.shape_cast %reduce_sum3A_434 : vector<512xf32> to vector<1x512xf32>
    %dot_general3A_436 = arith.constant dense<0.000000e+00> : vector<512x512xf32>
    %dot_general3A_437 = tpu.matmul %add3A, %get3A_431, %dot_general3A_436 {dimension_numbers = #tpu.dot_dimension_numbers<[1], [1], [0], [0], [0, 0, 1, 0], [], []>, transpose_lhs_hint = false} : vector<512x32xf32>, vector<512x32xf32>, vector<512x512xf32> -> vector<512x512xf32>
    %add3A_438 = vector.broadcast %broadcast_in_dim3A : vector<512x1xf32> to vector<512x512xf32>
    %add3A_439 = vector.broadcast %broadcast_in_dim3A_435 : vector<1x512xf32> to vector<512x512xf32>
    %add3A_440 = arith.addf %add3A_438, %add3A_439 : vector<512x512xf32>
    %sub3A_441 = arith.subf %add3A_440, %dot_general3A_437 : vector<512x512xf32>
    %reduce_min3A_442 = arith.constant dense<0x7F800000> : vector<512xf32>
    %reduce_min3A_443 = vector.multi_reduction <minimumf>, %sub3A_441, %reduce_min3A_442 [1] : vector<512x512xf32> to vector<512xf32>
    %broadcast_in_dim3A_444 = vector.shape_cast %reduce_min3A_443 : vector<512xf32> to vector<512x1xf32>
    %iota3A_445 = tpu.iota {dimensions = array<i32: 1>} : vector<1x512xi32>
    %convert_element_type3A_446 = arith.sitofp %iota3A_445 : vector<1x512xi32> to vector<1x512xf32>
    %le3A_447 = vector.broadcast %broadcast_in_dim3A_444 : vector<512x1xf32> to vector<512x512xf32>
    %le3A_448 = arith.cmpf ole, %sub3A_441, %le3A_447 : vector<512x512xf32>
    %jit3A_449 = arith.constant 5.120000e+02 : f32
    %broadcast_in_dim3A_450 = vector.shape_cast %convert_element_type3A_446 : vector<1x512xf32> to vector<1x512xf32>
    %broadcast_in_dim3A_451 = vector.broadcast %broadcast_in_dim3A_450 : vector<1x512xf32> to vector<512x512xf32>
    %broadcast_in_dim3A_452 = vector.broadcast %jit3A_449 : f32 to vector<512x512xf32>
    %select_n3A_453 = arith.select %le3A_448, %broadcast_in_dim3A_451, %broadcast_in_dim3A_452 : vector<512x512xi1>, vector<512x512xf32>
    %reduce_min3A_454 = arith.constant dense<0x7F800000> : vector<512xf32>
    %reduce_min3A_455 = vector.multi_reduction <minimumf>, %select_n3A_453, %reduce_min3A_454 [1] : vector<512x512xf32> to vector<512xf32>
    %convert_element_type3A_456 = arith.fptosi %reduce_min3A_455 : vector<512xf32> to vector<512xi32>
    %add3A_457 = arith.constant 7170 : i32
    %add3A_458 = vector.broadcast %add3A_457 : i32 to vector<512xi32>
    %add3A_459 = arith.addi %convert_element_type3A_456, %add3A_458 : vector<512xi32>
    %get3A_460 = arith.constant 7680 : index
    %get3A_461 = arith.constant 0 : index
    %get3A_462 = vector.load %arg2[%get3A_460, %get3A_461] : memref<8192x32xf32, #tpu.memory_space<vmem>>, vector<512x32xf32>
    %mul3A_463 = arith.mulf %get3A_462, %get3A_462 : vector<512x32xf32>
    %reduce_sum3A_464 = arith.constant dense<0.000000e+00> : vector<512xf32>
    %reduce_sum3A_465 = vector.multi_reduction <add>, %mul3A_463, %reduce_sum3A_464 [1] : vector<512x32xf32> to vector<512xf32>
    %broadcast_in_dim3A_466 = vector.shape_cast %reduce_sum3A_465 : vector<512xf32> to vector<1x512xf32>
    %dot_general3A_467 = arith.constant dense<0.000000e+00> : vector<512x512xf32>
    %dot_general3A_468 = tpu.matmul %add3A, %get3A_462, %dot_general3A_467 {dimension_numbers = #tpu.dot_dimension_numbers<[1], [1], [0], [0], [0, 0, 1, 0], [], []>, transpose_lhs_hint = false} : vector<512x32xf32>, vector<512x32xf32>, vector<512x512xf32> -> vector<512x512xf32>
    %add3A_469 = vector.broadcast %broadcast_in_dim3A : vector<512x1xf32> to vector<512x512xf32>
    %add3A_470 = vector.broadcast %broadcast_in_dim3A_466 : vector<1x512xf32> to vector<512x512xf32>
    %add3A_471 = arith.addf %add3A_469, %add3A_470 : vector<512x512xf32>
    %sub3A_472 = arith.subf %add3A_471, %dot_general3A_468 : vector<512x512xf32>
    %reduce_min3A_473 = arith.constant dense<0x7F800000> : vector<512xf32>
    %reduce_min3A_474 = vector.multi_reduction <minimumf>, %sub3A_472, %reduce_min3A_473 [1] : vector<512x512xf32> to vector<512xf32>
    %broadcast_in_dim3A_475 = vector.shape_cast %reduce_min3A_474 : vector<512xf32> to vector<512x1xf32>
    %iota3A_476 = tpu.iota {dimensions = array<i32: 1>} : vector<1x512xi32>
    %convert_element_type3A_477 = arith.sitofp %iota3A_476 : vector<1x512xi32> to vector<1x512xf32>
    %le3A_478 = vector.broadcast %broadcast_in_dim3A_475 : vector<512x1xf32> to vector<512x512xf32>
    %le3A_479 = arith.cmpf ole, %sub3A_472, %le3A_478 : vector<512x512xf32>
    %jit3A_480 = arith.constant 5.120000e+02 : f32
    %broadcast_in_dim3A_481 = vector.shape_cast %convert_element_type3A_477 : vector<1x512xf32> to vector<1x512xf32>
    %broadcast_in_dim3A_482 = vector.broadcast %broadcast_in_dim3A_481 : vector<1x512xf32> to vector<512x512xf32>
    %broadcast_in_dim3A_483 = vector.broadcast %jit3A_480 : f32 to vector<512x512xf32>
    %select_n3A_484 = arith.select %le3A_479, %broadcast_in_dim3A_482, %broadcast_in_dim3A_483 : vector<512x512xi1>, vector<512x512xf32>
    %reduce_min3A_485 = arith.constant dense<0x7F800000> : vector<512xf32>
    %reduce_min3A_486 = vector.multi_reduction <minimumf>, %select_n3A_484, %reduce_min3A_485 [1] : vector<512x512xf32> to vector<512xf32>
    %convert_element_type3A_487 = arith.fptosi %reduce_min3A_486 : vector<512xf32> to vector<512xi32>
    %add3A_488 = arith.constant 7682 : i32
    %add3A_489 = vector.broadcast %add3A_488 : i32 to vector<512xi32>
    %add3A_490 = arith.addi %convert_element_type3A_487, %add3A_489 : vector<512xi32>
    %stack3A = vector.shape_cast %add3A_25 : vector<512xi32> to vector<1x512xi32>
    %stack3A_491 = vector.shape_cast %add3A_56 : vector<512xi32> to vector<1x512xi32>
    %stack3A_492 = vector.shape_cast %add3A_87 : vector<512xi32> to vector<1x512xi32>
    %stack3A_493 = vector.shape_cast %add3A_118 : vector<512xi32> to vector<1x512xi32>
    %stack3A_494 = vector.shape_cast %add3A_149 : vector<512xi32> to vector<1x512xi32>
    %stack3A_495 = vector.shape_cast %add3A_180 : vector<512xi32> to vector<1x512xi32>
    %stack3A_496 = vector.shape_cast %add3A_211 : vector<512xi32> to vector<1x512xi32>
    %stack3A_497 = vector.shape_cast %add3A_242 : vector<512xi32> to vector<1x512xi32>
    %stack3A_498 = vector.shape_cast %add3A_273 : vector<512xi32> to vector<1x512xi32>
    %stack3A_499 = vector.shape_cast %add3A_304 : vector<512xi32> to vector<1x512xi32>
    %stack3A_500 = vector.shape_cast %add3A_335 : vector<512xi32> to vector<1x512xi32>
    %stack3A_501 = vector.shape_cast %add3A_366 : vector<512xi32> to vector<1x512xi32>
    %stack3A_502 = vector.shape_cast %add3A_397 : vector<512xi32> to vector<1x512xi32>
    %stack3A_503 = vector.shape_cast %add3A_428 : vector<512xi32> to vector<1x512xi32>
    %stack3A_504 = vector.shape_cast %add3A_459 : vector<512xi32> to vector<1x512xi32>
    %stack3A_505 = vector.shape_cast %add3A_490 : vector<512xi32> to vector<1x512xi32>
    %stack3A_506 = tpu.concatenate %stack3A, %stack3A_491, %stack3A_492, %stack3A_493, %stack3A_494, %stack3A_495, %stack3A_496, %stack3A_497, %stack3A_498, %stack3A_499, %stack3A_500, %stack3A_501, %stack3A_502, %stack3A_503, %stack3A_504, %stack3A_505 in 0 : vector<1x512xi32>, vector<1x512xi32>, vector<1x512xi32>, vector<1x512xi32>, vector<1x512xi32>, vector<1x512xi32>, vector<1x512xi32>, vector<1x512xi32>, vector<1x512xi32>, vector<1x512xi32>, vector<1x512xi32>, vector<1x512xi32>, vector<1x512xi32>, vector<1x512xi32>, vector<1x512xi32>, vector<1x512xi32> -> vector<16x512xi32>
    %swap3A = arith.constant 0 : index
    %swap3A_507 = arith.constant 0 : index
    %swap3A_508 = vector.load %arg3[%swap3A, %swap3A_507] : memref<16x512xi32, #tpu.memory_space<vmem>>, vector<16x512xi32>
    tpu.vector_store %arg3[%swap3A, %swap3A_507], %stack3A_506 {strides = array<i32>} : memref<16x512xi32, #tpu.memory_space<vmem>>, vector<16x512xi32>,
    return
  }
  func.func @transform_0(%arg0: i32) -> (i32, i32) {
    %add3A = arith.constant 16 : i32
    %add3A_0 = arith.addi %arg0, %add3A : i32
    %c0_i32 = arith.constant 0 : i32
    %c0_i32_1 = arith.constant 0 : i32
    return %add3A_0, %c0_i32 : i32, i32
  }
  func.func @transform_1(%arg0: i32) -> (i32, i32) {
    %c0_i32 = arith.constant 0 : i32
    %c0_i32_0 = arith.constant 0 : i32
    %c0_i32_1 = arith.constant 0 : i32
    return %c0_i32, %c0_i32_0 : i32, i32
  }
  func.func @transform_2(%arg0: i32) -> (i32, i32) {
    %c0_i32 = arith.constant 0 : i32
    %c0_i32_0 = arith.constant 0 : i32
    return %c0_i32, %arg0 : i32, i32
  }
}

module attributes {stable_mosaic.version = 14 : i64} {
  func.func @_tc_argmin_body(%arg0: i32, %arg1: memref<512x32xf32, #tpu.memory_space<vmem>>, %arg2: memref<8192x32xf32, #tpu.memory_space<vmem>>, %arg3: memref<16x512xi32, #tpu.memory_space<vmem>>) attributes {dimension_semantics = [#tpu.dimension_semantics<arbitrary>], iteration_bounds = array<i64: 8>, scalar_prefetch = 0 : i64, scratch_operands = 0 : i64, tpu.core_type = #tpu.core_type<tc>, window_params = [{transform_indices = @transform_0, window_bounds = array<i64: 512, 32>}, {pipeline_mode = #tpu.pipeline_mode<synchronous>, transform_indices = @transform_1, window_bounds = array<i64: 8192, 32>}, {transform_indices = @transform_2, window_bounds = array<i64: 16, 512>}]} {
    %get3A = arith.constant 0 : index
    %get3A_0 = arith.constant 0 : index
    %get3A_1 = vector.load %arg1[%get3A, %get3A_0] : memref<512x32xf32, #tpu.memory_space<vmem>>, vector<512x32xf32>
    %mul3A = arith.mulf %get3A_1, %get3A_1 : vector<512x32xf32>
    %reduce_sum3A = arith.constant dense<0.000000e+00> : vector<512xf32>
    %reduce_sum3A_2 = vector.multi_reduction <add>, %mul3A, %reduce_sum3A [1] : vector<512x32xf32> to vector<512xf32>
    %broadcast_in_dim3A = vector.shape_cast %reduce_sum3A_2 : vector<512xf32> to vector<512x1xf32>
    %add3A = arith.addf %get3A_1, %get3A_1 : vector<512x32xf32>
    %get3A_3 = arith.constant 0 : index
    %get3A_4 = arith.constant 0 : index
    %get3A_5 = vector.load %arg2[%get3A_3, %get3A_4] : memref<8192x32xf32, #tpu.memory_space<vmem>>, vector<512x32xf32>
    %mul3A_6 = arith.mulf %get3A_5, %get3A_5 : vector<512x32xf32>
    %reduce_sum3A_7 = arith.constant dense<0.000000e+00> : vector<512xf32>
    %reduce_sum3A_8 = vector.multi_reduction <add>, %mul3A_6, %reduce_sum3A_7 [1] : vector<512x32xf32> to vector<512xf32>
    %broadcast_in_dim3A_9 = vector.shape_cast %reduce_sum3A_8 : vector<512xf32> to vector<1x512xf32>
    %dot_general3A = arith.constant dense<0.000000e+00> : vector<512x512xf32>
    %dot_general3A_10 = tpu.matmul %add3A, %get3A_5, %dot_general3A {dimension_numbers = #tpu.dot_dimension_numbers<[1], [1], [0], [0], [0, 0, 1, 0], [], []>, transpose_lhs_hint = false} : vector<512x32xf32>, vector<512x32xf32>, vector<512x512xf32> -> vector<512x512xf32>
    %add3A_11 = vector.broadcast %broadcast_in_dim3A : vector<512x1xf32> to vector<512x512xf32>
    %add3A_12 = vector.broadcast %broadcast_in_dim3A_9 : vector<1x512xf32> to vector<512x512xf32>
    %add3A_13 = arith.addf %add3A_11, %add3A_12 : vector<512x512xf32>
    %sub3A = arith.subf %add3A_13, %dot_general3A_10 : vector<512x512xf32>
    %reduce_min3A = arith.constant dense<0x7F800000> : vector<512xf32>
    %reduce_min3A_14 = vector.multi_reduction <minimumf>, %sub3A, %reduce_min3A [1] : vector<512x512xf32> to vector<512xf32>
    %broadcast_in_dim3A_15 = vector.shape_cast %reduce_min3A_14 : vector<512xf32> to vector<512x1xf32>
    %iota3A = tpu.iota {dimensions = array<i32: 1>} : vector<1x512xi32>
    %convert_element_type3A = arith.sitofp %iota3A : vector<1x512xi32> to vector<1x512xf32>
    %le3A = vector.broadcast %broadcast_in_dim3A_15 : vector<512x1xf32> to vector<512x512xf32>
    %le3A_16 = arith.cmpf ole, %sub3A, %le3A : vector<512x512xf32>
    %jit3A = arith.constant 5.120000e+02 : f32
    %broadcast_in_dim3A_17 = vector.shape_cast %convert_element_type3A : vector<1x512xf32> to vector<1x512xf32>
    %broadcast_in_dim3A_18 = vector.broadcast %broadcast_in_dim3A_17 : vector<1x512xf32> to vector<512x512xf32>
    %broadcast_in_dim3A_19 = vector.broadcast %jit3A : f32 to vector<512x512xf32>
    %select_n3A = arith.select %le3A_16, %broadcast_in_dim3A_18, %broadcast_in_dim3A_19 : vector<512x512xi1>, vector<512x512xf32>
    %reduce_min3A_20 = arith.constant dense<0x7F800000> : vector<512xf32>
    %reduce_min3A_21 = vector.multi_reduction <minimumf>, %select_n3A, %reduce_min3A_20 [1] : vector<512x512xf32> to vector<512xf32>
    %convert_element_type3A_22 = arith.fptosi %reduce_min3A_21 : vector<512xf32> to vector<512xi32>
    %add3A_23 = arith.constant 2 : i32
    %add3A_24 = vector.broadcast %add3A_23 : i32 to vector<512xi32>
    %add3A_25 = arith.addi %convert_element_type3A_22, %add3A_24 : vector<512xi32>
    %get3A_26 = arith.constant 512 : index
    %get3A_27 = arith.constant 0 : index
    %get3A_28 = vector.load %arg2[%get3A_26, %get3A_27] : memref<8192x32xf32, #tpu.memory_space<vmem>>, vector<512x32xf32>
    %mul3A_29 = arith.mulf %get3A_28, %get3A_28 : vector<512x32xf32>
    %reduce_sum3A_30 = arith.constant dense<0.000000e+00> : vector<512xf32>
    %reduce_sum3A_31 = vector.multi_reduction <add>, %mul3A_29, %reduce_sum3A_30 [1] : vector<512x32xf32> to vector<512xf32>
    %broadcast_in_dim3A_32 = vector.shape_cast %reduce_sum3A_31 : vector<512xf32> to vector<1x512xf32>
    %dot_general3A_33 = arith.constant dense<0.000000e+00> : vector<512x512xf32>
    %dot_general3A_34 = tpu.matmul %add3A, %get3A_28, %dot_general3A_33 {dimension_numbers = #tpu.dot_dimension_numbers<[1], [1], [0], [0], [0, 0, 1, 0], [], []>, transpose_lhs_hint = false} : vector<512x32xf32>, vector<512x32xf32>, vector<512x512xf32> -> vector<512x512xf32>
    %add3A_35 = vector.broadcast %broadcast_in_dim3A : vector<512x1xf32> to vector<512x512xf32>
    %add3A_36 = vector.broadcast %broadcast_in_dim3A_32 : vector<1x512xf32> to vector<512x512xf32>
    %add3A_37 = arith.addf %add3A_35, %add3A_36 : vector<512x512xf32>
    %sub3A_38 = arith.subf %add3A_37, %dot_general3A_34 : vector<512x512xf32>
    %reduce_min3A_39 = arith.constant dense<0x7F800000> : vector<512xf32>
    %reduce_min3A_40 = vector.multi_reduction <minimumf>, %sub3A_38, %reduce_min3A_39 [1] : vector<512x512xf32> to vector<512xf32>
    %broadcast_in_dim3A_41 = vector.shape_cast %reduce_min3A_40 : vector<512xf32> to vector<512x1xf32>
    %iota3A_42 = tpu.iota {dimensions = array<i32: 1>} : vector<1x512xi32>
    %convert_element_type3A_43 = arith.sitofp %iota3A_42 : vector<1x512xi32> to vector<1x512xf32>
    %le3A_44 = vector.broadcast %broadcast_in_dim3A_41 : vector<512x1xf32> to vector<512x512xf32>
    %le3A_45 = arith.cmpf ole, %sub3A_38, %le3A_44 : vector<512x512xf32>
    %jit3A_46 = arith.constant 5.120000e+02 : f32
    %broadcast_in_dim3A_47 = vector.shape_cast %convert_element_type3A_43 : vector<1x512xf32> to vector<1x512xf32>
    %broadcast_in_dim3A_48 = vector.broadcast %broadcast_in_dim3A_47 : vector<1x512xf32> to vector<512x512xf32>
    %broadcast_in_dim3A_49 = vector.broadcast %jit3A_46 : f32 to vector<512x512xf32>
    %select_n3A_50 = arith.select %le3A_45, %broadcast_in_dim3A_48, %broadcast_in_dim3A_49 : vector<512x512xi1>, vector<512x512xf32>
    %reduce_min3A_51 = arith.constant dense<0x7F800000> : vector<512xf32>
    %reduce_min3A_52 = vector.multi_reduction <minimumf>, %select_n3A_50, %reduce_min3A_51 [1] : vector<512x512xf32> to vector<512xf32>
    %convert_element_type3A_53 = arith.fptosi %reduce_min3A_52 : vector<512xf32> to vector<512xi32>
    %add3A_54 = arith.constant 514 : i32
    %add3A_55 = vector.broadcast %add3A_54 : i32 to vector<512xi32>
    %add3A_56 = arith.addi %convert_element_type3A_53, %add3A_55 : vector<512xi32>
    %get3A_57 = arith.constant 1024 : index
    %get3A_58 = arith.constant 0 : index
    %get3A_59 = vector.load %arg2[%get3A_57, %get3A_58] : memref<8192x32xf32, #tpu.memory_space<vmem>>, vector<512x32xf32>
    %mul3A_60 = arith.mulf %get3A_59, %get3A_59 : vector<512x32xf32>
    %reduce_sum3A_61 = arith.constant dense<0.000000e+00> : vector<512xf32>
    %reduce_sum3A_62 = vector.multi_reduction <add>, %mul3A_60, %reduce_sum3A_61 [1] : vector<512x32xf32> to vector<512xf32>
    %broadcast_in_dim3A_63 = vector.shape_cast %reduce_sum3A_62 : vector<512xf32> to vector<1x512xf32>
    %dot_general3A_64 = arith.constant dense<0.000000e+00> : vector<512x512xf32>
    %dot_general3A_65 = tpu.matmul %add3A, %get3A_59, %dot_general3A_64 {dimension_numbers = #tpu.dot_dimension_numbers<[1], [1], [0], [0], [0, 0, 1, 0], [], []>, transpose_lhs_hint = false} : vector<512x32xf32>, vector<512x32xf32>, vector<512x512xf32> -> vector<512x512xf32>
    %add3A_66 = vector.broadcast %broadcast_in_dim3A : vector<512x1xf32> to vector<512x512xf32>
    %add3A_67 = vector.broadcast %broadcast_in_dim3A_63 : vector<1x512xf32> to vector<512x512xf32>
    %add3A_68 = arith.addf %add3A_66, %add3A_67 : vector<512x512xf32>
    %sub3A_69 = arith.subf %add3A_68, %dot_general3A_65 : vector<512x512xf32>
    %reduce_min3A_70 = arith.constant dense<0x7F800000> : vector<512xf32>
    %reduce_min3A_71 = vector.multi_reduction <minimumf>, %sub3A_69, %reduce_min3A_70 [1] : vector<512x512xf32> to vector<512xf32>
    %broadcast_in_dim3A_72 = vector.shape_cast %reduce_min3A_71 : vector<512xf32> to vector<512x1xf32>
    %iota3A_73 = tpu.iota {dimensions = array<i32: 1>} : vector<1x512xi32>
    %convert_element_type3A_74 = arith.sitofp %iota3A_73 : vector<1x512xi32> to vector<1x512xf32>
    %le3A_75 = vector.broadcast %broadcast_in_dim3A_72 : vector<512x1xf32> to vector<512x512xf32>
    %le3A_76 = arith.cmpf ole, %sub3A_69, %le3A_75 : vector<512x512xf32>
    %jit3A_77 = arith.constant 5.120000e+02 : f32
    %broadcast_in_dim3A_78 = vector.shape_cast %convert_element_type3A_74 : vector<1x512xf32> to vector<1x512xf32>
    %broadcast_in_dim3A_79 = vector.broadcast %broadcast_in_dim3A_78 : vector<1x512xf32> to vector<512x512xf32>
    %broadcast_in_dim3A_80 = vector.broadcast %jit3A_77 : f32 to vector<512x512xf32>
    %select_n3A_81 = arith.select %le3A_76, %broadcast_in_dim3A_79, %broadcast_in_dim3A_80 : vector<512x512xi1>, vector<512x512xf32>
    %reduce_min3A_82 = arith.constant dense<0x7F800000> : vector<512xf32>
    %reduce_min3A_83 = vector.multi_reduction <minimumf>, %select_n3A_81, %reduce_min3A_82 [1] : vector<512x512xf32> to vector<512xf32>
    %convert_element_type3A_84 = arith.fptosi %reduce_min3A_83 : vector<512xf32> to vector<512xi32>
    %add3A_85 = arith.constant 1026 : i32
    %add3A_86 = vector.broadcast %add3A_85 : i32 to vector<512xi32>
    %add3A_87 = arith.addi %convert_element_type3A_84, %add3A_86 : vector<512xi32>
    %get3A_88 = arith.constant 1536 : index
    %get3A_89 = arith.constant 0 : index
    %get3A_90 = vector.load %arg2[%get3A_88, %get3A_89] : memref<8192x32xf32, #tpu.memory_space<vmem>>, vector<512x32xf32>
    %mul3A_91 = arith.mulf %get3A_90, %get3A_90 : vector<512x32xf32>
    %reduce_sum3A_92 = arith.constant dense<0.000000e+00> : vector<512xf32>
    %reduce_sum3A_93 = vector.multi_reduction <add>, %mul3A_91, %reduce_sum3A_92 [1] : vector<512x32xf32> to vector<512xf32>
    %broadcast_in_dim3A_94 = vector.shape_cast %reduce_sum3A_93 : vector<512xf32> to vector<1x512xf32>
    %dot_general3A_95 = arith.constant dense<0.000000e+00> : vector<512x512xf32>
    %dot_general3A_96 = tpu.matmul %add3A, %get3A_90, %dot_general3A_95 {dimension_numbers = #tpu.dot_dimension_numbers<[1], [1], [0], [0], [0, 0, 1, 0], [], []>, transpose_lhs_hint = false} : vector<512x32xf32>, vector<512x32xf32>, vector<512x512xf32> -> vector<512x512xf32>
    %add3A_97 = vector.broadcast %broadcast_in_dim3A : vector<512x1xf32> to vector<512x512xf32>
    %add3A_98 = vector.broadcast %broadcast_in_dim3A_94 : vector<1x512xf32> to vector<512x512xf32>
    %add3A_99 = arith.addf %add3A_97, %add3A_98 : vector<512x512xf32>
    %sub3A_100 = arith.subf %add3A_99, %dot_general3A_96 : vector<512x512xf32>
    %reduce_min3A_101 = arith.constant dense<0x7F800000> : vector<512xf32>
    %reduce_min3A_102 = vector.multi_reduction <minimumf>, %sub3A_100, %reduce_min3A_101 [1] : vector<512x512xf32> to vector<512xf32>
    %broadcast_in_dim3A_103 = vector.shape_cast %reduce_min3A_102 : vector<512xf32> to vector<512x1xf32>
    %iota3A_104 = tpu.iota {dimensions = array<i32: 1>} : vector<1x512xi32>
    %convert_element_type3A_105 = arith.sitofp %iota3A_104 : vector<1x512xi32> to vector<1x512xf32>
    %le3A_106 = vector.broadcast %broadcast_in_dim3A_103 : vector<512x1xf32> to vector<512x512xf32>
    %le3A_107 = arith.cmpf ole, %sub3A_100, %le3A_106 : vector<512x512xf32>
    %jit3A_108 = arith.constant 5.120000e+02 : f32
    %broadcast_in_dim3A_109 = vector.shape_cast %convert_element_type3A_105 : vector<1x512xf32> to vector<1x512xf32>
    %broadcast_in_dim3A_110 = vector.broadcast %broadcast_in_dim3A_109 : vector<1x512xf32> to vector<512x512xf32>
    %broadcast_in_dim3A_111 = vector.broadcast %jit3A_108 : f32 to vector<512x512xf32>
    %select_n3A_112 = arith.select %le3A_107, %broadcast_in_dim3A_110, %broadcast_in_dim3A_111 : vector<512x512xi1>, vector<512x512xf32>
    %reduce_min3A_113 = arith.constant dense<0x7F800000> : vector<512xf32>
    %reduce_min3A_114 = vector.multi_reduction <minimumf>, %select_n3A_112, %reduce_min3A_113 [1] : vector<512x512xf32> to vector<512xf32>
    %convert_element_type3A_115 = arith.fptosi %reduce_min3A_114 : vector<512xf32> to vector<512xi32>
    %add3A_116 = arith.constant 1538 : i32
    %add3A_117 = vector.broadcast %add3A_116 : i32 to vector<512xi32>
    %add3A_118 = arith.addi %convert_element_type3A_115, %add3A_117 : vector<512xi32>
    %get3A_119 = arith.constant 2048 : index
    %get3A_120 = arith.constant 0 : index
    %get3A_121 = vector.load %arg2[%get3A_119, %get3A_120] : memref<8192x32xf32, #tpu.memory_space<vmem>>, vector<512x32xf32>
    %mul3A_122 = arith.mulf %get3A_121, %get3A_121 : vector<512x32xf32>
    %reduce_sum3A_123 = arith.constant dense<0.000000e+00> : vector<512xf32>
    %reduce_sum3A_124 = vector.multi_reduction <add>, %mul3A_122, %reduce_sum3A_123 [1] : vector<512x32xf32> to vector<512xf32>
    %broadcast_in_dim3A_125 = vector.shape_cast %reduce_sum3A_124 : vector<512xf32> to vector<1x512xf32>
    %dot_general3A_126 = arith.constant dense<0.000000e+00> : vector<512x512xf32>
    %dot_general3A_127 = tpu.matmul %add3A, %get3A_121, %dot_general3A_126 {dimension_numbers = #tpu.dot_dimension_numbers<[1], [1], [0], [0], [0, 0, 1, 0], [], []>, transpose_lhs_hint = false} : vector<512x32xf32>, vector<512x32xf32>, vector<512x512xf32> -> vector<512x512xf32>
    %add3A_128 = vector.broadcast %broadcast_in_dim3A : vector<512x1xf32> to vector<512x512xf32>
    %add3A_129 = vector.broadcast %broadcast_in_dim3A_125 : vector<1x512xf32> to vector<512x512xf32>
    %add3A_130 = arith.addf %add3A_128, %add3A_129 : vector<512x512xf32>
    %sub3A_131 = arith.subf %add3A_130, %dot_general3A_127 : vector<512x512xf32>
    %reduce_min3A_132 = arith.constant dense<0x7F800000> : vector<512xf32>
    %reduce_min3A_133 = vector.multi_reduction <minimumf>, %sub3A_131, %reduce_min3A_132 [1] : vector<512x512xf32> to vector<512xf32>
    %broadcast_in_dim3A_134 = vector.shape_cast %reduce_min3A_133 : vector<512xf32> to vector<512x1xf32>
    %iota3A_135 = tpu.iota {dimensions = array<i32: 1>} : vector<1x512xi32>
    %convert_element_type3A_136 = arith.sitofp %iota3A_135 : vector<1x512xi32> to vector<1x512xf32>
    %le3A_137 = vector.broadcast %broadcast_in_dim3A_134 : vector<512x1xf32> to vector<512x512xf32>
    %le3A_138 = arith.cmpf ole, %sub3A_131, %le3A_137 : vector<512x512xf32>
    %jit3A_139 = arith.constant 5.120000e+02 : f32
    %broadcast_in_dim3A_140 = vector.shape_cast %convert_element_type3A_136 : vector<1x512xf32> to vector<1x512xf32>
    %broadcast_in_dim3A_141 = vector.broadcast %broadcast_in_dim3A_140 : vector<1x512xf32> to vector<512x512xf32>
    %broadcast_in_dim3A_142 = vector.broadcast %jit3A_139 : f32 to vector<512x512xf32>
    %select_n3A_143 = arith.select %le3A_138, %broadcast_in_dim3A_141, %broadcast_in_dim3A_142 : vector<512x512xi1>, vector<512x512xf32>
    %reduce_min3A_144 = arith.constant dense<0x7F800000> : vector<512xf32>
    %reduce_min3A_145 = vector.multi_reduction <minimumf>, %select_n3A_143, %reduce_min3A_144 [1] : vector<512x512xf32> to vector<512xf32>
    %convert_element_type3A_146 = arith.fptosi %reduce_min3A_145 : vector<512xf32> to vector<512xi32>
    %add3A_147 = arith.constant 2050 : i32
    %add3A_148 = vector.broadcast %add3A_147 : i32 to vector<512xi32>
    %add3A_149 = arith.addi %convert_element_type3A_146, %add3A_148 : vector<512xi32>
    %get3A_150 = arith.constant 2560 : index
    %get3A_151 = arith.constant 0 : index
    %get3A_152 = vector.load %arg2[%get3A_150, %get3A_151] : memref<8192x32xf32, #tpu.memory_space<vmem>>, vector<512x32xf32>
    %mul3A_153 = arith.mulf %get3A_152, %get3A_152 : vector<512x32xf32>
    %reduce_sum3A_154 = arith.constant dense<0.000000e+00> : vector<512xf32>
    %reduce_sum3A_155 = vector.multi_reduction <add>, %mul3A_153, %reduce_sum3A_154 [1] : vector<512x32xf32> to vector<512xf32>
    %broadcast_in_dim3A_156 = vector.shape_cast %reduce_sum3A_155 : vector<512xf32> to vector<1x512xf32>
    %dot_general3A_157 = arith.constant dense<0.000000e+00> : vector<512x512xf32>
    %dot_general3A_158 = tpu.matmul %add3A, %get3A_152, %dot_general3A_157 {dimension_numbers = #tpu.dot_dimension_numbers<[1], [1], [0], [0], [0, 0, 1, 0], [], []>, transpose_lhs_hint = false} : vector<512x32xf32>, vector<512x32xf32>, vector<512x512xf32> -> vector<512x512xf32>
    %add3A_159 = vector.broadcast %broadcast_in_dim3A : vector<512x1xf32> to vector<512x512xf32>
    %add3A_160 = vector.broadcast %broadcast_in_dim3A_156 : vector<1x512xf32> to vector<512x512xf32>
    %add3A_161 = arith.addf %add3A_159, %add3A_160 : vector<512x512xf32>
    %sub3A_162 = arith.subf %add3A_161, %dot_general3A_158 : vector<512x512xf32>
    %reduce_min3A_163 = arith.constant dense<0x7F800000> : vector<512xf32>
    %reduce_min3A_164 = vector.multi_reduction <minimumf>, %sub3A_162, %reduce_min3A_163 [1] : vector<512x512xf32> to vector<512xf32>
    %broadcast_in_dim3A_165 = vector.shape_cast %reduce_min3A_164 : vector<512xf32> to vector<512x1xf32>
    %iota3A_166 = tpu.iota {dimensions = array<i32: 1>} : vector<1x512xi32>
    %convert_element_type3A_167 = arith.sitofp %iota3A_166 : vector<1x512xi32> to vector<1x512xf32>
    %le3A_168 = vector.broadcast %broadcast_in_dim3A_165 : vector<512x1xf32> to vector<512x512xf32>
    %le3A_169 = arith.cmpf ole, %sub3A_162, %le3A_168 : vector<512x512xf32>
    %jit3A_170 = arith.constant 5.120000e+02 : f32
    %broadcast_in_dim3A_171 = vector.shape_cast %convert_element_type3A_167 : vector<1x512xf32> to vector<1x512xf32>
    %broadcast_in_dim3A_172 = vector.broadcast %broadcast_in_dim3A_171 : vector<1x512xf32> to vector<512x512xf32>
    %broadcast_in_dim3A_173 = vector.broadcast %jit3A_170 : f32 to vector<512x512xf32>
    %select_n3A_174 = arith.select %le3A_169, %broadcast_in_dim3A_172, %broadcast_in_dim3A_173 : vector<512x512xi1>, vector<512x512xf32>
    %reduce_min3A_175 = arith.constant dense<0x7F800000> : vector<512xf32>
    %reduce_min3A_176 = vector.multi_reduction <minimumf>, %select_n3A_174, %reduce_min3A_175 [1] : vector<512x512xf32> to vector<512xf32>
    %convert_element_type3A_177 = arith.fptosi %reduce_min3A_176 : vector<512xf32> to vector<512xi32>
    %add3A_178 = arith.constant 2562 : i32
    %add3A_179 = vector.broadcast %add3A_178 : i32 to vector<512xi32>
    %add3A_180 = arith.addi %convert_element_type3A_177, %add3A_179 : vector<512xi32>
    %get3A_181 = arith.constant 3072 : index
    %get3A_182 = arith.constant 0 : index
    %get3A_183 = vector.load %arg2[%get3A_181, %get3A_182] : memref<8192x32xf32, #tpu.memory_space<vmem>>, vector<512x32xf32>
    %mul3A_184 = arith.mulf %get3A_183, %get3A_183 : vector<512x32xf32>
    %reduce_sum3A_185 = arith.constant dense<0.000000e+00> : vector<512xf32>
    %reduce_sum3A_186 = vector.multi_reduction <add>, %mul3A_184, %reduce_sum3A_185 [1] : vector<512x32xf32> to vector<512xf32>
    %broadcast_in_dim3A_187 = vector.shape_cast %reduce_sum3A_186 : vector<512xf32> to vector<1x512xf32>
    %dot_general3A_188 = arith.constant dense<0.000000e+00> : vector<512x512xf32>
    %dot_general3A_189 = tpu.matmul %add3A, %get3A_183, %dot_general3A_188 {dimension_numbers = #tpu.dot_dimension_numbers<[1], [1], [0], [0], [0, 0, 1, 0], [], []>, transpose_lhs_hint = false} : vector<512x32xf32>, vector<512x32xf32>, vector<512x512xf32> -> vector<512x512xf32>
    %add3A_190 = vector.broadcast %broadcast_in_dim3A : vector<512x1xf32> to vector<512x512xf32>
    %add3A_191 = vector.broadcast %broadcast_in_dim3A_187 : vector<1x512xf32> to vector<512x512xf32>
    %add3A_192 = arith.addf %add3A_190, %add3A_191 : vector<512x512xf32>
    %sub3A_193 = arith.subf %add3A_192, %dot_general3A_189 : vector<512x512xf32>
    %reduce_min3A_194 = arith.constant dense<0x7F800000> : vector<512xf32>
    %reduce_min3A_195 = vector.multi_reduction <minimumf>, %sub3A_193, %reduce_min3A_194 [1] : vector<512x512xf32> to vector<512xf32>
    %broadcast_in_dim3A_196 = vector.shape_cast %reduce_min3A_195 : vector<512xf32> to vector<512x1xf32>
    %iota3A_197 = tpu.iota {dimensions = array<i32: 1>} : vector<1x512xi32>
    %convert_element_type3A_198 = arith.sitofp %iota3A_197 : vector<1x512xi32> to vector<1x512xf32>
    %le3A_199 = vector.broadcast %broadcast_in_dim3A_196 : vector<512x1xf32> to vector<512x512xf32>
    %le3A_200 = arith.cmpf ole, %sub3A_193, %le3A_199 : vector<512x512xf32>
    %jit3A_201 = arith.constant 5.120000e+02 : f32
    %broadcast_in_dim3A_202 = vector.shape_cast %convert_element_type3A_198 : vector<1x512xf32> to vector<1x512xf32>
    %broadcast_in_dim3A_203 = vector.broadcast %broadcast_in_dim3A_202 : vector<1x512xf32> to vector<512x512xf32>
    %broadcast_in_dim3A_204 = vector.broadcast %jit3A_201 : f32 to vector<512x512xf32>
    %select_n3A_205 = arith.select %le3A_200, %broadcast_in_dim3A_203, %broadcast_in_dim3A_204 : vector<512x512xi1>, vector<512x512xf32>
    %reduce_min3A_206 = arith.constant dense<0x7F800000> : vector<512xf32>
    %reduce_min3A_207 = vector.multi_reduction <minimumf>, %select_n3A_205, %reduce_min3A_206 [1] : vector<512x512xf32> to vector<512xf32>
    %convert_element_type3A_208 = arith.fptosi %reduce_min3A_207 : vector<512xf32> to vector<512xi32>
    %add3A_209 = arith.constant 3074 : i32
    %add3A_210 = vector.broadcast %add3A_209 : i32 to vector<512xi32>
    %add3A_211 = arith.addi %convert_element_type3A_208, %add3A_210 : vector<512xi32>
    %get3A_212 = arith.constant 3584 : index
    %get3A_213 = arith.constant 0 : index
    %get3A_214 = vector.load %arg2[%get3A_212, %get3A_213] : memref<8192x32xf32, #tpu.memory_space<vmem>>, vector<512x32xf32>
    %mul3A_215 = arith.mulf %get3A_214, %get3A_214 : vector<512x32xf32>
    %reduce_sum3A_216 = arith.constant dense<0.000000e+00> : vector<512xf32>
    %reduce_sum3A_217 = vector.multi_reduction <add>, %mul3A_215, %reduce_sum3A_216 [1] : vector<512x32xf32> to vector<512xf32>
    %broadcast_in_dim3A_218 = vector.shape_cast %reduce_sum3A_217 : vector<512xf32> to vector<1x512xf32>
    %dot_general3A_219 = arith.constant dense<0.000000e+00> : vector<512x512xf32>
    %dot_general3A_220 = tpu.matmul %add3A, %get3A_214, %dot_general3A_219 {dimension_numbers = #tpu.dot_dimension_numbers<[1], [1], [0], [0], [0, 0, 1, 0], [], []>, transpose_lhs_hint = false} : vector<512x32xf32>, vector<512x32xf32>, vector<512x512xf32> -> vector<512x512xf32>
    %add3A_221 = vector.broadcast %broadcast_in_dim3A : vector<512x1xf32> to vector<512x512xf32>
    %add3A_222 = vector.broadcast %broadcast_in_dim3A_218 : vector<1x512xf32> to vector<512x512xf32>
    %add3A_223 = arith.addf %add3A_221, %add3A_222 : vector<512x512xf32>
    %sub3A_224 = arith.subf %add3A_223, %dot_general3A_220 : vector<512x512xf32>
    %reduce_min3A_225 = arith.constant dense<0x7F800000> : vector<512xf32>
    %reduce_min3A_226 = vector.multi_reduction <minimumf>, %sub3A_224, %reduce_min3A_225 [1] : vector<512x512xf32> to vector<512xf32>
    %broadcast_in_dim3A_227 = vector.shape_cast %reduce_min3A_226 : vector<512xf32> to vector<512x1xf32>
    %iota3A_228 = tpu.iota {dimensions = array<i32: 1>} : vector<1x512xi32>
    %convert_element_type3A_229 = arith.sitofp %iota3A_228 : vector<1x512xi32> to vector<1x512xf32>
    %le3A_230 = vector.broadcast %broadcast_in_dim3A_227 : vector<512x1xf32> to vector<512x512xf32>
    %le3A_231 = arith.cmpf ole, %sub3A_224, %le3A_230 : vector<512x512xf32>
    %jit3A_232 = arith.constant 5.120000e+02 : f32
    %broadcast_in_dim3A_233 = vector.shape_cast %convert_element_type3A_229 : vector<1x512xf32> to vector<1x512xf32>
    %broadcast_in_dim3A_234 = vector.broadcast %broadcast_in_dim3A_233 : vector<1x512xf32> to vector<512x512xf32>
    %broadcast_in_dim3A_235 = vector.broadcast %jit3A_232 : f32 to vector<512x512xf32>
    %select_n3A_236 = arith.select %le3A_231, %broadcast_in_dim3A_234, %broadcast_in_dim3A_235 : vector<512x512xi1>, vector<512x512xf32>
    %reduce_min3A_237 = arith.constant dense<0x7F800000> : vector<512xf32>
    %reduce_min3A_238 = vector.multi_reduction <minimumf>, %select_n3A_236, %reduce_min3A_237 [1] : vector<512x512xf32> to vector<512xf32>
    %convert_element_type3A_239 = arith.fptosi %reduce_min3A_238 : vector<512xf32> to vector<512xi32>
    %add3A_240 = arith.constant 3586 : i32
    %add3A_241 = vector.broadcast %add3A_240 : i32 to vector<512xi32>
    %add3A_242 = arith.addi %convert_element_type3A_239, %add3A_241 : vector<512xi32>
    %get3A_243 = arith.constant 4096 : index
    %get3A_244 = arith.constant 0 : index
    %get3A_245 = vector.load %arg2[%get3A_243, %get3A_244] : memref<8192x32xf32, #tpu.memory_space<vmem>>, vector<512x32xf32>
    %mul3A_246 = arith.mulf %get3A_245, %get3A_245 : vector<512x32xf32>
    %reduce_sum3A_247 = arith.constant dense<0.000000e+00> : vector<512xf32>
    %reduce_sum3A_248 = vector.multi_reduction <add>, %mul3A_246, %reduce_sum3A_247 [1] : vector<512x32xf32> to vector<512xf32>
    %broadcast_in_dim3A_249 = vector.shape_cast %reduce_sum3A_248 : vector<512xf32> to vector<1x512xf32>
    %dot_general3A_250 = arith.constant dense<0.000000e+00> : vector<512x512xf32>
    %dot_general3A_251 = tpu.matmul %add3A, %get3A_245, %dot_general3A_250 {dimension_numbers = #tpu.dot_dimension_numbers<[1], [1], [0], [0], [0, 0, 1, 0], [], []>, transpose_lhs_hint = false} : vector<512x32xf32>, vector<512x32xf32>, vector<512x512xf32> -> vector<512x512xf32>
    %add3A_252 = vector.broadcast %broadcast_in_dim3A : vector<512x1xf32> to vector<512x512xf32>
    %add3A_253 = vector.broadcast %broadcast_in_dim3A_249 : vector<1x512xf32> to vector<512x512xf32>
    %add3A_254 = arith.addf %add3A_252, %add3A_253 : vector<512x512xf32>
    %sub3A_255 = arith.subf %add3A_254, %dot_general3A_251 : vector<512x512xf32>
    %reduce_min3A_256 = arith.constant dense<0x7F800000> : vector<512xf32>
    %reduce_min3A_257 = vector.multi_reduction <minimumf>, %sub3A_255, %reduce_min3A_256 [1] : vector<512x512xf32> to vector<512xf32>
    %broadcast_in_dim3A_258 = vector.shape_cast %reduce_min3A_257 : vector<512xf32> to vector<512x1xf32>
    %iota3A_259 = tpu.iota {dimensions = array<i32: 1>} : vector<1x512xi32>
    %convert_element_type3A_260 = arith.sitofp %iota3A_259 : vector<1x512xi32> to vector<1x512xf32>
    %le3A_261 = vector.broadcast %broadcast_in_dim3A_258 : vector<512x1xf32> to vector<512x512xf32>
    %le3A_262 = arith.cmpf ole, %sub3A_255, %le3A_261 : vector<512x512xf32>
    %jit3A_263 = arith.constant 5.120000e+02 : f32
    %broadcast_in_dim3A_264 = vector.shape_cast %convert_element_type3A_260 : vector<1x512xf32> to vector<1x512xf32>
    %broadcast_in_dim3A_265 = vector.broadcast %broadcast_in_dim3A_264 : vector<1x512xf32> to vector<512x512xf32>
    %broadcast_in_dim3A_266 = vector.broadcast %jit3A_263 : f32 to vector<512x512xf32>
    %select_n3A_267 = arith.select %le3A_262, %broadcast_in_dim3A_265, %broadcast_in_dim3A_266 : vector<512x512xi1>, vector<512x512xf32>
    %reduce_min3A_268 = arith.constant dense<0x7F800000> : vector<512xf32>
    %reduce_min3A_269 = vector.multi_reduction <minimumf>, %select_n3A_267, %reduce_min3A_268 [1] : vector<512x512xf32> to vector<512xf32>
    %convert_element_type3A_270 = arith.fptosi %reduce_min3A_269 : vector<512xf32> to vector<512xi32>
    %add3A_271 = arith.constant 4098 : i32
    %add3A_272 = vector.broadcast %add3A_271 : i32 to vector<512xi32>
    %add3A_273 = arith.addi %convert_element_type3A_270, %add3A_272 : vector<512xi32>
    %get3A_274 = arith.constant 4608 : index
    %get3A_275 = arith.constant 0 : index
    %get3A_276 = vector.load %arg2[%get3A_274, %get3A_275] : memref<8192x32xf32, #tpu.memory_space<vmem>>, vector<512x32xf32>
    %mul3A_277 = arith.mulf %get3A_276, %get3A_276 : vector<512x32xf32>
    %reduce_sum3A_278 = arith.constant dense<0.000000e+00> : vector<512xf32>
    %reduce_sum3A_279 = vector.multi_reduction <add>, %mul3A_277, %reduce_sum3A_278 [1] : vector<512x32xf32> to vector<512xf32>
    %broadcast_in_dim3A_280 = vector.shape_cast %reduce_sum3A_279 : vector<512xf32> to vector<1x512xf32>
    %dot_general3A_281 = arith.constant dense<0.000000e+00> : vector<512x512xf32>
    %dot_general3A_282 = tpu.matmul %add3A, %get3A_276, %dot_general3A_281 {dimension_numbers = #tpu.dot_dimension_numbers<[1], [1], [0], [0], [0, 0, 1, 0], [], []>, transpose_lhs_hint = false} : vector<512x32xf32>, vector<512x32xf32>, vector<512x512xf32> -> vector<512x512xf32>
    %add3A_283 = vector.broadcast %broadcast_in_dim3A : vector<512x1xf32> to vector<512x512xf32>
    %add3A_284 = vector.broadcast %broadcast_in_dim3A_280 : vector<1x512xf32> to vector<512x512xf32>
    %add3A_285 = arith.addf %add3A_283, %add3A_284 : vector<512x512xf32>
    %sub3A_286 = arith.subf %add3A_285, %dot_general3A_282 : vector<512x512xf32>
    %reduce_min3A_287 = arith.constant dense<0x7F800000> : vector<512xf32>
    %reduce_min3A_288 = vector.multi_reduction <minimumf>, %sub3A_286, %reduce_min3A_287 [1] : vector<512x512xf32> to vector<512xf32>
    %broadcast_in_dim3A_289 = vector.shape_cast %reduce_min3A_288 : vector<512xf32> to vector<512x1xf32>
    %iota3A_290 = tpu.iota {dimensions = array<i32: 1>} : vector<1x512xi32>
    %convert_element_type3A_291 = arith.sitofp %iota3A_290 : vector<1x512xi32> to vector<1x512xf32>
    %le3A_292 = vector.broadcast %broadcast_in_dim3A_289 : vector<512x1xf32> to vector<512x512xf32>
    %le3A_293 = arith.cmpf ole, %sub3A_286, %le3A_292 : vector<512x512xf32>
    %jit3A_294 = arith.constant 5.120000e+02 : f32
    %broadcast_in_dim3A_295 = vector.shape_cast %convert_element_type3A_291 : vector<1x512xf32> to vector<1x512xf32>
    %broadcast_in_dim3A_296 = vector.broadcast %broadcast_in_dim3A_295 : vector<1x512xf32> to vector<512x512xf32>
    %broadcast_in_dim3A_297 = vector.broadcast %jit3A_294 : f32 to vector<512x512xf32>
    %select_n3A_298 = arith.select %le3A_293, %broadcast_in_dim3A_296, %broadcast_in_dim3A_297 : vector<512x512xi1>, vector<512x512xf32>
    %reduce_min3A_299 = arith.constant dense<0x7F800000> : vector<512xf32>
    %reduce_min3A_300 = vector.multi_reduction <minimumf>, %select_n3A_298, %reduce_min3A_299 [1] : vector<512x512xf32> to vector<512xf32>
    %convert_element_type3A_301 = arith.fptosi %reduce_min3A_300 : vector<512xf32> to vector<512xi32>
    %add3A_302 = arith.constant 4610 : i32
    %add3A_303 = vector.broadcast %add3A_302 : i32 to vector<512xi32>
    %add3A_304 = arith.addi %convert_element_type3A_301, %add3A_303 : vector<512xi32>
    %get3A_305 = arith.constant 5120 : index
    %get3A_306 = arith.constant 0 : index
    %get3A_307 = vector.load %arg2[%get3A_305, %get3A_306] : memref<8192x32xf32, #tpu.memory_space<vmem>>, vector<512x32xf32>
    %mul3A_308 = arith.mulf %get3A_307, %get3A_307 : vector<512x32xf32>
    %reduce_sum3A_309 = arith.constant dense<0.000000e+00> : vector<512xf32>
    %reduce_sum3A_310 = vector.multi_reduction <add>, %mul3A_308, %reduce_sum3A_309 [1] : vector<512x32xf32> to vector<512xf32>
    %broadcast_in_dim3A_311 = vector.shape_cast %reduce_sum3A_310 : vector<512xf32> to vector<1x512xf32>
    %dot_general3A_312 = arith.constant dense<0.000000e+00> : vector<512x512xf32>
    %dot_general3A_313 = tpu.matmul %add3A, %get3A_307, %dot_general3A_312 {dimension_numbers = #tpu.dot_dimension_numbers<[1], [1], [0], [0], [0, 0, 1, 0], [], []>, transpose_lhs_hint = false} : vector<512x32xf32>, vector<512x32xf32>, vector<512x512xf32> -> vector<512x512xf32>
    %add3A_314 = vector.broadcast %broadcast_in_dim3A : vector<512x1xf32> to vector<512x512xf32>
    %add3A_315 = vector.broadcast %broadcast_in_dim3A_311 : vector<1x512xf32> to vector<512x512xf32>
    %add3A_316 = arith.addf %add3A_314, %add3A_315 : vector<512x512xf32>
    %sub3A_317 = arith.subf %add3A_316, %dot_general3A_313 : vector<512x512xf32>
    %reduce_min3A_318 = arith.constant dense<0x7F800000> : vector<512xf32>
    %reduce_min3A_319 = vector.multi_reduction <minimumf>, %sub3A_317, %reduce_min3A_318 [1] : vector<512x512xf32> to vector<512xf32>
    %broadcast_in_dim3A_320 = vector.shape_cast %reduce_min3A_319 : vector<512xf32> to vector<512x1xf32>
    %iota3A_321 = tpu.iota {dimensions = array<i32: 1>} : vector<1x512xi32>
    %convert_element_type3A_322 = arith.sitofp %iota3A_321 : vector<1x512xi32> to vector<1x512xf32>
    %le3A_323 = vector.broadcast %broadcast_in_dim3A_320 : vector<512x1xf32> to vector<512x512xf32>
    %le3A_324 = arith.cmpf ole, %sub3A_317, %le3A_323 : vector<512x512xf32>
    %jit3A_325 = arith.constant 5.120000e+02 : f32
    %broadcast_in_dim3A_326 = vector.shape_cast %convert_element_type3A_322 : vector<1x512xf32> to vector<1x512xf32>
    %broadcast_in_dim3A_327 = vector.broadcast %broadcast_in_dim3A_326 : vector<1x512xf32> to vector<512x512xf32>
    %broadcast_in_dim3A_328 = vector.broadcast %jit3A_325 : f32 to vector<512x512xf32>
    %select_n3A_329 = arith.select %le3A_324, %broadcast_in_dim3A_327, %broadcast_in_dim3A_328 : vector<512x512xi1>, vector<512x512xf32>
    %reduce_min3A_330 = arith.constant dense<0x7F800000> : vector<512xf32>
    %reduce_min3A_331 = vector.multi_reduction <minimumf>, %select_n3A_329, %reduce_min3A_330 [1] : vector<512x512xf32> to vector<512xf32>
    %convert_element_type3A_332 = arith.fptosi %reduce_min3A_331 : vector<512xf32> to vector<512xi32>
    %add3A_333 = arith.constant 5122 : i32
    %add3A_334 = vector.broadcast %add3A_333 : i32 to vector<512xi32>
    %add3A_335 = arith.addi %convert_element_type3A_332, %add3A_334 : vector<512xi32>
    %get3A_336 = arith.constant 5632 : index
    %get3A_337 = arith.constant 0 : index
    %get3A_338 = vector.load %arg2[%get3A_336, %get3A_337] : memref<8192x32xf32, #tpu.memory_space<vmem>>, vector<512x32xf32>
    %mul3A_339 = arith.mulf %get3A_338, %get3A_338 : vector<512x32xf32>
    %reduce_sum3A_340 = arith.constant dense<0.000000e+00> : vector<512xf32>
    %reduce_sum3A_341 = vector.multi_reduction <add>, %mul3A_339, %reduce_sum3A_340 [1] : vector<512x32xf32> to vector<512xf32>
    %broadcast_in_dim3A_342 = vector.shape_cast %reduce_sum3A_341 : vector<512xf32> to vector<1x512xf32>
    %dot_general3A_343 = arith.constant dense<0.000000e+00> : vector<512x512xf32>
    %dot_general3A_344 = tpu.matmul %add3A, %get3A_338, %dot_general3A_343 {dimension_numbers = #tpu.dot_dimension_numbers<[1], [1], [0], [0], [0, 0, 1, 0], [], []>, transpose_lhs_hint = false} : vector<512x32xf32>, vector<512x32xf32>, vector<512x512xf32> -> vector<512x512xf32>
    %add3A_345 = vector.broadcast %broadcast_in_dim3A : vector<512x1xf32> to vector<512x512xf32>
    %add3A_346 = vector.broadcast %broadcast_in_dim3A_342 : vector<1x512xf32> to vector<512x512xf32>
    %add3A_347 = arith.addf %add3A_345, %add3A_346 : vector<512x512xf32>
    %sub3A_348 = arith.subf %add3A_347, %dot_general3A_344 : vector<512x512xf32>
    %reduce_min3A_349 = arith.constant dense<0x7F800000> : vector<512xf32>
    %reduce_min3A_350 = vector.multi_reduction <minimumf>, %sub3A_348, %reduce_min3A_349 [1] : vector<512x512xf32> to vector<512xf32>
    %broadcast_in_dim3A_351 = vector.shape_cast %reduce_min3A_350 : vector<512xf32> to vector<512x1xf32>
    %iota3A_352 = tpu.iota {dimensions = array<i32: 1>} : vector<1x512xi32>
    %convert_element_type3A_353 = arith.sitofp %iota3A_352 : vector<1x512xi32> to vector<1x512xf32>
    %le3A_354 = vector.broadcast %broadcast_in_dim3A_351 : vector<512x1xf32> to vector<512x512xf32>
    %le3A_355 = arith.cmpf ole, %sub3A_348, %le3A_354 : vector<512x512xf32>
    %jit3A_356 = arith.constant 5.120000e+02 : f32
    %broadcast_in_dim3A_357 = vector.shape_cast %convert_element_type3A_353 : vector<1x512xf32> to vector<1x512xf32>
    %broadcast_in_dim3A_358 = vector.broadcast %broadcast_in_dim3A_357 : vector<1x512xf32> to vector<512x512xf32>
    %broadcast_in_dim3A_359 = vector.broadcast %jit3A_356 : f32 to vector<512x512xf32>
    %select_n3A_360 = arith.select %le3A_355, %broadcast_in_dim3A_358, %broadcast_in_dim3A_359 : vector<512x512xi1>, vector<512x512xf32>
    %reduce_min3A_361 = arith.constant dense<0x7F800000> : vector<512xf32>
    %reduce_min3A_362 = vector.multi_reduction <minimumf>, %select_n3A_360, %reduce_min3A_361 [1] : vector<512x512xf32> to vector<512xf32>
    %convert_element_type3A_363 = arith.fptosi %reduce_min3A_362 : vector<512xf32> to vector<512xi32>
    %add3A_364 = arith.constant 5634 : i32
    %add3A_365 = vector.broadcast %add3A_364 : i32 to vector<512xi32>
    %add3A_366 = arith.addi %convert_element_type3A_363, %add3A_365 : vector<512xi32>
    %get3A_367 = arith.constant 6144 : index
    %get3A_368 = arith.constant 0 : index
    %get3A_369 = vector.load %arg2[%get3A_367, %get3A_368] : memref<8192x32xf32, #tpu.memory_space<vmem>>, vector<512x32xf32>
    %mul3A_370 = arith.mulf %get3A_369, %get3A_369 : vector<512x32xf32>
    %reduce_sum3A_371 = arith.constant dense<0.000000e+00> : vector<512xf32>
    %reduce_sum3A_372 = vector.multi_reduction <add>, %mul3A_370, %reduce_sum3A_371 [1] : vector<512x32xf32> to vector<512xf32>
    %broadcast_in_dim3A_373 = vector.shape_cast %reduce_sum3A_372 : vector<512xf32> to vector<1x512xf32>
    %dot_general3A_374 = arith.constant dense<0.000000e+00> : vector<512x512xf32>
    %dot_general3A_375 = tpu.matmul %add3A, %get3A_369, %dot_general3A_374 {dimension_numbers = #tpu.dot_dimension_numbers<[1], [1], [0], [0], [0, 0, 1, 0], [], []>, transpose_lhs_hint = false} : vector<512x32xf32>, vector<512x32xf32>, vector<512x512xf32> -> vector<512x512xf32>
    %add3A_376 = vector.broadcast %broadcast_in_dim3A : vector<512x1xf32> to vector<512x512xf32>
    %add3A_377 = vector.broadcast %broadcast_in_dim3A_373 : vector<1x512xf32> to vector<512x512xf32>
    %add3A_378 = arith.addf %add3A_376, %add3A_377 : vector<512x512xf32>
    %sub3A_379 = arith.subf %add3A_378, %dot_general3A_375 : vector<512x512xf32>
    %reduce_min3A_380 = arith.constant dense<0x7F800000> : vector<512xf32>
    %reduce_min3A_381 = vector.multi_reduction <minimumf>, %sub3A_379, %reduce_min3A_380 [1] : vector<512x512xf32> to vector<512xf32>
    %broadcast_in_dim3A_382 = vector.shape_cast %reduce_min3A_381 : vector<512xf32> to vector<512x1xf32>
    %iota3A_383 = tpu.iota {dimensions = array<i32: 1>} : vector<1x512xi32>
    %convert_element_type3A_384 = arith.sitofp %iota3A_383 : vector<1x512xi32> to vector<1x512xf32>
    %le3A_385 = vector.broadcast %broadcast_in_dim3A_382 : vector<512x1xf32> to vector<512x512xf32>
    %le3A_386 = arith.cmpf ole, %sub3A_379, %le3A_385 : vector<512x512xf32>
    %jit3A_387 = arith.constant 5.120000e+02 : f32
    %broadcast_in_dim3A_388 = vector.shape_cast %convert_element_type3A_384 : vector<1x512xf32> to vector<1x512xf32>
    %broadcast_in_dim3A_389 = vector.broadcast %broadcast_in_dim3A_388 : vector<1x512xf32> to vector<512x512xf32>
    %broadcast_in_dim3A_390 = vector.broadcast %jit3A_387 : f32 to vector<512x512xf32>
    %select_n3A_391 = arith.select %le3A_386, %broadcast_in_dim3A_389, %broadcast_in_dim3A_390 : vector<512x512xi1>, vector<512x512xf32>
    %reduce_min3A_392 = arith.constant dense<0x7F800000> : vector<512xf32>
    %reduce_min3A_393 = vector.multi_reduction <minimumf>, %select_n3A_391, %reduce_min3A_392 [1] : vector<512x512xf32> to vector<512xf32>
    %convert_element_type3A_394 = arith.fptosi %reduce_min3A_393 : vector<512xf32> to vector<512xi32>
    %add3A_395 = arith.constant 6146 : i32
    %add3A_396 = vector.broadcast %add3A_395 : i32 to vector<512xi32>
    %add3A_397 = arith.addi %convert_element_type3A_394, %add3A_396 : vector<512xi32>
    %get3A_398 = arith.constant 6656 : index
    %get3A_399 = arith.constant 0 : index
    %get3A_400 = vector.load %arg2[%get3A_398, %get3A_399] : memref<8192x32xf32, #tpu.memory_space<vmem>>, vector<512x32xf32>
    %mul3A_401 = arith.mulf %get3A_400, %get3A_400 : vector<512x32xf32>
    %reduce_sum3A_402 = arith.constant dense<0.000000e+00> : vector<512xf32>
    %reduce_sum3A_403 = vector.multi_reduction <add>, %mul3A_401, %reduce_sum3A_402 [1] : vector<512x32xf32> to vector<512xf32>
    %broadcast_in_dim3A_404 = vector.shape_cast %reduce_sum3A_403 : vector<512xf32> to vector<1x512xf32>
    %dot_general3A_405 = arith.constant dense<0.000000e+00> : vector<512x512xf32>
    %dot_general3A_406 = tpu.matmul %add3A, %get3A_400, %dot_general3A_405 {dimension_numbers = #tpu.dot_dimension_numbers<[1], [1], [0], [0], [0, 0, 1, 0], [], []>, transpose_lhs_hint = false} : vector<512x32xf32>, vector<512x32xf32>, vector<512x512xf32> -> vector<512x512xf32>
    %add3A_407 = vector.broadcast %broadcast_in_dim3A : vector<512x1xf32> to vector<512x512xf32>
    %add3A_408 = vector.broadcast %broadcast_in_dim3A_404 : vector<1x512xf32> to vector<512x512xf32>
    %add3A_409 = arith.addf %add3A_407, %add3A_408 : vector<512x512xf32>
    %sub3A_410 = arith.subf %add3A_409, %dot_general3A_406 : vector<512x512xf32>
    %reduce_min3A_411 = arith.constant dense<0x7F800000> : vector<512xf32>
    %reduce_min3A_412 = vector.multi_reduction <minimumf>, %sub3A_410, %reduce_min3A_411 [1] : vector<512x512xf32> to vector<512xf32>
    %broadcast_in_dim3A_413 = vector.shape_cast %reduce_min3A_412 : vector<512xf32> to vector<512x1xf32>
    %iota3A_414 = tpu.iota {dimensions = array<i32: 1>} : vector<1x512xi32>
    %convert_element_type3A_415 = arith.sitofp %iota3A_414 : vector<1x512xi32> to vector<1x512xf32>
    %le3A_416 = vector.broadcast %broadcast_in_dim3A_413 : vector<512x1xf32> to vector<512x512xf32>
    %le3A_417 = arith.cmpf ole, %sub3A_410, %le3A_416 : vector<512x512xf32>
    %jit3A_418 = arith.constant 5.120000e+02 : f32
    %broadcast_in_dim3A_419 = vector.shape_cast %convert_element_type3A_415 : vector<1x512xf32> to vector<1x512xf32>
    %broadcast_in_dim3A_420 = vector.broadcast %broadcast_in_dim3A_419 : vector<1x512xf32> to vector<512x512xf32>
    %broadcast_in_dim3A_421 = vector.broadcast %jit3A_418 : f32 to vector<512x512xf32>
    %select_n3A_422 = arith.select %le3A_417, %broadcast_in_dim3A_420, %broadcast_in_dim3A_421 : vector<512x512xi1>, vector<512x512xf32>
    %reduce_min3A_423 = arith.constant dense<0x7F800000> : vector<512xf32>
    %reduce_min3A_424 = vector.multi_reduction <minimumf>, %select_n3A_422, %reduce_min3A_423 [1] : vector<512x512xf32> to vector<512xf32>
    %convert_element_type3A_425 = arith.fptosi %reduce_min3A_424 : vector<512xf32> to vector<512xi32>
    %add3A_426 = arith.constant 6658 : i32
    %add3A_427 = vector.broadcast %add3A_426 : i32 to vector<512xi32>
    %add3A_428 = arith.addi %convert_element_type3A_425, %add3A_427 : vector<512xi32>
    %get3A_429 = arith.constant 7168 : index
    %get3A_430 = arith.constant 0 : index
    %get3A_431 = vector.load %arg2[%get3A_429, %get3A_430] : memref<8192x32xf32, #tpu.memory_space<vmem>>, vector<512x32xf32>
    %mul3A_432 = arith.mulf %get3A_431, %get3A_431 : vector<512x32xf32>
    %reduce_sum3A_433 = arith.constant dense<0.000000e+00> : vector<512xf32>
    %reduce_sum3A_434 = vector.multi_reduction <add>, %mul3A_432, %reduce_sum3A_433 [1] : vector<512x32xf32> to vector<512xf32>
    %broadcast_in_dim3A_435 = vector.shape_cast %reduce_sum3A_434 : vector<512xf32> to vector<1x512xf32>
    %dot_general3A_436 = arith.constant dense<0.000000e+00> : vector<512x512xf32>
    %dot_general3A_437 = tpu.matmul %add3A, %get3A_431, %dot_general3A_436 {dimension_numbers = #tpu.dot_dimension_numbers<[1], [1], [0], [0], [0, 0, 1, 0], [], []>, transpose_lhs_hint = false} : vector<512x32xf32>, vector<512x32xf32>, vector<512x512xf32> -> vector<512x512xf32>
    %add3A_438 = vector.broadcast %broadcast_in_dim3A : vector<512x1xf32> to vector<512x512xf32>
    %add3A_439 = vector.broadcast %broadcast_in_dim3A_435 : vector<1x512xf32> to vector<512x512xf32>
    %add3A_440 = arith.addf %add3A_438, %add3A_439 : vector<512x512xf32>
    %sub3A_441 = arith.subf %add3A_440, %dot_general3A_437 : vector<512x512xf32>
    %reduce_min3A_442 = arith.constant dense<0x7F800000> : vector<512xf32>
    %reduce_min3A_443 = vector.multi_reduction <minimumf>, %sub3A_441, %reduce_min3A_442 [1] : vector<512x512xf32> to vector<512xf32>
    %broadcast_in_dim3A_444 = vector.shape_cast %reduce_min3A_443 : vector<512xf32> to vector<512x1xf32>
    %iota3A_445 = tpu.iota {dimensions = array<i32: 1>} : vector<1x512xi32>
    %convert_element_type3A_446 = arith.sitofp %iota3A_445 : vector<1x512xi32> to vector<1x512xf32>
    %le3A_447 = vector.broadcast %broadcast_in_dim3A_444 : vector<512x1xf32> to vector<512x512xf32>
    %le3A_448 = arith.cmpf ole, %sub3A_441, %le3A_447 : vector<512x512xf32>
    %jit3A_449 = arith.constant 5.120000e+02 : f32
    %broadcast_in_dim3A_450 = vector.shape_cast %convert_element_type3A_446 : vector<1x512xf32> to vector<1x512xf32>
    %broadcast_in_dim3A_451 = vector.broadcast %broadcast_in_dim3A_450 : vector<1x512xf32> to vector<512x512xf32>
    %broadcast_in_dim3A_452 = vector.broadcast %jit3A_449 : f32 to vector<512x512xf32>
    %select_n3A_453 = arith.select %le3A_448, %broadcast_in_dim3A_451, %broadcast_in_dim3A_452 : vector<512x512xi1>, vector<512x512xf32>
    %reduce_min3A_454 = arith.constant dense<0x7F800000> : vector<512xf32>
    %reduce_min3A_455 = vector.multi_reduction <minimumf>, %select_n3A_453, %reduce_min3A_454 [1] : vector<512x512xf32> to vector<512xf32>
    %convert_element_type3A_456 = arith.fptosi %reduce_min3A_455 : vector<512xf32> to vector<512xi32>
    %add3A_457 = arith.constant 7170 : i32
    %add3A_458 = vector.broadcast %add3A_457 : i32 to vector<512xi32>
    %add3A_459 = arith.addi %convert_element_type3A_456, %add3A_458 : vector<512xi32>
    %get3A_460 = arith.constant 7680 : index
    %get3A_461 = arith.constant 0 : index
    %get3A_462 = vector.load %arg2[%get3A_460, %get3A_461] : memref<8192x32xf32, #tpu.memory_space<vmem>>, vector<512x32xf32>
    %mul3A_463 = arith.mulf %get3A_462, %get3A_462 : vector<512x32xf32>
    %reduce_sum3A_464 = arith.constant dense<0.000000e+00> : vector<512xf32>
    %reduce_sum3A_465 = vector.multi_reduction <add>, %mul3A_463, %reduce_sum3A_464 [1] : vector<512x32xf32> to vector<512xf32>
    %broadcast_in_dim3A_466 = vector.shape_cast %reduce_sum3A_465 : vector<512xf32> to vector<1x512xf32>
    %dot_general3A_467 = arith.constant dense<0.000000e+00> : vector<512x512xf32>
    %dot_general3A_468 = tpu.matmul %add3A, %get3A_462, %dot_general3A_467 {dimension_numbers = #tpu.dot_dimension_numbers<[1], [1], [0], [0], [0, 0, 1, 0], [], []>, transpose_lhs_hint = false} : vector<512x32xf32>, vector<512x32xf32>, vector<512x512xf32> -> vector<512x512xf32>
    %add3A_469 = vector.broadcast %broadcast_in_dim3A : vector<512x1xf32> to vector<512x512xf32>
    %add3A_470 = vector.broadcast %broadcast_in_dim3A_466 : vector<1x512xf32> to vector<512x512xf32>
    %add3A_471 = arith.addf %add3A_469, %add3A_470 : vector<512x512xf32>
    %sub3A_472 = arith.subf %add3A_471, %dot_general3A_468 : vector<512x512xf32>
    %reduce_min3A_473 = arith.constant dense<0x7F800000> : vector<512xf32>
    %reduce_min3A_474 = vector.multi_reduction <minimumf>, %sub3A_472, %reduce_min3A_473 [1] : vector<512x512xf32> to vector<512xf32>
    %broadcast_in_dim3A_475 = vector.shape_cast %reduce_min3A_474 : vector<512xf32> to vector<512x1xf32>
    %iota3A_476 = tpu.iota {dimensions = array<i32: 1>} : vector<1x512xi32>
    %convert_element_type3A_477 = arith.sitofp %iota3A_476 : vector<1x512xi32> to vector<1x512xf32>
    %le3A_478 = vector.broadcast %broadcast_in_dim3A_475 : vector<512x1xf32> to vector<512x512xf32>
    %le3A_479 = arith.cmpf ole, %sub3A_472, %le3A_478 : vector<512x512xf32>
    %jit3A_480 = arith.constant 5.120000e+02 : f32
    %broadcast_in_dim3A_481 = vector.shape_cast %convert_element_type3A_477 : vector<1x512xf32> to vector<1x512xf32>
    %broadcast_in_dim3A_482 = vector.broadcast %broadcast_in_dim3A_481 : vector<1x512xf32> to vector<512x512xf32>
    %broadcast_in_dim3A_483 = vector.broadcast %jit3A_480 : f32 to vector<512x512xf32>
    %select_n3A_484 = arith.select %le3A_479, %broadcast_in_dim3A_482, %broadcast_in_dim3A_483 : vector<512x512xi1>, vector<512x512xf32>
    %reduce_min3A_485 = arith.constant dense<0x7F800000> : vector<512xf32>
    %reduce_min3A_486 = vector.multi_reduction <minimumf>, %select_n3A_484, %reduce_min3A_485 [1] : vector<512x512xf32> to vector<512xf32>
    %convert_element_type3A_487 = arith.fptosi %reduce_min3A_486 : vector<512xf32> to vector<512xi32>
    %add3A_488 = arith.constant 7682 : i32
    %add3A_489 = vector.broadcast %add3A_488 : i32 to vector<512xi32>
    %add3A_490 = arith.addi %convert_element_type3A_487, %add3A_489 : vector<512xi32>
    %stack3A = vector.shape_cast %add3A_25 : vector<512xi32> to vector<1x512xi32>
    %stack3A_491 = vector.shape_cast %add3A_56 : vector<512xi32> to vector<1x512xi32>
    %stack3A_492 = vector.shape_cast %add3A_87 : vector<512xi32> to vector<1x512xi32>
    %stack3A_493 = vector.shape_cast %add3A_118 : vector<512xi32> to vector<1x512xi32>
    %stack3A_494 = vector.shape_cast %add3A_149 : vector<512xi32> to vector<1x512xi32>
    %stack3A_495 = vector.shape_cast %add3A_180 : vector<512xi32> to vector<1x512xi32>
    %stack3A_496 = vector.shape_cast %add3A_211 : vector<512xi32> to vector<1x512xi32>
    %stack3A_497 = vector.shape_cast %add3A_242 : vector<512xi32> to vector<1x512xi32>
    %stack3A_498 = vector.shape_cast %add3A_273 : vector<512xi32> to vector<1x512xi32>
    %stack3A_499 = vector.shape_cast %add3A_304 : vector<512xi32> to vector<1x512xi32>
    %stack3A_500 = vector.shape_cast %add3A_335 : vector<512xi32> to vector<1x512xi32>
    %stack3A_501 = vector.shape_cast %add3A_366 : vector<512xi32> to vector<1x512xi32>
    %stack3A_502 = vector.shape_cast %add3A_397 : vector<512xi32> to vector<1x512xi32>
    %stack3A_503 = vector.shape_cast %add3A_428 : vector<512xi32> to vector<1x512xi32>
    %stack3A_504 = vector.shape_cast %add3A_459 : vector<512xi32> to vector<1x512xi32>
    %stack3A_505 = vector.shape_cast %add3A_490 : vector<512xi32> to vector<1x512xi32>
    %stack3A_506 = tpu.concatenate %stack3A, %stack3A_491, %stack3A_492, %stack3A_493, %stack3A_494, %stack3A_495, %stack3A_496, %stack3A_497, %stack3A_498, %stack3A_499, %stack3A_500, %stack3A_501, %stack3A_502, %stack3A_503, %stack3A_504, %stack3A_505 in 0 : vector<1x512xi32>, vector<1x512xi32>, vector<1x512xi32>, vector<1x512xi32>, vector<1x512xi32>, vector<1x512xi32>, vector<1x512xi32>, vector<1x512xi32>, vector<1x512xi32>, vector<1x512xi32>, vector<1x512xi32>, vector<1x512xi32>, vector<1x512xi32>, vector<1x512xi32>, vector<1x512xi32>, vector<1x512xi32> -> vector<16x512xi32>
    %swap3A = arith.constant 0 : index
    %swap3A_507 = arith.constant 0 : index
    %swap3A_508 = vector.load %arg3[%swap3A, %swap3A_507] : memref<16x512xi32, #tpu.memory_space<vmem>>, vector<16x512xi32>
    tpu.vector_store %arg3[%swap3A, %swap3A_507], %stack3A_506 {strides = array<i32>} : memref<16x512xi32, #tpu.memory_space<vmem>>, vector<16x512xi32>,
    return
  }
  func.func @transform_0(%arg0: i32) -> (i32, i32) {
    %add3A = arith.constant 8 : i32
    %add3A_0 = arith.addi %arg0, %add3A : i32
    %c0_i32 = arith.constant 0 : i32
    %c0_i32_1 = arith.constant 0 : i32
    return %add3A_0, %c0_i32 : i32, i32
  }
  func.func @transform_1(%arg0: i32) -> (i32, i32) {
    %c0_i32 = arith.constant 0 : i32
    %c0_i32_0 = arith.constant 0 : i32
    %c0_i32_1 = arith.constant 0 : i32
    return %c0_i32, %c0_i32_0 : i32, i32
  }
  func.func @transform_2(%arg0: i32) -> (i32, i32) {
    %c0_i32 = arith.constant 0 : i32
    %c0_i32_0 = arith.constant 0 : i32
    return %c0_i32, %arg0 : i32, i32
  }
}

module attributes {stable_mosaic.version = 14 : i64} {
  func.func @_tc_argmin_body(%arg0: i32, %arg1: memref<512x32xf32, #tpu.memory_space<vmem>>, %arg2: memref<8192x32xf32, #tpu.memory_space<vmem>>, %arg3: memref<16x512xi32, #tpu.memory_space<vmem>>) attributes {dimension_semantics = [#tpu.dimension_semantics<arbitrary>], iteration_bounds = array<i64: 8>, scalar_prefetch = 0 : i64, scratch_operands = 0 : i64, tpu.core_type = #tpu.core_type<tc>, window_params = [{transform_indices = @transform_0, window_bounds = array<i64: 512, 32>}, {pipeline_mode = #tpu.pipeline_mode<synchronous>, transform_indices = @transform_1, window_bounds = array<i64: 8192, 32>}, {transform_indices = @transform_2, window_bounds = array<i64: 16, 512>}]} {
    %get3A = arith.constant 0 : index
    %get3A_0 = arith.constant 0 : index
    %get3A_1 = vector.load %arg1[%get3A, %get3A_0] : memref<512x32xf32, #tpu.memory_space<vmem>>, vector<512x32xf32>
    %mul3A = arith.mulf %get3A_1, %get3A_1 : vector<512x32xf32>
    %reduce_sum3A = arith.constant dense<0.000000e+00> : vector<512xf32>
    %reduce_sum3A_2 = vector.multi_reduction <add>, %mul3A, %reduce_sum3A [1] : vector<512x32xf32> to vector<512xf32>
    %broadcast_in_dim3A = vector.shape_cast %reduce_sum3A_2 : vector<512xf32> to vector<512x1xf32>
    %add3A = arith.addf %get3A_1, %get3A_1 : vector<512x32xf32>
    %get3A_3 = arith.constant 0 : index
    %get3A_4 = arith.constant 0 : index
    %get3A_5 = vector.load %arg2[%get3A_3, %get3A_4] : memref<8192x32xf32, #tpu.memory_space<vmem>>, vector<512x32xf32>
    %mul3A_6 = arith.mulf %get3A_5, %get3A_5 : vector<512x32xf32>
    %reduce_sum3A_7 = arith.constant dense<0.000000e+00> : vector<512xf32>
    %reduce_sum3A_8 = vector.multi_reduction <add>, %mul3A_6, %reduce_sum3A_7 [1] : vector<512x32xf32> to vector<512xf32>
    %broadcast_in_dim3A_9 = vector.shape_cast %reduce_sum3A_8 : vector<512xf32> to vector<1x512xf32>
    %dot_general3A = arith.constant dense<0.000000e+00> : vector<512x512xf32>
    %dot_general3A_10 = tpu.matmul %add3A, %get3A_5, %dot_general3A {dimension_numbers = #tpu.dot_dimension_numbers<[1], [1], [0], [0], [0, 0, 1, 0], [], []>, transpose_lhs_hint = false} : vector<512x32xf32>, vector<512x32xf32>, vector<512x512xf32> -> vector<512x512xf32>
    %add3A_11 = vector.broadcast %broadcast_in_dim3A : vector<512x1xf32> to vector<512x512xf32>
    %add3A_12 = vector.broadcast %broadcast_in_dim3A_9 : vector<1x512xf32> to vector<512x512xf32>
    %add3A_13 = arith.addf %add3A_11, %add3A_12 : vector<512x512xf32>
    %sub3A = arith.subf %add3A_13, %dot_general3A_10 : vector<512x512xf32>
    %reduce_min3A = arith.constant dense<0x7F800000> : vector<512xf32>
    %reduce_min3A_14 = vector.multi_reduction <minimumf>, %sub3A, %reduce_min3A [1] : vector<512x512xf32> to vector<512xf32>
    %broadcast_in_dim3A_15 = vector.shape_cast %reduce_min3A_14 : vector<512xf32> to vector<512x1xf32>
    %iota3A = tpu.iota {dimensions = array<i32: 1>} : vector<1x512xi32>
    %convert_element_type3A = arith.sitofp %iota3A : vector<1x512xi32> to vector<1x512xf32>
    %le3A = vector.broadcast %broadcast_in_dim3A_15 : vector<512x1xf32> to vector<512x512xf32>
    %le3A_16 = arith.cmpf ole, %sub3A, %le3A : vector<512x512xf32>
    %jit3A = arith.constant 5.120000e+02 : f32
    %broadcast_in_dim3A_17 = vector.shape_cast %convert_element_type3A : vector<1x512xf32> to vector<1x512xf32>
    %broadcast_in_dim3A_18 = vector.broadcast %broadcast_in_dim3A_17 : vector<1x512xf32> to vector<512x512xf32>
    %broadcast_in_dim3A_19 = vector.broadcast %jit3A : f32 to vector<512x512xf32>
    %select_n3A = arith.select %le3A_16, %broadcast_in_dim3A_18, %broadcast_in_dim3A_19 : vector<512x512xi1>, vector<512x512xf32>
    %reduce_min3A_20 = arith.constant dense<0x7F800000> : vector<512xf32>
    %reduce_min3A_21 = vector.multi_reduction <minimumf>, %select_n3A, %reduce_min3A_20 [1] : vector<512x512xf32> to vector<512xf32>
    %convert_element_type3A_22 = arith.fptosi %reduce_min3A_21 : vector<512xf32> to vector<512xi32>
    %add3A_23 = arith.constant 2 : i32
    %add3A_24 = vector.broadcast %add3A_23 : i32 to vector<512xi32>
    %add3A_25 = arith.addi %convert_element_type3A_22, %add3A_24 : vector<512xi32>
    %get3A_26 = arith.constant 512 : index
    %get3A_27 = arith.constant 0 : index
    %get3A_28 = vector.load %arg2[%get3A_26, %get3A_27] : memref<8192x32xf32, #tpu.memory_space<vmem>>, vector<512x32xf32>
    %mul3A_29 = arith.mulf %get3A_28, %get3A_28 : vector<512x32xf32>
    %reduce_sum3A_30 = arith.constant dense<0.000000e+00> : vector<512xf32>
    %reduce_sum3A_31 = vector.multi_reduction <add>, %mul3A_29, %reduce_sum3A_30 [1] : vector<512x32xf32> to vector<512xf32>
    %broadcast_in_dim3A_32 = vector.shape_cast %reduce_sum3A_31 : vector<512xf32> to vector<1x512xf32>
    %dot_general3A_33 = arith.constant dense<0.000000e+00> : vector<512x512xf32>
    %dot_general3A_34 = tpu.matmul %add3A, %get3A_28, %dot_general3A_33 {dimension_numbers = #tpu.dot_dimension_numbers<[1], [1], [0], [0], [0, 0, 1, 0], [], []>, transpose_lhs_hint = false} : vector<512x32xf32>, vector<512x32xf32>, vector<512x512xf32> -> vector<512x512xf32>
    %add3A_35 = vector.broadcast %broadcast_in_dim3A : vector<512x1xf32> to vector<512x512xf32>
    %add3A_36 = vector.broadcast %broadcast_in_dim3A_32 : vector<1x512xf32> to vector<512x512xf32>
    %add3A_37 = arith.addf %add3A_35, %add3A_36 : vector<512x512xf32>
    %sub3A_38 = arith.subf %add3A_37, %dot_general3A_34 : vector<512x512xf32>
    %reduce_min3A_39 = arith.constant dense<0x7F800000> : vector<512xf32>
    %reduce_min3A_40 = vector.multi_reduction <minimumf>, %sub3A_38, %reduce_min3A_39 [1] : vector<512x512xf32> to vector<512xf32>
    %broadcast_in_dim3A_41 = vector.shape_cast %reduce_min3A_40 : vector<512xf32> to vector<512x1xf32>
    %iota3A_42 = tpu.iota {dimensions = array<i32: 1>} : vector<1x512xi32>
    %convert_element_type3A_43 = arith.sitofp %iota3A_42 : vector<1x512xi32> to vector<1x512xf32>
    %le3A_44 = vector.broadcast %broadcast_in_dim3A_41 : vector<512x1xf32> to vector<512x512xf32>
    %le3A_45 = arith.cmpf ole, %sub3A_38, %le3A_44 : vector<512x512xf32>
    %jit3A_46 = arith.constant 5.120000e+02 : f32
    %broadcast_in_dim3A_47 = vector.shape_cast %convert_element_type3A_43 : vector<1x512xf32> to vector<1x512xf32>
    %broadcast_in_dim3A_48 = vector.broadcast %broadcast_in_dim3A_47 : vector<1x512xf32> to vector<512x512xf32>
    %broadcast_in_dim3A_49 = vector.broadcast %jit3A_46 : f32 to vector<512x512xf32>
    %select_n3A_50 = arith.select %le3A_45, %broadcast_in_dim3A_48, %broadcast_in_dim3A_49 : vector<512x512xi1>, vector<512x512xf32>
    %reduce_min3A_51 = arith.constant dense<0x7F800000> : vector<512xf32>
    %reduce_min3A_52 = vector.multi_reduction <minimumf>, %select_n3A_50, %reduce_min3A_51 [1] : vector<512x512xf32> to vector<512xf32>
    %convert_element_type3A_53 = arith.fptosi %reduce_min3A_52 : vector<512xf32> to vector<512xi32>
    %add3A_54 = arith.constant 514 : i32
    %add3A_55 = vector.broadcast %add3A_54 : i32 to vector<512xi32>
    %add3A_56 = arith.addi %convert_element_type3A_53, %add3A_55 : vector<512xi32>
    %get3A_57 = arith.constant 1024 : index
    %get3A_58 = arith.constant 0 : index
    %get3A_59 = vector.load %arg2[%get3A_57, %get3A_58] : memref<8192x32xf32, #tpu.memory_space<vmem>>, vector<512x32xf32>
    %mul3A_60 = arith.mulf %get3A_59, %get3A_59 : vector<512x32xf32>
    %reduce_sum3A_61 = arith.constant dense<0.000000e+00> : vector<512xf32>
    %reduce_sum3A_62 = vector.multi_reduction <add>, %mul3A_60, %reduce_sum3A_61 [1] : vector<512x32xf32> to vector<512xf32>
    %broadcast_in_dim3A_63 = vector.shape_cast %reduce_sum3A_62 : vector<512xf32> to vector<1x512xf32>
    %dot_general3A_64 = arith.constant dense<0.000000e+00> : vector<512x512xf32>
    %dot_general3A_65 = tpu.matmul %add3A, %get3A_59, %dot_general3A_64 {dimension_numbers = #tpu.dot_dimension_numbers<[1], [1], [0], [0], [0, 0, 1, 0], [], []>, transpose_lhs_hint = false} : vector<512x32xf32>, vector<512x32xf32>, vector<512x512xf32> -> vector<512x512xf32>
    %add3A_66 = vector.broadcast %broadcast_in_dim3A : vector<512x1xf32> to vector<512x512xf32>
    %add3A_67 = vector.broadcast %broadcast_in_dim3A_63 : vector<1x512xf32> to vector<512x512xf32>
    %add3A_68 = arith.addf %add3A_66, %add3A_67 : vector<512x512xf32>
    %sub3A_69 = arith.subf %add3A_68, %dot_general3A_65 : vector<512x512xf32>
    %reduce_min3A_70 = arith.constant dense<0x7F800000> : vector<512xf32>
    %reduce_min3A_71 = vector.multi_reduction <minimumf>, %sub3A_69, %reduce_min3A_70 [1] : vector<512x512xf32> to vector<512xf32>
    %broadcast_in_dim3A_72 = vector.shape_cast %reduce_min3A_71 : vector<512xf32> to vector<512x1xf32>
    %iota3A_73 = tpu.iota {dimensions = array<i32: 1>} : vector<1x512xi32>
    %convert_element_type3A_74 = arith.sitofp %iota3A_73 : vector<1x512xi32> to vector<1x512xf32>
    %le3A_75 = vector.broadcast %broadcast_in_dim3A_72 : vector<512x1xf32> to vector<512x512xf32>
    %le3A_76 = arith.cmpf ole, %sub3A_69, %le3A_75 : vector<512x512xf32>
    %jit3A_77 = arith.constant 5.120000e+02 : f32
    %broadcast_in_dim3A_78 = vector.shape_cast %convert_element_type3A_74 : vector<1x512xf32> to vector<1x512xf32>
    %broadcast_in_dim3A_79 = vector.broadcast %broadcast_in_dim3A_78 : vector<1x512xf32> to vector<512x512xf32>
    %broadcast_in_dim3A_80 = vector.broadcast %jit3A_77 : f32 to vector<512x512xf32>
    %select_n3A_81 = arith.select %le3A_76, %broadcast_in_dim3A_79, %broadcast_in_dim3A_80 : vector<512x512xi1>, vector<512x512xf32>
    %reduce_min3A_82 = arith.constant dense<0x7F800000> : vector<512xf32>
    %reduce_min3A_83 = vector.multi_reduction <minimumf>, %select_n3A_81, %reduce_min3A_82 [1] : vector<512x512xf32> to vector<512xf32>
    %convert_element_type3A_84 = arith.fptosi %reduce_min3A_83 : vector<512xf32> to vector<512xi32>
    %add3A_85 = arith.constant 1026 : i32
    %add3A_86 = vector.broadcast %add3A_85 : i32 to vector<512xi32>
    %add3A_87 = arith.addi %convert_element_type3A_84, %add3A_86 : vector<512xi32>
    %get3A_88 = arith.constant 1536 : index
    %get3A_89 = arith.constant 0 : index
    %get3A_90 = vector.load %arg2[%get3A_88, %get3A_89] : memref<8192x32xf32, #tpu.memory_space<vmem>>, vector<512x32xf32>
    %mul3A_91 = arith.mulf %get3A_90, %get3A_90 : vector<512x32xf32>
    %reduce_sum3A_92 = arith.constant dense<0.000000e+00> : vector<512xf32>
    %reduce_sum3A_93 = vector.multi_reduction <add>, %mul3A_91, %reduce_sum3A_92 [1] : vector<512x32xf32> to vector<512xf32>
    %broadcast_in_dim3A_94 = vector.shape_cast %reduce_sum3A_93 : vector<512xf32> to vector<1x512xf32>
    %dot_general3A_95 = arith.constant dense<0.000000e+00> : vector<512x512xf32>
    %dot_general3A_96 = tpu.matmul %add3A, %get3A_90, %dot_general3A_95 {dimension_numbers = #tpu.dot_dimension_numbers<[1], [1], [0], [0], [0, 0, 1, 0], [], []>, transpose_lhs_hint = false} : vector<512x32xf32>, vector<512x32xf32>, vector<512x512xf32> -> vector<512x512xf32>
    %add3A_97 = vector.broadcast %broadcast_in_dim3A : vector<512x1xf32> to vector<512x512xf32>
    %add3A_98 = vector.broadcast %broadcast_in_dim3A_94 : vector<1x512xf32> to vector<512x512xf32>
    %add3A_99 = arith.addf %add3A_97, %add3A_98 : vector<512x512xf32>
    %sub3A_100 = arith.subf %add3A_99, %dot_general3A_96 : vector<512x512xf32>
    %reduce_min3A_101 = arith.constant dense<0x7F800000> : vector<512xf32>
    %reduce_min3A_102 = vector.multi_reduction <minimumf>, %sub3A_100, %reduce_min3A_101 [1] : vector<512x512xf32> to vector<512xf32>
    %broadcast_in_dim3A_103 = vector.shape_cast %reduce_min3A_102 : vector<512xf32> to vector<512x1xf32>
    %iota3A_104 = tpu.iota {dimensions = array<i32: 1>} : vector<1x512xi32>
    %convert_element_type3A_105 = arith.sitofp %iota3A_104 : vector<1x512xi32> to vector<1x512xf32>
    %le3A_106 = vector.broadcast %broadcast_in_dim3A_103 : vector<512x1xf32> to vector<512x512xf32>
    %le3A_107 = arith.cmpf ole, %sub3A_100, %le3A_106 : vector<512x512xf32>
    %jit3A_108 = arith.constant 5.120000e+02 : f32
    %broadcast_in_dim3A_109 = vector.shape_cast %convert_element_type3A_105 : vector<1x512xf32> to vector<1x512xf32>
    %broadcast_in_dim3A_110 = vector.broadcast %broadcast_in_dim3A_109 : vector<1x512xf32> to vector<512x512xf32>
    %broadcast_in_dim3A_111 = vector.broadcast %jit3A_108 : f32 to vector<512x512xf32>
    %select_n3A_112 = arith.select %le3A_107, %broadcast_in_dim3A_110, %broadcast_in_dim3A_111 : vector<512x512xi1>, vector<512x512xf32>
    %reduce_min3A_113 = arith.constant dense<0x7F800000> : vector<512xf32>
    %reduce_min3A_114 = vector.multi_reduction <minimumf>, %select_n3A_112, %reduce_min3A_113 [1] : vector<512x512xf32> to vector<512xf32>
    %convert_element_type3A_115 = arith.fptosi %reduce_min3A_114 : vector<512xf32> to vector<512xi32>
    %add3A_116 = arith.constant 1538 : i32
    %add3A_117 = vector.broadcast %add3A_116 : i32 to vector<512xi32>
    %add3A_118 = arith.addi %convert_element_type3A_115, %add3A_117 : vector<512xi32>
    %get3A_119 = arith.constant 2048 : index
    %get3A_120 = arith.constant 0 : index
    %get3A_121 = vector.load %arg2[%get3A_119, %get3A_120] : memref<8192x32xf32, #tpu.memory_space<vmem>>, vector<512x32xf32>
    %mul3A_122 = arith.mulf %get3A_121, %get3A_121 : vector<512x32xf32>
    %reduce_sum3A_123 = arith.constant dense<0.000000e+00> : vector<512xf32>
    %reduce_sum3A_124 = vector.multi_reduction <add>, %mul3A_122, %reduce_sum3A_123 [1] : vector<512x32xf32> to vector<512xf32>
    %broadcast_in_dim3A_125 = vector.shape_cast %reduce_sum3A_124 : vector<512xf32> to vector<1x512xf32>
    %dot_general3A_126 = arith.constant dense<0.000000e+00> : vector<512x512xf32>
    %dot_general3A_127 = tpu.matmul %add3A, %get3A_121, %dot_general3A_126 {dimension_numbers = #tpu.dot_dimension_numbers<[1], [1], [0], [0], [0, 0, 1, 0], [], []>, transpose_lhs_hint = false} : vector<512x32xf32>, vector<512x32xf32>, vector<512x512xf32> -> vector<512x512xf32>
    %add3A_128 = vector.broadcast %broadcast_in_dim3A : vector<512x1xf32> to vector<512x512xf32>
    %add3A_129 = vector.broadcast %broadcast_in_dim3A_125 : vector<1x512xf32> to vector<512x512xf32>
    %add3A_130 = arith.addf %add3A_128, %add3A_129 : vector<512x512xf32>
    %sub3A_131 = arith.subf %add3A_130, %dot_general3A_127 : vector<512x512xf32>
    %reduce_min3A_132 = arith.constant dense<0x7F800000> : vector<512xf32>
    %reduce_min3A_133 = vector.multi_reduction <minimumf>, %sub3A_131, %reduce_min3A_132 [1] : vector<512x512xf32> to vector<512xf32>
    %broadcast_in_dim3A_134 = vector.shape_cast %reduce_min3A_133 : vector<512xf32> to vector<512x1xf32>
    %iota3A_135 = tpu.iota {dimensions = array<i32: 1>} : vector<1x512xi32>
    %convert_element_type3A_136 = arith.sitofp %iota3A_135 : vector<1x512xi32> to vector<1x512xf32>
    %le3A_137 = vector.broadcast %broadcast_in_dim3A_134 : vector<512x1xf32> to vector<512x512xf32>
    %le3A_138 = arith.cmpf ole, %sub3A_131, %le3A_137 : vector<512x512xf32>
    %jit3A_139 = arith.constant 5.120000e+02 : f32
    %broadcast_in_dim3A_140 = vector.shape_cast %convert_element_type3A_136 : vector<1x512xf32> to vector<1x512xf32>
    %broadcast_in_dim3A_141 = vector.broadcast %broadcast_in_dim3A_140 : vector<1x512xf32> to vector<512x512xf32>
    %broadcast_in_dim3A_142 = vector.broadcast %jit3A_139 : f32 to vector<512x512xf32>
    %select_n3A_143 = arith.select %le3A_138, %broadcast_in_dim3A_141, %broadcast_in_dim3A_142 : vector<512x512xi1>, vector<512x512xf32>
    %reduce_min3A_144 = arith.constant dense<0x7F800000> : vector<512xf32>
    %reduce_min3A_145 = vector.multi_reduction <minimumf>, %select_n3A_143, %reduce_min3A_144 [1] : vector<512x512xf32> to vector<512xf32>
    %convert_element_type3A_146 = arith.fptosi %reduce_min3A_145 : vector<512xf32> to vector<512xi32>
    %add3A_147 = arith.constant 2050 : i32
    %add3A_148 = vector.broadcast %add3A_147 : i32 to vector<512xi32>
    %add3A_149 = arith.addi %convert_element_type3A_146, %add3A_148 : vector<512xi32>
    %get3A_150 = arith.constant 2560 : index
    %get3A_151 = arith.constant 0 : index
    %get3A_152 = vector.load %arg2[%get3A_150, %get3A_151] : memref<8192x32xf32, #tpu.memory_space<vmem>>, vector<512x32xf32>
    %mul3A_153 = arith.mulf %get3A_152, %get3A_152 : vector<512x32xf32>
    %reduce_sum3A_154 = arith.constant dense<0.000000e+00> : vector<512xf32>
    %reduce_sum3A_155 = vector.multi_reduction <add>, %mul3A_153, %reduce_sum3A_154 [1] : vector<512x32xf32> to vector<512xf32>
    %broadcast_in_dim3A_156 = vector.shape_cast %reduce_sum3A_155 : vector<512xf32> to vector<1x512xf32>
    %dot_general3A_157 = arith.constant dense<0.000000e+00> : vector<512x512xf32>
    %dot_general3A_158 = tpu.matmul %add3A, %get3A_152, %dot_general3A_157 {dimension_numbers = #tpu.dot_dimension_numbers<[1], [1], [0], [0], [0, 0, 1, 0], [], []>, transpose_lhs_hint = false} : vector<512x32xf32>, vector<512x32xf32>, vector<512x512xf32> -> vector<512x512xf32>
    %add3A_159 = vector.broadcast %broadcast_in_dim3A : vector<512x1xf32> to vector<512x512xf32>
    %add3A_160 = vector.broadcast %broadcast_in_dim3A_156 : vector<1x512xf32> to vector<512x512xf32>
    %add3A_161 = arith.addf %add3A_159, %add3A_160 : vector<512x512xf32>
    %sub3A_162 = arith.subf %add3A_161, %dot_general3A_158 : vector<512x512xf32>
    %reduce_min3A_163 = arith.constant dense<0x7F800000> : vector<512xf32>
    %reduce_min3A_164 = vector.multi_reduction <minimumf>, %sub3A_162, %reduce_min3A_163 [1] : vector<512x512xf32> to vector<512xf32>
    %broadcast_in_dim3A_165 = vector.shape_cast %reduce_min3A_164 : vector<512xf32> to vector<512x1xf32>
    %iota3A_166 = tpu.iota {dimensions = array<i32: 1>} : vector<1x512xi32>
    %convert_element_type3A_167 = arith.sitofp %iota3A_166 : vector<1x512xi32> to vector<1x512xf32>
    %le3A_168 = vector.broadcast %broadcast_in_dim3A_165 : vector<512x1xf32> to vector<512x512xf32>
    %le3A_169 = arith.cmpf ole, %sub3A_162, %le3A_168 : vector<512x512xf32>
    %jit3A_170 = arith.constant 5.120000e+02 : f32
    %broadcast_in_dim3A_171 = vector.shape_cast %convert_element_type3A_167 : vector<1x512xf32> to vector<1x512xf32>
    %broadcast_in_dim3A_172 = vector.broadcast %broadcast_in_dim3A_171 : vector<1x512xf32> to vector<512x512xf32>
    %broadcast_in_dim3A_173 = vector.broadcast %jit3A_170 : f32 to vector<512x512xf32>
    %select_n3A_174 = arith.select %le3A_169, %broadcast_in_dim3A_172, %broadcast_in_dim3A_173 : vector<512x512xi1>, vector<512x512xf32>
    %reduce_min3A_175 = arith.constant dense<0x7F800000> : vector<512xf32>
    %reduce_min3A_176 = vector.multi_reduction <minimumf>, %select_n3A_174, %reduce_min3A_175 [1] : vector<512x512xf32> to vector<512xf32>
    %convert_element_type3A_177 = arith.fptosi %reduce_min3A_176 : vector<512xf32> to vector<512xi32>
    %add3A_178 = arith.constant 2562 : i32
    %add3A_179 = vector.broadcast %add3A_178 : i32 to vector<512xi32>
    %add3A_180 = arith.addi %convert_element_type3A_177, %add3A_179 : vector<512xi32>
    %get3A_181 = arith.constant 3072 : index
    %get3A_182 = arith.constant 0 : index
    %get3A_183 = vector.load %arg2[%get3A_181, %get3A_182] : memref<8192x32xf32, #tpu.memory_space<vmem>>, vector<512x32xf32>
    %mul3A_184 = arith.mulf %get3A_183, %get3A_183 : vector<512x32xf32>
    %reduce_sum3A_185 = arith.constant dense<0.000000e+00> : vector<512xf32>
    %reduce_sum3A_186 = vector.multi_reduction <add>, %mul3A_184, %reduce_sum3A_185 [1] : vector<512x32xf32> to vector<512xf32>
    %broadcast_in_dim3A_187 = vector.shape_cast %reduce_sum3A_186 : vector<512xf32> to vector<1x512xf32>
    %dot_general3A_188 = arith.constant dense<0.000000e+00> : vector<512x512xf32>
    %dot_general3A_189 = tpu.matmul %add3A, %get3A_183, %dot_general3A_188 {dimension_numbers = #tpu.dot_dimension_numbers<[1], [1], [0], [0], [0, 0, 1, 0], [], []>, transpose_lhs_hint = false} : vector<512x32xf32>, vector<512x32xf32>, vector<512x512xf32> -> vector<512x512xf32>
    %add3A_190 = vector.broadcast %broadcast_in_dim3A : vector<512x1xf32> to vector<512x512xf32>
    %add3A_191 = vector.broadcast %broadcast_in_dim3A_187 : vector<1x512xf32> to vector<512x512xf32>
    %add3A_192 = arith.addf %add3A_190, %add3A_191 : vector<512x512xf32>
    %sub3A_193 = arith.subf %add3A_192, %dot_general3A_189 : vector<512x512xf32>
    %reduce_min3A_194 = arith.constant dense<0x7F800000> : vector<512xf32>
    %reduce_min3A_195 = vector.multi_reduction <minimumf>, %sub3A_193, %reduce_min3A_194 [1] : vector<512x512xf32> to vector<512xf32>
    %broadcast_in_dim3A_196 = vector.shape_cast %reduce_min3A_195 : vector<512xf32> to vector<512x1xf32>
    %iota3A_197 = tpu.iota {dimensions = array<i32: 1>} : vector<1x512xi32>
    %convert_element_type3A_198 = arith.sitofp %iota3A_197 : vector<1x512xi32> to vector<1x512xf32>
    %le3A_199 = vector.broadcast %broadcast_in_dim3A_196 : vector<512x1xf32> to vector<512x512xf32>
    %le3A_200 = arith.cmpf ole, %sub3A_193, %le3A_199 : vector<512x512xf32>
    %jit3A_201 = arith.constant 5.120000e+02 : f32
    %broadcast_in_dim3A_202 = vector.shape_cast %convert_element_type3A_198 : vector<1x512xf32> to vector<1x512xf32>
    %broadcast_in_dim3A_203 = vector.broadcast %broadcast_in_dim3A_202 : vector<1x512xf32> to vector<512x512xf32>
    %broadcast_in_dim3A_204 = vector.broadcast %jit3A_201 : f32 to vector<512x512xf32>
    %select_n3A_205 = arith.select %le3A_200, %broadcast_in_dim3A_203, %broadcast_in_dim3A_204 : vector<512x512xi1>, vector<512x512xf32>
    %reduce_min3A_206 = arith.constant dense<0x7F800000> : vector<512xf32>
    %reduce_min3A_207 = vector.multi_reduction <minimumf>, %select_n3A_205, %reduce_min3A_206 [1] : vector<512x512xf32> to vector<512xf32>
    %convert_element_type3A_208 = arith.fptosi %reduce_min3A_207 : vector<512xf32> to vector<512xi32>
    %add3A_209 = arith.constant 3074 : i32
    %add3A_210 = vector.broadcast %add3A_209 : i32 to vector<512xi32>
    %add3A_211 = arith.addi %convert_element_type3A_208, %add3A_210 : vector<512xi32>
    %get3A_212 = arith.constant 3584 : index
    %get3A_213 = arith.constant 0 : index
    %get3A_214 = vector.load %arg2[%get3A_212, %get3A_213] : memref<8192x32xf32, #tpu.memory_space<vmem>>, vector<512x32xf32>
    %mul3A_215 = arith.mulf %get3A_214, %get3A_214 : vector<512x32xf32>
    %reduce_sum3A_216 = arith.constant dense<0.000000e+00> : vector<512xf32>
    %reduce_sum3A_217 = vector.multi_reduction <add>, %mul3A_215, %reduce_sum3A_216 [1] : vector<512x32xf32> to vector<512xf32>
    %broadcast_in_dim3A_218 = vector.shape_cast %reduce_sum3A_217 : vector<512xf32> to vector<1x512xf32>
    %dot_general3A_219 = arith.constant dense<0.000000e+00> : vector<512x512xf32>
    %dot_general3A_220 = tpu.matmul %add3A, %get3A_214, %dot_general3A_219 {dimension_numbers = #tpu.dot_dimension_numbers<[1], [1], [0], [0], [0, 0, 1, 0], [], []>, transpose_lhs_hint = false} : vector<512x32xf32>, vector<512x32xf32>, vector<512x512xf32> -> vector<512x512xf32>
    %add3A_221 = vector.broadcast %broadcast_in_dim3A : vector<512x1xf32> to vector<512x512xf32>
    %add3A_222 = vector.broadcast %broadcast_in_dim3A_218 : vector<1x512xf32> to vector<512x512xf32>
    %add3A_223 = arith.addf %add3A_221, %add3A_222 : vector<512x512xf32>
    %sub3A_224 = arith.subf %add3A_223, %dot_general3A_220 : vector<512x512xf32>
    %reduce_min3A_225 = arith.constant dense<0x7F800000> : vector<512xf32>
    %reduce_min3A_226 = vector.multi_reduction <minimumf>, %sub3A_224, %reduce_min3A_225 [1] : vector<512x512xf32> to vector<512xf32>
    %broadcast_in_dim3A_227 = vector.shape_cast %reduce_min3A_226 : vector<512xf32> to vector<512x1xf32>
    %iota3A_228 = tpu.iota {dimensions = array<i32: 1>} : vector<1x512xi32>
    %convert_element_type3A_229 = arith.sitofp %iota3A_228 : vector<1x512xi32> to vector<1x512xf32>
    %le3A_230 = vector.broadcast %broadcast_in_dim3A_227 : vector<512x1xf32> to vector<512x512xf32>
    %le3A_231 = arith.cmpf ole, %sub3A_224, %le3A_230 : vector<512x512xf32>
    %jit3A_232 = arith.constant 5.120000e+02 : f32
    %broadcast_in_dim3A_233 = vector.shape_cast %convert_element_type3A_229 : vector<1x512xf32> to vector<1x512xf32>
    %broadcast_in_dim3A_234 = vector.broadcast %broadcast_in_dim3A_233 : vector<1x512xf32> to vector<512x512xf32>
    %broadcast_in_dim3A_235 = vector.broadcast %jit3A_232 : f32 to vector<512x512xf32>
    %select_n3A_236 = arith.select %le3A_231, %broadcast_in_dim3A_234, %broadcast_in_dim3A_235 : vector<512x512xi1>, vector<512x512xf32>
    %reduce_min3A_237 = arith.constant dense<0x7F800000> : vector<512xf32>
    %reduce_min3A_238 = vector.multi_reduction <minimumf>, %select_n3A_236, %reduce_min3A_237 [1] : vector<512x512xf32> to vector<512xf32>
    %convert_element_type3A_239 = arith.fptosi %reduce_min3A_238 : vector<512xf32> to vector<512xi32>
    %add3A_240 = arith.constant 3586 : i32
    %add3A_241 = vector.broadcast %add3A_240 : i32 to vector<512xi32>
    %add3A_242 = arith.addi %convert_element_type3A_239, %add3A_241 : vector<512xi32>
    %get3A_243 = arith.constant 4096 : index
    %get3A_244 = arith.constant 0 : index
    %get3A_245 = vector.load %arg2[%get3A_243, %get3A_244] : memref<8192x32xf32, #tpu.memory_space<vmem>>, vector<512x32xf32>
    %mul3A_246 = arith.mulf %get3A_245, %get3A_245 : vector<512x32xf32>
    %reduce_sum3A_247 = arith.constant dense<0.000000e+00> : vector<512xf32>
    %reduce_sum3A_248 = vector.multi_reduction <add>, %mul3A_246, %reduce_sum3A_247 [1] : vector<512x32xf32> to vector<512xf32>
    %broadcast_in_dim3A_249 = vector.shape_cast %reduce_sum3A_248 : vector<512xf32> to vector<1x512xf32>
    %dot_general3A_250 = arith.constant dense<0.000000e+00> : vector<512x512xf32>
    %dot_general3A_251 = tpu.matmul %add3A, %get3A_245, %dot_general3A_250 {dimension_numbers = #tpu.dot_dimension_numbers<[1], [1], [0], [0], [0, 0, 1, 0], [], []>, transpose_lhs_hint = false} : vector<512x32xf32>, vector<512x32xf32>, vector<512x512xf32> -> vector<512x512xf32>
    %add3A_252 = vector.broadcast %broadcast_in_dim3A : vector<512x1xf32> to vector<512x512xf32>
    %add3A_253 = vector.broadcast %broadcast_in_dim3A_249 : vector<1x512xf32> to vector<512x512xf32>
    %add3A_254 = arith.addf %add3A_252, %add3A_253 : vector<512x512xf32>
    %sub3A_255 = arith.subf %add3A_254, %dot_general3A_251 : vector<512x512xf32>
    %reduce_min3A_256 = arith.constant dense<0x7F800000> : vector<512xf32>
    %reduce_min3A_257 = vector.multi_reduction <minimumf>, %sub3A_255, %reduce_min3A_256 [1] : vector<512x512xf32> to vector<512xf32>
    %broadcast_in_dim3A_258 = vector.shape_cast %reduce_min3A_257 : vector<512xf32> to vector<512x1xf32>
    %iota3A_259 = tpu.iota {dimensions = array<i32: 1>} : vector<1x512xi32>
    %convert_element_type3A_260 = arith.sitofp %iota3A_259 : vector<1x512xi32> to vector<1x512xf32>
    %le3A_261 = vector.broadcast %broadcast_in_dim3A_258 : vector<512x1xf32> to vector<512x512xf32>
    %le3A_262 = arith.cmpf ole, %sub3A_255, %le3A_261 : vector<512x512xf32>
    %jit3A_263 = arith.constant 5.120000e+02 : f32
    %broadcast_in_dim3A_264 = vector.shape_cast %convert_element_type3A_260 : vector<1x512xf32> to vector<1x512xf32>
    %broadcast_in_dim3A_265 = vector.broadcast %broadcast_in_dim3A_264 : vector<1x512xf32> to vector<512x512xf32>
    %broadcast_in_dim3A_266 = vector.broadcast %jit3A_263 : f32 to vector<512x512xf32>
    %select_n3A_267 = arith.select %le3A_262, %broadcast_in_dim3A_265, %broadcast_in_dim3A_266 : vector<512x512xi1>, vector<512x512xf32>
    %reduce_min3A_268 = arith.constant dense<0x7F800000> : vector<512xf32>
    %reduce_min3A_269 = vector.multi_reduction <minimumf>, %select_n3A_267, %reduce_min3A_268 [1] : vector<512x512xf32> to vector<512xf32>
    %convert_element_type3A_270 = arith.fptosi %reduce_min3A_269 : vector<512xf32> to vector<512xi32>
    %add3A_271 = arith.constant 4098 : i32
    %add3A_272 = vector.broadcast %add3A_271 : i32 to vector<512xi32>
    %add3A_273 = arith.addi %convert_element_type3A_270, %add3A_272 : vector<512xi32>
    %get3A_274 = arith.constant 4608 : index
    %get3A_275 = arith.constant 0 : index
    %get3A_276 = vector.load %arg2[%get3A_274, %get3A_275] : memref<8192x32xf32, #tpu.memory_space<vmem>>, vector<512x32xf32>
    %mul3A_277 = arith.mulf %get3A_276, %get3A_276 : vector<512x32xf32>
    %reduce_sum3A_278 = arith.constant dense<0.000000e+00> : vector<512xf32>
    %reduce_sum3A_279 = vector.multi_reduction <add>, %mul3A_277, %reduce_sum3A_278 [1] : vector<512x32xf32> to vector<512xf32>
    %broadcast_in_dim3A_280 = vector.shape_cast %reduce_sum3A_279 : vector<512xf32> to vector<1x512xf32>
    %dot_general3A_281 = arith.constant dense<0.000000e+00> : vector<512x512xf32>
    %dot_general3A_282 = tpu.matmul %add3A, %get3A_276, %dot_general3A_281 {dimension_numbers = #tpu.dot_dimension_numbers<[1], [1], [0], [0], [0, 0, 1, 0], [], []>, transpose_lhs_hint = false} : vector<512x32xf32>, vector<512x32xf32>, vector<512x512xf32> -> vector<512x512xf32>
    %add3A_283 = vector.broadcast %broadcast_in_dim3A : vector<512x1xf32> to vector<512x512xf32>
    %add3A_284 = vector.broadcast %broadcast_in_dim3A_280 : vector<1x512xf32> to vector<512x512xf32>
    %add3A_285 = arith.addf %add3A_283, %add3A_284 : vector<512x512xf32>
    %sub3A_286 = arith.subf %add3A_285, %dot_general3A_282 : vector<512x512xf32>
    %reduce_min3A_287 = arith.constant dense<0x7F800000> : vector<512xf32>
    %reduce_min3A_288 = vector.multi_reduction <minimumf>, %sub3A_286, %reduce_min3A_287 [1] : vector<512x512xf32> to vector<512xf32>
    %broadcast_in_dim3A_289 = vector.shape_cast %reduce_min3A_288 : vector<512xf32> to vector<512x1xf32>
    %iota3A_290 = tpu.iota {dimensions = array<i32: 1>} : vector<1x512xi32>
    %convert_element_type3A_291 = arith.sitofp %iota3A_290 : vector<1x512xi32> to vector<1x512xf32>
    %le3A_292 = vector.broadcast %broadcast_in_dim3A_289 : vector<512x1xf32> to vector<512x512xf32>
    %le3A_293 = arith.cmpf ole, %sub3A_286, %le3A_292 : vector<512x512xf32>
    %jit3A_294 = arith.constant 5.120000e+02 : f32
    %broadcast_in_dim3A_295 = vector.shape_cast %convert_element_type3A_291 : vector<1x512xf32> to vector<1x512xf32>
    %broadcast_in_dim3A_296 = vector.broadcast %broadcast_in_dim3A_295 : vector<1x512xf32> to vector<512x512xf32>
    %broadcast_in_dim3A_297 = vector.broadcast %jit3A_294 : f32 to vector<512x512xf32>
    %select_n3A_298 = arith.select %le3A_293, %broadcast_in_dim3A_296, %broadcast_in_dim3A_297 : vector<512x512xi1>, vector<512x512xf32>
    %reduce_min3A_299 = arith.constant dense<0x7F800000> : vector<512xf32>
    %reduce_min3A_300 = vector.multi_reduction <minimumf>, %select_n3A_298, %reduce_min3A_299 [1] : vector<512x512xf32> to vector<512xf32>
    %convert_element_type3A_301 = arith.fptosi %reduce_min3A_300 : vector<512xf32> to vector<512xi32>
    %add3A_302 = arith.constant 4610 : i32
    %add3A_303 = vector.broadcast %add3A_302 : i32 to vector<512xi32>
    %add3A_304 = arith.addi %convert_element_type3A_301, %add3A_303 : vector<512xi32>
    %get3A_305 = arith.constant 5120 : index
    %get3A_306 = arith.constant 0 : index
    %get3A_307 = vector.load %arg2[%get3A_305, %get3A_306] : memref<8192x32xf32, #tpu.memory_space<vmem>>, vector<512x32xf32>
    %mul3A_308 = arith.mulf %get3A_307, %get3A_307 : vector<512x32xf32>
    %reduce_sum3A_309 = arith.constant dense<0.000000e+00> : vector<512xf32>
    %reduce_sum3A_310 = vector.multi_reduction <add>, %mul3A_308, %reduce_sum3A_309 [1] : vector<512x32xf32> to vector<512xf32>
    %broadcast_in_dim3A_311 = vector.shape_cast %reduce_sum3A_310 : vector<512xf32> to vector<1x512xf32>
    %dot_general3A_312 = arith.constant dense<0.000000e+00> : vector<512x512xf32>
    %dot_general3A_313 = tpu.matmul %add3A, %get3A_307, %dot_general3A_312 {dimension_numbers = #tpu.dot_dimension_numbers<[1], [1], [0], [0], [0, 0, 1, 0], [], []>, transpose_lhs_hint = false} : vector<512x32xf32>, vector<512x32xf32>, vector<512x512xf32> -> vector<512x512xf32>
    %add3A_314 = vector.broadcast %broadcast_in_dim3A : vector<512x1xf32> to vector<512x512xf32>
    %add3A_315 = vector.broadcast %broadcast_in_dim3A_311 : vector<1x512xf32> to vector<512x512xf32>
    %add3A_316 = arith.addf %add3A_314, %add3A_315 : vector<512x512xf32>
    %sub3A_317 = arith.subf %add3A_316, %dot_general3A_313 : vector<512x512xf32>
    %reduce_min3A_318 = arith.constant dense<0x7F800000> : vector<512xf32>
    %reduce_min3A_319 = vector.multi_reduction <minimumf>, %sub3A_317, %reduce_min3A_318 [1] : vector<512x512xf32> to vector<512xf32>
    %broadcast_in_dim3A_320 = vector.shape_cast %reduce_min3A_319 : vector<512xf32> to vector<512x1xf32>
    %iota3A_321 = tpu.iota {dimensions = array<i32: 1>} : vector<1x512xi32>
    %convert_element_type3A_322 = arith.sitofp %iota3A_321 : vector<1x512xi32> to vector<1x512xf32>
    %le3A_323 = vector.broadcast %broadcast_in_dim3A_320 : vector<512x1xf32> to vector<512x512xf32>
    %le3A_324 = arith.cmpf ole, %sub3A_317, %le3A_323 : vector<512x512xf32>
    %jit3A_325 = arith.constant 5.120000e+02 : f32
    %broadcast_in_dim3A_326 = vector.shape_cast %convert_element_type3A_322 : vector<1x512xf32> to vector<1x512xf32>
    %broadcast_in_dim3A_327 = vector.broadcast %broadcast_in_dim3A_326 : vector<1x512xf32> to vector<512x512xf32>
    %broadcast_in_dim3A_328 = vector.broadcast %jit3A_325 : f32 to vector<512x512xf32>
    %select_n3A_329 = arith.select %le3A_324, %broadcast_in_dim3A_327, %broadcast_in_dim3A_328 : vector<512x512xi1>, vector<512x512xf32>
    %reduce_min3A_330 = arith.constant dense<0x7F800000> : vector<512xf32>
    %reduce_min3A_331 = vector.multi_reduction <minimumf>, %select_n3A_329, %reduce_min3A_330 [1] : vector<512x512xf32> to vector<512xf32>
    %convert_element_type3A_332 = arith.fptosi %reduce_min3A_331 : vector<512xf32> to vector<512xi32>
    %add3A_333 = arith.constant 5122 : i32
    %add3A_334 = vector.broadcast %add3A_333 : i32 to vector<512xi32>
    %add3A_335 = arith.addi %convert_element_type3A_332, %add3A_334 : vector<512xi32>
    %get3A_336 = arith.constant 5632 : index
    %get3A_337 = arith.constant 0 : index
    %get3A_338 = vector.load %arg2[%get3A_336, %get3A_337] : memref<8192x32xf32, #tpu.memory_space<vmem>>, vector<512x32xf32>
    %mul3A_339 = arith.mulf %get3A_338, %get3A_338 : vector<512x32xf32>
    %reduce_sum3A_340 = arith.constant dense<0.000000e+00> : vector<512xf32>
    %reduce_sum3A_341 = vector.multi_reduction <add>, %mul3A_339, %reduce_sum3A_340 [1] : vector<512x32xf32> to vector<512xf32>
    %broadcast_in_dim3A_342 = vector.shape_cast %reduce_sum3A_341 : vector<512xf32> to vector<1x512xf32>
    %dot_general3A_343 = arith.constant dense<0.000000e+00> : vector<512x512xf32>
    %dot_general3A_344 = tpu.matmul %add3A, %get3A_338, %dot_general3A_343 {dimension_numbers = #tpu.dot_dimension_numbers<[1], [1], [0], [0], [0, 0, 1, 0], [], []>, transpose_lhs_hint = false} : vector<512x32xf32>, vector<512x32xf32>, vector<512x512xf32> -> vector<512x512xf32>
    %add3A_345 = vector.broadcast %broadcast_in_dim3A : vector<512x1xf32> to vector<512x512xf32>
    %add3A_346 = vector.broadcast %broadcast_in_dim3A_342 : vector<1x512xf32> to vector<512x512xf32>
    %add3A_347 = arith.addf %add3A_345, %add3A_346 : vector<512x512xf32>
    %sub3A_348 = arith.subf %add3A_347, %dot_general3A_344 : vector<512x512xf32>
    %reduce_min3A_349 = arith.constant dense<0x7F800000> : vector<512xf32>
    %reduce_min3A_350 = vector.multi_reduction <minimumf>, %sub3A_348, %reduce_min3A_349 [1] : vector<512x512xf32> to vector<512xf32>
    %broadcast_in_dim3A_351 = vector.shape_cast %reduce_min3A_350 : vector<512xf32> to vector<512x1xf32>
    %iota3A_352 = tpu.iota {dimensions = array<i32: 1>} : vector<1x512xi32>
    %convert_element_type3A_353 = arith.sitofp %iota3A_352 : vector<1x512xi32> to vector<1x512xf32>
    %le3A_354 = vector.broadcast %broadcast_in_dim3A_351 : vector<512x1xf32> to vector<512x512xf32>
    %le3A_355 = arith.cmpf ole, %sub3A_348, %le3A_354 : vector<512x512xf32>
    %jit3A_356 = arith.constant 5.120000e+02 : f32
    %broadcast_in_dim3A_357 = vector.shape_cast %convert_element_type3A_353 : vector<1x512xf32> to vector<1x512xf32>
    %broadcast_in_dim3A_358 = vector.broadcast %broadcast_in_dim3A_357 : vector<1x512xf32> to vector<512x512xf32>
    %broadcast_in_dim3A_359 = vector.broadcast %jit3A_356 : f32 to vector<512x512xf32>
    %select_n3A_360 = arith.select %le3A_355, %broadcast_in_dim3A_358, %broadcast_in_dim3A_359 : vector<512x512xi1>, vector<512x512xf32>
    %reduce_min3A_361 = arith.constant dense<0x7F800000> : vector<512xf32>
    %reduce_min3A_362 = vector.multi_reduction <minimumf>, %select_n3A_360, %reduce_min3A_361 [1] : vector<512x512xf32> to vector<512xf32>
    %convert_element_type3A_363 = arith.fptosi %reduce_min3A_362 : vector<512xf32> to vector<512xi32>
    %add3A_364 = arith.constant 5634 : i32
    %add3A_365 = vector.broadcast %add3A_364 : i32 to vector<512xi32>
    %add3A_366 = arith.addi %convert_element_type3A_363, %add3A_365 : vector<512xi32>
    %get3A_367 = arith.constant 6144 : index
    %get3A_368 = arith.constant 0 : index
    %get3A_369 = vector.load %arg2[%get3A_367, %get3A_368] : memref<8192x32xf32, #tpu.memory_space<vmem>>, vector<512x32xf32>
    %mul3A_370 = arith.mulf %get3A_369, %get3A_369 : vector<512x32xf32>
    %reduce_sum3A_371 = arith.constant dense<0.000000e+00> : vector<512xf32>
    %reduce_sum3A_372 = vector.multi_reduction <add>, %mul3A_370, %reduce_sum3A_371 [1] : vector<512x32xf32> to vector<512xf32>
    %broadcast_in_dim3A_373 = vector.shape_cast %reduce_sum3A_372 : vector<512xf32> to vector<1x512xf32>
    %dot_general3A_374 = arith.constant dense<0.000000e+00> : vector<512x512xf32>
    %dot_general3A_375 = tpu.matmul %add3A, %get3A_369, %dot_general3A_374 {dimension_numbers = #tpu.dot_dimension_numbers<[1], [1], [0], [0], [0, 0, 1, 0], [], []>, transpose_lhs_hint = false} : vector<512x32xf32>, vector<512x32xf32>, vector<512x512xf32> -> vector<512x512xf32>
    %add3A_376 = vector.broadcast %broadcast_in_dim3A : vector<512x1xf32> to vector<512x512xf32>
    %add3A_377 = vector.broadcast %broadcast_in_dim3A_373 : vector<1x512xf32> to vector<512x512xf32>
    %add3A_378 = arith.addf %add3A_376, %add3A_377 : vector<512x512xf32>
    %sub3A_379 = arith.subf %add3A_378, %dot_general3A_375 : vector<512x512xf32>
    %reduce_min3A_380 = arith.constant dense<0x7F800000> : vector<512xf32>
    %reduce_min3A_381 = vector.multi_reduction <minimumf>, %sub3A_379, %reduce_min3A_380 [1] : vector<512x512xf32> to vector<512xf32>
    %broadcast_in_dim3A_382 = vector.shape_cast %reduce_min3A_381 : vector<512xf32> to vector<512x1xf32>
    %iota3A_383 = tpu.iota {dimensions = array<i32: 1>} : vector<1x512xi32>
    %convert_element_type3A_384 = arith.sitofp %iota3A_383 : vector<1x512xi32> to vector<1x512xf32>
    %le3A_385 = vector.broadcast %broadcast_in_dim3A_382 : vector<512x1xf32> to vector<512x512xf32>
    %le3A_386 = arith.cmpf ole, %sub3A_379, %le3A_385 : vector<512x512xf32>
    %jit3A_387 = arith.constant 5.120000e+02 : f32
    %broadcast_in_dim3A_388 = vector.shape_cast %convert_element_type3A_384 : vector<1x512xf32> to vector<1x512xf32>
    %broadcast_in_dim3A_389 = vector.broadcast %broadcast_in_dim3A_388 : vector<1x512xf32> to vector<512x512xf32>
    %broadcast_in_dim3A_390 = vector.broadcast %jit3A_387 : f32 to vector<512x512xf32>
    %select_n3A_391 = arith.select %le3A_386, %broadcast_in_dim3A_389, %broadcast_in_dim3A_390 : vector<512x512xi1>, vector<512x512xf32>
    %reduce_min3A_392 = arith.constant dense<0x7F800000> : vector<512xf32>
    %reduce_min3A_393 = vector.multi_reduction <minimumf>, %select_n3A_391, %reduce_min3A_392 [1] : vector<512x512xf32> to vector<512xf32>
    %convert_element_type3A_394 = arith.fptosi %reduce_min3A_393 : vector<512xf32> to vector<512xi32>
    %add3A_395 = arith.constant 6146 : i32
    %add3A_396 = vector.broadcast %add3A_395 : i32 to vector<512xi32>
    %add3A_397 = arith.addi %convert_element_type3A_394, %add3A_396 : vector<512xi32>
    %get3A_398 = arith.constant 6656 : index
    %get3A_399 = arith.constant 0 : index
    %get3A_400 = vector.load %arg2[%get3A_398, %get3A_399] : memref<8192x32xf32, #tpu.memory_space<vmem>>, vector<512x32xf32>
    %mul3A_401 = arith.mulf %get3A_400, %get3A_400 : vector<512x32xf32>
    %reduce_sum3A_402 = arith.constant dense<0.000000e+00> : vector<512xf32>
    %reduce_sum3A_403 = vector.multi_reduction <add>, %mul3A_401, %reduce_sum3A_402 [1] : vector<512x32xf32> to vector<512xf32>
    %broadcast_in_dim3A_404 = vector.shape_cast %reduce_sum3A_403 : vector<512xf32> to vector<1x512xf32>
    %dot_general3A_405 = arith.constant dense<0.000000e+00> : vector<512x512xf32>
    %dot_general3A_406 = tpu.matmul %add3A, %get3A_400, %dot_general3A_405 {dimension_numbers = #tpu.dot_dimension_numbers<[1], [1], [0], [0], [0, 0, 1, 0], [], []>, transpose_lhs_hint = false} : vector<512x32xf32>, vector<512x32xf32>, vector<512x512xf32> -> vector<512x512xf32>
    %add3A_407 = vector.broadcast %broadcast_in_dim3A : vector<512x1xf32> to vector<512x512xf32>
    %add3A_408 = vector.broadcast %broadcast_in_dim3A_404 : vector<1x512xf32> to vector<512x512xf32>
    %add3A_409 = arith.addf %add3A_407, %add3A_408 : vector<512x512xf32>
    %sub3A_410 = arith.subf %add3A_409, %dot_general3A_406 : vector<512x512xf32>
    %reduce_min3A_411 = arith.constant dense<0x7F800000> : vector<512xf32>
    %reduce_min3A_412 = vector.multi_reduction <minimumf>, %sub3A_410, %reduce_min3A_411 [1] : vector<512x512xf32> to vector<512xf32>
    %broadcast_in_dim3A_413 = vector.shape_cast %reduce_min3A_412 : vector<512xf32> to vector<512x1xf32>
    %iota3A_414 = tpu.iota {dimensions = array<i32: 1>} : vector<1x512xi32>
    %convert_element_type3A_415 = arith.sitofp %iota3A_414 : vector<1x512xi32> to vector<1x512xf32>
    %le3A_416 = vector.broadcast %broadcast_in_dim3A_413 : vector<512x1xf32> to vector<512x512xf32>
    %le3A_417 = arith.cmpf ole, %sub3A_410, %le3A_416 : vector<512x512xf32>
    %jit3A_418 = arith.constant 5.120000e+02 : f32
    %broadcast_in_dim3A_419 = vector.shape_cast %convert_element_type3A_415 : vector<1x512xf32> to vector<1x512xf32>
    %broadcast_in_dim3A_420 = vector.broadcast %broadcast_in_dim3A_419 : vector<1x512xf32> to vector<512x512xf32>
    %broadcast_in_dim3A_421 = vector.broadcast %jit3A_418 : f32 to vector<512x512xf32>
    %select_n3A_422 = arith.select %le3A_417, %broadcast_in_dim3A_420, %broadcast_in_dim3A_421 : vector<512x512xi1>, vector<512x512xf32>
    %reduce_min3A_423 = arith.constant dense<0x7F800000> : vector<512xf32>
    %reduce_min3A_424 = vector.multi_reduction <minimumf>, %select_n3A_422, %reduce_min3A_423 [1] : vector<512x512xf32> to vector<512xf32>
    %convert_element_type3A_425 = arith.fptosi %reduce_min3A_424 : vector<512xf32> to vector<512xi32>
    %add3A_426 = arith.constant 6658 : i32
    %add3A_427 = vector.broadcast %add3A_426 : i32 to vector<512xi32>
    %add3A_428 = arith.addi %convert_element_type3A_425, %add3A_427 : vector<512xi32>
    %get3A_429 = arith.constant 7168 : index
    %get3A_430 = arith.constant 0 : index
    %get3A_431 = vector.load %arg2[%get3A_429, %get3A_430] : memref<8192x32xf32, #tpu.memory_space<vmem>>, vector<512x32xf32>
    %mul3A_432 = arith.mulf %get3A_431, %get3A_431 : vector<512x32xf32>
    %reduce_sum3A_433 = arith.constant dense<0.000000e+00> : vector<512xf32>
    %reduce_sum3A_434 = vector.multi_reduction <add>, %mul3A_432, %reduce_sum3A_433 [1] : vector<512x32xf32> to vector<512xf32>
    %broadcast_in_dim3A_435 = vector.shape_cast %reduce_sum3A_434 : vector<512xf32> to vector<1x512xf32>
    %dot_general3A_436 = arith.constant dense<0.000000e+00> : vector<512x512xf32>
    %dot_general3A_437 = tpu.matmul %add3A, %get3A_431, %dot_general3A_436 {dimension_numbers = #tpu.dot_dimension_numbers<[1], [1], [0], [0], [0, 0, 1, 0], [], []>, transpose_lhs_hint = false} : vector<512x32xf32>, vector<512x32xf32>, vector<512x512xf32> -> vector<512x512xf32>
    %add3A_438 = vector.broadcast %broadcast_in_dim3A : vector<512x1xf32> to vector<512x512xf32>
    %add3A_439 = vector.broadcast %broadcast_in_dim3A_435 : vector<1x512xf32> to vector<512x512xf32>
    %add3A_440 = arith.addf %add3A_438, %add3A_439 : vector<512x512xf32>
    %sub3A_441 = arith.subf %add3A_440, %dot_general3A_437 : vector<512x512xf32>
    %reduce_min3A_442 = arith.constant dense<0x7F800000> : vector<512xf32>
    %reduce_min3A_443 = vector.multi_reduction <minimumf>, %sub3A_441, %reduce_min3A_442 [1] : vector<512x512xf32> to vector<512xf32>
    %broadcast_in_dim3A_444 = vector.shape_cast %reduce_min3A_443 : vector<512xf32> to vector<512x1xf32>
    %iota3A_445 = tpu.iota {dimensions = array<i32: 1>} : vector<1x512xi32>
    %convert_element_type3A_446 = arith.sitofp %iota3A_445 : vector<1x512xi32> to vector<1x512xf32>
    %le3A_447 = vector.broadcast %broadcast_in_dim3A_444 : vector<512x1xf32> to vector<512x512xf32>
    %le3A_448 = arith.cmpf ole, %sub3A_441, %le3A_447 : vector<512x512xf32>
    %jit3A_449 = arith.constant 5.120000e+02 : f32
    %broadcast_in_dim3A_450 = vector.shape_cast %convert_element_type3A_446 : vector<1x512xf32> to vector<1x512xf32>
    %broadcast_in_dim3A_451 = vector.broadcast %broadcast_in_dim3A_450 : vector<1x512xf32> to vector<512x512xf32>
    %broadcast_in_dim3A_452 = vector.broadcast %jit3A_449 : f32 to vector<512x512xf32>
    %select_n3A_453 = arith.select %le3A_448, %broadcast_in_dim3A_451, %broadcast_in_dim3A_452 : vector<512x512xi1>, vector<512x512xf32>
    %reduce_min3A_454 = arith.constant dense<0x7F800000> : vector<512xf32>
    %reduce_min3A_455 = vector.multi_reduction <minimumf>, %select_n3A_453, %reduce_min3A_454 [1] : vector<512x512xf32> to vector<512xf32>
    %convert_element_type3A_456 = arith.fptosi %reduce_min3A_455 : vector<512xf32> to vector<512xi32>
    %add3A_457 = arith.constant 7170 : i32
    %add3A_458 = vector.broadcast %add3A_457 : i32 to vector<512xi32>
    %add3A_459 = arith.addi %convert_element_type3A_456, %add3A_458 : vector<512xi32>
    %get3A_460 = arith.constant 7680 : index
    %get3A_461 = arith.constant 0 : index
    %get3A_462 = vector.load %arg2[%get3A_460, %get3A_461] : memref<8192x32xf32, #tpu.memory_space<vmem>>, vector<512x32xf32>
    %mul3A_463 = arith.mulf %get3A_462, %get3A_462 : vector<512x32xf32>
    %reduce_sum3A_464 = arith.constant dense<0.000000e+00> : vector<512xf32>
    %reduce_sum3A_465 = vector.multi_reduction <add>, %mul3A_463, %reduce_sum3A_464 [1] : vector<512x32xf32> to vector<512xf32>
    %broadcast_in_dim3A_466 = vector.shape_cast %reduce_sum3A_465 : vector<512xf32> to vector<1x512xf32>
    %dot_general3A_467 = arith.constant dense<0.000000e+00> : vector<512x512xf32>
    %dot_general3A_468 = tpu.matmul %add3A, %get3A_462, %dot_general3A_467 {dimension_numbers = #tpu.dot_dimension_numbers<[1], [1], [0], [0], [0, 0, 1, 0], [], []>, transpose_lhs_hint = false} : vector<512x32xf32>, vector<512x32xf32>, vector<512x512xf32> -> vector<512x512xf32>
    %add3A_469 = vector.broadcast %broadcast_in_dim3A : vector<512x1xf32> to vector<512x512xf32>
    %add3A_470 = vector.broadcast %broadcast_in_dim3A_466 : vector<1x512xf32> to vector<512x512xf32>
    %add3A_471 = arith.addf %add3A_469, %add3A_470 : vector<512x512xf32>
    %sub3A_472 = arith.subf %add3A_471, %dot_general3A_468 : vector<512x512xf32>
    %reduce_min3A_473 = arith.constant dense<0x7F800000> : vector<512xf32>
    %reduce_min3A_474 = vector.multi_reduction <minimumf>, %sub3A_472, %reduce_min3A_473 [1] : vector<512x512xf32> to vector<512xf32>
    %broadcast_in_dim3A_475 = vector.shape_cast %reduce_min3A_474 : vector<512xf32> to vector<512x1xf32>
    %iota3A_476 = tpu.iota {dimensions = array<i32: 1>} : vector<1x512xi32>
    %convert_element_type3A_477 = arith.sitofp %iota3A_476 : vector<1x512xi32> to vector<1x512xf32>
    %le3A_478 = vector.broadcast %broadcast_in_dim3A_475 : vector<512x1xf32> to vector<512x512xf32>
    %le3A_479 = arith.cmpf ole, %sub3A_472, %le3A_478 : vector<512x512xf32>
    %jit3A_480 = arith.constant 5.120000e+02 : f32
    %broadcast_in_dim3A_481 = vector.shape_cast %convert_element_type3A_477 : vector<1x512xf32> to vector<1x512xf32>
    %broadcast_in_dim3A_482 = vector.broadcast %broadcast_in_dim3A_481 : vector<1x512xf32> to vector<512x512xf32>
    %broadcast_in_dim3A_483 = vector.broadcast %jit3A_480 : f32 to vector<512x512xf32>
    %select_n3A_484 = arith.select %le3A_479, %broadcast_in_dim3A_482, %broadcast_in_dim3A_483 : vector<512x512xi1>, vector<512x512xf32>
    %reduce_min3A_485 = arith.constant dense<0x7F800000> : vector<512xf32>
    %reduce_min3A_486 = vector.multi_reduction <minimumf>, %select_n3A_484, %reduce_min3A_485 [1] : vector<512x512xf32> to vector<512xf32>
    %convert_element_type3A_487 = arith.fptosi %reduce_min3A_486 : vector<512xf32> to vector<512xi32>
    %add3A_488 = arith.constant 7682 : i32
    %add3A_489 = vector.broadcast %add3A_488 : i32 to vector<512xi32>
    %add3A_490 = arith.addi %convert_element_type3A_487, %add3A_489 : vector<512xi32>
    %stack3A = vector.shape_cast %add3A_25 : vector<512xi32> to vector<1x512xi32>
    %stack3A_491 = vector.shape_cast %add3A_56 : vector<512xi32> to vector<1x512xi32>
    %stack3A_492 = vector.shape_cast %add3A_87 : vector<512xi32> to vector<1x512xi32>
    %stack3A_493 = vector.shape_cast %add3A_118 : vector<512xi32> to vector<1x512xi32>
    %stack3A_494 = vector.shape_cast %add3A_149 : vector<512xi32> to vector<1x512xi32>
    %stack3A_495 = vector.shape_cast %add3A_180 : vector<512xi32> to vector<1x512xi32>
    %stack3A_496 = vector.shape_cast %add3A_211 : vector<512xi32> to vector<1x512xi32>
    %stack3A_497 = vector.shape_cast %add3A_242 : vector<512xi32> to vector<1x512xi32>
    %stack3A_498 = vector.shape_cast %add3A_273 : vector<512xi32> to vector<1x512xi32>
    %stack3A_499 = vector.shape_cast %add3A_304 : vector<512xi32> to vector<1x512xi32>
    %stack3A_500 = vector.shape_cast %add3A_335 : vector<512xi32> to vector<1x512xi32>
    %stack3A_501 = vector.shape_cast %add3A_366 : vector<512xi32> to vector<1x512xi32>
    %stack3A_502 = vector.shape_cast %add3A_397 : vector<512xi32> to vector<1x512xi32>
    %stack3A_503 = vector.shape_cast %add3A_428 : vector<512xi32> to vector<1x512xi32>
    %stack3A_504 = vector.shape_cast %add3A_459 : vector<512xi32> to vector<1x512xi32>
    %stack3A_505 = vector.shape_cast %add3A_490 : vector<512xi32> to vector<1x512xi32>
    %stack3A_506 = tpu.concatenate %stack3A, %stack3A_491, %stack3A_492, %stack3A_493, %stack3A_494, %stack3A_495, %stack3A_496, %stack3A_497, %stack3A_498, %stack3A_499, %stack3A_500, %stack3A_501, %stack3A_502, %stack3A_503, %stack3A_504, %stack3A_505 in 0 : vector<1x512xi32>, vector<1x512xi32>, vector<1x512xi32>, vector<1x512xi32>, vector<1x512xi32>, vector<1x512xi32>, vector<1x512xi32>, vector<1x512xi32>, vector<1x512xi32>, vector<1x512xi32>, vector<1x512xi32>, vector<1x512xi32>, vector<1x512xi32>, vector<1x512xi32>, vector<1x512xi32>, vector<1x512xi32> -> vector<16x512xi32>
    %swap3A = arith.constant 0 : index
    %swap3A_507 = arith.constant 0 : index
    %swap3A_508 = vector.load %arg3[%swap3A, %swap3A_507] : memref<16x512xi32, #tpu.memory_space<vmem>>, vector<16x512xi32>
    tpu.vector_store %arg3[%swap3A, %swap3A_507], %stack3A_506 {strides = array<i32>} : memref<16x512xi32, #tpu.memory_space<vmem>>, vector<16x512xi32>,
    return
  }
  func.func @transform_0(%arg0: i32) -> (i32, i32) {
    %add3A = arith.constant 0 : i32
    %add3A_0 = arith.addi %arg0, %add3A : i32
    %c0_i32 = arith.constant 0 : i32
    %c0_i32_1 = arith.constant 0 : i32
    return %add3A_0, %c0_i32 : i32, i32
  }
  func.func @transform_1(%arg0: i32) -> (i32, i32) {
    %c0_i32 = arith.constant 0 : i32
    %c0_i32_0 = arith.constant 0 : i32
    %c0_i32_1 = arith.constant 0 : i32
    return %c0_i32, %c0_i32_0 : i32, i32
  }
  func.func @transform_2(%arg0: i32) -> (i32, i32) {
    %c0_i32 = arith.constant 0 : i32
    %c0_i32_0 = arith.constant 0 : i32
    return %c0_i32, %arg0 : i32, i32
  }
}

</mosaic_0001>

<sc_bundles>
// kernel: kernel.10.cloned.1.call-start
scs
__scs_entry_jumppad:
0x0: {  	(pc) =	sbr.rel $0x88, $3  }
0x1: {  	(tag) =	ssettag $0x0;
	lr =	simm.s32 $0x1  }
0x2: {  	[smem:$0x3F9D] =	sst lr;
	_ =	strace $0xD0000000  }
0x3: {  	_ = 	snop  }
0x4: {  	_ = 	snop  }
0x5: {  	_ = 	snop  }
0x6: {  	_ = 	snop  }
0x7: {  	_ = 	snop  }
__scs_overlays_trampoline_lowered:
0x8: {  	[smem:$0x3FAC] =	sst s0  }
0x9: {  	[smem:$0x3FAD] =	sst s1  }
0xa: {  	[smem:$0x3FAE] =	sst s2  }
0xb: {  	[smem:$0x3FAF] =	sst s3  }
0xc: {  	[smem:$0x3FB0] =	sst s4  }
0xd: {  	[smem:$0x3FB1] =	sst s5  }
0xe: {  	[smem:$0x3FB2] =	sst s6  }
0xf: {  	[smem:$0x3FB3] =	sst s7  }
0x10: {  	[smem:$0x3FB4] =	sst s8  }
0x11: {  	[smem:$0x3FB5] =	sst s9;
	s0 =	simm.s32 @!p0 $0x0  }
0x12: {  	s1 =	sld [smem:$0x3F9B];
	s0 =	simm.s32 @p0 $0x1  }
0x13: {  	[smem:$0x3FB6] =	sst s0;
	s0 =	simm.s32 @!p1 $0x0  }
0x14: {  	s2 =	sld [smem:$0x3F9A];
	s0 =	simm.s32 @p1 $0x1  }
0x15: {  	[smem:$0x3FB7] =	sst s0;
	s0 =	simm.s32 @!p2 $0x0  }
0x16: {  	s3 =	sld [smem:$0x3FDB];
	s0 =	simm.s32 @p2 $0x1  }
0x17: {  	s4 =	simm.s32 $0x1BF5;
	[smem:$0x3FB9] =	sst s0  }
0x18: {  	s0 =	sld [smem:$0x3F9C];
	_ =	swait.ge [sflag:s4], $0x0  }
0x19: {  	s7 =	sld [smem:$0x3F9D]  }
0x1a: {  	s8 =	sadd.s32 $0xFFFFE003, lr  }
0x1b: {  	s9 =	sadd.s32 $0xFFFFFEF7, lr;
	s5 =	simm.s32 $0xFFFFFFFF;
	p2 =	slt.u32 s8, $0xFFFFF086  }
0x1c: {  	p1 =	slt.u32 s9, $0xF7A;
	s5 =	simm.s32 @!p2 $0x0  }
0x1d: {  	s5 =	simm.s32 @p1 $0x1;
	p0 =	seq.s32 s7, s2  }
0x1e: {  	s7 =	smul.u32 @!p0 $0xF7A, s2;
	p2 =	seq.s32 @!p0 s5, $0x0  }
0x1f: {  	s9 =	smul.u32 $0xF7A, s1;
	s8 =	simm.s32 @!p0 $0x1BF5;
	p2 =	por !p2, p0  }
0x20: {  	[sflag:s8] =	ssyncset.s32 @!p0 $0xFFFFF086;
	s6 =	sadd.s32 @!p0 s3, s7;
	s7 =	simm.s32 @!p0 $0x108  }
0x21: {  	s3 =	sadd.s32 s3, s9;
	s6 =	sadd.s32 @!p0 $0x88, s6;
	s7 =	simm.s32 @p2 $0x1082  }
0x22: {  	[simem:s7], [sflag:s8] =	dma.local @!p0 [hbm:s6], $0xF7A  }
0x23: {  	s9 =	sor.u32 $0xD0000000, s2;
	s6 =	simm.s32 $0x108;
	_ =	swait.ge @!p0 [sflag:s8], $0x0  }
0x24: {  	s3 =	sadd.s32 $0x88, s3;
	s6 =	simm.s32 @!p1 $0x1082;
	[sflag:s4] =	ssyncset.s32 $0xFFFFF086  }
0x25: {  	[simem:s6], [sflag:s4] =	dma.local [hbm:s3], $0xF7A  }
0x26: {  	[smem:$0x3F9D] =	sst s1;
	(tag) =	ssettag s2;
	_ =	strace s9  }
0x27: {  	s1 =	sld [smem:$0x3FAD]  }
0x28: {  	s2 =	sld [smem:$0x3FAE]  }
0x29: {  	s4 =	sld [smem:$0x3FB0]  }
0x2a: {  	p0 =	seq.s32 s5, $0x0;
	s5 =	sld [smem:$0x3FB1]  }
0x2b: {  	s6 =	sld [smem:$0x3FB2]  }
0x2c: {  	s7 =	sld [smem:$0x3FB3]  }
0x2d: {  	s3 =	simm.s32 $0x108;
	s8 =	sld [smem:$0x3FB4]  }
0x2e: {  	s3 =	simm.s32 @!p0 $0x1082;
	s9 =	sld [smem:$0x3FB5]  }
0x2f: {  	lr =	sadd.s32 s0, s3;
	s0 =	sld [smem:$0x3FAC]  }
0x30: {  	s3 =	sld [smem:$0x3FAF]  }
0x31: {  	[smem:$0x3FB8] =	sst s10  }
0x32: {  	s10 =	sld [smem:$0x3FB6];
	_ =	sdelay $0x3  }
0x33: {  	p0 =	seq.s32 s10, $0x1;
	s10 =	sld [smem:$0x3FB8];
	_ =	sdelay $0x3  }
0x34: {  	[smem:$0x3FB8] =	sst s10  }
0x35: {  	s10 =	sld [smem:$0x3FB7];
	_ =	sdelay $0x3  }
0x36: {  	p1 =	seq.s32 s10, $0x1;
	s10 =	sld [smem:$0x3FB8];
	_ =	sdelay $0x3  }
0x37: {  	[smem:$0x3FB8] =	sst s10  }
0x38: {  	s10 =	sld [smem:$0x3FB9]  }
0x39: {  	_ = 	snop;
	(pc) =	sbr.ind lr, $3  }
0x3a: {  	_ = 	snop  }
0x3b: {  	_ = 	snop  }
0x3c: {  	p2 =	seq.s32 s10, $0x1;
	s10 =	sld [smem:$0x3FB8]  }
0x3d: {  	_ =	shalt  }
0x3e: {  	_ =	shalt  }
0x3f: {  	_ =	shalt  }
0x40: {  	_ =	shalt  }
0x41: {  	_ =	shalt  }
0x42: {  	_ =	shalt  }
0x43: {  	_ =	shalt  }
0x44: {  	_ =	shalt  }
0x45: {  	_ =	shalt  }
0x46: {  	_ =	shalt  }
0x47: {  	_ =	shalt  }
0x48: {  	_ =	shalt  }
0x49: {  	_ =	shalt  }
0x4a: {  	_ =	shalt  }
0x4b: {  	_ =	shalt  }
0x4c: {  	_ =	shalt  }
0x4d: {  	_ =	shalt  }
0x4e: {  	_ =	shalt  }
0x4f: {  	_ =	shalt  }
0x50: {  	_ =	shalt  }
0x51: {  	_ =	shalt  }
0x52: {  	_ =	shalt  }
0x53: {  	_ =	shalt  }
0x54: {  	_ =	shalt  }
0x55: {  	_ =	shalt  }
0x56: {  	_ =	shalt  }
0x57: {  	_ =	shalt  }
0x58: {  	_ =	shalt  }
0x59: {  	_ =	shalt  }
0x5a: {  	_ =	shalt  }
0x5b: {  	_ =	shalt  }
0x5c: {  	_ =	shalt  }
0x5d: {  	_ =	shalt  }
0x5e: {  	_ =	shalt  }
0x5f: {  	_ =	shalt  }
0x60: {  	_ =	shalt  }
0x61: {  	_ =	shalt  }
0x62: {  	_ =	shalt  }
0x63: {  	_ =	shalt  }
0x64: {  	_ =	shalt  }
0x65: {  	_ =	shalt  }
0x66: {  	_ =	shalt  }
0x67: {  	_ =	shalt  }
0x68: {  	_ =	shalt  }
0x69: {  	_ =	shalt  }
0x6a: {  	_ =	shalt  }
0x6b: {  	_ =	shalt  }
0x6c: {  	_ =	shalt  }
0x6d: {  	_ =	shalt  }
0x6e: {  	_ =	shalt  }
0x6f: {  	_ =	shalt  }
0x70: {  	_ =	shalt  }
0x71: {  	_ =	shalt  }
0x72: {  	_ =	shalt  }
0x73: {  	_ =	shalt  }
0x74: {  	_ =	shalt  }
0x75: {  	_ =	shalt  }
0x76: {  	_ =	shalt  }
0x77: {  	_ =	shalt  }
0x78: {  	_ =	shalt  }
0x79: {  	_ =	shalt  }
0x7a: {  	_ =	shalt  }
0x7b: {  	_ =	shalt  }
0x7c: {  	_ =	shalt  }
0x7d: {  	_ =	shalt  }
0x7e: {  	_ =	shalt  }
0x7f: {  	_ =	shalt  }
0x80: {  	_ =	shalt  }
0x81: {  	_ =	shalt  }
0x82: {  	_ =	shalt  }
0x83: {  	_ =	shalt  }
0x84: {  	_ =	shalt  }
0x85: {  	_ =	shalt  }
0x86: {  	_ =	shalt  }
0x87: {  	_ =	shalt  }
.Lfunc_end0:
.L_simem_size_0:
called_computation_lowered:
.L_overlay_start_0:
0x88: {  	s2 =	sld [smem:$0x3FD9]  }
0x89: {  	s3 =	sld [smem:$0x3FFE];
	_ =	sdelay $0x1  }
0x8a: {  	s1 =	srdreg.scid  }
0x8b: {  	s0 =	sand.u32 $0x1, s1  }
0x8c: {  	s15 =	sshll.u32 s0, $0xA;
	s2 =	sadd.s32 s3, s2  }
0x8d: {  	s2 =	sadd.s32 s2, s15  }
0x8e: {  	[smem:$0x3FC4] =	sst s2  }
0x8f: {  	_ = 	snop  }
0x90: {  	s2 =	sld [smem:$0x3FD0];
	_ =	sdelay $0x2  }
0x91: {  	s4 =	simm.s32 $0xD;
	s16 =	simm.s32 $0x10  }
0x92: {  	[smem:s16], [sflag:s4] =	dma.local [hbm:s2], $0x1  }
0x93: {  	_ =	swait.eq [sflag:s4], $0x1  }
0x94: {  	[sflag:s4] =	ssyncset.done $0x0  }
0x95: {  	s17 =	sld [smem:$0x10];
	[sflag:s4] =	ssyncadd.s32 $0xFFFFFFFF  }
0x96: {  	s18 =	sld [smem:$0x11];
	(tm) =	ssettm $0x1  }
0x97: {  	s19 =	sld [smem:$0x3FFB];
	_ =	sdelay $0x3  }
0x98: {  	_ =	strace s19  }
0x99: {  	s2 =	sld [smem:$0x3FFC];
	_ =	sdelay $0x3  }
0x9a: {  	_ =	strace s2  }
0x9b: {  	s2 =	sld [smem:$0x3FFD];
	_ =	sdelay $0x3  }
0x9c: {  	_ =	strace s2  }
0x9d: {  	_ =	strace $0x8FFFFFFF  }
0x9e: {  	s20 =	sld [smem:$0x3FDB];
	_ =	sdelay $0x1  }
0x9f: {  	s5 =	simm.s32 $_scs_section_size  }
0xa0: {  	s6 =	simm.s32 $_size__tile_overlayer_lowered;
	s7 =	simm.s32 $_tile_overlayer_lowered  }
0xa1: {  	s8 =	simm.s32 $0x1BFF;
	s21 =	sshll.u32 s7, $0x1;
	s5 =	sadd.s32 s5, s20  }
0xa2: {  	s22 =	simm.s32 $0x0;
	s6 =	sshll.u32 s6, $0x1;
	s7 =	sadd.s32 s21, s5  }
0xa3: {  	[timem:s22], [sflag:s8] =	dma.local [hbm:s7], s6  }
0xa4: {  	_ =	swait.ge [sflag:s8], s6  }
0xa5: {  	s6 =	ssub.s32 $0x0, s6;
	[sflag:s8] =	ssyncset.done $0x0  }
0xa6: {  	[sflag:s8] =	ssyncadd.s32 s6;
	_ =	sdelay $0x1  }
0xa7: {  	s23 =	simm.s32 $0x1B8B  }
0xa8: {  	_ =	swait.ge [sflag:s23], $0x1  }
0xa9: {  	[sflag:s23] =	ssyncset.done $0x0  }
0xaa: {  	[sflag:s23] =	ssyncadd.s32 $0xFFFFFFFF  }
0xab: {  	s6 =	sld [smem:$0x0]  }
0xac: {  	s7 =	sand.u32 $0xFFFFFFFE, s1  }
0xad: {  	p0 =	sne.s32 s1, s7  }
0xae: {  	s7 =	sshll.u32 @p0 s7, $0xE  }
0xaf: {  	s7 =	sadd.s32 @p0 $0x11B8D, s7;
	s8 =	sshll.u32 @p0 s6, $0x11  }
0xb0: {  	s7 =	sor.u32 @p0 s8, s7  }
0xb1: {  	[sflag:s7] =	ssyncadd.remote.s32 @p0 $0x1;
	_ =	sdelay $0x1  }
0xb2: {  	s7 =	simm.s32 @p0 $0x1B8D  }
0xb3: {  	_ =	swait.eq @p0 [sflag:s7], $0x1  }
0xb4: {  	[sflag:s7] =	ssyncadd.s32 @p0 $0xFFFFFFFF  }
0xb5: {  	s8 =	sshll.u32 @!p0 s1, $0xE  }
0xb6: {  	s8 =	sor.u32 @!p0 $0x4000, s8;
	s7 =	simm.s32 @!p0 $0x1B8D  }
0xb7: {  	s6 =	sshll.u32 @!p0 s6, $0x11;
	s8 =	sadd.s32 @!p0 $0x11B8D, s8;
	_ =	swait.eq @!p0 [sflag:s7], $0x1  }
0xb8: {  	s6 =	sor.u32 @!p0 s6, s8;
	[sflag:s7] =	ssyncadd.s32 @!p0 $0xFFFFFFFF  }
0xb9: {  	s25 =	simm.s32 $0x1B8E;
	s24 =	sld [smem:$0x3FFE];
	[sflag:s6] =	ssyncadd.remote.s32 @!p0 $0x1  }
0xba: {  	s26 =	simm.s32 $execute0_lowered;
	[smem:$0x3FD2] =	sst s25  }
0xbb: {  	s7 =	sshll.u32 s26, $0x1;
	_ =	strace $0x8000004F;
	[dreg:$0x1] =	wrdreg $0xFFFFFFFF  }
0xbc: {  	s28 =	simm.s32 $_size_execute0_lowered;
	s5 =	sadd.s32 s5, s7;
	[dreg:$0x0] =	wrdreg $0x0  }
0xbd: {  	s7 =	sshll.u32 s28, $0x1;
	[dreg:$0x2] =	wrdreg s5  }
0xbe: {  	[dreg:$0x3] =	wrdreg s7  }
0xbf: {  	[dreg:$0x4] =	wrdreg $0xC0  }
0xc0: {  	_ =	task [dreg:s22], $0x5FFFF  }
0xc1: {  	[dreg:$0x1] =	wrdreg $0xFFFFFFFF  }
0xc2: {  	[dreg:$0x0] =	wrdreg $0x60  }
0xc3: {  	[dreg:$0x2] =	wrdreg s24  }
0xc4: {  	[dreg:$0x3] =	wrdreg s17  }
0xc5: {  	[dreg:$0x4] =	wrdreg s18  }
0xc6: {  	[dreg:$0x5] =	wrdreg $0x9  }
0xc7: {  	_ =	task.clear_ibuf [dreg:s22], $0x6FFFF;
	_ =	strace $0x9000004F  }
0xc8: {  	s29 =	simm.s32 $0x9;
	_ =	strace $0x80000051  }
0xc9: {  	_ =	swait.ge [sflag:s29], $0x1  }
0xca: {  	[sflag:s29] =	ssyncadd.s32 $0xFFFFFFFF  }
0xcb: {  	_ =	strace $0x90000051  }
0xcc: {  	_ =	sfence  }
0xcd: {  	s30 =	sld [smem:$0x0];
	_ =	sdelay $0x2  }
0xce: {  	s31 =	sshll.u32 s1, $0xD;
	s1 =	sshrl.u32 s1, $0x2  }
0xcf: {  	s4 =	sand.u32 $0x4000, s31;
	s1 =	sadd.s32 s1, s30  }
0xd0: {  	s0 =	sor.u32 s4, s0;
	s1 =	sshll.u32 s1, $0x11  }
0xd1: {  	s0 =	sor.u32 s1, s0  }
0xd2: {  	s0 =	sadd.s32 $0x8F2B, s0  }
0xd3: {  	[sflag:s0] =	ssyncadd.remote.s32 $0x1  }
0xd4: {  	_ =	sfence.sel $0xFFFF  }
0xd5: {  	[dreg:$0x0] =	wrdreg $0xFFFFFFFF;
	(pc) =	sbr.abs _section_cstart, $3  }
0xd6: {  	[dreg:$0x1] =	wrdreg $0xFFFFFFFF  }
0xd7: {  	_ =	task.clear_ibuf [dreg:s22], $0x2FFFF;
	_ =	strace $0x9FFFFFFF  }
0xd8: {  	(tm) =	ssettm $0x7FFFFFFF  }
0xd9: {  	_ =	shalt  }
tec
execute0_lowered:
.L_overlay_start_1:
0x0: {  	(tag) =	ssettag $0x1  }
0x1: {  	s0 =	rddreg [dreg:$0x0]  }
0x2: {  	s1 =	rddreg [dreg:$0x1];
	s2 =	srdreg.scid  }
0x3: {  	s3 =	stileid.u32;
	s12 =	simm.s32 $0x2;
	s13 =	simm.s32 $0x80  }
0x4: {  	s17 =	simm.s32 $0x800;
	s20 =	simm.s32 $0x200;
	s21 =	simm.s32 $0x280  }
0x5: {  	s22 =	simm.s32 $0x300;
	s23 =	simm.s32 $0x380;
	s24 =	simm.s32 $0x400  }
0x6: {  	s25 =	simm.s32 $0x480;
	s26 =	simm.s32 $0x500;
	s28 =	simm.s32 $0x580  }
0x7: {  	s29 =	simm.s32 $0x600;
	s30 =	simm.s32 $0x680;
	s31 =	simm.s32 $0x700  }
0x8: {  	s11 =	simm.s32 $0x4810;
	s2 =	sand.u32 $0x1, s2;
	s4 =	sshll.u32 s3, $0x1  }
0x9: {  	s14 =	simm.s32 $0x0;
	s3 =	simm.s32 $0x0;
	s5 =	sor.u32 s2, s4  }
0xa: {  	[smem:$0x7FF] =	sst s3;
	s2 =	ssub.s32 $0x2, s2;
	s4 =	sshll.u32 s5, $0x4  }
0xb: {  	_ =	strace $0x80000050;
	s7 =	sshll.u32 s5, $0x9;
	s5 =	sshll.u32 s5, $0x1  }
0xc: {  	s9 =	sshrl.u32 s2, $0x1;
	s6 =	sadd.s32 s4, s0;
	s4 =	sadd.s32 $0x1400, s0  }
0xd: {  	s8 =	sadd.s32 s7, s0;
	s0 =	sadd.s32 s5, s0;
	s2 =	ssub.s32 s2, s9  }
0xe: {  	s5 =	sadd.s32 $0x2BC00, s6;
	s6 =	sadd.s32 s1, s7;
	s7 =	sadd.s32 $0x9600, s8  }
0xf: {  	s8 =	sadd.s32 $0x2DE00, s8;
	s9 =	sadd.s32 $0x2DC00, s0;
	s10 =	smax.u32 s2, $0x1  }
0x10: {  	v0 =	vimm.f32 $0.0e+00;
	s1 =	simm.s32 $0x780;
	s0 =	simm.s32 $0x1;
	s2 =	simm.s32 $0x3800  }
.LBB2_1:
0x11: {  	s15 =	rddreg [dreg:$0x2];
	s16 =	simm.s32 $0x4800  }
0x12: {  	[tilespmem:s16], [sflag:$0x2] =	stream.linear.gather [hbm4b:s15+s3], $0x10, $0x38;
	[tilespmem:$0x4820] =	vst v63  }
0x13: {  	_ =	swait.ge [sflag:s12], $0x10  }
0x14: {  	[sflag:s12] =	ssyncset.done $0x0  }
0x15: {  	s16 =	simm.s32 $0x1000;
	[sflag:s12] =	ssyncadd.s32 $0xFFFFFFF0  }
0x16: {  	v1 =	vld [tilespmem:$0x4800];
	[tilespmem:s3], [sflag:$0x2] =	stream.strided.gather [hbm4b:s5+s13], $0x800, s16, s13, $0x38  }
0x17: {  	_ =	swait.ge [sflag:s12], $0x800  }
0x18: {  	[sflag:s12] =	ssyncset.done $0x0  }
0x19: {  	s18 =	simm.s32 $0x1800;
	[sflag:s12] =	ssyncadd.s32 $0xFFFFF800  }
0x1a: {  	[tilespmem:s18], [sflag:$0x2] =	stream.linear.gather [hbm4b:s6+s3], $0x1000, $0x38;
	[tilespmem:$0x4820] =	vst v63  }
0x1b: {  	_ =	swait.ge [sflag:s12], $0x1000  }
0x1c: {  	[sflag:s12] =	ssyncset.done $0x0  }
0x1d: {  	s19 =	simm.s32 $0x2800;
	[sflag:s12] =	ssyncadd.s32 $0xFFFFF000  }
0x1e: {  	[tilespmem:s19], [sflag:$0x2] =	stream.linear.gather [hbm4b:s7+s3], $0x1000, $0x38;
	[tilespmem:$0x4820] =	vst v63  }
0x1f: {  	_ =	swait.ge [sflag:s12], $0x1000  }
0x20: {  	[sflag:s12] =	ssyncset.done $0x0  }
0x21: {  	s15 =	simm.s32 $0x80;
	s16 =	simm.s32 $0x0;
	[sflag:s12] =	ssyncadd.s32 $0xFFFFF000  }
.LBB2_2:
0x22: {  	p0 =	sne.s32 s15, $0x3F80;
	[tilespmem:s16+$0x800] =	vst v0;
	s18 =	smov.u32 s15;
	s15 =	sadd.s32 $0x80, s15  }
.Ltmp0:
0x23: {  	[tilespmem:s16+$0x810] =	vst v0;
	(pc) =	sbr.rel @p0 .LBB2_2-.Ltmp0, $2  }
0x24: {  	_ =	sdelay $0x2  }
0x25: {  	s16 =	sshra.s32 s18, $0x2  }
0x26: {  	[tilespmem:s16+$0x800] =	vst v0  }
0x27: {  	[tilespmem:s16+$0x810] =	vst v0;
	s15 =	simm.s32 $0x0  }
0x28: {  	[tilespmem:s17], [sflag:$0x1] =	stream.indirect.gather.add.f32 [hbm:s4], $0x20, s15, s13, $0xb8;
	[tilespmem:$0x4820] =	vst v63  }
0x29: {  	_ = 	snop  }
0x2a: {  	[tilespmem:s17], [sflag:$0x1] =	stream.indirect.gather.add.f32 [hbm:s4], $0x20, s13, s13, $0xb8;
	[tilespmem:$0x4820] =	vst v63  }
0x2b: {  	s18 =	simm.s32 $0x100  }
0x2c: {  	[tilespmem:s17], [sflag:$0x1] =	stream.indirect.gather.add.f32 [hbm:s4], $0x20, s18, s13, $0xb8;
	[tilespmem:$0x4820] =	vst v63  }
0x2d: {  	s19 =	simm.s32 $0x180  }
0x2e: {  	[tilespmem:s17], [sflag:$0x1] =	stream.indirect.gather.add.f32 [hbm:s4], $0x20, s19, s13, $0xb8;
	[tilespmem:$0x4820] =	vst v63  }
0x2f: {  	_ = 	snop  }
0x30: {  	[tilespmem:s17], [sflag:$0x1] =	stream.indirect.gather.add.f32 [hbm:s4], $0x20, s20, s13, $0xb8;
	[tilespmem:$0x4820] =	vst v63  }
0x31: {  	_ = 	snop  }
0x32: {  	[tilespmem:s17], [sflag:$0x1] =	stream.indirect.gather.add.f32 [hbm:s4], $0x20, s21, s13, $0xb8;
	[tilespmem:$0x4820] =	vst v63  }
0x33: {  	_ = 	snop  }
0x34: {  	[tilespmem:s17], [sflag:$0x1] =	stream.indirect.gather.add.f32 [hbm:s4], $0x20, s22, s13, $0xb8;
	[tilespmem:$0x4820] =	vst v63  }
0x35: {  	_ = 	snop  }
0x36: {  	[tilespmem:s17], [sflag:$0x1] =	stream.indirect.gather.add.f32 [hbm:s4], $0x20, s23, s13, $0xb8;
	[tilespmem:$0x4820] =	vst v63  }
0x37: {  	_ = 	snop  }
0x38: {  	[tilespmem:s17], [sflag:$0x1] =	stream.indirect.gather.add.f32 [hbm:s4], $0x20, s24, s13, $0xb8;
	[tilespmem:$0x4820] =	vst v63  }
0x39: {  	_ = 	snop  }
0x3a: {  	[tilespmem:s17], [sflag:$0x1] =	stream.indirect.gather.add.f32 [hbm:s4], $0x20, s25, s13, $0xb8;
	[tilespmem:$0x4820] =	vst v63  }
0x3b: {  	_ = 	snop  }
0x3c: {  	[tilespmem:s17], [sflag:$0x1] =	stream.indirect.gather.add.f32 [hbm:s4], $0x20, s26, s13, $0xb8;
	[tilespmem:$0x4820] =	vst v63  }
0x3d: {  	_ = 	snop  }
0x3e: {  	[tilespmem:s17], [sflag:$0x1] =	stream.indirect.gather.add.f32 [hbm:s4], $0x20, s28, s13, $0xb8;
	[tilespmem:$0x4820] =	vst v63  }
0x3f: {  	_ = 	snop  }
0x40: {  	[tilespmem:s17], [sflag:$0x1] =	stream.indirect.gather.add.f32 [hbm:s4], $0x20, s29, s13, $0xb8;
	[tilespmem:$0x4820] =	vst v63  }
0x41: {  	_ = 	snop  }
0x42: {  	[tilespmem:s17], [sflag:$0x1] =	stream.indirect.gather.add.f32 [hbm:s4], $0x20, s30, s13, $0xb8;
	[tilespmem:$0x4820] =	vst v63  }
0x43: {  	_ = 	snop  }
0x44: {  	[tilespmem:s17], [sflag:$0x1] =	stream.indirect.gather.add.f32 [hbm:s4], $0x20, s31, s13, $0xb8;
	[tilespmem:$0x4820] =	vst v63  }
0x45: {  	_ = 	snop  }
0x46: {  	[tilespmem:s17], [sflag:$0x1] =	stream.indirect.gather.add.f32 [hbm:s4], $0x20, s1, s13, $0xb8;
	[tilespmem:$0x4820] =	vst v63  }
0x47: {  	_ =	swait.ge [sflag:s0], $0x1000  }
0x48: {  	[sflag:s0] =	ssyncset.done $0x0  }
0x49: {  	[sflag:s0] =	ssyncadd.s32 $0xFFFFF000  }
0x4a: {  	_ =	swait.ge [sflag:s0], $0x1000  }
0x4b: {  	[sflag:s0] =	ssyncset.done $0x0  }
0x4c: {  	[sflag:s0] =	ssyncadd.s32 $0xFFFFF000  }
0x4d: {  	_ =	swait.ge [sflag:s0], $0x1000  }
0x4e: {  	[sflag:s0] =	ssyncset.done $0x0  }
0x4f: {  	[sflag:s0] =	ssyncadd.s32 $0xFFFFF000  }
0x50: {  	_ =	swait.ge [sflag:s0], $0x1000  }
0x51: {  	[sflag:s0] =	ssyncset.done $0x0  }
0x52: {  	[sflag:s0] =	ssyncadd.s32 $0xFFFFF000  }
0x53: {  	_ =	swait.ge [sflag:s0], $0x1000  }
0x54: {  	[sflag:s0] =	ssyncset.done $0x0  }
0x55: {  	[sflag:s0] =	ssyncadd.s32 $0xFFFFF000  }
0x56: {  	_ =	swait.ge [sflag:s0], $0x1000  }
0x57: {  	[sflag:s0] =	ssyncset.done $0x0  }
0x58: {  	[sflag:s0] =	ssyncadd.s32 $0xFFFFF000  }
0x59: {  	_ =	swait.ge [sflag:s0], $0x1000  }
0x5a: {  	[sflag:s0] =	ssyncset.done $0x0  }
0x5b: {  	[sflag:s0] =	ssyncadd.s32 $0xFFFFF000  }
0x5c: {  	_ =	swait.ge [sflag:s0], $0x1000  }
0x5d: {  	[sflag:s0] =	ssyncset.done $0x0  }
0x5e: {  	[sflag:s0] =	ssyncadd.s32 $0xFFFFF000  }
0x5f: {  	_ =	swait.ge [sflag:s0], $0x1000  }
0x60: {  	[sflag:s0] =	ssyncset.done $0x0  }
0x61: {  	[sflag:s0] =	ssyncadd.s32 $0xFFFFF000  }
0x62: {  	_ =	swait.ge [sflag:s0], $0x1000  }
0x63: {  	[sflag:s0] =	ssyncset.done $0x0  }
0x64: {  	[sflag:s0] =	ssyncadd.s32 $0xFFFFF000  }
0x65: {  	_ =	swait.ge [sflag:s0], $0x1000  }
0x66: {  	[sflag:s0] =	ssyncset.done $0x0  }
0x67: {  	[sflag:s0] =	ssyncadd.s32 $0xFFFFF000  }
0x68: {  	_ =	swait.ge [sflag:s0], $0x1000  }
0x69: {  	[sflag:s0] =	ssyncset.done $0x0  }
0x6a: {  	[sflag:s0] =	ssyncadd.s32 $0xFFFFF000  }
0x6b: {  	_ =	swait.ge [sflag:s0], $0x1000  }
0x6c: {  	[sflag:s0] =	ssyncset.done $0x0  }
0x6d: {  	[sflag:s0] =	ssyncadd.s32 $0xFFFFF000  }
0x6e: {  	_ =	swait.ge [sflag:s0], $0x1000  }
0x6f: {  	[sflag:s0] =	ssyncset.done $0x0  }
0x70: {  	[sflag:s0] =	ssyncadd.s32 $0xFFFFF000  }
0x71: {  	_ =	swait.ge [sflag:s0], $0x1000  }
0x72: {  	[sflag:s0] =	ssyncset.done $0x0  }
0x73: {  	[sflag:s0] =	ssyncadd.s32 $0xFFFFF000  }
0x74: {  	_ =	swait.ge [sflag:s0], $0x1000  }
0x75: {  	(erf) = vrcp.f32 v1  }
0x76: {  	[sflag:s0] =	ssyncset.done $0x0  }
0x77: {  	s18 =	simm.s32 $0x0;
	[sflag:s0] =	ssyncadd.s32 $0xFFFFF000  }
0x78: {  	v3 =	vld [tilespmem:s18+$0x810]  }
0x79: {  	v6 =	vld [tilespmem:s18+$0x1800]  }
0x7a: {  	v4 =	vld [tilespmem:s18+$0x800]  }
0x7b: {  	v5 =	vld [tilespmem:s18+$0x2800]  }
0x7c: {  	v7 =	vld [tilespmem:s18+$0x1810]  }
0x7d: {  	s15 =	simm.s32 $0x20;
	v8 =	vld [tilespmem:s18+$0x2810]  }
0x7e: {  	v10 =	vld [tilespmem:s15+$0x810];
	v1 =	vpop (erf)  }
0x7f: {  	v2 =	vld [tilespmem:s15+$0x1800];
	v4 =	vmul.f32 v4, v1  }
0x80: {  	v11 =	vld [tilespmem:s15+$0x800];
	v3 =	vmul.f32 v3, v1  }
0x81: {  	v12 =	vld [tilespmem:s15+$0x2800];
	v13 =	vmul.f32 v5, v6;
	v14 =	vmul.f32 v5, v4  }
0x82: {  	v9 =	vld [tilespmem:s15+$0x1810];
	v15 =	vsub.f32 v4, v6;
	v16 =	vsub.f32 v3, v7  }
0x83: {  	s16 =	simm.s32 $0x40;
	v17 =	vmul.f32 v8, v7;
	v5 =	vld [tilespmem:s15+$0x2810];
	v8 =	vmul.f32 v8, v3;
	v13 =	vsub.f32 v14, v13  }
0x84: {  	v4 =	vld [tilespmem:s16+$0x810];
	v6 =	vadd.f32 v15, v6;
	v14 =	vadd.f32 v16, v7  }
0x85: {  	v3 =	vld [tilespmem:s16+$0x1800];
	v16 =	vmul.f32 v11, v1;
	v15 =	vsub.f32 v8, v17;
	v17 =	vmul.f32 v13, v13  }
0x86: {  	v10 =	vmul.f32 v10, v1;
	v7 =	vld [tilespmem:s16+$0x800];
	v11 =	vmul.f32 v12, v2;
	[tilespmem:s18+$0x3800] =	vst v6;
	v6 =	vimm.f32 $0.0e+00  }
0x87: {  	v13 =	vmul.f32 v12, v16;
	v15 =	vmul.f32 v15, v15;
	v8 =	vld [tilespmem:s16+$0x2800];
	[tilespmem:s18+$0x3810] =	vst v14;
	v14 =	vadd.f32 v17, v6  }
0x88: {  	v16 =	vsub.f32 v16, v2;
	s18 =	simm.s32 $0x180;
	v12 =	vmul.f32 v5, v9;
	v6 =	vld [tilespmem:s16+$0x1810];
	v17 =	vsub.f32 v10, v9  }
.LBB2_4:
0x89: {  	s19 =	sshra.s32 s18, $0x2;
	v11 =	vsub.f32 v13, v11;
	v10 =	vmul.f32 v5, v10;
	v5 =	vld [tilespmem:s16+$0x2810];
	v14 =	vadd.f32 v15, v14;
	v13 =	vmovc v4;
	p0 =	sne.s32 s18, $0x3F80  }
.Ltmp1:
0x8a: {  	v4 =	vld [tilespmem:s19+$0x810];
	v15 =	vadd.f32 v16, v2;
	v9 =	vadd.f32 v17, v9;
	v2 =	vmov v3;
	(pc) =	sbr.rel @p0 .LBB2_4-.Ltmp1, $4  }
0x8b: {  	s18 =	sadd.s32 $0x80, s18;
	v3 =	vld [tilespmem:s19+$0x1800];
	v16 =	vmul.f32 v7, v1;
	v12 =	vsub.f32 v10, v12;
	v17 =	vmul.f32 v11, v11  }
0x8c: {  	v10 =	vmul.f32 v13, v1;
	v7 =	vld [tilespmem:s19+$0x800];
	v11 =	vmul.f32 v8, v2;
	[tilespmem:s15+$0x3800] =	vst v15  }
0x8d: {  	v13 =	vmul.f32 v8, v16;
	v8 =	vld [tilespmem:s19+$0x2800];
	[tilespmem:s15+$0x3810] =	vst v9;
	v14 =	vadd.f32 v17, v14;
	v15 =	vmul.f32 v12, v12;
	s15 =	smov.u32 s16;
	s16 =	smov.u32 s19  }
0x8e: {  	v16 =	vsub.f32 v16, v2;
	v17 =	vsub.f32 v10, v6;
	v12 =	vmul.f32 v5, v6;
	v9 =	vmovc v6;
	v6 =	vld [tilespmem:s16+$0x1810]  }
0x8f: {  	v18 =	vld [tilespmem:s16+$0x2810];
	v11 =	vsub.f32 v13, v11  }
0x90: {  	v5 =	vmul.f32 v5, v10;
	v58 =	vadd.f32 v15, v14;
	v2 =	vadd.f32 v16, v2  }
0x91: {  	v9 =	vadd.f32 v17, v9;
	v7 =	vmul.f32 v7, v1;
	v11 =	vmul.f32 v11, v11  }
0x92: {  	v5 =	vsub.f32 v5, v12;
	v1 =	vmul.f32 v4, v1;
	v59 =	vmul.f32 v8, v3  }
0x93: {  	v60 =	vmul.f32 v8, v7;
	v10 =	vadd.f32 v11, v58;
	v7 =	vsub.f32 v7, v3  }
0x94: {  	v5 =	vmul.f32 v5, v5;
	v61 =	vsub.f32 v1, v6;
	v62 =	vmul.f32 v18, v6  }
0x95: {  	[tilespmem:s15+$0x3800] =	vst v2;
	v1 =	vmul.f32 v18, v1;
	v2 =	vsub.f32 v60, v59;
	v3 =	vadd.f32 v7, v3  }
0x96: {  	[tilespmem:s15+$0x3810] =	vst v9;
	v63 =	vadd.f32 v61, v6  }
0x97: {  	v5 =	vadd.f32 v5, v10;
	v1 =	vsub.f32 v1, v62;
	v2 =	vmul.f32 v2, v2;
	[tilespmem:s16+$0x3800] =	vst v3  }
0x98: {  	[tilespmem:s16+$0x3810] =	vst v63  }
0x99: {  	v1 =	vmul.f32 v1, v1;
	[hbm4b:s8+s3] =	stream.linear.scatter [tilespmem:s2], [sflag:$0x2], $0x1000, $0x38;
	v2 =	vadd.f32 v2, v5;
	[tilespmem:$0x4820] =	vst v63  }
0x9a: {  	_ =	swait.ge [sflag:s12], $0x1000  }
0x9b: {  	s14 =	sadd.s32 $0x1, s14;
	[sflag:s12] =	ssyncset.done $0x0;
	v1 =	vadd.f32 v1, v2  }
0x9c: {  	p0 =	sne.s32 s14, s10;
	[sflag:s12] =	ssyncadd.s32 $0xFFFFF000  }
.Ltmp2:
0x9d: {  	[tilespmem:$0x4810] =	vst v1;
	(pc) =	sbr.rel @p0 .LBB2_1-.Ltmp2, $4  }
0x9e: {  	[hbm4b:s9+s3] =	stream.linear.scatter [tilespmem:s11], [sflag:$0x2], $0x10, $0x38;
	[tilespmem:$0x4820] =	vst v63  }
0x9f: {  	_ =	swait.ge [sflag:s12], $0x10  }
0xa0: {  	[sflag:s12] =	ssyncset.done $0x0  }
0xa1: {  	[sflag:s12] =	ssyncadd.s32 $0xFFFFFFF0  }
0xa2: {  	_ =	sfence.sel $0x180000  }
0xa3: {  	[bflag:$0x0] =	sbarrier.arrive $0xFFFF  }
0xa4: {  	_ =	strace $0x90000050  }
0xa5: {  	s0 =	stileid.u32;
	[bflag:$0x2] =	sbarrier.arrive $0xFFFF  }
0xa6: {  	p0 =	sne.s32 s0, $0x0;
	s0 =	rddreg [dreg:$0x3]  }
0xa7: {  	s0 =	sadd.s32 @!p0 $0x100000, s0  }
0xa8: {  	[sflag:s0] =	ssyncadd.tile.s32 @!p0 $0x1;
	_ =	shalt  }
.Lfunc_end2:
_tile_overlayer_lowered:
.L_overlay_start_2:
0xa9: {  	(tag) =	ssettag $0x2  }
0xaa: {  	s0 =	rddreg [dreg:$0x0];
	s2 =	stileid.u32  }
0xab: {  	s1 =	rddreg [dreg:$0x1];
	p0 =	sne.s32 s2, $0x0  }
0xac: {  	s3 =	rddreg [dreg:$0x2];
	[bflag:$0x3] =	sbarrier.arrive $0xFFFF;
	s2 =	simm.s32 @!p0 $0x1C02  }
0xad: {  	[timem:s3], [sflag:s2] =	dma.local @!p0 [hbm:s0], s1  }
0xae: {  	s0 =	simm.s32 @!p0 $0x2  }
0xaf: {  	_ =	swait.ge @!p0 [sflag:s0], s1  }
0xb0: {  	s1 =	ssub.s32 @!p0 $0x0, s1;
	[sflag:s0] =	ssyncset.done @!p0 $0x0  }
0xb1: {  	[sflag:s0] =	ssyncadd.s32 @!p0 s1  }
0xb2: {  	[bflag:$0x3] =	sbarrier.arrive $0xFFFF  }
0xb3: {  	_ =	shalt  }

// kernel: kernel.13.cloned.1.call-start
scs
__scs_entry_jumppad:
0x0: {  	(pc) =	sbr.rel $0x88, $3  }
0x1: {  	(tag) =	ssettag $0x0;
	lr =	simm.s32 $0x1  }
0x2: {  	[smem:$0x3F9D] =	sst lr;
	_ =	strace $0xD0000000  }
0x3: {  	_ = 	snop  }
0x4: {  	_ = 	snop  }
0x5: {  	_ = 	snop  }
0x6: {  	_ = 	snop  }
0x7: {  	_ = 	snop  }
__scs_overlays_trampoline_lowered:
0x8: {  	[smem:$0x3FAC] =	sst s0  }
0x9: {  	[smem:$0x3FAD] =	sst s1  }
0xa: {  	[smem:$0x3FAE] =	sst s2  }
0xb: {  	[smem:$0x3FAF] =	sst s3  }
0xc: {  	[smem:$0x3FB0] =	sst s4  }
0xd: {  	[smem:$0x3FB1] =	sst s5  }
0xe: {  	[smem:$0x3FB2] =	sst s6  }
0xf: {  	[smem:$0x3FB3] =	sst s7  }
0x10: {  	[smem:$0x3FB4] =	sst s8  }
0x11: {  	[smem:$0x3FB5] =	sst s9;
	s0 =	simm.s32 @!p0 $0x0  }
0x12: {  	s1 =	sld [smem:$0x3F9B];
	s0 =	simm.s32 @p0 $0x1  }
0x13: {  	[smem:$0x3FB6] =	sst s0;
	s0 =	simm.s32 @!p1 $0x0  }
0x14: {  	s2 =	sld [smem:$0x3F9A];
	s0 =	simm.s32 @p1 $0x1  }
0x15: {  	[smem:$0x3FB7] =	sst s0;
	s0 =	simm.s32 @!p2 $0x0  }
0x16: {  	s3 =	sld [smem:$0x3FDB];
	s0 =	simm.s32 @p2 $0x1  }
0x17: {  	s4 =	simm.s32 $0x1BF5;
	[smem:$0x3FB9] =	sst s0  }
0x18: {  	s0 =	sld [smem:$0x3F9C];
	_ =	swait.ge [sflag:s4], $0x0  }
0x19: {  	s7 =	sld [smem:$0x3F9D]  }
0x1a: {  	s8 =	sadd.s32 $0xFFFFE003, lr  }
0x1b: {  	s9 =	sadd.s32 $0xFFFFFEF7, lr;
	s5 =	simm.s32 $0xFFFFFFFF;
	p2 =	slt.u32 s8, $0xFFFFF086  }
0x1c: {  	p1 =	slt.u32 s9, $0xF7A;
	s5 =	simm.s32 @!p2 $0x0  }
0x1d: {  	s5 =	simm.s32 @p1 $0x1;
	p0 =	seq.s32 s7, s2  }
0x1e: {  	s7 =	smul.u32 @!p0 $0xF7A, s2;
	p2 =	seq.s32 @!p0 s5, $0x0  }
0x1f: {  	s9 =	smul.u32 $0xF7A, s1;
	s8 =	simm.s32 @!p0 $0x1BF5;
	p2 =	por !p2, p0  }
0x20: {  	[sflag:s8] =	ssyncset.s32 @!p0 $0xFFFFF086;
	s6 =	sadd.s32 @!p0 s3, s7;
	s7 =	simm.s32 @!p0 $0x108  }
0x21: {  	s3 =	sadd.s32 s3, s9;
	s6 =	sadd.s32 @!p0 $0x88, s6;
	s7 =	simm.s32 @p2 $0x1082  }
0x22: {  	[simem:s7], [sflag:s8] =	dma.local @!p0 [hbm:s6], $0xF7A  }
0x23: {  	s9 =	sor.u32 $0xD0000000, s2;
	s6 =	simm.s32 $0x108;
	_ =	swait.ge @!p0 [sflag:s8], $0x0  }
0x24: {  	s3 =	sadd.s32 $0x88, s3;
	s6 =	simm.s32 @!p1 $0x1082;
	[sflag:s4] =	ssyncset.s32 $0xFFFFF086  }
0x25: {  	[simem:s6], [sflag:s4] =	dma.local [hbm:s3], $0xF7A  }
0x26: {  	[smem:$0x3F9D] =	sst s1;
	(tag) =	ssettag s2;
	_ =	strace s9  }
0x27: {  	s1 =	sld [smem:$0x3FAD]  }
0x28: {  	s2 =	sld [smem:$0x3FAE]  }
0x29: {  	s4 =	sld [smem:$0x3FB0]  }
0x2a: {  	p0 =	seq.s32 s5, $0x0;
	s5 =	sld [smem:$0x3FB1]  }
0x2b: {  	s6 =	sld [smem:$0x3FB2]  }
0x2c: {  	s7 =	sld [smem:$0x3FB3]  }
0x2d: {  	s3 =	simm.s32 $0x108;
	s8 =	sld [smem:$0x3FB4]  }
0x2e: {  	s3 =	simm.s32 @!p0 $0x1082;
	s9 =	sld [smem:$0x3FB5]  }
0x2f: {  	lr =	sadd.s32 s0, s3;
	s0 =	sld [smem:$0x3FAC]  }
0x30: {  	s3 =	sld [smem:$0x3FAF]  }
0x31: {  	[smem:$0x3FB8] =	sst s10  }
0x32: {  	s10 =	sld [smem:$0x3FB6];
	_ =	sdelay $0x3  }
0x33: {  	p0 =	seq.s32 s10, $0x1;
	s10 =	sld [smem:$0x3FB8];
	_ =	sdelay $0x3  }
0x34: {  	[smem:$0x3FB8] =	sst s10  }
0x35: {  	s10 =	sld [smem:$0x3FB7];
	_ =	sdelay $0x3  }
0x36: {  	p1 =	seq.s32 s10, $0x1;
	s10 =	sld [smem:$0x3FB8];
	_ =	sdelay $0x3  }
0x37: {  	[smem:$0x3FB8] =	sst s10  }
0x38: {  	s10 =	sld [smem:$0x3FB9]  }
0x39: {  	_ = 	snop;
	(pc) =	sbr.ind lr, $3  }
0x3a: {  	_ = 	snop  }
0x3b: {  	_ = 	snop  }
0x3c: {  	p2 =	seq.s32 s10, $0x1;
	s10 =	sld [smem:$0x3FB8]  }
0x3d: {  	_ =	shalt  }
0x3e: {  	_ =	shalt  }
0x3f: {  	_ =	shalt  }
0x40: {  	_ =	shalt  }
0x41: {  	_ =	shalt  }
0x42: {  	_ =	shalt  }
0x43: {  	_ =	shalt  }
0x44: {  	_ =	shalt  }
0x45: {  	_ =	shalt  }
0x46: {  	_ =	shalt  }
0x47: {  	_ =	shalt  }
0x48: {  	_ =	shalt  }
0x49: {  	_ =	shalt  }
0x4a: {  	_ =	shalt  }
0x4b: {  	_ =	shalt  }
0x4c: {  	_ =	shalt  }
0x4d: {  	_ =	shalt  }
0x4e: {  	_ =	shalt  }
0x4f: {  	_ =	shalt  }
0x50: {  	_ =	shalt  }
0x51: {  	_ =	shalt  }
0x52: {  	_ =	shalt  }
0x53: {  	_ =	shalt  }
0x54: {  	_ =	shalt  }
0x55: {  	_ =	shalt  }
0x56: {  	_ =	shalt  }
0x57: {  	_ =	shalt  }
0x58: {  	_ =	shalt  }
0x59: {  	_ =	shalt  }
0x5a: {  	_ =	shalt  }
0x5b: {  	_ =	shalt  }
0x5c: {  	_ =	shalt  }
0x5d: {  	_ =	shalt  }
0x5e: {  	_ =	shalt  }
0x5f: {  	_ =	shalt  }
0x60: {  	_ =	shalt  }
0x61: {  	_ =	shalt  }
0x62: {  	_ =	shalt  }
0x63: {  	_ =	shalt  }
0x64: {  	_ =	shalt  }
0x65: {  	_ =	shalt  }
0x66: {  	_ =	shalt  }
0x67: {  	_ =	shalt  }
0x68: {  	_ =	shalt  }
0x69: {  	_ =	shalt  }
0x6a: {  	_ =	shalt  }
0x6b: {  	_ =	shalt  }
0x6c: {  	_ =	shalt  }
0x6d: {  	_ =	shalt  }
0x6e: {  	_ =	shalt  }
0x6f: {  	_ =	shalt  }
0x70: {  	_ =	shalt  }
0x71: {  	_ =	shalt  }
0x72: {  	_ =	shalt  }
0x73: {  	_ =	shalt  }
0x74: {  	_ =	shalt  }
0x75: {  	_ =	shalt  }
0x76: {  	_ =	shalt  }
0x77: {  	_ =	shalt  }
0x78: {  	_ =	shalt  }
0x79: {  	_ =	shalt  }
0x7a: {  	_ =	shalt  }
0x7b: {  	_ =	shalt  }
0x7c: {  	_ =	shalt  }
0x7d: {  	_ =	shalt  }
0x7e: {  	_ =	shalt  }
0x7f: {  	_ =	shalt  }
0x80: {  	_ =	shalt  }
0x81: {  	_ =	shalt  }
0x82: {  	_ =	shalt  }
0x83: {  	_ =	shalt  }
0x84: {  	_ =	shalt  }
0x85: {  	_ =	shalt  }
0x86: {  	_ =	shalt  }
0x87: {  	_ =	shalt  }
.Lfunc_end0:
.L_simem_size_0:
called_computation.1_lowered:
.L_overlay_start_0:
0x88: {  	s2 =	sld [smem:$0x3FD9]  }
0x89: {  	s3 =	sld [smem:$0x3FFE];
	_ =	sdelay $0x1  }
0x8a: {  	s1 =	srdreg.scid  }
0x8b: {  	s0 =	sand.u32 $0x1, s1  }
0x8c: {  	s15 =	sshll.u32 s0, $0xA;
	s2 =	sadd.s32 s3, s2  }
0x8d: {  	s2 =	sadd.s32 s2, s15  }
0x8e: {  	[smem:$0x3FC4] =	sst s2  }
0x8f: {  	_ = 	snop  }
0x90: {  	s2 =	sld [smem:$0x3FD0];
	_ =	sdelay $0x2  }
0x91: {  	s4 =	simm.s32 $0xD;
	s16 =	simm.s32 $0x10  }
0x92: {  	[smem:s16], [sflag:s4] =	dma.local [hbm:s2], $0x1  }
0x93: {  	_ =	swait.eq [sflag:s4], $0x1  }
0x94: {  	[sflag:s4] =	ssyncset.done $0x0  }
0x95: {  	s17 =	sld [smem:$0x10];
	[sflag:s4] =	ssyncadd.s32 $0xFFFFFFFF  }
0x96: {  	s18 =	sld [smem:$0x11];
	(tm) =	ssettm $0x1  }
0x97: {  	s19 =	sld [smem:$0x3FFB];
	_ =	sdelay $0x3  }
0x98: {  	_ =	strace s19  }
0x99: {  	s2 =	sld [smem:$0x3FFC];
	_ =	sdelay $0x3  }
0x9a: {  	_ =	strace s2  }
0x9b: {  	s2 =	sld [smem:$0x3FFD];
	_ =	sdelay $0x3  }
0x9c: {  	_ =	strace s2  }
0x9d: {  	_ =	strace $0x8FFFFFFF  }
0x9e: {  	s20 =	sld [smem:$0x3FDB];
	_ =	sdelay $0x1  }
0x9f: {  	s5 =	simm.s32 $_scs_section_size  }
0xa0: {  	s6 =	simm.s32 $_size__tile_overlayer_lowered;
	s7 =	simm.s32 $_tile_overlayer_lowered  }
0xa1: {  	s8 =	simm.s32 $0x1BFF;
	s21 =	sshll.u32 s7, $0x1;
	s5 =	sadd.s32 s5, s20  }
0xa2: {  	s22 =	simm.s32 $0x0;
	s6 =	sshll.u32 s6, $0x1;
	s7 =	sadd.s32 s21, s5  }
0xa3: {  	[timem:s22], [sflag:s8] =	dma.local [hbm:s7], s6  }
0xa4: {  	_ =	swait.ge [sflag:s8], s6  }
0xa5: {  	s6 =	ssub.s32 $0x0, s6;
	[sflag:s8] =	ssyncset.done $0x0  }
0xa6: {  	[sflag:s8] =	ssyncadd.s32 s6;
	_ =	sdelay $0x1  }
0xa7: {  	s23 =	simm.s32 $0x1B8B  }
0xa8: {  	_ =	swait.ge [sflag:s23], $0x1  }
0xa9: {  	[sflag:s23] =	ssyncset.done $0x0  }
0xaa: {  	[sflag:s23] =	ssyncadd.s32 $0xFFFFFFFF  }
0xab: {  	s6 =	sld [smem:$0x0]  }
0xac: {  	s7 =	sand.u32 $0xFFFFFFFE, s1  }
0xad: {  	p0 =	sne.s32 s1, s7  }
0xae: {  	s7 =	sshll.u32 @p0 s7, $0xE  }
0xaf: {  	s7 =	sadd.s32 @p0 $0x11B8D, s7;
	s8 =	sshll.u32 @p0 s6, $0x11  }
0xb0: {  	s7 =	sor.u32 @p0 s8, s7  }
0xb1: {  	[sflag:s7] =	ssyncadd.remote.s32 @p0 $0x1;
	_ =	sdelay $0x1  }
0xb2: {  	s7 =	simm.s32 @p0 $0x1B8D  }
0xb3: {  	_ =	swait.eq @p0 [sflag:s7], $0x1  }
0xb4: {  	[sflag:s7] =	ssyncadd.s32 @p0 $0xFFFFFFFF  }
0xb5: {  	s8 =	sshll.u32 @!p0 s1, $0xE  }
0xb6: {  	s8 =	sor.u32 @!p0 $0x4000, s8;
	s7 =	simm.s32 @!p0 $0x1B8D  }
0xb7: {  	s6 =	sshll.u32 @!p0 s6, $0x11;
	s8 =	sadd.s32 @!p0 $0x11B8D, s8;
	_ =	swait.eq @!p0 [sflag:s7], $0x1  }
0xb8: {  	s6 =	sor.u32 @!p0 s6, s8;
	[sflag:s7] =	ssyncadd.s32 @!p0 $0xFFFFFFFF  }
0xb9: {  	s25 =	simm.s32 $0x1B8E;
	s24 =	sld [smem:$0x3FFE];
	[sflag:s6] =	ssyncadd.remote.s32 @!p0 $0x1  }
0xba: {  	s26 =	simm.s32 $execute0_lowered;
	[smem:$0x3FD2] =	sst s25  }
0xbb: {  	s7 =	sshll.u32 s26, $0x1;
	_ =	strace $0x8000004C;
	[dreg:$0x1] =	wrdreg $0xFFFFFFFF  }
0xbc: {  	s28 =	simm.s32 $_size_execute0_lowered;
	s5 =	sadd.s32 s5, s7;
	[dreg:$0x0] =	wrdreg $0x0  }
0xbd: {  	s7 =	sshll.u32 s28, $0x1;
	[dreg:$0x2] =	wrdreg s5  }
0xbe: {  	[dreg:$0x3] =	wrdreg s7  }
0xbf: {  	[dreg:$0x4] =	wrdreg $0xC0  }
0xc0: {  	_ =	task [dreg:s22], $0x5FFFF  }
0xc1: {  	[dreg:$0x1] =	wrdreg $0xFFFFFFFF  }
0xc2: {  	[dreg:$0x0] =	wrdreg $0x60  }
0xc3: {  	[dreg:$0x2] =	wrdreg s24  }
0xc4: {  	[dreg:$0x3] =	wrdreg s17  }
0xc5: {  	[dreg:$0x4] =	wrdreg s18  }
0xc6: {  	[dreg:$0x5] =	wrdreg $0xA  }
0xc7: {  	_ =	task.clear_ibuf [dreg:s22], $0x6FFFF;
	_ =	strace $0x9000004C  }
0xc8: {  	s29 =	simm.s32 $0xA;
	_ =	strace $0x8000004E  }
0xc9: {  	_ =	swait.ge [sflag:s29], $0x1  }
0xca: {  	[sflag:s29] =	ssyncadd.s32 $0xFFFFFFFF  }
0xcb: {  	_ =	strace $0x9000004E  }
0xcc: {  	_ =	sfence  }
0xcd: {  	s30 =	sld [smem:$0x0];
	_ =	sdelay $0x2  }
0xce: {  	s31 =	sshll.u32 s1, $0xD;
	s1 =	sshrl.u32 s1, $0x2  }
0xcf: {  	s4 =	sand.u32 $0x4000, s31;
	s1 =	sadd.s32 s1, s30  }
0xd0: {  	s0 =	sor.u32 s4, s0;
	s1 =	sshll.u32 s1, $0x11  }
0xd1: {  	s0 =	sor.u32 s1, s0  }
0xd2: {  	s0 =	sadd.s32 $0x8F2B, s0  }
0xd3: {  	[sflag:s0] =	ssyncadd.remote.s32 $0x1  }
0xd4: {  	_ =	sfence.sel $0xFFFF  }
0xd5: {  	[dreg:$0x0] =	wrdreg $0xFFFFFFFF;
	(pc) =	sbr.abs _section_cstart, $3  }
0xd6: {  	[dreg:$0x1] =	wrdreg $0xFFFFFFFF  }
0xd7: {  	_ =	task.clear_ibuf [dreg:s22], $0x2FFFF;
	_ =	strace $0x9FFFFFFF  }
0xd8: {  	(tm) =	ssettm $0x7FFFFFFF  }
0xd9: {  	_ =	shalt  }
tec
execute0_lowered:
.L_overlay_start_1:
0x0: {  	(tag) =	ssettag $0x1  }
0x1: {  	s0 =	rddreg [dreg:$0x0]  }
0x2: {  	s1 =	rddreg [dreg:$0x1]  }
0x3: {  	s2 =	srdreg.scid;
	s3 =	stileid.u32;
	s12 =	simm.s32 $0x2  }
0x4: {  	s13 =	simm.s32 $0x80;
	s17 =	simm.s32 $0x800;
	s20 =	simm.s32 $0x200  }
0x5: {  	s21 =	simm.s32 $0x280;
	s22 =	simm.s32 $0x300;
	s23 =	simm.s32 $0x380  }
0x6: {  	s24 =	simm.s32 $0x400;
	s25 =	simm.s32 $0x480;
	s28 =	simm.s32 $0x580  }
0x7: {  	s29 =	simm.s32 $0x600;
	s30 =	simm.s32 $0x680;
	s31 =	simm.s32 $0x700  }
0x8: {  	s11 =	simm.s32 $0x4810;
	s2 =	sand.u32 $0x1, s2;
	s4 =	sshll.u32 s3, $0x1  }
0x9: {  	s14 =	simm.s32 $0x0;
	s3 =	simm.s32 $0x0;
	s5 =	sor.u32 s2, s4  }
0xa: {  	[smem:$0x7FF] =	sst s3;
	s2 =	ssub.s32 $0x2, s2;
	s4 =	sshll.u32 s5, $0x4  }
0xb: {  	s6 =	sshll.u32 s5, $0x9;
	_ =	strace $0x8000004D;
	s5 =	sshll.u32 s5, $0x1  }
0xc: {  	s26 =	sshrl.u32 s2, $0x1;
	s7 =	sadd.s32 s4, s0;
	s8 =	sor.u32 $0x4000, s6  }
0xd: {  	s4 =	sadd.s32 $0x1400, s0;
	s10 =	sadd.s32 s6, s0;
	s2 =	ssub.s32 s2, s26  }
0xe: {  	s26 =	simm.s32 $0x500;
	s9 =	sadd.s32 s8, s0;
	s0 =	sadd.s32 s5, s0  }
0xf: {  	s5 =	sadd.s32 $0x25A00, s7;
	s6 =	sadd.s32 s1, s8;
	s8 =	sadd.s32 $0x27C00, s10  }
0x10: {  	s10 =	smax.u32 s2, $0x1;
	s1 =	simm.s32 $0x780;
	s2 =	simm.s32 $0x3800  }
0x11: {  	v0 =	vimm.f32 $0.0e+00;
	s7 =	sadd.s32 $0x9600, s9;
	s9 =	sadd.s32 $0x27A00, s0;
	s0 =	simm.s32 $0x1  }
.LBB2_1:
0x12: {  	s15 =	rddreg [dreg:$0x2];
	s16 =	simm.s32 $0x4800  }
0x13: {  	[tilespmem:s16], [sflag:$0x2] =	stream.linear.gather [hbm4b:s15+s3], $0x10, $0x38;
	[tilespmem:$0x4820] =	vst v63  }
0x14: {  	_ =	swait.ge [sflag:s12], $0x10  }
0x15: {  	[sflag:s12] =	ssyncset.done $0x0  }
0x16: {  	s16 =	simm.s32 $0x1000;
	[sflag:s12] =	ssyncadd.s32 $0xFFFFFFF0  }
0x17: {  	v1 =	vld [tilespmem:$0x4800];
	[tilespmem:s3], [sflag:$0x2] =	stream.strided.gather [hbm4b:s5+s13], $0x800, s16, s13, $0x38  }
0x18: {  	_ =	swait.ge [sflag:s12], $0x800  }
0x19: {  	[sflag:s12] =	ssyncset.done $0x0  }
0x1a: {  	s18 =	simm.s32 $0x1800;
	[sflag:s12] =	ssyncadd.s32 $0xFFFFF800  }
0x1b: {  	[tilespmem:s18], [sflag:$0x2] =	stream.linear.gather [hbm4b:s6+s3], $0x1000, $0x38;
	[tilespmem:$0x4820] =	vst v63  }
0x1c: {  	_ =	swait.ge [sflag:s12], $0x1000  }
0x1d: {  	[sflag:s12] =	ssyncset.done $0x0  }
0x1e: {  	s19 =	simm.s32 $0x2800;
	[sflag:s12] =	ssyncadd.s32 $0xFFFFF000  }
0x1f: {  	[tilespmem:s19], [sflag:$0x2] =	stream.linear.gather [hbm4b:s7+s3], $0x1000, $0x38;
	[tilespmem:$0x4820] =	vst v63  }
0x20: {  	_ =	swait.ge [sflag:s12], $0x1000  }
0x21: {  	[sflag:s12] =	ssyncset.done $0x0  }
0x22: {  	s15 =	simm.s32 $0x80;
	s16 =	simm.s32 $0x0;
	[sflag:s12] =	ssyncadd.s32 $0xFFFFF000  }
.LBB2_2:
0x23: {  	p0 =	sne.s32 s15, $0x3F80;
	[tilespmem:s16+$0x800] =	vst v0;
	s18 =	smov.u32 s15;
	s15 =	sadd.s32 $0x80, s15  }
.Ltmp0:
0x24: {  	[tilespmem:s16+$0x810] =	vst v0;
	(pc) =	sbr.rel @p0 .LBB2_2-.Ltmp0, $2  }
0x25: {  	_ =	sdelay $0x2  }
0x26: {  	s16 =	sshra.s32 s18, $0x2  }
0x27: {  	[tilespmem:s16+$0x800] =	vst v0  }
0x28: {  	[tilespmem:s16+$0x810] =	vst v0;
	s15 =	simm.s32 $0x0  }
0x29: {  	[tilespmem:s17], [sflag:$0x1] =	stream.indirect.gather.add.f32 [hbm:s4], $0x20, s15, s13, $0xb8;
	[tilespmem:$0x4820] =	vst v63  }
0x2a: {  	_ = 	snop  }
0x2b: {  	[tilespmem:s17], [sflag:$0x1] =	stream.indirect.gather.add.f32 [hbm:s4], $0x20, s13, s13, $0xb8;
	[tilespmem:$0x4820] =	vst v63  }
0x2c: {  	s18 =	simm.s32 $0x100  }
0x2d: {  	[tilespmem:s17], [sflag:$0x1] =	stream.indirect.gather.add.f32 [hbm:s4], $0x20, s18, s13, $0xb8;
	[tilespmem:$0x4820] =	vst v63  }
0x2e: {  	s19 =	simm.s32 $0x180  }
0x2f: {  	[tilespmem:s17], [sflag:$0x1] =	stream.indirect.gather.add.f32 [hbm:s4], $0x20, s19, s13, $0xb8;
	[tilespmem:$0x4820] =	vst v63  }
0x30: {  	_ = 	snop  }
0x31: {  	[tilespmem:s17], [sflag:$0x1] =	stream.indirect.gather.add.f32 [hbm:s4], $0x20, s20, s13, $0xb8;
	[tilespmem:$0x4820] =	vst v63  }
0x32: {  	_ = 	snop  }
0x33: {  	[tilespmem:s17], [sflag:$0x1] =	stream.indirect.gather.add.f32 [hbm:s4], $0x20, s21, s13, $0xb8;
	[tilespmem:$0x4820] =	vst v63  }
0x34: {  	_ = 	snop  }
0x35: {  	[tilespmem:s17], [sflag:$0x1] =	stream.indirect.gather.add.f32 [hbm:s4], $0x20, s22, s13, $0xb8;
	[tilespmem:$0x4820] =	vst v63  }
0x36: {  	_ = 	snop  }
0x37: {  	[tilespmem:s17], [sflag:$0x1] =	stream.indirect.gather.add.f32 [hbm:s4], $0x20, s23, s13, $0xb8;
	[tilespmem:$0x4820] =	vst v63  }
0x38: {  	_ = 	snop  }
0x39: {  	[tilespmem:s17], [sflag:$0x1] =	stream.indirect.gather.add.f32 [hbm:s4], $0x20, s24, s13, $0xb8;
	[tilespmem:$0x4820] =	vst v63  }
0x3a: {  	_ = 	snop  }
0x3b: {  	[tilespmem:s17], [sflag:$0x1] =	stream.indirect.gather.add.f32 [hbm:s4], $0x20, s25, s13, $0xb8;
	[tilespmem:$0x4820] =	vst v63  }
0x3c: {  	_ = 	snop  }
0x3d: {  	[tilespmem:s17], [sflag:$0x1] =	stream.indirect.gather.add.f32 [hbm:s4], $0x20, s26, s13, $0xb8;
	[tilespmem:$0x4820] =	vst v63  }
0x3e: {  	_ = 	snop  }
0x3f: {  	[tilespmem:s17], [sflag:$0x1] =	stream.indirect.gather.add.f32 [hbm:s4], $0x20, s28, s13, $0xb8;
	[tilespmem:$0x4820] =	vst v63  }
0x40: {  	_ = 	snop  }
0x41: {  	[tilespmem:s17], [sflag:$0x1] =	stream.indirect.gather.add.f32 [hbm:s4], $0x20, s29, s13, $0xb8;
	[tilespmem:$0x4820] =	vst v63  }
0x42: {  	_ = 	snop  }
0x43: {  	[tilespmem:s17], [sflag:$0x1] =	stream.indirect.gather.add.f32 [hbm:s4], $0x20, s30, s13, $0xb8;
	[tilespmem:$0x4820] =	vst v63  }
0x44: {  	_ = 	snop  }
0x45: {  	[tilespmem:s17], [sflag:$0x1] =	stream.indirect.gather.add.f32 [hbm:s4], $0x20, s31, s13, $0xb8;
	[tilespmem:$0x4820] =	vst v63  }
0x46: {  	_ = 	snop  }
0x47: {  	[tilespmem:s17], [sflag:$0x1] =	stream.indirect.gather.add.f32 [hbm:s4], $0x20, s1, s13, $0xb8;
	[tilespmem:$0x4820] =	vst v63  }
0x48: {  	_ =	swait.ge [sflag:s0], $0x1000  }
0x49: {  	[sflag:s0] =	ssyncset.done $0x0  }
0x4a: {  	[sflag:s0] =	ssyncadd.s32 $0xFFFFF000  }
0x4b: {  	_ =	swait.ge [sflag:s0], $0x1000  }
0x4c: {  	[sflag:s0] =	ssyncset.done $0x0  }
0x4d: {  	[sflag:s0] =	ssyncadd.s32 $0xFFFFF000  }
0x4e: {  	_ =	swait.ge [sflag:s0], $0x1000  }
0x4f: {  	[sflag:s0] =	ssyncset.done $0x0  }
0x50: {  	[sflag:s0] =	ssyncadd.s32 $0xFFFFF000  }
0x51: {  	_ =	swait.ge [sflag:s0], $0x1000  }
0x52: {  	[sflag:s0] =	ssyncset.done $0x0  }
0x53: {  	[sflag:s0] =	ssyncadd.s32 $0xFFFFF000  }
0x54: {  	_ =	swait.ge [sflag:s0], $0x1000  }
0x55: {  	[sflag:s0] =	ssyncset.done $0x0  }
0x56: {  	[sflag:s0] =	ssyncadd.s32 $0xFFFFF000  }
0x57: {  	_ =	swait.ge [sflag:s0], $0x1000  }
0x58: {  	[sflag:s0] =	ssyncset.done $0x0  }
0x59: {  	[sflag:s0] =	ssyncadd.s32 $0xFFFFF000  }
0x5a: {  	_ =	swait.ge [sflag:s0], $0x1000  }
0x5b: {  	[sflag:s0] =	ssyncset.done $0x0  }
0x5c: {  	[sflag:s0] =	ssyncadd.s32 $0xFFFFF000  }
0x5d: {  	_ =	swait.ge [sflag:s0], $0x1000  }
0x5e: {  	[sflag:s0] =	ssyncset.done $0x0  }
0x5f: {  	[sflag:s0] =	ssyncadd.s32 $0xFFFFF000  }
0x60: {  	_ =	swait.ge [sflag:s0], $0x1000  }
0x61: {  	[sflag:s0] =	ssyncset.done $0x0  }
0x62: {  	[sflag:s0] =	ssyncadd.s32 $0xFFFFF000  }
0x63: {  	_ =	swait.ge [sflag:s0], $0x1000  }
0x64: {  	[sflag:s0] =	ssyncset.done $0x0  }
0x65: {  	[sflag:s0] =	ssyncadd.s32 $0xFFFFF000  }
0x66: {  	_ =	swait.ge [sflag:s0], $0x1000  }
0x67: {  	[sflag:s0] =	ssyncset.done $0x0  }
0x68: {  	[sflag:s0] =	ssyncadd.s32 $0xFFFFF000  }
0x69: {  	_ =	swait.ge [sflag:s0], $0x1000  }
0x6a: {  	[sflag:s0] =	ssyncset.done $0x0  }
0x6b: {  	[sflag:s0] =	ssyncadd.s32 $0xFFFFF000  }
0x6c: {  	_ =	swait.ge [sflag:s0], $0x1000  }
0x6d: {  	[sflag:s0] =	ssyncset.done $0x0  }
0x6e: {  	[sflag:s0] =	ssyncadd.s32 $0xFFFFF000  }
0x6f: {  	_ =	swait.ge [sflag:s0], $0x1000  }
0x70: {  	[sflag:s0] =	ssyncset.done $0x0  }
0x71: {  	[sflag:s0] =	ssyncadd.s32 $0xFFFFF000  }
0x72: {  	_ =	swait.ge [sflag:s0], $0x1000  }
0x73: {  	[sflag:s0] =	ssyncset.done $0x0  }
0x74: {  	[sflag:s0] =	ssyncadd.s32 $0xFFFFF000  }
0x75: {  	_ =	swait.ge [sflag:s0], $0x1000  }
0x76: {  	(erf) = vrcp.f32 v1  }
0x77: {  	[sflag:s0] =	ssyncset.done $0x0  }
0x78: {  	s18 =	simm.s32 $0x0;
	[sflag:s0] =	ssyncadd.s32 $0xFFFFF000  }
0x79: {  	v3 =	vld [tilespmem:s18+$0x810]  }
0x7a: {  	v6 =	vld [tilespmem:s18+$0x1800]  }
0x7b: {  	v4 =	vld [tilespmem:s18+$0x800]  }
0x7c: {  	v5 =	vld [tilespmem:s18+$0x2800]  }
0x7d: {  	v7 =	vld [tilespmem:s18+$0x1810]  }
0x7e: {  	s15 =	simm.s32 $0x20;
	v8 =	vld [tilespmem:s18+$0x2810]  }
0x7f: {  	v10 =	vld [tilespmem:s15+$0x810];
	v1 =	vpop (erf)  }
0x80: {  	v2 =	vld [tilespmem:s15+$0x1800];
	v4 =	vmul.f32 v4, v1  }
0x81: {  	v11 =	vld [tilespmem:s15+$0x800];
	v3 =	vmul.f32 v3, v1  }
0x82: {  	v12 =	vld [tilespmem:s15+$0x2800];
	v13 =	vmul.f32 v5, v6;
	v14 =	vmul.f32 v5, v4  }
0x83: {  	v9 =	vld [tilespmem:s15+$0x1810];
	v15 =	vsub.f32 v4, v6;
	v16 =	vsub.f32 v3, v7  }
0x84: {  	s16 =	simm.s32 $0x40;
	v17 =	vmul.f32 v8, v7;
	v5 =	vld [tilespmem:s15+$0x2810];
	v8 =	vmul.f32 v8, v3;
	v13 =	vsub.f32 v14, v13  }
0x85: {  	v4 =	vld [tilespmem:s16+$0x810];
	v6 =	vadd.f32 v15, v6;
	v14 =	vadd.f32 v16, v7  }
0x86: {  	v3 =	vld [tilespmem:s16+$0x1800];
	v16 =	vmul.f32 v11, v1;
	v15 =	vsub.f32 v8, v17;
	v17 =	vmul.f32 v13, v13  }
0x87: {  	v10 =	vmul.f32 v10, v1;
	v7 =	vld [tilespmem:s16+$0x800];
	v11 =	vmul.f32 v12, v2;
	[tilespmem:s18+$0x3800] =	vst v6;
	v6 =	vimm.f32 $0.0e+00  }
0x88: {  	v13 =	vmul.f32 v12, v16;
	v15 =	vmul.f32 v15, v15;
	v8 =	vld [tilespmem:s16+$0x2800];
	[tilespmem:s18+$0x3810] =	vst v14;
	v14 =	vadd.f32 v17, v6  }
0x89: {  	v16 =	vsub.f32 v16, v2;
	s18 =	simm.s32 $0x180;
	v12 =	vmul.f32 v5, v9;
	v6 =	vld [tilespmem:s16+$0x1810];
	v17 =	vsub.f32 v10, v9  }
.LBB2_4:
0x8a: {  	s19 =	sshra.s32 s18, $0x2;
	v11 =	vsub.f32 v13, v11;
	v10 =	vmul.f32 v5, v10;
	v5 =	vld [tilespmem:s16+$0x2810];
	v14 =	vadd.f32 v15, v14;
	v13 =	vmovc v4;
	p0 =	sne.s32 s18, $0x3F80  }
.Ltmp1:
0x8b: {  	v4 =	vld [tilespmem:s19+$0x810];
	v15 =	vadd.f32 v16, v2;
	v9 =	vadd.f32 v17, v9;
	v2 =	vmov v3;
	(pc) =	sbr.rel @p0 .LBB2_4-.Ltmp1, $4  }
0x8c: {  	s18 =	sadd.s32 $0x80, s18;
	v3 =	vld [tilespmem:s19+$0x1800];
	v16 =	vmul.f32 v7, v1;
	v12 =	vsub.f32 v10, v12;
	v17 =	vmul.f32 v11, v11  }
0x8d: {  	v10 =	vmul.f32 v13, v1;
	v7 =	vld [tilespmem:s19+$0x800];
	v11 =	vmul.f32 v8, v2;
	[tilespmem:s15+$0x3800] =	vst v15  }
0x8e: {  	v13 =	vmul.f32 v8, v16;
	v8 =	vld [tilespmem:s19+$0x2800];
	[tilespmem:s15+$0x3810] =	vst v9;
	v14 =	vadd.f32 v17, v14;
	v15 =	vmul.f32 v12, v12;
	s15 =	smov.u32 s16;
	s16 =	smov.u32 s19  }
0x8f: {  	v16 =	vsub.f32 v16, v2;
	v17 =	vsub.f32 v10, v6;
	v12 =	vmul.f32 v5, v6;
	v9 =	vmovc v6;
	v6 =	vld [tilespmem:s16+$0x1810]  }
0x90: {  	v18 =	vld [tilespmem:s16+$0x2810];
	v11 =	vsub.f32 v13, v11  }
0x91: {  	v5 =	vmul.f32 v5, v10;
	v58 =	vadd.f32 v15, v14;
	v2 =	vadd.f32 v16, v2  }
0x92: {  	v9 =	vadd.f32 v17, v9;
	v7 =	vmul.f32 v7, v1;
	v11 =	vmul.f32 v11, v11  }
0x93: {  	v5 =	vsub.f32 v5, v12;
	v1 =	vmul.f32 v4, v1;
	v59 =	vmul.f32 v8, v3  }
0x94: {  	v60 =	vmul.f32 v8, v7;
	v10 =	vadd.f32 v11, v58;
	v7 =	vsub.f32 v7, v3  }
0x95: {  	v5 =	vmul.f32 v5, v5;
	v61 =	vsub.f32 v1, v6;
	v62 =	vmul.f32 v18, v6  }
0x96: {  	[tilespmem:s15+$0x3800] =	vst v2;
	v1 =	vmul.f32 v18, v1;
	v2 =	vsub.f32 v60, v59;
	v3 =	vadd.f32 v7, v3  }
0x97: {  	[tilespmem:s15+$0x3810] =	vst v9;
	v63 =	vadd.f32 v61, v6  }
0x98: {  	v5 =	vadd.f32 v5, v10;
	v1 =	vsub.f32 v1, v62;
	v2 =	vmul.f32 v2, v2;
	[tilespmem:s16+$0x3800] =	vst v3  }
0x99: {  	[tilespmem:s16+$0x3810] =	vst v63  }
0x9a: {  	v1 =	vmul.f32 v1, v1;
	[hbm4b:s8+s3] =	stream.linear.scatter [tilespmem:s2], [sflag:$0x2], $0x1000, $0x38;
	v2 =	vadd.f32 v2, v5;
	[tilespmem:$0x4820] =	vst v63  }
0x9b: {  	_ =	swait.ge [sflag:s12], $0x1000  }
0x9c: {  	s14 =	sadd.s32 $0x1, s14;
	[sflag:s12] =	ssyncset.done $0x0;
	v1 =	vadd.f32 v1, v2  }
0x9d: {  	p0 =	sne.s32 s14, s10;
	[sflag:s12] =	ssyncadd.s32 $0xFFFFF000  }
.Ltmp2:
0x9e: {  	[tilespmem:$0x4810] =	vst v1;
	(pc) =	sbr.rel @p0 .LBB2_1-.Ltmp2, $4  }
0x9f: {  	[hbm4b:s9+s3] =	stream.linear.scatter [tilespmem:s11], [sflag:$0x2], $0x10, $0x38;
	[tilespmem:$0x4820] =	vst v63  }
0xa0: {  	_ =	swait.ge [sflag:s12], $0x10  }
0xa1: {  	[sflag:s12] =	ssyncset.done $0x0  }
0xa2: {  	[sflag:s12] =	ssyncadd.s32 $0xFFFFFFF0  }
0xa3: {  	_ =	sfence.sel $0x180000  }
0xa4: {  	[bflag:$0x0] =	sbarrier.arrive $0xFFFF  }
0xa5: {  	_ =	strace $0x9000004D  }
0xa6: {  	s0 =	stileid.u32;
	[bflag:$0x2] =	sbarrier.arrive $0xFFFF  }
0xa7: {  	p0 =	sne.s32 s0, $0x0;
	s0 =	rddreg [dreg:$0x3]  }
0xa8: {  	s0 =	sadd.s32 @!p0 $0x100000, s0  }
0xa9: {  	[sflag:s0] =	ssyncadd.tile.s32 @!p0 $0x1;
	_ =	shalt  }
.Lfunc_end2:
_tile_overlayer_lowered:
.L_overlay_start_2:
0xaa: {  	(tag) =	ssettag $0x2  }
0xab: {  	s0 =	rddreg [dreg:$0x0];
	s2 =	stileid.u32  }
0xac: {  	s1 =	rddreg [dreg:$0x1];
	p0 =	sne.s32 s2, $0x0  }
0xad: {  	s3 =	rddreg [dreg:$0x2];
	[bflag:$0x3] =	sbarrier.arrive $0xFFFF;
	s2 =	simm.s32 @!p0 $0x1C02  }
0xae: {  	[timem:s3], [sflag:s2] =	dma.local @!p0 [hbm:s0], s1  }
0xaf: {  	s0 =	simm.s32 @!p0 $0x2  }
0xb0: {  	_ =	swait.ge @!p0 [sflag:s0], s1  }
0xb1: {  	s1 =	ssub.s32 @!p0 $0x0, s1;
	[sflag:s0] =	ssyncset.done @!p0 $0x0  }
0xb2: {  	[sflag:s0] =	ssyncadd.s32 @!p0 s1  }
0xb3: {  	[bflag:$0x3] =	sbarrier.arrive $0xFFFF  }
0xb4: {  	_ =	shalt  }

// kernel: kernel.16.cloned.1.call-start
scs
__scs_entry_jumppad:
0x0: {  	(pc) =	sbr.rel $0x88, $3  }
0x1: {  	(tag) =	ssettag $0x0;
	lr =	simm.s32 $0x1  }
0x2: {  	[smem:$0x3F9D] =	sst lr;
	_ =	strace $0xD0000000  }
0x3: {  	_ = 	snop  }
0x4: {  	_ = 	snop  }
0x5: {  	_ = 	snop  }
0x6: {  	_ = 	snop  }
0x7: {  	_ = 	snop  }
__scs_overlays_trampoline_lowered:
0x8: {  	[smem:$0x3FAC] =	sst s0  }
0x9: {  	[smem:$0x3FAD] =	sst s1  }
0xa: {  	[smem:$0x3FAE] =	sst s2  }
0xb: {  	[smem:$0x3FAF] =	sst s3  }
0xc: {  	[smem:$0x3FB0] =	sst s4  }
0xd: {  	[smem:$0x3FB1] =	sst s5  }
0xe: {  	[smem:$0x3FB2] =	sst s6  }
0xf: {  	[smem:$0x3FB3] =	sst s7  }
0x10: {  	[smem:$0x3FB4] =	sst s8  }
0x11: {  	[smem:$0x3FB5] =	sst s9;
	s0 =	simm.s32 @!p0 $0x0  }
0x12: {  	s1 =	sld [smem:$0x3F9B];
	s0 =	simm.s32 @p0 $0x1  }
0x13: {  	[smem:$0x3FB6] =	sst s0;
	s0 =	simm.s32 @!p1 $0x0  }
0x14: {  	s2 =	sld [smem:$0x3F9A];
	s0 =	simm.s32 @p1 $0x1  }
0x15: {  	[smem:$0x3FB7] =	sst s0;
	s0 =	simm.s32 @!p2 $0x0  }
0x16: {  	s3 =	sld [smem:$0x3FDB];
	s0 =	simm.s32 @p2 $0x1  }
0x17: {  	s4 =	simm.s32 $0x1BF5;
	[smem:$0x3FB9] =	sst s0  }
0x18: {  	s0 =	sld [smem:$0x3F9C];
	_ =	swait.ge [sflag:s4], $0x0  }
0x19: {  	s7 =	sld [smem:$0x3F9D]  }
0x1a: {  	s8 =	sadd.s32 $0xFFFFE003, lr  }
0x1b: {  	s9 =	sadd.s32 $0xFFFFFEF7, lr;
	s5 =	simm.s32 $0xFFFFFFFF;
	p2 =	slt.u32 s8, $0xFFFFF086  }
0x1c: {  	p1 =	slt.u32 s9, $0xF7A;
	s5 =	simm.s32 @!p2 $0x0  }
0x1d: {  	s5 =	simm.s32 @p1 $0x1;
	p0 =	seq.s32 s7, s2  }
0x1e: {  	s7 =	smul.u32 @!p0 $0xF7A, s2;
	p2 =	seq.s32 @!p0 s5, $0x0  }
0x1f: {  	s9 =	smul.u32 $0xF7A, s1;
	s8 =	simm.s32 @!p0 $0x1BF5;
	p2 =	por !p2, p0  }
0x20: {  	[sflag:s8] =	ssyncset.s32 @!p0 $0xFFFFF086;
	s6 =	sadd.s32 @!p0 s3, s7;
	s7 =	simm.s32 @!p0 $0x108  }
0x21: {  	s3 =	sadd.s32 s3, s9;
	s6 =	sadd.s32 @!p0 $0x88, s6;
	s7 =	simm.s32 @p2 $0x1082  }
0x22: {  	[simem:s7], [sflag:s8] =	dma.local @!p0 [hbm:s6], $0xF7A  }
0x23: {  	s9 =	sor.u32 $0xD0000000, s2;
	s6 =	simm.s32 $0x108;
	_ =	swait.ge @!p0 [sflag:s8], $0x0  }
0x24: {  	s3 =	sadd.s32 $0x88, s3;
	s6 =	simm.s32 @!p1 $0x1082;
	[sflag:s4] =	ssyncset.s32 $0xFFFFF086  }
0x25: {  	[simem:s6], [sflag:s4] =	dma.local [hbm:s3], $0xF7A  }
0x26: {  	[smem:$0x3F9D] =	sst s1;
	(tag) =	ssettag s2;
	_ =	strace s9  }
0x27: {  	s1 =	sld [smem:$0x3FAD]  }
0x28: {  	s2 =	sld [smem:$0x3FAE]  }
0x29: {  	s4 =	sld [smem:$0x3FB0]  }
0x2a: {  	p0 =	seq.s32 s5, $0x0;
	s5 =	sld [smem:$0x3FB1]  }
0x2b: {  	s6 =	sld [smem:$0x3FB2]  }
0x2c: {  	s7 =	sld [smem:$0x3FB3]  }
0x2d: {  	s3 =	simm.s32 $0x108;
	s8 =	sld [smem:$0x3FB4]  }
0x2e: {  	s3 =	simm.s32 @!p0 $0x1082;
	s9 =	sld [smem:$0x3FB5]  }
0x2f: {  	lr =	sadd.s32 s0, s3;
	s0 =	sld [smem:$0x3FAC]  }
0x30: {  	s3 =	sld [smem:$0x3FAF]  }
0x31: {  	[smem:$0x3FB8] =	sst s10  }
0x32: {  	s10 =	sld [smem:$0x3FB6];
	_ =	sdelay $0x3  }
0x33: {  	p0 =	seq.s32 s10, $0x1;
	s10 =	sld [smem:$0x3FB8];
	_ =	sdelay $0x3  }
0x34: {  	[smem:$0x3FB8] =	sst s10  }
0x35: {  	s10 =	sld [smem:$0x3FB7];
	_ =	sdelay $0x3  }
0x36: {  	p1 =	seq.s32 s10, $0x1;
	s10 =	sld [smem:$0x3FB8];
	_ =	sdelay $0x3  }
0x37: {  	[smem:$0x3FB8] =	sst s10  }
0x38: {  	s10 =	sld [smem:$0x3FB9]  }
0x39: {  	_ = 	snop;
	(pc) =	sbr.ind lr, $3  }
0x3a: {  	_ = 	snop  }
0x3b: {  	_ = 	snop  }
0x3c: {  	p2 =	seq.s32 s10, $0x1;
	s10 =	sld [smem:$0x3FB8]  }
0x3d: {  	_ =	shalt  }
0x3e: {  	_ =	shalt  }
0x3f: {  	_ =	shalt  }
0x40: {  	_ =	shalt  }
0x41: {  	_ =	shalt  }
0x42: {  	_ =	shalt  }
0x43: {  	_ =	shalt  }
0x44: {  	_ =	shalt  }
0x45: {  	_ =	shalt  }
0x46: {  	_ =	shalt  }
0x47: {  	_ =	shalt  }
0x48: {  	_ =	shalt  }
0x49: {  	_ =	shalt  }
0x4a: {  	_ =	shalt  }
0x4b: {  	_ =	shalt  }
0x4c: {  	_ =	shalt  }
0x4d: {  	_ =	shalt  }
0x4e: {  	_ =	shalt  }
0x4f: {  	_ =	shalt  }
0x50: {  	_ =	shalt  }
0x51: {  	_ =	shalt  }
0x52: {  	_ =	shalt  }
0x53: {  	_ =	shalt  }
0x54: {  	_ =	shalt  }
0x55: {  	_ =	shalt  }
0x56: {  	_ =	shalt  }
0x57: {  	_ =	shalt  }
0x58: {  	_ =	shalt  }
0x59: {  	_ =	shalt  }
0x5a: {  	_ =	shalt  }
0x5b: {  	_ =	shalt  }
0x5c: {  	_ =	shalt  }
0x5d: {  	_ =	shalt  }
0x5e: {  	_ =	shalt  }
0x5f: {  	_ =	shalt  }
0x60: {  	_ =	shalt  }
0x61: {  	_ =	shalt  }
0x62: {  	_ =	shalt  }
0x63: {  	_ =	shalt  }
0x64: {  	_ =	shalt  }
0x65: {  	_ =	shalt  }
0x66: {  	_ =	shalt  }
0x67: {  	_ =	shalt  }
0x68: {  	_ =	shalt  }
0x69: {  	_ =	shalt  }
0x6a: {  	_ =	shalt  }
0x6b: {  	_ =	shalt  }
0x6c: {  	_ =	shalt  }
0x6d: {  	_ =	shalt  }
0x6e: {  	_ =	shalt  }
0x6f: {  	_ =	shalt  }
0x70: {  	_ =	shalt  }
0x71: {  	_ =	shalt  }
0x72: {  	_ =	shalt  }
0x73: {  	_ =	shalt  }
0x74: {  	_ =	shalt  }
0x75: {  	_ =	shalt  }
0x76: {  	_ =	shalt  }
0x77: {  	_ =	shalt  }
0x78: {  	_ =	shalt  }
0x79: {  	_ =	shalt  }
0x7a: {  	_ =	shalt  }
0x7b: {  	_ =	shalt  }
0x7c: {  	_ =	shalt  }
0x7d: {  	_ =	shalt  }
0x7e: {  	_ =	shalt  }
0x7f: {  	_ =	shalt  }
0x80: {  	_ =	shalt  }
0x81: {  	_ =	shalt  }
0x82: {  	_ =	shalt  }
0x83: {  	_ =	shalt  }
0x84: {  	_ =	shalt  }
0x85: {  	_ =	shalt  }
0x86: {  	_ =	shalt  }
0x87: {  	_ =	shalt  }
.Lfunc_end0:
.L_simem_size_0:
called_computation.2_lowered:
.L_overlay_start_0:
0x88: {  	s2 =	sld [smem:$0x3FD9]  }
0x89: {  	s3 =	sld [smem:$0x3FFE];
	_ =	sdelay $0x1  }
0x8a: {  	s1 =	srdreg.scid  }
0x8b: {  	s0 =	sand.u32 $0x1, s1  }
0x8c: {  	s15 =	sshll.u32 s0, $0xA;
	s2 =	sadd.s32 s3, s2  }
0x8d: {  	s2 =	sadd.s32 s2, s15  }
0x8e: {  	[smem:$0x3FC4] =	sst s2  }
0x8f: {  	_ = 	snop  }
0x90: {  	s2 =	sld [smem:$0x3FD0];
	_ =	sdelay $0x2  }
0x91: {  	s4 =	simm.s32 $0xD;
	s16 =	simm.s32 $0x10  }
0x92: {  	[smem:s16], [sflag:s4] =	dma.local [hbm:s2], $0x1  }
0x93: {  	_ =	swait.eq [sflag:s4], $0x1  }
0x94: {  	[sflag:s4] =	ssyncset.done $0x0  }
0x95: {  	s17 =	sld [smem:$0x10];
	[sflag:s4] =	ssyncadd.s32 $0xFFFFFFFF  }
0x96: {  	s18 =	sld [smem:$0x11];
	(tm) =	ssettm $0x1  }
0x97: {  	s19 =	sld [smem:$0x3FFB];
	_ =	sdelay $0x3  }
0x98: {  	_ =	strace s19  }
0x99: {  	s2 =	sld [smem:$0x3FFC];
	_ =	sdelay $0x3  }
0x9a: {  	_ =	strace s2  }
0x9b: {  	s2 =	sld [smem:$0x3FFD];
	_ =	sdelay $0x3  }
0x9c: {  	_ =	strace s2  }
0x9d: {  	_ =	strace $0x8FFFFFFF  }
0x9e: {  	s20 =	sld [smem:$0x3FDB];
	_ =	sdelay $0x1  }
0x9f: {  	s5 =	simm.s32 $_scs_section_size  }
0xa0: {  	s6 =	simm.s32 $_size__tile_overlayer_lowered;
	s7 =	simm.s32 $_tile_overlayer_lowered  }
0xa1: {  	s8 =	simm.s32 $0x1BFF;
	s21 =	sshll.u32 s7, $0x1;
	s5 =	sadd.s32 s5, s20  }
0xa2: {  	s22 =	simm.s32 $0x0;
	s6 =	sshll.u32 s6, $0x1;
	s7 =	sadd.s32 s21, s5  }
0xa3: {  	[timem:s22], [sflag:s8] =	dma.local [hbm:s7], s6  }
0xa4: {  	_ =	swait.ge [sflag:s8], s6  }
0xa5: {  	s6 =	ssub.s32 $0x0, s6;
	[sflag:s8] =	ssyncset.done $0x0  }
0xa6: {  	[sflag:s8] =	ssyncadd.s32 s6;
	_ =	sdelay $0x1  }
0xa7: {  	s23 =	simm.s32 $0x1B8B  }
0xa8: {  	_ =	swait.ge [sflag:s23], $0x1  }
0xa9: {  	[sflag:s23] =	ssyncset.done $0x0  }
0xaa: {  	[sflag:s23] =	ssyncadd.s32 $0xFFFFFFFF  }
0xab: {  	s6 =	sld [smem:$0x0]  }
0xac: {  	s7 =	sand.u32 $0xFFFFFFFE, s1  }
0xad: {  	p0 =	sne.s32 s1, s7  }
0xae: {  	s7 =	sshll.u32 @p0 s7, $0xE  }
0xaf: {  	s7 =	sadd.s32 @p0 $0x11B8D, s7;
	s8 =	sshll.u32 @p0 s6, $0x11  }
0xb0: {  	s7 =	sor.u32 @p0 s8, s7  }
0xb1: {  	[sflag:s7] =	ssyncadd.remote.s32 @p0 $0x1;
	_ =	sdelay $0x1  }
0xb2: {  	s7 =	simm.s32 @p0 $0x1B8D  }
0xb3: {  	_ =	swait.eq @p0 [sflag:s7], $0x1  }
0xb4: {  	[sflag:s7] =	ssyncadd.s32 @p0 $0xFFFFFFFF  }
0xb5: {  	s8 =	sshll.u32 @!p0 s1, $0xE  }
0xb6: {  	s8 =	sor.u32 @!p0 $0x4000, s8;
	s7 =	simm.s32 @!p0 $0x1B8D  }
0xb7: {  	s6 =	sshll.u32 @!p0 s6, $0x11;
	s8 =	sadd.s32 @!p0 $0x11B8D, s8;
	_ =	swait.eq @!p0 [sflag:s7], $0x1  }
0xb8: {  	s6 =	sor.u32 @!p0 s6, s8;
	[sflag:s7] =	ssyncadd.s32 @!p0 $0xFFFFFFFF  }
0xb9: {  	s25 =	simm.s32 $0x1B8E;
	s24 =	sld [smem:$0x3FFE];
	[sflag:s6] =	ssyncadd.remote.s32 @!p0 $0x1  }
0xba: {  	s26 =	simm.s32 $execute0_lowered;
	[smem:$0x3FD2] =	sst s25  }
0xbb: {  	s7 =	sshll.u32 s26, $0x1;
	_ =	strace $0x80000049;
	[dreg:$0x1] =	wrdreg $0xFFFFFFFF  }
0xbc: {  	s28 =	simm.s32 $_size_execute0_lowered;
	s5 =	sadd.s32 s5, s7;
	[dreg:$0x0] =	wrdreg $0x0  }
0xbd: {  	s7 =	sshll.u32 s28, $0x1;
	[dreg:$0x2] =	wrdreg s5  }
0xbe: {  	[dreg:$0x3] =	wrdreg s7  }
0xbf: {  	[dreg:$0x4] =	wrdreg $0xC0  }
0xc0: {  	_ =	task [dreg:s22], $0x5FFFF  }
0xc1: {  	[dreg:$0x1] =	wrdreg $0xFFFFFFFF  }
0xc2: {  	[dreg:$0x0] =	wrdreg $0x60  }
0xc3: {  	[dreg:$0x2] =	wrdreg s24  }
0xc4: {  	[dreg:$0x3] =	wrdreg s17  }
0xc5: {  	[dreg:$0x4] =	wrdreg s18  }
0xc6: {  	[dreg:$0x5] =	wrdreg $0xB  }
0xc7: {  	_ =	task.clear_ibuf [dreg:s22], $0x6FFFF;
	_ =	strace $0x90000049  }
0xc8: {  	s29 =	simm.s32 $0xB;
	_ =	strace $0x8000004B  }
0xc9: {  	_ =	swait.ge [sflag:s29], $0x1  }
0xca: {  	[sflag:s29] =	ssyncadd.s32 $0xFFFFFFFF  }
0xcb: {  	_ =	strace $0x9000004B  }
0xcc: {  	_ =	sfence  }
0xcd: {  	s30 =	sld [smem:$0x0];
	_ =	sdelay $0x2  }
0xce: {  	s31 =	sshll.u32 s1, $0xD;
	s1 =	sshrl.u32 s1, $0x2  }
0xcf: {  	s4 =	sand.u32 $0x4000, s31;
	s1 =	sadd.s32 s1, s30  }
0xd0: {  	s0 =	sor.u32 s4, s0;
	s1 =	sshll.u32 s1, $0x11  }
0xd1: {  	s0 =	sor.u32 s1, s0  }
0xd2: {  	s0 =	sadd.s32 $0x8F2B, s0  }
0xd3: {  	[sflag:s0] =	ssyncadd.remote.s32 $0x1  }
0xd4: {  	_ =	sfence.sel $0xFFFF  }
0xd5: {  	[dreg:$0x0] =	wrdreg $0xFFFFFFFF;
	(pc) =	sbr.abs _section_cstart, $3  }
0xd6: {  	[dreg:$0x1] =	wrdreg $0xFFFFFFFF  }
0xd7: {  	_ =	task.clear_ibuf [dreg:s22], $0x2FFFF;
	_ =	strace $0x9FFFFFFF  }
0xd8: {  	(tm) =	ssettm $0x7FFFFFFF  }
0xd9: {  	_ =	shalt  }
tec
execute0_lowered:
.L_overlay_start_1:
0x0: {  	(tag) =	ssettag $0x1  }
0x1: {  	s0 =	rddreg [dreg:$0x0]  }
0x2: {  	s1 =	rddreg [dreg:$0x1]  }
0x3: {  	s2 =	srdreg.scid;
	s3 =	stileid.u32;
	s12 =	simm.s32 $0x2  }
0x4: {  	s13 =	simm.s32 $0x80;
	s17 =	simm.s32 $0x800;
	s20 =	simm.s32 $0x200  }
0x5: {  	s21 =	simm.s32 $0x280;
	s22 =	simm.s32 $0x300;
	s23 =	simm.s32 $0x380  }
0x6: {  	s24 =	simm.s32 $0x400;
	s25 =	simm.s32 $0x480;
	s28 =	simm.s32 $0x580  }
0x7: {  	s29 =	simm.s32 $0x600;
	s30 =	simm.s32 $0x680;
	s31 =	simm.s32 $0x700  }
0x8: {  	s11 =	simm.s32 $0x4810;
	s2 =	sand.u32 $0x1, s2;
	s4 =	sshll.u32 s3, $0x1  }
0x9: {  	s14 =	simm.s32 $0x0;
	s3 =	simm.s32 $0x0;
	s5 =	sor.u32 s2, s4  }
0xa: {  	[smem:$0x7FF] =	sst s3;
	s2 =	ssub.s32 $0x2, s2;
	s4 =	sshll.u32 s5, $0x4  }
0xb: {  	s6 =	sshll.u32 s5, $0x9;
	_ =	strace $0x8000004A;
	s5 =	sshll.u32 s5, $0x1  }
0xc: {  	s26 =	sshrl.u32 s2, $0x1;
	s7 =	sadd.s32 s4, s0;
	s8 =	sor.u32 $0x8000, s6  }
0xd: {  	s4 =	sadd.s32 $0x1400, s0;
	s10 =	sadd.s32 s6, s0;
	s2 =	ssub.s32 s2, s26  }
0xe: {  	s26 =	simm.s32 $0x500;
	s9 =	sadd.s32 s8, s0;
	s0 =	sadd.s32 s5, s0  }
0xf: {  	s5 =	sadd.s32 $0x1F800, s7;
	s6 =	sadd.s32 s1, s8;
	s8 =	sadd.s32 $0x21A00, s10  }
0x10: {  	s10 =	smax.u32 s2, $0x1;
	s1 =	simm.s32 $0x780;
	s2 =	simm.s32 $0x3800  }
0x11: {  	v0 =	vimm.f32 $0.0e+00;
	s7 =	sadd.s32 $0x9600, s9;
	s9 =	sadd.s32 $0x21800, s0;
	s0 =	simm.s32 $0x1  }
.LBB2_1:
0x12: {  	s15 =	rddreg [dreg:$0x2];
	s16 =	simm.s32 $0x4800  }
0x13: {  	[tilespmem:s16], [sflag:$0x2] =	stream.linear.gather [hbm4b:s15+s3], $0x10, $0x38;
	[tilespmem:$0x4820] =	vst v63  }
0x14: {  	_ =	swait.ge [sflag:s12], $0x10  }
0x15: {  	[sflag:s12] =	ssyncset.done $0x0  }
0x16: {  	s16 =	simm.s32 $0x1000;
	[sflag:s12] =	ssyncadd.s32 $0xFFFFFFF0  }
0x17: {  	v1 =	vld [tilespmem:$0x4800];
	[tilespmem:s3], [sflag:$0x2] =	stream.strided.gather [hbm4b:s5+s13], $0x800, s16, s13, $0x38  }
0x18: {  	_ =	swait.ge [sflag:s12], $0x800  }
0x19: {  	[sflag:s12] =	ssyncset.done $0x0  }
0x1a: {  	s18 =	simm.s32 $0x1800;
	[sflag:s12] =	ssyncadd.s32 $0xFFFFF800  }
0x1b: {  	[tilespmem:s18], [sflag:$0x2] =	stream.linear.gather [hbm4b:s6+s3], $0x1000, $0x38;
	[tilespmem:$0x4820] =	vst v63  }
0x1c: {  	_ =	swait.ge [sflag:s12], $0x1000  }
0x1d: {  	[sflag:s12] =	ssyncset.done $0x0  }
0x1e: {  	s19 =	simm.s32 $0x2800;
	[sflag:s12] =	ssyncadd.s32 $0xFFFFF000  }
0x1f: {  	[tilespmem:s19], [sflag:$0x2] =	stream.linear.gather [hbm4b:s7+s3], $0x1000, $0x38;
	[tilespmem:$0x4820] =	vst v63  }
0x20: {  	_ =	swait.ge [sflag:s12], $0x1000  }
0x21: {  	[sflag:s12] =	ssyncset.done $0x0  }
0x22: {  	s15 =	simm.s32 $0x80;
	s16 =	simm.s32 $0x0;
	[sflag:s12] =	ssyncadd.s32 $0xFFFFF000  }
.LBB2_2:
0x23: {  	p0 =	sne.s32 s15, $0x3F80;
	[tilespmem:s16+$0x800] =	vst v0;
	s18 =	smov.u32 s15;
	s15 =	sadd.s32 $0x80, s15  }
.Ltmp0:
0x24: {  	[tilespmem:s16+$0x810] =	vst v0;
	(pc) =	sbr.rel @p0 .LBB2_2-.Ltmp0, $2  }
0x25: {  	_ =	sdelay $0x2  }
0x26: {  	s16 =	sshra.s32 s18, $0x2  }
0x27: {  	[tilespmem:s16+$0x800] =	vst v0  }
0x28: {  	[tilespmem:s16+$0x810] =	vst v0;
	s15 =	simm.s32 $0x0  }
0x29: {  	[tilespmem:s17], [sflag:$0x1] =	stream.indirect.gather.add.f32 [hbm:s4], $0x20, s15, s13, $0xb8;
	[tilespmem:$0x4820] =	vst v63  }
0x2a: {  	_ = 	snop  }
0x2b: {  	[tilespmem:s17], [sflag:$0x1] =	stream.indirect.gather.add.f32 [hbm:s4], $0x20, s13, s13, $0xb8;
	[tilespmem:$0x4820] =	vst v63  }
0x2c: {  	s18 =	simm.s32 $0x100  }
0x2d: {  	[tilespmem:s17], [sflag:$0x1] =	stream.indirect.gather.add.f32 [hbm:s4], $0x20, s18, s13, $0xb8;
	[tilespmem:$0x4820] =	vst v63  }
0x2e: {  	s19 =	simm.s32 $0x180  }
0x2f: {  	[tilespmem:s17], [sflag:$0x1] =	stream.indirect.gather.add.f32 [hbm:s4], $0x20, s19, s13, $0xb8;
	[tilespmem:$0x4820] =	vst v63  }
0x30: {  	_ = 	snop  }
0x31: {  	[tilespmem:s17], [sflag:$0x1] =	stream.indirect.gather.add.f32 [hbm:s4], $0x20, s20, s13, $0xb8;
	[tilespmem:$0x4820] =	vst v63  }
0x32: {  	_ = 	snop  }
0x33: {  	[tilespmem:s17], [sflag:$0x1] =	stream.indirect.gather.add.f32 [hbm:s4], $0x20, s21, s13, $0xb8;
	[tilespmem:$0x4820] =	vst v63  }
0x34: {  	_ = 	snop  }
0x35: {  	[tilespmem:s17], [sflag:$0x1] =	stream.indirect.gather.add.f32 [hbm:s4], $0x20, s22, s13, $0xb8;
	[tilespmem:$0x4820] =	vst v63  }
0x36: {  	_ = 	snop  }
0x37: {  	[tilespmem:s17], [sflag:$0x1] =	stream.indirect.gather.add.f32 [hbm:s4], $0x20, s23, s13, $0xb8;
	[tilespmem:$0x4820] =	vst v63  }
0x38: {  	_ = 	snop  }
0x39: {  	[tilespmem:s17], [sflag:$0x1] =	stream.indirect.gather.add.f32 [hbm:s4], $0x20, s24, s13, $0xb8;
	[tilespmem:$0x4820] =	vst v63  }
0x3a: {  	_ = 	snop  }
0x3b: {  	[tilespmem:s17], [sflag:$0x1] =	stream.indirect.gather.add.f32 [hbm:s4], $0x20, s25, s13, $0xb8;
	[tilespmem:$0x4820] =	vst v63  }
0x3c: {  	_ = 	snop  }
0x3d: {  	[tilespmem:s17], [sflag:$0x1] =	stream.indirect.gather.add.f32 [hbm:s4], $0x20, s26, s13, $0xb8;
	[tilespmem:$0x4820] =	vst v63  }
0x3e: {  	_ = 	snop  }
0x3f: {  	[tilespmem:s17], [sflag:$0x1] =	stream.indirect.gather.add.f32 [hbm:s4], $0x20, s28, s13, $0xb8;
	[tilespmem:$0x4820] =	vst v63  }
0x40: {  	_ = 	snop  }
0x41: {  	[tilespmem:s17], [sflag:$0x1] =	stream.indirect.gather.add.f32 [hbm:s4], $0x20, s29, s13, $0xb8;
	[tilespmem:$0x4820] =	vst v63  }
0x42: {  	_ = 	snop  }
0x43: {  	[tilespmem:s17], [sflag:$0x1] =	stream.indirect.gather.add.f32 [hbm:s4], $0x20, s30, s13, $0xb8;
	[tilespmem:$0x4820] =	vst v63  }
0x44: {  	_ = 	snop  }
0x45: {  	[tilespmem:s17], [sflag:$0x1] =	stream.indirect.gather.add.f32 [hbm:s4], $0x20, s31, s13, $0xb8;
	[tilespmem:$0x4820] =	vst v63  }
0x46: {  	_ = 	snop  }
0x47: {  	[tilespmem:s17], [sflag:$0x1] =	stream.indirect.gather.add.f32 [hbm:s4], $0x20, s1, s13, $0xb8;
	[tilespmem:$0x4820] =	vst v63  }
0x48: {  	_ =	swait.ge [sflag:s0], $0x1000  }
0x49: {  	[sflag:s0] =	ssyncset.done $0x0  }
0x4a: {  	[sflag:s0] =	ssyncadd.s32 $0xFFFFF000  }
0x4b: {  	_ =	swait.ge [sflag:s0], $0x1000  }
0x4c: {  	[sflag:s0] =	ssyncset.done $0x0  }
0x4d: {  	[sflag:s0] =	ssyncadd.s32 $0xFFFFF000  }
0x4e: {  	_ =	swait.ge [sflag:s0], $0x1000  }
0x4f: {  	[sflag:s0] =	ssyncset.done $0x0  }
0x50: {  	[sflag:s0] =	ssyncadd.s32 $0xFFFFF000  }
0x51: {  	_ =	swait.ge [sflag:s0], $0x1000  }
0x52: {  	[sflag:s0] =	ssyncset.done $0x0  }
0x53: {  	[sflag:s0] =	ssyncadd.s32 $0xFFFFF000  }
0x54: {  	_ =	swait.ge [sflag:s0], $0x1000  }
0x55: {  	[sflag:s0] =	ssyncset.done $0x0  }
0x56: {  	[sflag:s0] =	ssyncadd.s32 $0xFFFFF000  }
0x57: {  	_ =	swait.ge [sflag:s0], $0x1000  }
0x58: {  	[sflag:s0] =	ssyncset.done $0x0  }
0x59: {  	[sflag:s0] =	ssyncadd.s32 $0xFFFFF000  }
0x5a: {  	_ =	swait.ge [sflag:s0], $0x1000  }
0x5b: {  	[sflag:s0] =	ssyncset.done $0x0  }
0x5c: {  	[sflag:s0] =	ssyncadd.s32 $0xFFFFF000  }
0x5d: {  	_ =	swait.ge [sflag:s0], $0x1000  }
0x5e: {  	[sflag:s0] =	ssyncset.done $0x0  }
0x5f: {  	[sflag:s0] =	ssyncadd.s32 $0xFFFFF000  }
0x60: {  	_ =	swait.ge [sflag:s0], $0x1000  }
0x61: {  	[sflag:s0] =	ssyncset.done $0x0  }
0x62: {  	[sflag:s0] =	ssyncadd.s32 $0xFFFFF000  }
0x63: {  	_ =	swait.ge [sflag:s0], $0x1000  }
0x64: {  	[sflag:s0] =	ssyncset.done $0x0  }
0x65: {  	[sflag:s0] =	ssyncadd.s32 $0xFFFFF000  }
0x66: {  	_ =	swait.ge [sflag:s0], $0x1000  }
0x67: {  	[sflag:s0] =	ssyncset.done $0x0  }
0x68: {  	[sflag:s0] =	ssyncadd.s32 $0xFFFFF000  }
0x69: {  	_ =	swait.ge [sflag:s0], $0x1000  }
0x6a: {  	[sflag:s0] =	ssyncset.done $0x0  }
0x6b: {  	[sflag:s0] =	ssyncadd.s32 $0xFFFFF000  }
0x6c: {  	_ =	swait.ge [sflag:s0], $0x1000  }
0x6d: {  	[sflag:s0] =	ssyncset.done $0x0  }
0x6e: {  	[sflag:s0] =	ssyncadd.s32 $0xFFFFF000  }
0x6f: {  	_ =	swait.ge [sflag:s0], $0x1000  }
0x70: {  	[sflag:s0] =	ssyncset.done $0x0  }
0x71: {  	[sflag:s0] =	ssyncadd.s32 $0xFFFFF000  }
0x72: {  	_ =	swait.ge [sflag:s0], $0x1000  }
0x73: {  	[sflag:s0] =	ssyncset.done $0x0  }
0x74: {  	[sflag:s0] =	ssyncadd.s32 $0xFFFFF000  }
0x75: {  	_ =	swait.ge [sflag:s0], $0x1000  }
0x76: {  	(erf) = vrcp.f32 v1  }
0x77: {  	[sflag:s0] =	ssyncset.done $0x0  }
0x78: {  	s18 =	simm.s32 $0x0;
	[sflag:s0] =	ssyncadd.s32 $0xFFFFF000  }
0x79: {  	v3 =	vld [tilespmem:s18+$0x810]  }
0x7a: {  	v6 =	vld [tilespmem:s18+$0x1800]  }
0x7b: {  	v4 =	vld [tilespmem:s18+$0x800]  }
0x7c: {  	v5 =	vld [tilespmem:s18+$0x2800]  }
0x7d: {  	v7 =	vld [tilespmem:s18+$0x1810]  }
0x7e: {  	s15 =	simm.s32 $0x20;
	v8 =	vld [tilespmem:s18+$0x2810]  }
0x7f: {  	v10 =	vld [tilespmem:s15+$0x810];
	v1 =	vpop (erf)  }
0x80: {  	v2 =	vld [tilespmem:s15+$0x1800];
	v4 =	vmul.f32 v4, v1  }
0x81: {  	v11 =	vld [tilespmem:s15+$0x800];
	v3 =	vmul.f32 v3, v1  }
0x82: {  	v12 =	vld [tilespmem:s15+$0x2800];
	v13 =	vmul.f32 v5, v6;
	v14 =	vmul.f32 v5, v4  }
0x83: {  	v9 =	vld [tilespmem:s15+$0x1810];
	v15 =	vsub.f32 v4, v6;
	v16 =	vsub.f32 v3, v7  }
0x84: {  	s16 =	simm.s32 $0x40;
	v17 =	vmul.f32 v8, v7;
	v5 =	vld [tilespmem:s15+$0x2810];
	v8 =	vmul.f32 v8, v3;
	v13 =	vsub.f32 v14, v13  }
0x85: {  	v4 =	vld [tilespmem:s16+$0x810];
	v6 =	vadd.f32 v15, v6;
	v14 =	vadd.f32 v16, v7  }
0x86: {  	v3 =	vld [tilespmem:s16+$0x1800];
	v16 =	vmul.f32 v11, v1;
	v15 =	vsub.f32 v8, v17;
	v17 =	vmul.f32 v13, v13  }
0x87: {  	v10 =	vmul.f32 v10, v1;
	v7 =	vld [tilespmem:s16+$0x800];
	v11 =	vmul.f32 v12, v2;
	[tilespmem:s18+$0x3800] =	vst v6;
	v6 =	vimm.f32 $0.0e+00  }
0x88: {  	v13 =	vmul.f32 v12, v16;
	v15 =	vmul.f32 v15, v15;
	v8 =	vld [tilespmem:s16+$0x2800];
	[tilespmem:s18+$0x3810] =	vst v14;
	v14 =	vadd.f32 v17, v6  }
0x89: {  	v16 =	vsub.f32 v16, v2;
	s18 =	simm.s32 $0x180;
	v12 =	vmul.f32 v5, v9;
	v6 =	vld [tilespmem:s16+$0x1810];
	v17 =	vsub.f32 v10, v9  }
.LBB2_4:
0x8a: {  	s19 =	sshra.s32 s18, $0x2;
	v11 =	vsub.f32 v13, v11;
	v10 =	vmul.f32 v5, v10;
	v5 =	vld [tilespmem:s16+$0x2810];
	v14 =	vadd.f32 v15, v14;
	v13 =	vmovc v4;
	p0 =	sne.s32 s18, $0x3F80  }
.Ltmp1:
0x8b: {  	v4 =	vld [tilespmem:s19+$0x810];
	v15 =	vadd.f32 v16, v2;
	v9 =	vadd.f32 v17, v9;
	v2 =	vmov v3;
	(pc) =	sbr.rel @p0 .LBB2_4-.Ltmp1, $4  }
0x8c: {  	s18 =	sadd.s32 $0x80, s18;
	v3 =	vld [tilespmem:s19+$0x1800];
	v16 =	vmul.f32 v7, v1;
	v12 =	vsub.f32 v10, v12;
	v17 =	vmul.f32 v11, v11  }
0x8d: {  	v10 =	vmul.f32 v13, v1;
	v7 =	vld [tilespmem:s19+$0x800];
	v11 =	vmul.f32 v8, v2;
	[tilespmem:s15+$0x3800] =	vst v15  }
0x8e: {  	v13 =	vmul.f32 v8, v16;
	v8 =	vld [tilespmem:s19+$0x2800];
	[tilespmem:s15+$0x3810] =	vst v9;
	v14 =	vadd.f32 v17, v14;
	v15 =	vmul.f32 v12, v12;
	s15 =	smov.u32 s16;
	s16 =	smov.u32 s19  }
0x8f: {  	v16 =	vsub.f32 v16, v2;
	v17 =	vsub.f32 v10, v6;
	v12 =	vmul.f32 v5, v6;
	v9 =	vmovc v6;
	v6 =	vld [tilespmem:s16+$0x1810]  }
0x90: {  	v18 =	vld [tilespmem:s16+$0x2810];
	v11 =	vsub.f32 v13, v11  }
0x91: {  	v5 =	vmul.f32 v5, v10;
	v58 =	vadd.f32 v15, v14;
	v2 =	vadd.f32 v16, v2  }
0x92: {  	v9 =	vadd.f32 v17, v9;
	v7 =	vmul.f32 v7, v1;
	v11 =	vmul.f32 v11, v11  }
0x93: {  	v5 =	vsub.f32 v5, v12;
	v1 =	vmul.f32 v4, v1;
	v59 =	vmul.f32 v8, v3  }
0x94: {  	v60 =	vmul.f32 v8, v7;
	v10 =	vadd.f32 v11, v58;
	v7 =	vsub.f32 v7, v3  }
0x95: {  	v5 =	vmul.f32 v5, v5;
	v61 =	vsub.f32 v1, v6;
	v62 =	vmul.f32 v18, v6  }
0x96: {  	[tilespmem:s15+$0x3800] =	vst v2;
	v1 =	vmul.f32 v18, v1;
	v2 =	vsub.f32 v60, v59;
	v3 =	vadd.f32 v7, v3  }
0x97: {  	[tilespmem:s15+$0x3810] =	vst v9;
	v63 =	vadd.f32 v61, v6  }
0x98: {  	v5 =	vadd.f32 v5, v10;
	v1 =	vsub.f32 v1, v62;
	v2 =	vmul.f32 v2, v2;
	[tilespmem:s16+$0x3800] =	vst v3  }
0x99: {  	[tilespmem:s16+$0x3810] =	vst v63  }
0x9a: {  	v1 =	vmul.f32 v1, v1;
	[hbm4b:s8+s3] =	stream.linear.scatter [tilespmem:s2], [sflag:$0x2], $0x1000, $0x38;
	v2 =	vadd.f32 v2, v5;
	[tilespmem:$0x4820] =	vst v63  }
0x9b: {  	_ =	swait.ge [sflag:s12], $0x1000  }
0x9c: {  	s14 =	sadd.s32 $0x1, s14;
	[sflag:s12] =	ssyncset.done $0x0;
	v1 =	vadd.f32 v1, v2  }
0x9d: {  	p0 =	sne.s32 s14, s10;
	[sflag:s12] =	ssyncadd.s32 $0xFFFFF000  }
.Ltmp2:
0x9e: {  	[tilespmem:$0x4810] =	vst v1;
	(pc) =	sbr.rel @p0 .LBB2_1-.Ltmp2, $4  }
0x9f: {  	[hbm4b:s9+s3] =	stream.linear.scatter [tilespmem:s11], [sflag:$0x2], $0x10, $0x38;
	[tilespmem:$0x4820] =	vst v63  }
0xa0: {  	_ =	swait.ge [sflag:s12], $0x10  }
0xa1: {  	[sflag:s12] =	ssyncset.done $0x0  }
0xa2: {  	[sflag:s12] =	ssyncadd.s32 $0xFFFFFFF0  }
0xa3: {  	_ =	sfence.sel $0x180000  }
0xa4: {  	[bflag:$0x0] =	sbarrier.arrive $0xFFFF  }
0xa5: {  	_ =	strace $0x9000004A  }
0xa6: {  	s0 =	stileid.u32;
	[bflag:$0x2] =	sbarrier.arrive $0xFFFF  }
0xa7: {  	p0 =	sne.s32 s0, $0x0;
	s0 =	rddreg [dreg:$0x3]  }
0xa8: {  	s0 =	sadd.s32 @!p0 $0x100000, s0  }
0xa9: {  	[sflag:s0] =	ssyncadd.tile.s32 @!p0 $0x1;
	_ =	shalt  }
.Lfunc_end2:
_tile_overlayer_lowered:
.L_overlay_start_2:
0xaa: {  	(tag) =	ssettag $0x2  }
0xab: {  	s0 =	rddreg [dreg:$0x0];
	s2 =	stileid.u32  }
0xac: {  	s1 =	rddreg [dreg:$0x1];
	p0 =	sne.s32 s2, $0x0  }
0xad: {  	s3 =	rddreg [dreg:$0x2];
	[bflag:$0x3] =	sbarrier.arrive $0xFFFF;
	s2 =	simm.s32 @!p0 $0x1C02  }
0xae: {  	[timem:s3], [sflag:s2] =	dma.local @!p0 [hbm:s0], s1  }
0xaf: {  	s0 =	simm.s32 @!p0 $0x2  }
0xb0: {  	_ =	swait.ge @!p0 [sflag:s0], s1  }
0xb1: {  	s1 =	ssub.s32 @!p0 $0x0, s1;
	[sflag:s0] =	ssyncset.done @!p0 $0x0  }
0xb2: {  	[sflag:s0] =	ssyncadd.s32 @!p0 s1  }
0xb3: {  	[bflag:$0x3] =	sbarrier.arrive $0xFFFF  }
0xb4: {  	_ =	shalt  }

// kernel: kernel.19.cloned.1.call-start
scs
__scs_entry_jumppad:
0x0: {  	(pc) =	sbr.rel $0x88, $3  }
0x1: {  	(tag) =	ssettag $0x0;
	lr =	simm.s32 $0x1  }
0x2: {  	[smem:$0x3F9D] =	sst lr;
	_ =	strace $0xD0000000  }
0x3: {  	_ = 	snop  }
0x4: {  	_ = 	snop  }
0x5: {  	_ = 	snop  }
0x6: {  	_ = 	snop  }
0x7: {  	_ = 	snop  }
__scs_overlays_trampoline_lowered:
0x8: {  	[smem:$0x3FAC] =	sst s0  }
0x9: {  	[smem:$0x3FAD] =	sst s1  }
0xa: {  	[smem:$0x3FAE] =	sst s2  }
0xb: {  	[smem:$0x3FAF] =	sst s3  }
0xc: {  	[smem:$0x3FB0] =	sst s4  }
0xd: {  	[smem:$0x3FB1] =	sst s5  }
0xe: {  	[smem:$0x3FB2] =	sst s6  }
0xf: {  	[smem:$0x3FB3] =	sst s7  }
0x10: {  	[smem:$0x3FB4] =	sst s8  }
0x11: {  	[smem:$0x3FB5] =	sst s9;
	s0 =	simm.s32 @!p0 $0x0  }
0x12: {  	s1 =	sld [smem:$0x3F9B];
	s0 =	simm.s32 @p0 $0x1  }
0x13: {  	[smem:$0x3FB6] =	sst s0;
	s0 =	simm.s32 @!p1 $0x0  }
0x14: {  	s2 =	sld [smem:$0x3F9A];
	s0 =	simm.s32 @p1 $0x1  }
0x15: {  	[smem:$0x3FB7] =	sst s0;
	s0 =	simm.s32 @!p2 $0x0  }
0x16: {  	s3 =	sld [smem:$0x3FDB];
	s0 =	simm.s32 @p2 $0x1  }
0x17: {  	s4 =	simm.s32 $0x1BF5;
	[smem:$0x3FB9] =	sst s0  }
0x18: {  	s0 =	sld [smem:$0x3F9C];
	_ =	swait.ge [sflag:s4], $0x0  }
0x19: {  	s7 =	sld [smem:$0x3F9D]  }
0x1a: {  	s8 =	sadd.s32 $0xFFFFE003, lr  }
0x1b: {  	s9 =	sadd.s32 $0xFFFFFEF7, lr;
	s5 =	simm.s32 $0xFFFFFFFF;
	p2 =	slt.u32 s8, $0xFFFFF086  }
0x1c: {  	p1 =	slt.u32 s9, $0xF7A;
	s5 =	simm.s32 @!p2 $0x0  }
0x1d: {  	s5 =	simm.s32 @p1 $0x1;
	p0 =	seq.s32 s7, s2  }
0x1e: {  	s7 =	smul.u32 @!p0 $0xF7A, s2;
	p2 =	seq.s32 @!p0 s5, $0x0  }
0x1f: {  	s9 =	smul.u32 $0xF7A, s1;
	s8 =	simm.s32 @!p0 $0x1BF5;
	p2 =	por !p2, p0  }
0x20: {  	[sflag:s8] =	ssyncset.s32 @!p0 $0xFFFFF086;
	s6 =	sadd.s32 @!p0 s3, s7;
	s7 =	simm.s32 @!p0 $0x108  }
0x21: {  	s3 =	sadd.s32 s3, s9;
	s6 =	sadd.s32 @!p0 $0x88, s6;
	s7 =	simm.s32 @p2 $0x1082  }
0x22: {  	[simem:s7], [sflag:s8] =	dma.local @!p0 [hbm:s6], $0xF7A  }
0x23: {  	s9 =	sor.u32 $0xD0000000, s2;
	s6 =	simm.s32 $0x108;
	_ =	swait.ge @!p0 [sflag:s8], $0x0  }
0x24: {  	s3 =	sadd.s32 $0x88, s3;
	s6 =	simm.s32 @!p1 $0x1082;
	[sflag:s4] =	ssyncset.s32 $0xFFFFF086  }
0x25: {  	[simem:s6], [sflag:s4] =	dma.local [hbm:s3], $0xF7A  }
0x26: {  	[smem:$0x3F9D] =	sst s1;
	(tag) =	ssettag s2;
	_ =	strace s9  }
0x27: {  	s1 =	sld [smem:$0x3FAD]  }
0x28: {  	s2 =	sld [smem:$0x3FAE]  }
0x29: {  	s4 =	sld [smem:$0x3FB0]  }
0x2a: {  	p0 =	seq.s32 s5, $0x0;
	s5 =	sld [smem:$0x3FB1]  }
0x2b: {  	s6 =	sld [smem:$0x3FB2]  }
0x2c: {  	s7 =	sld [smem:$0x3FB3]  }
0x2d: {  	s3 =	simm.s32 $0x108;
	s8 =	sld [smem:$0x3FB4]  }
0x2e: {  	s3 =	simm.s32 @!p0 $0x1082;
	s9 =	sld [smem:$0x3FB5]  }
0x2f: {  	lr =	sadd.s32 s0, s3;
	s0 =	sld [smem:$0x3FAC]  }
0x30: {  	s3 =	sld [smem:$0x3FAF]  }
0x31: {  	[smem:$0x3FB8] =	sst s10  }
0x32: {  	s10 =	sld [smem:$0x3FB6];
	_ =	sdelay $0x3  }
0x33: {  	p0 =	seq.s32 s10, $0x1;
	s10 =	sld [smem:$0x3FB8];
	_ =	sdelay $0x3  }
0x34: {  	[smem:$0x3FB8] =	sst s10  }
0x35: {  	s10 =	sld [smem:$0x3FB7];
	_ =	sdelay $0x3  }
0x36: {  	p1 =	seq.s32 s10, $0x1;
	s10 =	sld [smem:$0x3FB8];
	_ =	sdelay $0x3  }
0x37: {  	[smem:$0x3FB8] =	sst s10  }
0x38: {  	s10 =	sld [smem:$0x3FB9]  }
0x39: {  	_ = 	snop;
	(pc) =	sbr.ind lr, $3  }
0x3a: {  	_ = 	snop  }
0x3b: {  	_ = 	snop  }
0x3c: {  	p2 =	seq.s32 s10, $0x1;
	s10 =	sld [smem:$0x3FB8]  }
0x3d: {  	_ =	shalt  }
0x3e: {  	_ =	shalt  }
0x3f: {  	_ =	shalt  }
0x40: {  	_ =	shalt  }
0x41: {  	_ =	shalt  }
0x42: {  	_ =	shalt  }
0x43: {  	_ =	shalt  }
0x44: {  	_ =	shalt  }
0x45: {  	_ =	shalt  }
0x46: {  	_ =	shalt  }
0x47: {  	_ =	shalt  }
0x48: {  	_ =	shalt  }
0x49: {  	_ =	shalt  }
0x4a: {  	_ =	shalt  }
0x4b: {  	_ =	shalt  }
0x4c: {  	_ =	shalt  }
0x4d: {  	_ =	shalt  }
0x4e: {  	_ =	shalt  }
0x4f: {  	_ =	shalt  }
0x50: {  	_ =	shalt  }
0x51: {  	_ =	shalt  }
0x52: {  	_ =	shalt  }
0x53: {  	_ =	shalt  }
0x54: {  	_ =	shalt  }
0x55: {  	_ =	shalt  }
0x56: {  	_ =	shalt  }
0x57: {  	_ =	shalt  }
0x58: {  	_ =	shalt  }
0x59: {  	_ =	shalt  }
0x5a: {  	_ =	shalt  }
0x5b: {  	_ =	shalt  }
0x5c: {  	_ =	shalt  }
0x5d: {  	_ =	shalt  }
0x5e: {  	_ =	shalt  }
0x5f: {  	_ =	shalt  }
0x60: {  	_ =	shalt  }
0x61: {  	_ =	shalt  }
0x62: {  	_ =	shalt  }
0x63: {  	_ =	shalt  }
0x64: {  	_ =	shalt  }
0x65: {  	_ =	shalt  }
0x66: {  	_ =	shalt  }
0x67: {  	_ =	shalt  }
0x68: {  	_ =	shalt  }
0x69: {  	_ =	shalt  }
0x6a: {  	_ =	shalt  }
0x6b: {  	_ =	shalt  }
0x6c: {  	_ =	shalt  }
0x6d: {  	_ =	shalt  }
0x6e: {  	_ =	shalt  }
0x6f: {  	_ =	shalt  }
0x70: {  	_ =	shalt  }
0x71: {  	_ =	shalt  }
0x72: {  	_ =	shalt  }
0x73: {  	_ =	shalt  }
0x74: {  	_ =	shalt  }
0x75: {  	_ =	shalt  }
0x76: {  	_ =	shalt  }
0x77: {  	_ =	shalt  }
0x78: {  	_ =	shalt  }
0x79: {  	_ =	shalt  }
0x7a: {  	_ =	shalt  }
0x7b: {  	_ =	shalt  }
0x7c: {  	_ =	shalt  }
0x7d: {  	_ =	shalt  }
0x7e: {  	_ =	shalt  }
0x7f: {  	_ =	shalt  }
0x80: {  	_ =	shalt  }
0x81: {  	_ =	shalt  }
0x82: {  	_ =	shalt  }
0x83: {  	_ =	shalt  }
0x84: {  	_ =	shalt  }
0x85: {  	_ =	shalt  }
0x86: {  	_ =	shalt  }
0x87: {  	_ =	shalt  }
.Lfunc_end0:
.L_simem_size_0:
called_computation.3_lowered:
.L_overlay_start_0:
0x88: {  	s2 =	sld [smem:$0x3FD9]  }
0x89: {  	s3 =	sld [smem:$0x3FFE];
	_ =	sdelay $0x1  }
0x8a: {  	s1 =	srdreg.scid  }
0x8b: {  	s0 =	sand.u32 $0x1, s1  }
0x8c: {  	s14 =	sshll.u32 s0, $0xA;
	s2 =	sadd.s32 s3, s2  }
0x8d: {  	s2 =	sadd.s32 s2, s14  }
0x8e: {  	[smem:$0x3FC4] =	sst s2  }
0x8f: {  	_ = 	snop  }
0x90: {  	s2 =	sld [smem:$0x3FD0];
	_ =	sdelay $0x2  }
0x91: {  	s15 =	simm.s32 $0xD;
	s4 =	simm.s32 $0x10  }
0x92: {  	[smem:s4], [sflag:s15] =	dma.local [hbm:s2], $0x1  }
0x93: {  	_ =	swait.eq [sflag:s15], $0x1  }
0x94: {  	[sflag:s15] =	ssyncset.done $0x0  }
0x95: {  	s16 =	sld [smem:$0x10];
	[sflag:s15] =	ssyncadd.s32 $0xFFFFFFFF  }
0x96: {  	s17 =	sld [smem:$0x11];
	(tm) =	ssettm $0x1  }
0x97: {  	s18 =	sld [smem:$0x3FFB];
	_ =	sdelay $0x3  }
0x98: {  	_ =	strace s18  }
0x99: {  	s4 =	sld [smem:$0x3FFC];
	_ =	sdelay $0x3  }
0x9a: {  	_ =	strace s4  }
0x9b: {  	s4 =	sld [smem:$0x3FFD];
	_ =	sdelay $0x3  }
0x9c: {  	_ =	strace s4  }
0x9d: {  	_ =	strace $0x8FFFFFFF  }
0x9e: {  	s19 =	sld [smem:$0x3FDB];
	_ =	sdelay $0x1  }
0x9f: {  	s5 =	simm.s32 $_scs_section_size  }
0xa0: {  	s6 =	simm.s32 $_size__tile_overlayer_lowered;
	s7 =	simm.s32 $_tile_overlayer_lowered  }
0xa1: {  	s22 =	simm.s32 $0x1BFF;
	s21 =	sshll.u32 s7, $0x1;
	s4 =	sadd.s32 s5, s19  }
0xa2: {  	s8 =	simm.s32 $0x0;
	s20 =	sshll.u32 s6, $0x1;
	s6 =	sadd.s32 s21, s4  }
0xa3: {  	[timem:s8], [sflag:s22] =	dma.local [hbm:s6], s20  }
0xa4: {  	_ =	swait.ge [sflag:s22], s20  }
0xa5: {  	s5 =	ssub.s32 $0x0, s20;
	[sflag:s22] =	ssyncset.done $0x0  }
0xa6: {  	[sflag:s22] =	ssyncadd.s32 s5;
	_ =	sdelay $0x1  }
0xa7: {  	s23 =	simm.s32 $0x1B8B  }
0xa8: {  	_ =	swait.ge [sflag:s23], $0x1  }
0xa9: {  	[sflag:s23] =	ssyncset.done $0x0  }
0xaa: {  	s25 =	simm.s32 $0x1B8E;
	s24 =	sld [smem:$0x3FFE];
	[sflag:s23] =	ssyncadd.s32 $0xFFFFFFFF  }
0xab: {  	s26 =	simm.s32 $execute0_lowered;
	[smem:$0x3FD2] =	sst s25  }
0xac: {  	s6 =	sshll.u32 s26, $0x1;
	_ =	strace $0x80000046;
	[dreg:$0x1] =	wrdreg $0xFFFFFFFF  }
0xad: {  	s28 =	simm.s32 $_size_execute0_lowered;
	s4 =	sadd.s32 s4, s6;
	[dreg:$0x0] =	wrdreg $0x0  }
0xae: {  	s6 =	sshll.u32 s28, $0x1;
	[dreg:$0x2] =	wrdreg s4  }
0xaf: {  	[dreg:$0x3] =	wrdreg s6  }
0xb0: {  	[dreg:$0x4] =	wrdreg $0xC0  }
0xb1: {  	_ =	task [dreg:s8], $0x5FFFF  }
0xb2: {  	[dreg:$0x1] =	wrdreg $0xFFFFFFFF  }
0xb3: {  	[dreg:$0x0] =	wrdreg $0x60  }
0xb4: {  	[dreg:$0x2] =	wrdreg s24  }
0xb5: {  	[dreg:$0x3] =	wrdreg s16  }
0xb6: {  	[dreg:$0x4] =	wrdreg s17  }
0xb7: {  	[dreg:$0x5] =	wrdreg $0xC  }
0xb8: {  	_ =	task.clear_ibuf [dreg:s8], $0x6FFFF;
	_ =	strace $0x90000046  }
0xb9: {  	s29 =	simm.s32 $0xC;
	_ =	strace $0x80000048  }
0xba: {  	_ =	swait.ge [sflag:s29], $0x1  }
0xbb: {  	[sflag:s29] =	ssyncadd.s32 $0xFFFFFFFF  }
0xbc: {  	_ =	strace $0x90000048  }
0xbd: {  	_ =	sfence  }
0xbe: {  	s30 =	sld [smem:$0x0];
	_ =	sdelay $0x2  }
0xbf: {  	s31 =	sshll.u32 s1, $0xD;
	s1 =	sshrl.u32 s1, $0x2  }
0xc0: {  	s3 =	sand.u32 $0x4000, s31;
	s1 =	sadd.s32 s1, s30  }
0xc1: {  	s0 =	sor.u32 s3, s0;
	s1 =	sshll.u32 s1, $0x11  }
0xc2: {  	s0 =	sor.u32 s1, s0  }
0xc3: {  	s0 =	sadd.s32 $0x8F2B, s0  }
0xc4: {  	[sflag:s0] =	ssyncadd.remote.s32 $0x1  }
0xc5: {  	_ =	sfence.sel $0xFFFF  }
0xc6: {  	[dreg:$0x0] =	wrdreg $0xFFFFFFFF;
	(pc) =	sbr.abs _section_cstart, $3  }
0xc7: {  	[dreg:$0x1] =	wrdreg $0xFFFFFFFF  }
0xc8: {  	_ =	task.clear_ibuf [dreg:s8], $0x2FFFF;
	_ =	strace $0x9FFFFFFF  }
0xc9: {  	(tm) =	ssettm $0x7FFFFFFF  }
tec
execute0_lowered:
.L_overlay_start_1:
0x0: {  	(tag) =	ssettag $0x1  }
0x1: {  	s0 =	rddreg [dreg:$0x0]  }
0x2: {  	s1 =	rddreg [dreg:$0x1]  }
0x3: {  	s2 =	srdreg.scid;
	s3 =	stileid.u32;
	s12 =	simm.s32 $0x2  }
0x4: {  	s13 =	simm.s32 $0x80;
	s17 =	simm.s32 $0x800;
	s20 =	simm.s32 $0x200  }
0x5: {  	s21 =	simm.s32 $0x280;
	s22 =	simm.s32 $0x300;
	s23 =	simm.s32 $0x380  }
0x6: {  	s24 =	simm.s32 $0x400;
	s25 =	simm.s32 $0x480;
	s28 =	simm.s32 $0x580  }
0x7: {  	s29 =	simm.s32 $0x600;
	s30 =	simm.s32 $0x680;
	s31 =	simm.s32 $0x700  }
0x8: {  	s11 =	simm.s32 $0x4810;
	s2 =	sand.u32 $0x1, s2;
	s4 =	sshll.u32 s3, $0x1  }
0x9: {  	s14 =	simm.s32 $0x0;
	s3 =	simm.s32 $0x0;
	s5 =	sor.u32 s2, s4  }
0xa: {  	[smem:$0x7FF] =	sst s3;
	s2 =	ssub.s32 $0x2, s2;
	s4 =	sshll.u32 s5, $0x4  }
0xb: {  	s6 =	sshll.u32 s5, $0x9;
	_ =	strace $0x80000047;
	s5 =	sshll.u32 s5, $0x1  }
0xc: {  	s26 =	sshrl.u32 s2, $0x1;
	s7 =	sadd.s32 s4, s0;
	s8 =	sor.u32 $0xC000, s6  }
0xd: {  	s4 =	sadd.s32 $0x1400, s0;
	s10 =	sadd.s32 s6, s0;
	s2 =	ssub.s32 s2, s26  }
0xe: {  	s26 =	simm.s32 $0x500;
	s9 =	sadd.s32 s8, s0;
	s0 =	sadd.s32 s5, s0  }
0xf: {  	s5 =	sadd.s32 $0x19600, s7;
	s6 =	sadd.s32 s1, s8;
	s8 =	sadd.s32 $0x1B800, s10  }
0x10: {  	s10 =	smax.u32 s2, $0x1;
	s1 =	simm.s32 $0x780;
	s2 =	simm.s32 $0x3800  }
0x11: {  	v0 =	vimm.f32 $0.0e+00;
	s7 =	sadd.s32 $0x9600, s9;
	s9 =	sadd.s32 $0x1B600, s0;
	s0 =	simm.s32 $0x1  }
.LBB2_1:
0x12: {  	s15 =	rddreg [dreg:$0x2];
	s16 =	simm.s32 $0x4800  }
0x13: {  	[tilespmem:s16], [sflag:$0x2] =	stream.linear.gather [hbm4b:s15+s3], $0x10, $0x38;
	[tilespmem:$0x4820] =	vst v63  }
0x14: {  	_ =	swait.ge [sflag:s12], $0x10  }
0x15: {  	[sflag:s12] =	ssyncset.done $0x0  }
0x16: {  	s16 =	simm.s32 $0x1000;
	[sflag:s12] =	ssyncadd.s32 $0xFFFFFFF0  }
0x17: {  	v1 =	vld [tilespmem:$0x4800];
	[tilespmem:s3], [sflag:$0x2] =	stream.strided.gather [hbm4b:s5+s13], $0x800, s16, s13, $0x38  }
0x18: {  	_ =	swait.ge [sflag:s12], $0x800  }
0x19: {  	[sflag:s12] =	ssyncset.done $0x0  }
0x1a: {  	s18 =	simm.s32 $0x1800;
	[sflag:s12] =	ssyncadd.s32 $0xFFFFF800  }
0x1b: {  	[tilespmem:s18], [sflag:$0x2] =	stream.linear.gather [hbm4b:s6+s3], $0x1000, $0x38;
	[tilespmem:$0x4820] =	vst v63  }
0x1c: {  	_ =	swait.ge [sflag:s12], $0x1000  }
0x1d: {  	[sflag:s12] =	ssyncset.done $0x0  }
0x1e: {  	s19 =	simm.s32 $0x2800;
	[sflag:s12] =	ssyncadd.s32 $0xFFFFF000  }
0x1f: {  	[tilespmem:s19], [sflag:$0x2] =	stream.linear.gather [hbm4b:s7+s3], $0x1000, $0x38;
	[tilespmem:$0x4820] =	vst v63  }
0x20: {  	_ =	swait.ge [sflag:s12], $0x1000  }
0x21: {  	[sflag:s12] =	ssyncset.done $0x0  }
0x22: {  	s15 =	simm.s32 $0x80;
	s16 =	simm.s32 $0x0;
	[sflag:s12] =	ssyncadd.s32 $0xFFFFF000  }
.LBB2_2:
0x23: {  	p0 =	sne.s32 s15, $0x3F80;
	[tilespmem:s16+$0x800] =	vst v0;
	s18 =	smov.u32 s15;
	s15 =	sadd.s32 $0x80, s15  }
.Ltmp0:
0x24: {  	[tilespmem:s16+$0x810] =	vst v0;
	(pc) =	sbr.rel @p0 .LBB2_2-.Ltmp0, $2  }
0x25: {  	_ =	sdelay $0x2  }
0x26: {  	s16 =	sshra.s32 s18, $0x2  }
0x27: {  	[tilespmem:s16+$0x800] =	vst v0  }
0x28: {  	[tilespmem:s16+$0x810] =	vst v0;
	s15 =	simm.s32 $0x0  }
0x29: {  	[tilespmem:s17], [sflag:$0x1] =	stream.indirect.gather.add.f32 [hbm:s4], $0x20, s15, s13, $0xb8;
	[tilespmem:$0x4820] =	vst v63  }
0x2a: {  	_ = 	snop  }
0x2b: {  	[tilespmem:s17], [sflag:$0x1] =	stream.indirect.gather.add.f32 [hbm:s4], $0x20, s13, s13, $0xb8;
	[tilespmem:$0x4820] =	vst v63  }
0x2c: {  	s18 =	simm.s32 $0x100  }
0x2d: {  	[tilespmem:s17], [sflag:$0x1] =	stream.indirect.gather.add.f32 [hbm:s4], $0x20, s18, s13, $0xb8;
	[tilespmem:$0x4820] =	vst v63  }
0x2e: {  	s19 =	simm.s32 $0x180  }
0x2f: {  	[tilespmem:s17], [sflag:$0x1] =	stream.indirect.gather.add.f32 [hbm:s4], $0x20, s19, s13, $0xb8;
	[tilespmem:$0x4820] =	vst v63  }
0x30: {  	_ = 	snop  }
0x31: {  	[tilespmem:s17], [sflag:$0x1] =	stream.indirect.gather.add.f32 [hbm:s4], $0x20, s20, s13, $0xb8;
	[tilespmem:$0x4820] =	vst v63  }
0x32: {  	_ = 	snop  }
0x33: {  	[tilespmem:s17], [sflag:$0x1] =	stream.indirect.gather.add.f32 [hbm:s4], $0x20, s21, s13, $0xb8;
	[tilespmem:$0x4820] =	vst v63  }
0x34: {  	_ = 	snop  }
0x35: {  	[tilespmem:s17], [sflag:$0x1] =	stream.indirect.gather.add.f32 [hbm:s4], $0x20, s22, s13, $0xb8;
	[tilespmem:$0x4820] =	vst v63  }
0x36: {  	_ = 	snop  }
0x37: {  	[tilespmem:s17], [sflag:$0x1] =	stream.indirect.gather.add.f32 [hbm:s4], $0x20, s23, s13, $0xb8;
	[tilespmem:$0x4820] =	vst v63  }
0x38: {  	_ = 	snop  }
0x39: {  	[tilespmem:s17], [sflag:$0x1] =	stream.indirect.gather.add.f32 [hbm:s4], $0x20, s24, s13, $0xb8;
	[tilespmem:$0x4820] =	vst v63  }
0x3a: {  	_ = 	snop  }
0x3b: {  	[tilespmem:s17], [sflag:$0x1] =	stream.indirect.gather.add.f32 [hbm:s4], $0x20, s25, s13, $0xb8;
	[tilespmem:$0x4820] =	vst v63  }
0x3c: {  	_ = 	snop  }
0x3d: {  	[tilespmem:s17], [sflag:$0x1] =	stream.indirect.gather.add.f32 [hbm:s4], $0x20, s26, s13, $0xb8;
	[tilespmem:$0x4820] =	vst v63  }
0x3e: {  	_ = 	snop  }
0x3f: {  	[tilespmem:s17], [sflag:$0x1] =	stream.indirect.gather.add.f32 [hbm:s4], $0x20, s28, s13, $0xb8;
	[tilespmem:$0x4820] =	vst v63  }
0x40: {  	_ = 	snop  }
0x41: {  	[tilespmem:s17], [sflag:$0x1] =	stream.indirect.gather.add.f32 [hbm:s4], $0x20, s29, s13, $0xb8;
	[tilespmem:$0x4820] =	vst v63  }
0x42: {  	_ = 	snop  }
0x43: {  	[tilespmem:s17], [sflag:$0x1] =	stream.indirect.gather.add.f32 [hbm:s4], $0x20, s30, s13, $0xb8;
	[tilespmem:$0x4820] =	vst v63  }
0x44: {  	_ = 	snop  }
0x45: {  	[tilespmem:s17], [sflag:$0x1] =	stream.indirect.gather.add.f32 [hbm:s4], $0x20, s31, s13, $0xb8;
	[tilespmem:$0x4820] =	vst v63  }
0x46: {  	_ = 	snop  }
0x47: {  	[tilespmem:s17], [sflag:$0x1] =	stream.indirect.gather.add.f32 [hbm:s4], $0x20, s1, s13, $0xb8;
	[tilespmem:$0x4820] =	vst v63  }
0x48: {  	_ =	swait.ge [sflag:s0], $0x1000  }
0x49: {  	[sflag:s0] =	ssyncset.done $0x0  }
0x4a: {  	[sflag:s0] =	ssyncadd.s32 $0xFFFFF000  }
0x4b: {  	_ =	swait.ge [sflag:s0], $0x1000  }
0x4c: {  	[sflag:s0] =	ssyncset.done $0x0  }
0x4d: {  	[sflag:s0] =	ssyncadd.s32 $0xFFFFF000  }
0x4e: {  	_ =	swait.ge [sflag:s0], $0x1000  }
0x4f: {  	[sflag:s0] =	ssyncset.done $0x0  }
0x50: {  	[sflag:s0] =	ssyncadd.s32 $0xFFFFF000  }
0x51: {  	_ =	swait.ge [sflag:s0], $0x1000  }
0x52: {  	[sflag:s0] =	ssyncset.done $0x0  }
0x53: {  	[sflag:s0] =	ssyncadd.s32 $0xFFFFF000  }
0x54: {  	_ =	swait.ge [sflag:s0], $0x1000  }
0x55: {  	[sflag:s0] =	ssyncset.done $0x0  }
0x56: {  	[sflag:s0] =	ssyncadd.s32 $0xFFFFF000  }
0x57: {  	_ =	swait.ge [sflag:s0], $0x1000  }
0x58: {  	[sflag:s0] =	ssyncset.done $0x0  }
0x59: {  	[sflag:s0] =	ssyncadd.s32 $0xFFFFF000  }
0x5a: {  	_ =	swait.ge [sflag:s0], $0x1000  }
0x5b: {  	[sflag:s0] =	ssyncset.done $0x0  }
0x5c: {  	[sflag:s0] =	ssyncadd.s32 $0xFFFFF000  }
0x5d: {  	_ =	swait.ge [sflag:s0], $0x1000  }
0x5e: {  	[sflag:s0] =	ssyncset.done $0x0  }
0x5f: {  	[sflag:s0] =	ssyncadd.s32 $0xFFFFF000  }
0x60: {  	_ =	swait.ge [sflag:s0], $0x1000  }
0x61: {  	[sflag:s0] =	ssyncset.done $0x0  }
0x62: {  	[sflag:s0] =	ssyncadd.s32 $0xFFFFF000  }
0x63: {  	_ =	swait.ge [sflag:s0], $0x1000  }
0x64: {  	[sflag:s0] =	ssyncset.done $0x0  }
0x65: {  	[sflag:s0] =	ssyncadd.s32 $0xFFFFF000  }
0x66: {  	_ =	swait.ge [sflag:s0], $0x1000  }
0x67: {  	[sflag:s0] =	ssyncset.done $0x0  }
0x68: {  	[sflag:s0] =	ssyncadd.s32 $0xFFFFF000  }
0x69: {  	_ =	swait.ge [sflag:s0], $0x1000  }
0x6a: {  	[sflag:s0] =	ssyncset.done $0x0  }
0x6b: {  	[sflag:s0] =	ssyncadd.s32 $0xFFFFF000  }
0x6c: {  	_ =	swait.ge [sflag:s0], $0x1000  }
0x6d: {  	[sflag:s0] =	ssyncset.done $0x0  }
0x6e: {  	[sflag:s0] =	ssyncadd.s32 $0xFFFFF000  }
0x6f: {  	_ =	swait.ge [sflag:s0], $0x1000  }
0x70: {  	[sflag:s0] =	ssyncset.done $0x0  }
0x71: {  	[sflag:s0] =	ssyncadd.s32 $0xFFFFF000  }
0x72: {  	_ =	swait.ge [sflag:s0], $0x1000  }
0x73: {  	[sflag:s0] =	ssyncset.done $0x0  }
0x74: {  	[sflag:s0] =	ssyncadd.s32 $0xFFFFF000  }
0x75: {  	_ =	swait.ge [sflag:s0], $0x1000  }
0x76: {  	(erf) = vrcp.f32 v1  }
0x77: {  	[sflag:s0] =	ssyncset.done $0x0  }
0x78: {  	s18 =	simm.s32 $0x0;
	[sflag:s0] =	ssyncadd.s32 $0xFFFFF000  }
0x79: {  	v3 =	vld [tilespmem:s18+$0x810]  }
0x7a: {  	v6 =	vld [tilespmem:s18+$0x1800]  }
0x7b: {  	v4 =	vld [tilespmem:s18+$0x800]  }
0x7c: {  	v5 =	vld [tilespmem:s18+$0x2800]  }
0x7d: {  	v7 =	vld [tilespmem:s18+$0x1810]  }
0x7e: {  	s15 =	simm.s32 $0x20;
	v8 =	vld [tilespmem:s18+$0x2810]  }
0x7f: {  	v10 =	vld [tilespmem:s15+$0x810];
	v1 =	vpop (erf)  }
0x80: {  	v2 =	vld [tilespmem:s15+$0x1800];
	v4 =	vmul.f32 v4, v1  }
0x81: {  	v11 =	vld [tilespmem:s15+$0x800];
	v3 =	vmul.f32 v3, v1  }
0x82: {  	v12 =	vld [tilespmem:s15+$0x2800];
	v13 =	vmul.f32 v5, v6;
	v14 =	vmul.f32 v5, v4  }
0x83: {  	v9 =	vld [tilespmem:s15+$0x1810];
	v15 =	vsub.f32 v4, v6;
	v16 =	vsub.f32 v3, v7  }
0x84: {  	s16 =	simm.s32 $0x40;
	v17 =	vmul.f32 v8, v7;
	v5 =	vld [tilespmem:s15+$0x2810];
	v8 =	vmul.f32 v8, v3;
	v13 =	vsub.f32 v14, v13  }
0x85: {  	v4 =	vld [tilespmem:s16+$0x810];
	v6 =	vadd.f32 v15, v6;
	v14 =	vadd.f32 v16, v7  }
0x86: {  	v3 =	vld [tilespmem:s16+$0x1800];
	v16 =	vmul.f32 v11, v1;
	v15 =	vsub.f32 v8, v17;
	v17 =	vmul.f32 v13, v13  }
0x87: {  	v10 =	vmul.f32 v10, v1;
	v7 =	vld [tilespmem:s16+$0x800];
	v11 =	vmul.f32 v12, v2;
	[tilespmem:s18+$0x3800] =	vst v6;
	v6 =	vimm.f32 $0.0e+00  }
0x88: {  	v13 =	vmul.f32 v12, v16;
	v15 =	vmul.f32 v15, v15;
	v8 =	vld [tilespmem:s16+$0x2800];
	[tilespmem:s18+$0x3810] =	vst v14;
	v14 =	vadd.f32 v17, v6  }
0x89: {  	v16 =	vsub.f32 v16, v2;
	s18 =	simm.s32 $0x180;
	v12 =	vmul.f32 v5, v9;
	v6 =	vld [tilespmem:s16+$0x1810];
	v17 =	vsub.f32 v10, v9  }
.LBB2_4:
0x8a: {  	s19 =	sshra.s32 s18, $0x2;
	v11 =	vsub.f32 v13, v11;
	v10 =	vmul.f32 v5, v10;
	v5 =	vld [tilespmem:s16+$0x2810];
	v14 =	vadd.f32 v15, v14;
	v13 =	vmovc v4;
	p0 =	sne.s32 s18, $0x3F80  }
.Ltmp1:
0x8b: {  	v4 =	vld [tilespmem:s19+$0x810];
	v15 =	vadd.f32 v16, v2;
	v9 =	vadd.f32 v17, v9;
	v2 =	vmov v3;
	(pc) =	sbr.rel @p0 .LBB2_4-.Ltmp1, $4  }
0x8c: {  	s18 =	sadd.s32 $0x80, s18;
	v3 =	vld [tilespmem:s19+$0x1800];
	v16 =	vmul.f32 v7, v1;
	v12 =	vsub.f32 v10, v12;
	v17 =	vmul.f32 v11, v11  }
0x8d: {  	v10 =	vmul.f32 v13, v1;
	v7 =	vld [tilespmem:s19+$0x800];
	v11 =	vmul.f32 v8, v2;
	[tilespmem:s15+$0x3800] =	vst v15  }
0x8e: {  	v13 =	vmul.f32 v8, v16;
	v8 =	vld [tilespmem:s19+$0x2800];
	[tilespmem:s15+$0x3810] =	vst v9;
	v14 =	vadd.f32 v17, v14;
	v15 =	vmul.f32 v12, v12;
	s15 =	smov.u32 s16;
	s16 =	smov.u32 s19  }
0x8f: {  	v16 =	vsub.f32 v16, v2;
	v17 =	vsub.f32 v10, v6;
	v12 =	vmul.f32 v5, v6;
	v9 =	vmovc v6;
	v6 =	vld [tilespmem:s16+$0x1810]  }
0x90: {  	v18 =	vld [tilespmem:s16+$0x2810];
	v11 =	vsub.f32 v13, v11  }
0x91: {  	v5 =	vmul.f32 v5, v10;
	v58 =	vadd.f32 v15, v14;
	v2 =	vadd.f32 v16, v2  }
0x92: {  	v9 =	vadd.f32 v17, v9;
	v7 =	vmul.f32 v7, v1;
	v11 =	vmul.f32 v11, v11  }
0x93: {  	v5 =	vsub.f32 v5, v12;
	v1 =	vmul.f32 v4, v1;
	v59 =	vmul.f32 v8, v3  }
0x94: {  	v60 =	vmul.f32 v8, v7;
	v10 =	vadd.f32 v11, v58;
	v7 =	vsub.f32 v7, v3  }
0x95: {  	v5 =	vmul.f32 v5, v5;
	v61 =	vsub.f32 v1, v6;
	v62 =	vmul.f32 v18, v6  }
0x96: {  	[tilespmem:s15+$0x3800] =	vst v2;
	v1 =	vmul.f32 v18, v1;
	v2 =	vsub.f32 v60, v59;
	v3 =	vadd.f32 v7, v3  }
0x97: {  	[tilespmem:s15+$0x3810] =	vst v9;
	v63 =	vadd.f32 v61, v6  }
0x98: {  	v5 =	vadd.f32 v5, v10;
	v1 =	vsub.f32 v1, v62;
	v2 =	vmul.f32 v2, v2;
	[tilespmem:s16+$0x3800] =	vst v3  }
0x99: {  	[tilespmem:s16+$0x3810] =	vst v63  }
0x9a: {  	v1 =	vmul.f32 v1, v1;
	[hbm4b:s8+s3] =	stream.linear.scatter [tilespmem:s2], [sflag:$0x2], $0x1000, $0x38;
	v2 =	vadd.f32 v2, v5;
	[tilespmem:$0x4820] =	vst v63  }
0x9b: {  	_ =	swait.ge [sflag:s12], $0x1000  }
0x9c: {  	s14 =	sadd.s32 $0x1, s14;
	[sflag:s12] =	ssyncset.done $0x0;
	v1 =	vadd.f32 v1, v2  }
0x9d: {  	p0 =	sne.s32 s14, s10;
	[sflag:s12] =	ssyncadd.s32 $0xFFFFF000  }
.Ltmp2:
0x9e: {  	[tilespmem:$0x4810] =	vst v1;
	(pc) =	sbr.rel @p0 .LBB2_1-.Ltmp2, $4  }
0x9f: {  	[hbm4b:s9+s3] =	stream.linear.scatter [tilespmem:s11], [sflag:$0x2], $0x10, $0x38;
	[tilespmem:$0x4820] =	vst v63  }
0xa0: {  	_ =	swait.ge [sflag:s12], $0x10  }
0xa1: {  	[sflag:s12] =	ssyncset.done $0x0  }
0xa2: {  	[sflag:s12] =	ssyncadd.s32 $0xFFFFFFF0  }
0xa3: {  	_ =	sfence.sel $0x180000  }
0xa4: {  	[bflag:$0x0] =	sbarrier.arrive $0xFFFF  }
0xa5: {  	_ =	strace $0x90000047  }
0xa6: {  	s0 =	stileid.u32;
	[bflag:$0x2] =	sbarrier.arrive $0xFFFF  }
0xa7: {  	p0 =	sne.s32 s0, $0x0;
	s0 =	rddreg [dreg:$0x3]  }
0xa8: {  	s0 =	sadd.s32 @!p0 $0x100000, s0  }
0xa9: {  	[sflag:s0] =	ssyncadd.tile.s32 @!p0 $0x1;
	_ =	shalt  }
.Lfunc_end2:
_tile_overlayer_lowered:
.L_overlay_start_2:
0xaa: {  	(tag) =	ssettag $0x2  }
0xab: {  	s0 =	rddreg [dreg:$0x0];
	s2 =	stileid.u32  }
0xac: {  	s1 =	rddreg [dreg:$0x1];
	p0 =	sne.s32 s2, $0x0  }
0xad: {  	s3 =	rddreg [dreg:$0x2];
	[bflag:$0x3] =	sbarrier.arrive $0xFFFF;
	s2 =	simm.s32 @!p0 $0x1C02  }
0xae: {  	[timem:s3], [sflag:s2] =	dma.local @!p0 [hbm:s0], s1  }
0xaf: {  	s0 =	simm.s32 @!p0 $0x2  }
0xb0: {  	_ =	swait.ge @!p0 [sflag:s0], s1  }
0xb1: {  	s1 =	ssub.s32 @!p0 $0x0, s1;
	[sflag:s0] =	ssyncset.done @!p0 $0x0  }
0xb2: {  	[sflag:s0] =	ssyncadd.s32 @!p0 s1  }
0xb3: {  	[bflag:$0x3] =	sbarrier.arrive $0xFFFF  }
0xb4: {  	_ =	shalt  }

</sc_bundles>
